<compile_context>
chip_gen: v7x
topology: tpu7x:2x2x1
jax: 0.10.2.dev20260603
libtpu: 0.0.44.dev20260713+nightly
codegen_flags: <defaults>
</compile_context>

<pallas_src>
import functools

import jax
import jax.numpy as jnp
from jax import lax
from jax.experimental import pallas as pl
from jax.experimental.pallas import tpu as pltpu
from jax.experimental.pallas import tpu_sc as plsc

NUM_USERS = 20000
NUM_ITEMS = 30000
N = NUM_USERS + NUM_ITEMS
NPAD = 50176
E = 800000
DH = 32
N_LAYERS = 3

NSUB = 16
EROW = 128
EROWS_PAD = 6272
EPAD = EROWS_PAD * EROW
BLOCKS = EROWS_PAD // NSUB
SB = 8
NSB = BLOCKS // SB
RING = 4

CP_ROWS = 56
CP_CHUNKS = NPAD // NSUB // CP_ROWS
TILE_ROWS = NPAD // NSUB


def _sc_body(x0_hbm, cols_hbm, rows_hbm, vals_hbm, zrow_hbm,
             out_hbm,
             xcur_hbm, acc_sh, cols2, rows2, vals2, gath3, ybuf, rbuf,
             sem_i, sem_g, sem_g2, sem_s, sem_y, sem_r, sem_w, sem_z):
    cid = lax.axis_index("c")
    sid = lax.axis_index("s")
    tile_r0 = sid * TILE_ROWS
    erow0 = sid * BLOCKS
    half0 = cid * NPAD

    ZCH = TILE_ROWS // CP_ROWS
    for k in range(ZCH):
        pltpu.async_copy(
            zrow_hbm, acc_sh.at[pl.ds(tile_r0 + k * CP_ROWS, CP_ROWS)], sem_z)
    for k in range(ZCH):
        pltpu.make_async_copy(
            zrow_hbm, acc_sh.at[pl.ds(tile_r0 + k * CP_ROWS, CP_ROWS)],
            sem_z).wait()
    plsc.subcore_barrier()

    for layer in range(N_LAYERS):
        src_tab = x0_hbm if layer == 0 else xcur_hbm

        def _idx_cps(m):
            slot = lax.rem(m, 2)
            c = pltpu.make_async_copy(
                cols_hbm.at[pl.ds(erow0 + m * SB, SB)],
                cols2.at[pl.ds(slot * SB, SB)], sem_i)
            r = pltpu.make_async_copy(
                rows_hbm.at[pl.ds(erow0 + m * SB, SB)],
                rows2.at[pl.ds(slot * SB, SB)], sem_i)
            v = pltpu.make_async_copy(
                vals_hbm.at[pl.ds(erow0 + m * SB, SB)],
                vals2.at[pl.ds(slot * SB, SB)], sem_i)
            return c, r, v

        def _gath_cp(b):
            slot = lax.rem(b, RING)
            return pltpu.make_async_copy(
                src_tab.at[pl.ds(half0, NPAD)].at[cols2.at[lax.rem(b, 2 * SB)]],
                gath3.at[pl.ds(slot * EROW, EROW)], sem_g)

        def _gath_cp2(b):
            slot = lax.rem(b, RING)
            return pltpu.make_async_copy(
                src_tab.at[pl.ds(half0, NPAD)].at[cols2.at[lax.rem(b, 2 * SB)]],
                gath3.at[pl.ds(slot * EROW, EROW)], sem_g2)

        def _scat_src_dst(b):
            slot = lax.rem(b, RING)
            return (gath3.at[pl.ds(slot * EROW, EROW)],
                    acc_sh.at[rows2.at[lax.rem(b, 2 * SB)]])

        def _drain(sem):
            return pltpu.make_async_copy(
                x0_hbm.at[pl.ds(0, EROW)], gath3.at[pl.ds(0, EROW)], sem)

        for cp in _idx_cps(0):
            cp.start()
        for cp in _idx_cps(1):
            cp.start()
        for cp in _idx_cps(0):
            cp.wait()
        for cp in _idx_cps(1):
            cp.wait()
        _gath_cp(0).start()
        _gath_cp2(1).start()

        def _block(b, _):
            sb = lax.div(b, SB)
            rem8 = lax.rem(b, SB)

            @pl.when(b >= 2)
            def _():
                _drain(sem_s).wait()

            @pl.when(jnp.logical_and(rem8 == 1,
                                     jnp.logical_and(sb >= 1, sb <= NSB - 2)))
            def _():
                for cp in _idx_cps(sb + 1):
                    cp.start()

            @pl.when(jnp.logical_and(rem8 == 5,
                                     jnp.logical_and(sb >= 1, sb <= NSB - 2)))
            def _():
                for cp in _idx_cps(sb + 1):
                    cp.wait()

            @pl.when(jnp.logical_and(b + 2 < BLOCKS, lax.rem(b, 2) == 0))
            def _():
                _gath_cp(b + 2).start()

            @pl.when(jnp.logical_and(b + 2 < BLOCKS, lax.rem(b, 2) == 1))
            def _():
                _gath_cp2(b + 2).start()

            @pl.when(jnp.logical_and(b < BLOCKS, lax.rem(b, 2) == 0))
            def _():
                _drain(sem_g).wait()

            @pl.when(jnp.logical_and(b < BLOCKS, lax.rem(b, 2) == 1))
            def _():
                _drain(sem_g2).wait()

            @pl.when(b < BLOCKS)
            def _():
                gslot = lax.rem(b, RING)
                vrow = lax.rem(b, 2 * SB)

                def _scale(g, _c):
                    vv = vals2[vrow, pl.ds(g * 16, 16)]
                    for t in range(16):
                        e = gslot * EROW + g * 16 + t
                        s = vv[t]
                        gath3[e, pl.ds(0, 16)] = gath3[e, pl.ds(0, 16)] * s
                        gath3[e, pl.ds(16, 16)] = gath3[e, pl.ds(16, 16)] * s
                    return 0

                lax.fori_loop(0, EROW // 16, _scale, 0)
                s, d = _scat_src_dst(b)
                pltpu.async_copy(s, d, sem_s, add=True)

            return 0

        lax.fori_loop(0, BLOCKS + 2, _block, 0)
        plsc.subcore_barrier()

        if layer == 0:
            pltpu.async_copy(
                acc_sh.at[pl.ds(tile_r0, TILE_ROWS)],
                xcur_hbm.at[pl.ds(half0 + tile_r0, TILE_ROWS)], sem_w)
            pltpu.make_async_copy(
                acc_sh.at[pl.ds(tile_r0, TILE_ROWS)],
                xcur_hbm.at[pl.ds(half0 + tile_r0, TILE_ROWS)], sem_w).wait()
        else:
            last = layer == N_LAYERS - 1
            rsrc = x0_hbm if last else xcur_hbm
            wdst = out_hbm if last else xcur_hbm

            def _y_cp(k):
                slot = lax.rem(k, 2)
                return pltpu.make_async_copy(
                    acc_sh.at[pl.ds(tile_r0 + k * CP_ROWS, CP_ROWS)],
                    ybuf.at[pl.ds(slot * CP_ROWS, CP_ROWS)], sem_y)

            def _r_cp(k):
                slot = lax.rem(k, 2)
                return pltpu.make_async_copy(
                    rsrc.at[pl.ds(half0 + tile_r0 + k * CP_ROWS, CP_ROWS)],
                    rbuf.at[pl.ds(slot * CP_ROWS, CP_ROWS)], sem_r)

            def _w_cp(k):
                slot = lax.rem(k, 2)
                return pltpu.make_async_copy(
                    rbuf.at[pl.ds(slot * CP_ROWS, CP_ROWS)],
                    wdst.at[pl.ds(half0 + tile_r0 + k * CP_ROWS, CP_ROWS)],
                    sem_w)

            _y_cp(0).start()
            _r_cp(0).start()

            def _chunk(k, _):
                @pl.when(k < CP_CHUNKS)
                def _():
                    _y_cp(k).wait()
                    _r_cp(k).wait()

                @pl.when(k >= 1)
                def _():
                    _w_cp(k - 1).wait()

                @pl.when(k + 1 < CP_CHUNKS)
                def _():
                    _y_cp(k + 1).start()
                    _r_cp(k + 1).start()

                @pl.when(k < CP_CHUNKS)
                def _():
                    slot = lax.rem(k, 2)

                    def _acc(i, _c):
                        for u in range(4):
                            row = slot * CP_ROWS + i * 4 + u
                            for off in (0, 16):
                                yv = ybuf[row, pl.ds(off, 16)]
                                rv = rbuf[row, pl.ds(off, 16)]
                                if last:
                                    rbuf[row, pl.ds(off, 16)] = (yv + rv) * 0.25
                                else:
                                    rbuf[row, pl.ds(off, 16)] = yv - rv
                        return 0

                    lax.fori_loop(0, CP_ROWS // 4, _acc, 0)
                    _w_cp(k).start()

                return 0

            lax.fori_loop(0, CP_CHUNKS + 1, _chunk, 0)
        plsc.subcore_barrier()


@jax.jit
def _lightgcn_sc(x0, cols2d, rows2d, vals2d, zrow):
    mesh = plsc.VectorSubcoreMesh(core_axis_name="c", subcore_axis_name="s")
    f32 = jnp.float32
    out_type = [
        jax.ShapeDtypeStruct((2 * NPAD, DH), f32),
    ]
    scratch = [
        pltpu.MemorySpace.HBM((2 * NPAD, DH), f32),
        pltpu.VMEM_SHARED((NPAD, DH), f32),
        pltpu.VMEM((2 * SB, EROW), jnp.int32),
        pltpu.VMEM((2 * SB, EROW), jnp.int32),
        pltpu.VMEM((2 * SB, EROW), f32),
        pltpu.VMEM((RING * EROW, DH), f32),
        pltpu.VMEM((2 * CP_ROWS, DH), f32),
        pltpu.VMEM((2 * CP_ROWS, DH), f32),
    ] + [pltpu.SemaphoreType.DMA] * 8
    run = pl.kernel(_sc_body, out_type=out_type, mesh=mesh,
                    scratch_types=scratch,
                    compiler_params=pltpu.CompilerParams(
                        use_tc_tiling_on_sc=False))
    out, = run(x0, cols2d, rows2d, vals2d, zrow)
    return out


def kernel(user_emb, item_emb, adj_values, adj_indices):
    x = jnp.concatenate([user_emb, item_emb], axis=0)
    pad = jnp.zeros((NPAD - N, DH), jnp.float32)
    x0 = jnp.concatenate([x[:, :DH], pad, x[:, DH:], pad], axis=0)

    zpad_i = jnp.zeros((EPAD - E,), jnp.int32)
    rows2d = jnp.concatenate(
        [adj_indices[0].astype(jnp.int32), zpad_i]).reshape(EROWS_PAD, EROW)
    cols2d = jnp.concatenate(
        [adj_indices[1].astype(jnp.int32), zpad_i]).reshape(EROWS_PAD, EROW)
    vals2d = jnp.concatenate(
        [adj_values, jnp.zeros((EPAD - E,), jnp.float32)]).reshape(
            EROWS_PAD, EROW)
    zrow = jnp.zeros((CP_ROWS, DH), jnp.float32)

    out = _lightgcn_sc(x0, cols2d, rows2d, vals2d, zrow)
    out_full = jnp.concatenate([out[:N], out[NPAD:NPAD + N]], axis=1)
    return (out_full[:NUM_USERS], out_full[NUM_USERS:])

# --- scband reference (transcript-rebuilt; emitter-appended) ---
"""Pipeline reference for scband-light-gcn-60851096649961 (READ-ONLY COPY).

The authoritative reference and input builder live on the scoring server;
editing this copy changes nothing except your own understanding.
"""

import jax, jax.numpy as jnp
import numpy as np

NUM_USERS = 20000
NUM_ITEMS = 30000
N = NUM_USERS + NUM_ITEMS
E = 800000
D = 64
N_LAYERS = 3


def setup_inputs(seed: int = 0) -> dict:
    key = jax.random.key(seed)
    k1, k2, k3, k4, k5 = jax.random.split(key, 5)
    # xavier_uniform-style init for embedding tables
    bu = float(np.sqrt(6.0 / (NUM_USERS + D)))
    bi = float(np.sqrt(6.0 / (NUM_ITEMS + D)))
    user_emb = jax.random.uniform(k1, (NUM_USERS, D), minval=-bu, maxval=bu, dtype=jnp.float32)
    item_emb = jax.random.uniform(k2, (NUM_ITEMS, D), minval=-bi, maxval=bi, dtype=jnp.float32)
    # normalized adjacency in COO form: positive values ~ 1/deg scale
    adj_values = jax.random.uniform(k3, (E,), minval=0.0, maxval=1.0, dtype=jnp.float32) / 16.0
    rows = jax.random.randint(k4, (E,), 0, N, dtype=jnp.int64)
    cols = jax.random.randint(k5, (E,), 0, N, dtype=jnp.int64)
    adj_indices = jnp.stack([rows, cols], axis=0)
    return {"user_emb": user_emb, "item_emb": item_emb, "adj_values": adj_values, "adj_indices": adj_indices}


def _spmm(adj_indices, adj_values, x):
    # sparse COO @ dense: gather source features, scale, scatter-add to rows
    rows = adj_indices[0]
    cols = adj_indices[1]
    gathered = jnp.take(x, cols, axis=0) * adj_values[:, None]
    return jax.ops.segment_sum(gathered, rows, num_segments=N)


def reference(user_emb, item_emb, adj_values, adj_indices):
    # LightGCN forward (eval mode: dropout is identity)
    x = jnp.concatenate([user_emb, item_emb], axis=0)
    all_emb = [x]
    for _ in range(N_LAYERS):
        x = _spmm(adj_indices, adj_values, x)
        all_emb.append(x)
    out = jnp.stack(all_emb, axis=0).mean(axis=0)
    u_out = out[:NUM_USERS]
    i_out = out[NUM_USERS:]
    return (u_out, i_out)

if __name__ == "__main__":
    import jax
    _d = setup_inputs()
    print(jax.jit(kernel)(*tuple(_d.values())))

</pallas_src>

<mosaic_0001>
#map = affine_map<(d0, d1) -> (0, 0)>
module attributes {stable_mosaic.version = 14 : i64} {
  func.func @_sc_body(%arg0: i32, %arg1: i32, %arg2: memref<100352x32xf32, #tpu.memory_space<hbm>>, %arg3: memref<6272x128xi32, #tpu.memory_space<hbm>>, %arg4: memref<6272x128xi32, #tpu.memory_space<hbm>>, %arg5: memref<6272x128xf32, #tpu.memory_space<hbm>>, %arg6: memref<56x32xf32, #tpu.memory_space<hbm>>, %arg7: memref<100352x32xf32, #tpu.memory_space<hbm>>, %arg8: memref<100352x32xf32, #tpu.memory_space<hbm>>, %arg9: memref<50176x32xf32, #tpu.memory_space<vmem_shared>>, %arg10: memref<16x128xi32, #tpu.memory_space<vmem>>, %arg11: memref<16x128xi32, #tpu.memory_space<vmem>>, %arg12: memref<16x128xf32, #tpu.memory_space<vmem>>, %arg13: memref<512x32xf32, #tpu.memory_space<vmem>>, %arg14: memref<112x32xf32, #tpu.memory_space<vmem>>, %arg15: memref<112x32xf32, #tpu.memory_space<vmem>>, %arg16: memref<!tpu.dma_semaphore, #tpu.memory_space<semaphore_mem>>, %arg17: memref<!tpu.dma_semaphore, #tpu.memory_space<semaphore_mem>>, %arg18: memref<!tpu.dma_semaphore, #tpu.memory_space<semaphore_mem>>, %arg19: memref<!tpu.dma_semaphore, #tpu.memory_space<semaphore_mem>>, %arg20: memref<!tpu.dma_semaphore, #tpu.memory_space<semaphore_mem>>, %arg21: memref<!tpu.dma_semaphore, #tpu.memory_space<semaphore_mem>>, %arg22: memref<!tpu.dma_semaphore, #tpu.memory_space<semaphore_mem>>, %arg23: memref<!tpu.dma_semaphore, #tpu.memory_space<semaphore_mem>>) attributes {dimension_semantics = [#tpu.dimension_semantics<core_parallel>, #tpu.dimension_semantics<subcore_parallel>], iteration_bounds = array<i64: 2, 16>, scalar_prefetch = 0 : i64, scratch_operands = 16 : i64, tpu.core_type = #tpu.core_type<sc_vector_subcore>, window_params = [{transform_indices = #map}, {transform_indices = #map}, {transform_indices = #map}, {transform_indices = #map}, {transform_indices = #map}, {transform_indices = #map}]} {
    %mul3A = arith.constant 3136 : i32
    %mul3A_0 = arith.muli %arg1, %mul3A : i32
    %mul3A_1 = arith.constant 392 : i32
    %mul3A_2 = arith.muli %arg1, %mul3A_1 : i32
    %mul3A_3 = arith.constant 50176 : i32
    %mul3A_4 = arith.muli %arg0, %mul3A_3 : i32
    %add3A = arith.constant 0 : i32
    %add3A_5 = arith.addi %mul3A_0, %add3A : i32
    %dma_start3A = arith.constant 0 : i32
    %dma_start3A_6 = tpu.memref_slice %arg9[%add3A_5, %dma_start3A] : memref<50176x32xf32, #tpu.memory_space<vmem_shared>> -> memref<56x32xf32, #tpu.memory_space<vmem_shared>>
    tpu.enqueue_dma source(%arg6 : memref<56x32xf32, #tpu.memory_space<hbm>>) target(%dma_start3A_6 : memref<56x32xf32, #tpu.memory_space<vmem_shared>>) target_semaphore(%arg23 : memref<!tpu.dma_semaphore, #tpu.memory_space<semaphore_mem>>)
    %add3A_7 = arith.constant 56 : i32
    %add3A_8 = arith.addi %mul3A_0, %add3A_7 : i32
    %dma_start3A_9 = arith.constant 0 : i32
    %dma_start3A_10 = tpu.memref_slice %arg9[%add3A_8, %dma_start3A_9] : memref<50176x32xf32, #tpu.memory_space<vmem_shared>> -> memref<56x32xf32, #tpu.memory_space<vmem_shared>>
    tpu.enqueue_dma source(%arg6 : memref<56x32xf32, #tpu.memory_space<hbm>>) target(%dma_start3A_10 : memref<56x32xf32, #tpu.memory_space<vmem_shared>>) target_semaphore(%arg23 : memref<!tpu.dma_semaphore, #tpu.memory_space<semaphore_mem>>)
    %add3A_11 = arith.constant 112 : i32
    %add3A_12 = arith.addi %mul3A_0, %add3A_11 : i32
    %dma_start3A_13 = arith.constant 0 : i32
    %dma_start3A_14 = tpu.memref_slice %arg9[%add3A_12, %dma_start3A_13] : memref<50176x32xf32, #tpu.memory_space<vmem_shared>> -> memref<56x32xf32, #tpu.memory_space<vmem_shared>>
    tpu.enqueue_dma source(%arg6 : memref<56x32xf32, #tpu.memory_space<hbm>>) target(%dma_start3A_14 : memref<56x32xf32, #tpu.memory_space<vmem_shared>>) target_semaphore(%arg23 : memref<!tpu.dma_semaphore, #tpu.memory_space<semaphore_mem>>)
    %add3A_15 = arith.constant 168 : i32
    %add3A_16 = arith.addi %mul3A_0, %add3A_15 : i32
    %dma_start3A_17 = arith.constant 0 : i32
    %dma_start3A_18 = tpu.memref_slice %arg9[%add3A_16, %dma_start3A_17] : memref<50176x32xf32, #tpu.memory_space<vmem_shared>> -> memref<56x32xf32, #tpu.memory_space<vmem_shared>>
    tpu.enqueue_dma source(%arg6 : memref<56x32xf32, #tpu.memory_space<hbm>>) target(%dma_start3A_18 : memref<56x32xf32, #tpu.memory_space<vmem_shared>>) target_semaphore(%arg23 : memref<!tpu.dma_semaphore, #tpu.memory_space<semaphore_mem>>)
    %add3A_19 = arith.constant 224 : i32
    %add3A_20 = arith.addi %mul3A_0, %add3A_19 : i32
    %dma_start3A_21 = arith.constant 0 : i32
    %dma_start3A_22 = tpu.memref_slice %arg9[%add3A_20, %dma_start3A_21] : memref<50176x32xf32, #tpu.memory_space<vmem_shared>> -> memref<56x32xf32, #tpu.memory_space<vmem_shared>>
    tpu.enqueue_dma source(%arg6 : memref<56x32xf32, #tpu.memory_space<hbm>>) target(%dma_start3A_22 : memref<56x32xf32, #tpu.memory_space<vmem_shared>>) target_semaphore(%arg23 : memref<!tpu.dma_semaphore, #tpu.memory_space<semaphore_mem>>)
    %add3A_23 = arith.constant 280 : i32
    %add3A_24 = arith.addi %mul3A_0, %add3A_23 : i32
    %dma_start3A_25 = arith.constant 0 : i32
    %dma_start3A_26 = tpu.memref_slice %arg9[%add3A_24, %dma_start3A_25] : memref<50176x32xf32, #tpu.memory_space<vmem_shared>> -> memref<56x32xf32, #tpu.memory_space<vmem_shared>>
    tpu.enqueue_dma source(%arg6 : memref<56x32xf32, #tpu.memory_space<hbm>>) target(%dma_start3A_26 : memref<56x32xf32, #tpu.memory_space<vmem_shared>>) target_semaphore(%arg23 : memref<!tpu.dma_semaphore, #tpu.memory_space<semaphore_mem>>)
    %add3A_27 = arith.constant 336 : i32
    %add3A_28 = arith.addi %mul3A_0, %add3A_27 : i32
    %dma_start3A_29 = arith.constant 0 : i32
    %dma_start3A_30 = tpu.memref_slice %arg9[%add3A_28, %dma_start3A_29] : memref<50176x32xf32, #tpu.memory_space<vmem_shared>> -> memref<56x32xf32, #tpu.memory_space<vmem_shared>>
    tpu.enqueue_dma source(%arg6 : memref<56x32xf32, #tpu.memory_space<hbm>>) target(%dma_start3A_30 : memref<56x32xf32, #tpu.memory_space<vmem_shared>>) target_semaphore(%arg23 : memref<!tpu.dma_semaphore, #tpu.memory_space<semaphore_mem>>)
    %add3A_31 = arith.constant 392 : i32
    %add3A_32 = arith.addi %mul3A_0, %add3A_31 : i32
    %dma_start3A_33 = arith.constant 0 : i32
    %dma_start3A_34 = tpu.memref_slice %arg9[%add3A_32, %dma_start3A_33] : memref<50176x32xf32, #tpu.memory_space<vmem_shared>> -> memref<56x32xf32, #tpu.memory_space<vmem_shared>>
    tpu.enqueue_dma source(%arg6 : memref<56x32xf32, #tpu.memory_space<hbm>>) target(%dma_start3A_34 : memref<56x32xf32, #tpu.memory_space<vmem_shared>>) target_semaphore(%arg23 : memref<!tpu.dma_semaphore, #tpu.memory_space<semaphore_mem>>)
    %add3A_35 = arith.constant 448 : i32
    %add3A_36 = arith.addi %mul3A_0, %add3A_35 : i32
    %dma_start3A_37 = arith.constant 0 : i32
    %dma_start3A_38 = tpu.memref_slice %arg9[%add3A_36, %dma_start3A_37] : memref<50176x32xf32, #tpu.memory_space<vmem_shared>> -> memref<56x32xf32, #tpu.memory_space<vmem_shared>>
    tpu.enqueue_dma source(%arg6 : memref<56x32xf32, #tpu.memory_space<hbm>>) target(%dma_start3A_38 : memref<56x32xf32, #tpu.memory_space<vmem_shared>>) target_semaphore(%arg23 : memref<!tpu.dma_semaphore, #tpu.memory_space<semaphore_mem>>)
    %add3A_39 = arith.constant 504 : i32
    %add3A_40 = arith.addi %mul3A_0, %add3A_39 : i32
    %dma_start3A_41 = arith.constant 0 : i32
    %dma_start3A_42 = tpu.memref_slice %arg9[%add3A_40, %dma_start3A_41] : memref<50176x32xf32, #tpu.memory_space<vmem_shared>> -> memref<56x32xf32, #tpu.memory_space<vmem_shared>>
    tpu.enqueue_dma source(%arg6 : memref<56x32xf32, #tpu.memory_space<hbm>>) target(%dma_start3A_42 : memref<56x32xf32, #tpu.memory_space<vmem_shared>>) target_semaphore(%arg23 : memref<!tpu.dma_semaphore, #tpu.memory_space<semaphore_mem>>)
    %add3A_43 = arith.constant 560 : i32
    %add3A_44 = arith.addi %mul3A_0, %add3A_43 : i32
    %dma_start3A_45 = arith.constant 0 : i32
    %dma_start3A_46 = tpu.memref_slice %arg9[%add3A_44, %dma_start3A_45] : memref<50176x32xf32, #tpu.memory_space<vmem_shared>> -> memref<56x32xf32, #tpu.memory_space<vmem_shared>>
    tpu.enqueue_dma source(%arg6 : memref<56x32xf32, #tpu.memory_space<hbm>>) target(%dma_start3A_46 : memref<56x32xf32, #tpu.memory_space<vmem_shared>>) target_semaphore(%arg23 : memref<!tpu.dma_semaphore, #tpu.memory_space<semaphore_mem>>)
    %add3A_47 = arith.constant 616 : i32
    %add3A_48 = arith.addi %mul3A_0, %add3A_47 : i32
    %dma_start3A_49 = arith.constant 0 : i32
    %dma_start3A_50 = tpu.memref_slice %arg9[%add3A_48, %dma_start3A_49] : memref<50176x32xf32, #tpu.memory_space<vmem_shared>> -> memref<56x32xf32, #tpu.memory_space<vmem_shared>>
    tpu.enqueue_dma source(%arg6 : memref<56x32xf32, #tpu.memory_space<hbm>>) target(%dma_start3A_50 : memref<56x32xf32, #tpu.memory_space<vmem_shared>>) target_semaphore(%arg23 : memref<!tpu.dma_semaphore, #tpu.memory_space<semaphore_mem>>)
    %add3A_51 = arith.constant 672 : i32
    %add3A_52 = arith.addi %mul3A_0, %add3A_51 : i32
    %dma_start3A_53 = arith.constant 0 : i32
    %dma_start3A_54 = tpu.memref_slice %arg9[%add3A_52, %dma_start3A_53] : memref<50176x32xf32, #tpu.memory_space<vmem_shared>> -> memref<56x32xf32, #tpu.memory_space<vmem_shared>>
    tpu.enqueue_dma source(%arg6 : memref<56x32xf32, #tpu.memory_space<hbm>>) target(%dma_start3A_54 : memref<56x32xf32, #tpu.memory_space<vmem_shared>>) target_semaphore(%arg23 : memref<!tpu.dma_semaphore, #tpu.memory_space<semaphore_mem>>)
    %add3A_55 = arith.constant 728 : i32
    %add3A_56 = arith.addi %mul3A_0, %add3A_55 : i32
    %dma_start3A_57 = arith.constant 0 : i32
    %dma_start3A_58 = tpu.memref_slice %arg9[%add3A_56, %dma_start3A_57] : memref<50176x32xf32, #tpu.memory_space<vmem_shared>> -> memref<56x32xf32, #tpu.memory_space<vmem_shared>>
    tpu.enqueue_dma source(%arg6 : memref<56x32xf32, #tpu.memory_space<hbm>>) target(%dma_start3A_58 : memref<56x32xf32, #tpu.memory_space<vmem_shared>>) target_semaphore(%arg23 : memref<!tpu.dma_semaphore, #tpu.memory_space<semaphore_mem>>)
    %add3A_59 = arith.constant 784 : i32
    %add3A_60 = arith.addi %mul3A_0, %add3A_59 : i32
    %dma_start3A_61 = arith.constant 0 : i32
    %dma_start3A_62 = tpu.memref_slice %arg9[%add3A_60, %dma_start3A_61] : memref<50176x32xf32, #tpu.memory_space<vmem_shared>> -> memref<56x32xf32, #tpu.memory_space<vmem_shared>>
    tpu.enqueue_dma source(%arg6 : memref<56x32xf32, #tpu.memory_space<hbm>>) target(%dma_start3A_62 : memref<56x32xf32, #tpu.memory_space<vmem_shared>>) target_semaphore(%arg23 : memref<!tpu.dma_semaphore, #tpu.memory_space<semaphore_mem>>)
    %add3A_63 = arith.constant 840 : i32
    %add3A_64 = arith.addi %mul3A_0, %add3A_63 : i32
    %dma_start3A_65 = arith.constant 0 : i32
    %dma_start3A_66 = tpu.memref_slice %arg9[%add3A_64, %dma_start3A_65] : memref<50176x32xf32, #tpu.memory_space<vmem_shared>> -> memref<56x32xf32, #tpu.memory_space<vmem_shared>>
    tpu.enqueue_dma source(%arg6 : memref<56x32xf32, #tpu.memory_space<hbm>>) target(%dma_start3A_66 : memref<56x32xf32, #tpu.memory_space<vmem_shared>>) target_semaphore(%arg23 : memref<!tpu.dma_semaphore, #tpu.memory_space<semaphore_mem>>)
    %add3A_67 = arith.constant 896 : i32
    %add3A_68 = arith.addi %mul3A_0, %add3A_67 : i32
    %dma_start3A_69 = arith.constant 0 : i32
    %dma_start3A_70 = tpu.memref_slice %arg9[%add3A_68, %dma_start3A_69] : memref<50176x32xf32, #tpu.memory_space<vmem_shared>> -> memref<56x32xf32, #tpu.memory_space<vmem_shared>>
    tpu.enqueue_dma source(%arg6 : memref<56x32xf32, #tpu.memory_space<hbm>>) target(%dma_start3A_70 : memref<56x32xf32, #tpu.memory_space<vmem_shared>>) target_semaphore(%arg23 : memref<!tpu.dma_semaphore, #tpu.memory_space<semaphore_mem>>)
    %add3A_71 = arith.constant 952 : i32
    %add3A_72 = arith.addi %mul3A_0, %add3A_71 : i32
    %dma_start3A_73 = arith.constant 0 : i32
    %dma_start3A_74 = tpu.memref_slice %arg9[%add3A_72, %dma_start3A_73] : memref<50176x32xf32, #tpu.memory_space<vmem_shared>> -> memref<56x32xf32, #tpu.memory_space<vmem_shared>>
    tpu.enqueue_dma source(%arg6 : memref<56x32xf32, #tpu.memory_space<hbm>>) target(%dma_start3A_74 : memref<56x32xf32, #tpu.memory_space<vmem_shared>>) target_semaphore(%arg23 : memref<!tpu.dma_semaphore, #tpu.memory_space<semaphore_mem>>)
    %add3A_75 = arith.constant 1008 : i32
    %add3A_76 = arith.addi %mul3A_0, %add3A_75 : i32
    %dma_start3A_77 = arith.constant 0 : i32
    %dma_start3A_78 = tpu.memref_slice %arg9[%add3A_76, %dma_start3A_77] : memref<50176x32xf32, #tpu.memory_space<vmem_shared>> -> memref<56x32xf32, #tpu.memory_space<vmem_shared>>
    tpu.enqueue_dma source(%arg6 : memref<56x32xf32, #tpu.memory_space<hbm>>) target(%dma_start3A_78 : memref<56x32xf32, #tpu.memory_space<vmem_shared>>) target_semaphore(%arg23 : memref<!tpu.dma_semaphore, #tpu.memory_space<semaphore_mem>>)
    %add3A_79 = arith.constant 1064 : i32
    %add3A_80 = arith.addi %mul3A_0, %add3A_79 : i32
    %dma_start3A_81 = arith.constant 0 : i32
    %dma_start3A_82 = tpu.memref_slice %arg9[%add3A_80, %dma_start3A_81] : memref<50176x32xf32, #tpu.memory_space<vmem_shared>> -> memref<56x32xf32, #tpu.memory_space<vmem_shared>>
    tpu.enqueue_dma source(%arg6 : memref<56x32xf32, #tpu.memory_space<hbm>>) target(%dma_start3A_82 : memref<56x32xf32, #tpu.memory_space<vmem_shared>>) target_semaphore(%arg23 : memref<!tpu.dma_semaphore, #tpu.memory_space<semaphore_mem>>)
    %add3A_83 = arith.constant 1120 : i32
    %add3A_84 = arith.addi %mul3A_0, %add3A_83 : i32
    %dma_start3A_85 = arith.constant 0 : i32
    %dma_start3A_86 = tpu.memref_slice %arg9[%add3A_84, %dma_start3A_85] : memref<50176x32xf32, #tpu.memory_space<vmem_shared>> -> memref<56x32xf32, #tpu.memory_space<vmem_shared>>
    tpu.enqueue_dma source(%arg6 : memref<56x32xf32, #tpu.memory_space<hbm>>) target(%dma_start3A_86 : memref<56x32xf32, #tpu.memory_space<vmem_shared>>) target_semaphore(%arg23 : memref<!tpu.dma_semaphore, #tpu.memory_space<semaphore_mem>>)
    %add3A_87 = arith.constant 1176 : i32
    %add3A_88 = arith.addi %mul3A_0, %add3A_87 : i32
    %dma_start3A_89 = arith.constant 0 : i32
    %dma_start3A_90 = tpu.memref_slice %arg9[%add3A_88, %dma_start3A_89] : memref<50176x32xf32, #tpu.memory_space<vmem_shared>> -> memref<56x32xf32, #tpu.memory_space<vmem_shared>>
    tpu.enqueue_dma source(%arg6 : memref<56x32xf32, #tpu.memory_space<hbm>>) target(%dma_start3A_90 : memref<56x32xf32, #tpu.memory_space<vmem_shared>>) target_semaphore(%arg23 : memref<!tpu.dma_semaphore, #tpu.memory_space<semaphore_mem>>)
    %add3A_91 = arith.constant 1232 : i32
    %add3A_92 = arith.addi %mul3A_0, %add3A_91 : i32
    %dma_start3A_93 = arith.constant 0 : i32
    %dma_start3A_94 = tpu.memref_slice %arg9[%add3A_92, %dma_start3A_93] : memref<50176x32xf32, #tpu.memory_space<vmem_shared>> -> memref<56x32xf32, #tpu.memory_space<vmem_shared>>
    tpu.enqueue_dma source(%arg6 : memref<56x32xf32, #tpu.memory_space<hbm>>) target(%dma_start3A_94 : memref<56x32xf32, #tpu.memory_space<vmem_shared>>) target_semaphore(%arg23 : memref<!tpu.dma_semaphore, #tpu.memory_space<semaphore_mem>>)
    %add3A_95 = arith.constant 1288 : i32
    %add3A_96 = arith.addi %mul3A_0, %add3A_95 : i32
    %dma_start3A_97 = arith.constant 0 : i32
    %dma_start3A_98 = tpu.memref_slice %arg9[%add3A_96, %dma_start3A_97] : memref<50176x32xf32, #tpu.memory_space<vmem_shared>> -> memref<56x32xf32, #tpu.memory_space<vmem_shared>>
    tpu.enqueue_dma source(%arg6 : memref<56x32xf32, #tpu.memory_space<hbm>>) target(%dma_start3A_98 : memref<56x32xf32, #tpu.memory_space<vmem_shared>>) target_semaphore(%arg23 : memref<!tpu.dma_semaphore, #tpu.memory_space<semaphore_mem>>)
    %add3A_99 = arith.constant 1344 : i32
    %add3A_100 = arith.addi %mul3A_0, %add3A_99 : i32
    %dma_start3A_101 = arith.constant 0 : i32
    %dma_start3A_102 = tpu.memref_slice %arg9[%add3A_100, %dma_start3A_101] : memref<50176x32xf32, #tpu.memory_space<vmem_shared>> -> memref<56x32xf32, #tpu.memory_space<vmem_shared>>
    tpu.enqueue_dma source(%arg6 : memref<56x32xf32, #tpu.memory_space<hbm>>) target(%dma_start3A_102 : memref<56x32xf32, #tpu.memory_space<vmem_shared>>) target_semaphore(%arg23 : memref<!tpu.dma_semaphore, #tpu.memory_space<semaphore_mem>>)
    %add3A_103 = arith.constant 1400 : i32
    %add3A_104 = arith.addi %mul3A_0, %add3A_103 : i32
    %dma_start3A_105 = arith.constant 0 : i32
    %dma_start3A_106 = tpu.memref_slice %arg9[%add3A_104, %dma_start3A_105] : memref<50176x32xf32, #tpu.memory_space<vmem_shared>> -> memref<56x32xf32, #tpu.memory_space<vmem_shared>>
    tpu.enqueue_dma source(%arg6 : memref<56x32xf32, #tpu.memory_space<hbm>>) target(%dma_start3A_106 : memref<56x32xf32, #tpu.memory_space<vmem_shared>>) target_semaphore(%arg23 : memref<!tpu.dma_semaphore, #tpu.memory_space<semaphore_mem>>)
    %add3A_107 = arith.constant 1456 : i32
    %add3A_108 = arith.addi %mul3A_0, %add3A_107 : i32
    %dma_start3A_109 = arith.constant 0 : i32
    %dma_start3A_110 = tpu.memref_slice %arg9[%add3A_108, %dma_start3A_109] : memref<50176x32xf32, #tpu.memory_space<vmem_shared>> -> memref<56x32xf32, #tpu.memory_space<vmem_shared>>
    tpu.enqueue_dma source(%arg6 : memref<56x32xf32, #tpu.memory_space<hbm>>) target(%dma_start3A_110 : memref<56x32xf32, #tpu.memory_space<vmem_shared>>) target_semaphore(%arg23 : memref<!tpu.dma_semaphore, #tpu.memory_space<semaphore_mem>>)
    %add3A_111 = arith.constant 1512 : i32
    %add3A_112 = arith.addi %mul3A_0, %add3A_111 : i32
    %dma_start3A_113 = arith.constant 0 : i32
    %dma_start3A_114 = tpu.memref_slice %arg9[%add3A_112, %dma_start3A_113] : memref<50176x32xf32, #tpu.memory_space<vmem_shared>> -> memref<56x32xf32, #tpu.memory_space<vmem_shared>>
    tpu.enqueue_dma source(%arg6 : memref<56x32xf32, #tpu.memory_space<hbm>>) target(%dma_start3A_114 : memref<56x32xf32, #tpu.memory_space<vmem_shared>>) target_semaphore(%arg23 : memref<!tpu.dma_semaphore, #tpu.memory_space<semaphore_mem>>)
    %add3A_115 = arith.constant 1568 : i32
    %add3A_116 = arith.addi %mul3A_0, %add3A_115 : i32
    %dma_start3A_117 = arith.constant 0 : i32
    %dma_start3A_118 = tpu.memref_slice %arg9[%add3A_116, %dma_start3A_117] : memref<50176x32xf32, #tpu.memory_space<vmem_shared>> -> memref<56x32xf32, #tpu.memory_space<vmem_shared>>
    tpu.enqueue_dma source(%arg6 : memref<56x32xf32, #tpu.memory_space<hbm>>) target(%dma_start3A_118 : memref<56x32xf32, #tpu.memory_space<vmem_shared>>) target_semaphore(%arg23 : memref<!tpu.dma_semaphore, #tpu.memory_space<semaphore_mem>>)
    %add3A_119 = arith.constant 1624 : i32
    %add3A_120 = arith.addi %mul3A_0, %add3A_119 : i32
    %dma_start3A_121 = arith.constant 0 : i32
    %dma_start3A_122 = tpu.memref_slice %arg9[%add3A_120, %dma_start3A_121] : memref<50176x32xf32, #tpu.memory_space<vmem_shared>> -> memref<56x32xf32, #tpu.memory_space<vmem_shared>>
    tpu.enqueue_dma source(%arg6 : memref<56x32xf32, #tpu.memory_space<hbm>>) target(%dma_start3A_122 : memref<56x32xf32, #tpu.memory_space<vmem_shared>>) target_semaphore(%arg23 : memref<!tpu.dma_semaphore, #tpu.memory_space<semaphore_mem>>)
    %add3A_123 = arith.constant 1680 : i32
    %add3A_124 = arith.addi %mul3A_0, %add3A_123 : i32
    %dma_start3A_125 = arith.constant 0 : i32
    %dma_start3A_126 = tpu.memref_slice %arg9[%add3A_124, %dma_start3A_125] : memref<50176x32xf32, #tpu.memory_space<vmem_shared>> -> memref<56x32xf32, #tpu.memory_space<vmem_shared>>
    tpu.enqueue_dma source(%arg6 : memref<56x32xf32, #tpu.memory_space<hbm>>) target(%dma_start3A_126 : memref<56x32xf32, #tpu.memory_space<vmem_shared>>) target_semaphore(%arg23 : memref<!tpu.dma_semaphore, #tpu.memory_space<semaphore_mem>>)
    %add3A_127 = arith.constant 1736 : i32
    %add3A_128 = arith.addi %mul3A_0, %add3A_127 : i32
    %dma_start3A_129 = arith.constant 0 : i32
    %dma_start3A_130 = tpu.memref_slice %arg9[%add3A_128, %dma_start3A_129] : memref<50176x32xf32, #tpu.memory_space<vmem_shared>> -> memref<56x32xf32, #tpu.memory_space<vmem_shared>>
    tpu.enqueue_dma source(%arg6 : memref<56x32xf32, #tpu.memory_space<hbm>>) target(%dma_start3A_130 : memref<56x32xf32, #tpu.memory_space<vmem_shared>>) target_semaphore(%arg23 : memref<!tpu.dma_semaphore, #tpu.memory_space<semaphore_mem>>)
    %add3A_131 = arith.constant 1792 : i32
    %add3A_132 = arith.addi %mul3A_0, %add3A_131 : i32
    %dma_start3A_133 = arith.constant 0 : i32
    %dma_start3A_134 = tpu.memref_slice %arg9[%add3A_132, %dma_start3A_133] : memref<50176x32xf32, #tpu.memory_space<vmem_shared>> -> memref<56x32xf32, #tpu.memory_space<vmem_shared>>
    tpu.enqueue_dma source(%arg6 : memref<56x32xf32, #tpu.memory_space<hbm>>) target(%dma_start3A_134 : memref<56x32xf32, #tpu.memory_space<vmem_shared>>) target_semaphore(%arg23 : memref<!tpu.dma_semaphore, #tpu.memory_space<semaphore_mem>>)
    %add3A_135 = arith.constant 1848 : i32
    %add3A_136 = arith.addi %mul3A_0, %add3A_135 : i32
    %dma_start3A_137 = arith.constant 0 : i32
    %dma_start3A_138 = tpu.memref_slice %arg9[%add3A_136, %dma_start3A_137] : memref<50176x32xf32, #tpu.memory_space<vmem_shared>> -> memref<56x32xf32, #tpu.memory_space<vmem_shared>>
    tpu.enqueue_dma source(%arg6 : memref<56x32xf32, #tpu.memory_space<hbm>>) target(%dma_start3A_138 : memref<56x32xf32, #tpu.memory_space<vmem_shared>>) target_semaphore(%arg23 : memref<!tpu.dma_semaphore, #tpu.memory_space<semaphore_mem>>)
    %add3A_139 = arith.constant 1904 : i32
    %add3A_140 = arith.addi %mul3A_0, %add3A_139 : i32
    %dma_start3A_141 = arith.constant 0 : i32
    %dma_start3A_142 = tpu.memref_slice %arg9[%add3A_140, %dma_start3A_141] : memref<50176x32xf32, #tpu.memory_space<vmem_shared>> -> memref<56x32xf32, #tpu.memory_space<vmem_shared>>
    tpu.enqueue_dma source(%arg6 : memref<56x32xf32, #tpu.memory_space<hbm>>) target(%dma_start3A_142 : memref<56x32xf32, #tpu.memory_space<vmem_shared>>) target_semaphore(%arg23 : memref<!tpu.dma_semaphore, #tpu.memory_space<semaphore_mem>>)
    %add3A_143 = arith.constant 1960 : i32
    %add3A_144 = arith.addi %mul3A_0, %add3A_143 : i32
    %dma_start3A_145 = arith.constant 0 : i32
    %dma_start3A_146 = tpu.memref_slice %arg9[%add3A_144, %dma_start3A_145] : memref<50176x32xf32, #tpu.memory_space<vmem_shared>> -> memref<56x32xf32, #tpu.memory_space<vmem_shared>>
    tpu.enqueue_dma source(%arg6 : memref<56x32xf32, #tpu.memory_space<hbm>>) target(%dma_start3A_146 : memref<56x32xf32, #tpu.memory_space<vmem_shared>>) target_semaphore(%arg23 : memref<!tpu.dma_semaphore, #tpu.memory_space<semaphore_mem>>)
    %add3A_147 = arith.constant 2016 : i32
    %add3A_148 = arith.addi %mul3A_0, %add3A_147 : i32
    %dma_start3A_149 = arith.constant 0 : i32
    %dma_start3A_150 = tpu.memref_slice %arg9[%add3A_148, %dma_start3A_149] : memref<50176x32xf32, #tpu.memory_space<vmem_shared>> -> memref<56x32xf32, #tpu.memory_space<vmem_shared>>
    tpu.enqueue_dma source(%arg6 : memref<56x32xf32, #tpu.memory_space<hbm>>) target(%dma_start3A_150 : memref<56x32xf32, #tpu.memory_space<vmem_shared>>) target_semaphore(%arg23 : memref<!tpu.dma_semaphore, #tpu.memory_space<semaphore_mem>>)
    %add3A_151 = arith.constant 2072 : i32
    %add3A_152 = arith.addi %mul3A_0, %add3A_151 : i32
    %dma_start3A_153 = arith.constant 0 : i32
    %dma_start3A_154 = tpu.memref_slice %arg9[%add3A_152, %dma_start3A_153] : memref<50176x32xf32, #tpu.memory_space<vmem_shared>> -> memref<56x32xf32, #tpu.memory_space<vmem_shared>>
    tpu.enqueue_dma source(%arg6 : memref<56x32xf32, #tpu.memory_space<hbm>>) target(%dma_start3A_154 : memref<56x32xf32, #tpu.memory_space<vmem_shared>>) target_semaphore(%arg23 : memref<!tpu.dma_semaphore, #tpu.memory_space<semaphore_mem>>)
    %add3A_155 = arith.constant 2128 : i32
    %add3A_156 = arith.addi %mul3A_0, %add3A_155 : i32
    %dma_start3A_157 = arith.constant 0 : i32
    %dma_start3A_158 = tpu.memref_slice %arg9[%add3A_156, %dma_start3A_157] : memref<50176x32xf32, #tpu.memory_space<vmem_shared>> -> memref<56x32xf32, #tpu.memory_space<vmem_shared>>
    tpu.enqueue_dma source(%arg6 : memref<56x32xf32, #tpu.memory_space<hbm>>) target(%dma_start3A_158 : memref<56x32xf32, #tpu.memory_space<vmem_shared>>) target_semaphore(%arg23 : memref<!tpu.dma_semaphore, #tpu.memory_space<semaphore_mem>>)
    %add3A_159 = arith.constant 2184 : i32
    %add3A_160 = arith.addi %mul3A_0, %add3A_159 : i32
    %dma_start3A_161 = arith.constant 0 : i32
    %dma_start3A_162 = tpu.memref_slice %arg9[%add3A_160, %dma_start3A_161] : memref<50176x32xf32, #tpu.memory_space<vmem_shared>> -> memref<56x32xf32, #tpu.memory_space<vmem_shared>>
    tpu.enqueue_dma source(%arg6 : memref<56x32xf32, #tpu.memory_space<hbm>>) target(%dma_start3A_162 : memref<56x32xf32, #tpu.memory_space<vmem_shared>>) target_semaphore(%arg23 : memref<!tpu.dma_semaphore, #tpu.memory_space<semaphore_mem>>)
    %add3A_163 = arith.constant 2240 : i32
    %add3A_164 = arith.addi %mul3A_0, %add3A_163 : i32
    %dma_start3A_165 = arith.constant 0 : i32
    %dma_start3A_166 = tpu.memref_slice %arg9[%add3A_164, %dma_start3A_165] : memref<50176x32xf32, #tpu.memory_space<vmem_shared>> -> memref<56x32xf32, #tpu.memory_space<vmem_shared>>
    tpu.enqueue_dma source(%arg6 : memref<56x32xf32, #tpu.memory_space<hbm>>) target(%dma_start3A_166 : memref<56x32xf32, #tpu.memory_space<vmem_shared>>) target_semaphore(%arg23 : memref<!tpu.dma_semaphore, #tpu.memory_space<semaphore_mem>>)
    %add3A_167 = arith.constant 2296 : i32
    %add3A_168 = arith.addi %mul3A_0, %add3A_167 : i32
    %dma_start3A_169 = arith.constant 0 : i32
    %dma_start3A_170 = tpu.memref_slice %arg9[%add3A_168, %dma_start3A_169] : memref<50176x32xf32, #tpu.memory_space<vmem_shared>> -> memref<56x32xf32, #tpu.memory_space<vmem_shared>>
    tpu.enqueue_dma source(%arg6 : memref<56x32xf32, #tpu.memory_space<hbm>>) target(%dma_start3A_170 : memref<56x32xf32, #tpu.memory_space<vmem_shared>>) target_semaphore(%arg23 : memref<!tpu.dma_semaphore, #tpu.memory_space<semaphore_mem>>)
    %add3A_171 = arith.constant 2352 : i32
    %add3A_172 = arith.addi %mul3A_0, %add3A_171 : i32
    %dma_start3A_173 = arith.constant 0 : i32
    %dma_start3A_174 = tpu.memref_slice %arg9[%add3A_172, %dma_start3A_173] : memref<50176x32xf32, #tpu.memory_space<vmem_shared>> -> memref<56x32xf32, #tpu.memory_space<vmem_shared>>
    tpu.enqueue_dma source(%arg6 : memref<56x32xf32, #tpu.memory_space<hbm>>) target(%dma_start3A_174 : memref<56x32xf32, #tpu.memory_space<vmem_shared>>) target_semaphore(%arg23 : memref<!tpu.dma_semaphore, #tpu.memory_space<semaphore_mem>>)
    %add3A_175 = arith.constant 2408 : i32
    %add3A_176 = arith.addi %mul3A_0, %add3A_175 : i32
    %dma_start3A_177 = arith.constant 0 : i32
    %dma_start3A_178 = tpu.memref_slice %arg9[%add3A_176, %dma_start3A_177] : memref<50176x32xf32, #tpu.memory_space<vmem_shared>> -> memref<56x32xf32, #tpu.memory_space<vmem_shared>>
    tpu.enqueue_dma source(%arg6 : memref<56x32xf32, #tpu.memory_space<hbm>>) target(%dma_start3A_178 : memref<56x32xf32, #tpu.memory_space<vmem_shared>>) target_semaphore(%arg23 : memref<!tpu.dma_semaphore, #tpu.memory_space<semaphore_mem>>)
    %add3A_179 = arith.constant 2464 : i32
    %add3A_180 = arith.addi %mul3A_0, %add3A_179 : i32
    %dma_start3A_181 = arith.constant 0 : i32
    %dma_start3A_182 = tpu.memref_slice %arg9[%add3A_180, %dma_start3A_181] : memref<50176x32xf32, #tpu.memory_space<vmem_shared>> -> memref<56x32xf32, #tpu.memory_space<vmem_shared>>
    tpu.enqueue_dma source(%arg6 : memref<56x32xf32, #tpu.memory_space<hbm>>) target(%dma_start3A_182 : memref<56x32xf32, #tpu.memory_space<vmem_shared>>) target_semaphore(%arg23 : memref<!tpu.dma_semaphore, #tpu.memory_space<semaphore_mem>>)
    %add3A_183 = arith.constant 2520 : i32
    %add3A_184 = arith.addi %mul3A_0, %add3A_183 : i32
    %dma_start3A_185 = arith.constant 0 : i32
    %dma_start3A_186 = tpu.memref_slice %arg9[%add3A_184, %dma_start3A_185] : memref<50176x32xf32, #tpu.memory_space<vmem_shared>> -> memref<56x32xf32, #tpu.memory_space<vmem_shared>>
    tpu.enqueue_dma source(%arg6 : memref<56x32xf32, #tpu.memory_space<hbm>>) target(%dma_start3A_186 : memref<56x32xf32, #tpu.memory_space<vmem_shared>>) target_semaphore(%arg23 : memref<!tpu.dma_semaphore, #tpu.memory_space<semaphore_mem>>)
    %add3A_187 = arith.constant 2576 : i32
    %add3A_188 = arith.addi %mul3A_0, %add3A_187 : i32
    %dma_start3A_189 = arith.constant 0 : i32
    %dma_start3A_190 = tpu.memref_slice %arg9[%add3A_188, %dma_start3A_189] : memref<50176x32xf32, #tpu.memory_space<vmem_shared>> -> memref<56x32xf32, #tpu.memory_space<vmem_shared>>
    tpu.enqueue_dma source(%arg6 : memref<56x32xf32, #tpu.memory_space<hbm>>) target(%dma_start3A_190 : memref<56x32xf32, #tpu.memory_space<vmem_shared>>) target_semaphore(%arg23 : memref<!tpu.dma_semaphore, #tpu.memory_space<semaphore_mem>>)
    %add3A_191 = arith.constant 2632 : i32
    %add3A_192 = arith.addi %mul3A_0, %add3A_191 : i32
    %dma_start3A_193 = arith.constant 0 : i32
    %dma_start3A_194 = tpu.memref_slice %arg9[%add3A_192, %dma_start3A_193] : memref<50176x32xf32, #tpu.memory_space<vmem_shared>> -> memref<56x32xf32, #tpu.memory_space<vmem_shared>>
    tpu.enqueue_dma source(%arg6 : memref<56x32xf32, #tpu.memory_space<hbm>>) target(%dma_start3A_194 : memref<56x32xf32, #tpu.memory_space<vmem_shared>>) target_semaphore(%arg23 : memref<!tpu.dma_semaphore, #tpu.memory_space<semaphore_mem>>)
    %add3A_195 = arith.constant 2688 : i32
    %add3A_196 = arith.addi %mul3A_0, %add3A_195 : i32
    %dma_start3A_197 = arith.constant 0 : i32
    %dma_start3A_198 = tpu.memref_slice %arg9[%add3A_196, %dma_start3A_197] : memref<50176x32xf32, #tpu.memory_space<vmem_shared>> -> memref<56x32xf32, #tpu.memory_space<vmem_shared>>
    tpu.enqueue_dma source(%arg6 : memref<56x32xf32, #tpu.memory_space<hbm>>) target(%dma_start3A_198 : memref<56x32xf32, #tpu.memory_space<vmem_shared>>) target_semaphore(%arg23 : memref<!tpu.dma_semaphore, #tpu.memory_space<semaphore_mem>>)
    %add3A_199 = arith.constant 2744 : i32
    %add3A_200 = arith.addi %mul3A_0, %add3A_199 : i32
    %dma_start3A_201 = arith.constant 0 : i32
    %dma_start3A_202 = tpu.memref_slice %arg9[%add3A_200, %dma_start3A_201] : memref<50176x32xf32, #tpu.memory_space<vmem_shared>> -> memref<56x32xf32, #tpu.memory_space<vmem_shared>>
    tpu.enqueue_dma source(%arg6 : memref<56x32xf32, #tpu.memory_space<hbm>>) target(%dma_start3A_202 : memref<56x32xf32, #tpu.memory_space<vmem_shared>>) target_semaphore(%arg23 : memref<!tpu.dma_semaphore, #tpu.memory_space<semaphore_mem>>)
    %add3A_203 = arith.constant 2800 : i32
    %add3A_204 = arith.addi %mul3A_0, %add3A_203 : i32
    %dma_start3A_205 = arith.constant 0 : i32
    %dma_start3A_206 = tpu.memref_slice %arg9[%add3A_204, %dma_start3A_205] : memref<50176x32xf32, #tpu.memory_space<vmem_shared>> -> memref<56x32xf32, #tpu.memory_space<vmem_shared>>
    tpu.enqueue_dma source(%arg6 : memref<56x32xf32, #tpu.memory_space<hbm>>) target(%dma_start3A_206 : memref<56x32xf32, #tpu.memory_space<vmem_shared>>) target_semaphore(%arg23 : memref<!tpu.dma_semaphore, #tpu.memory_space<semaphore_mem>>)
    %add3A_207 = arith.constant 2856 : i32
    %add3A_208 = arith.addi %mul3A_0, %add3A_207 : i32
    %dma_start3A_209 = arith.constant 0 : i32
    %dma_start3A_210 = tpu.memref_slice %arg9[%add3A_208, %dma_start3A_209] : memref<50176x32xf32, #tpu.memory_space<vmem_shared>> -> memref<56x32xf32, #tpu.memory_space<vmem_shared>>
    tpu.enqueue_dma source(%arg6 : memref<56x32xf32, #tpu.memory_space<hbm>>) target(%dma_start3A_210 : memref<56x32xf32, #tpu.memory_space<vmem_shared>>) target_semaphore(%arg23 : memref<!tpu.dma_semaphore, #tpu.memory_space<semaphore_mem>>)
    %add3A_211 = arith.constant 2912 : i32
    %add3A_212 = arith.addi %mul3A_0, %add3A_211 : i32
    %dma_start3A_213 = arith.constant 0 : i32
    %dma_start3A_214 = tpu.memref_slice %arg9[%add3A_212, %dma_start3A_213] : memref<50176x32xf32, #tpu.memory_space<vmem_shared>> -> memref<56x32xf32, #tpu.memory_space<vmem_shared>>
    tpu.enqueue_dma source(%arg6 : memref<56x32xf32, #tpu.memory_space<hbm>>) target(%dma_start3A_214 : memref<56x32xf32, #tpu.memory_space<vmem_shared>>) target_semaphore(%arg23 : memref<!tpu.dma_semaphore, #tpu.memory_space<semaphore_mem>>)
    %add3A_215 = arith.constant 2968 : i32
    %add3A_216 = arith.addi %mul3A_0, %add3A_215 : i32
    %dma_start3A_217 = arith.constant 0 : i32
    %dma_start3A_218 = tpu.memref_slice %arg9[%add3A_216, %dma_start3A_217] : memref<50176x32xf32, #tpu.memory_space<vmem_shared>> -> memref<56x32xf32, #tpu.memory_space<vmem_shared>>
    tpu.enqueue_dma source(%arg6 : memref<56x32xf32, #tpu.memory_space<hbm>>) target(%dma_start3A_218 : memref<56x32xf32, #tpu.memory_space<vmem_shared>>) target_semaphore(%arg23 : memref<!tpu.dma_semaphore, #tpu.memory_space<semaphore_mem>>)
    %add3A_219 = arith.constant 3024 : i32
    %add3A_220 = arith.addi %mul3A_0, %add3A_219 : i32
    %dma_start3A_221 = arith.constant 0 : i32
    %dma_start3A_222 = tpu.memref_slice %arg9[%add3A_220, %dma_start3A_221] : memref<50176x32xf32, #tpu.memory_space<vmem_shared>> -> memref<56x32xf32, #tpu.memory_space<vmem_shared>>
    tpu.enqueue_dma source(%arg6 : memref<56x32xf32, #tpu.memory_space<hbm>>) target(%dma_start3A_222 : memref<56x32xf32, #tpu.memory_space<vmem_shared>>) target_semaphore(%arg23 : memref<!tpu.dma_semaphore, #tpu.memory_space<semaphore_mem>>)
    %add3A_223 = arith.constant 3080 : i32
    %add3A_224 = arith.addi %mul3A_0, %add3A_223 : i32
    %dma_start3A_225 = arith.constant 0 : i32
    %dma_start3A_226 = tpu.memref_slice %arg9[%add3A_224, %dma_start3A_225] : memref<50176x32xf32, #tpu.memory_space<vmem_shared>> -> memref<56x32xf32, #tpu.memory_space<vmem_shared>>
    tpu.enqueue_dma source(%arg6 : memref<56x32xf32, #tpu.memory_space<hbm>>) target(%dma_start3A_226 : memref<56x32xf32, #tpu.memory_space<vmem_shared>>) target_semaphore(%arg23 : memref<!tpu.dma_semaphore, #tpu.memory_space<semaphore_mem>>)
    %add3A_227 = arith.constant 0 : i32
    %add3A_228 = arith.addi %mul3A_0, %add3A_227 : i32
    %dma_wait3A = arith.constant 0 : i32
    %dma_wait3A_229 = tpu.memref_slice %arg9[%add3A_228, %dma_wait3A] : memref<50176x32xf32, #tpu.memory_space<vmem_shared>> -> memref<56x32xf32, #tpu.memory_space<vmem_shared>>
    tpu.wait_dma2 semaphore(%arg23 : memref<!tpu.dma_semaphore, #tpu.memory_space<semaphore_mem>>) src(%arg6 : memref<56x32xf32, #tpu.memory_space<hbm>>) dst(%dma_wait3A_229 : memref<56x32xf32, #tpu.memory_space<vmem_shared>>)
    %add3A_230 = arith.constant 56 : i32
    %add3A_231 = arith.addi %mul3A_0, %add3A_230 : i32
    %dma_wait3A_232 = arith.constant 0 : i32
    %dma_wait3A_233 = tpu.memref_slice %arg9[%add3A_231, %dma_wait3A_232] : memref<50176x32xf32, #tpu.memory_space<vmem_shared>> -> memref<56x32xf32, #tpu.memory_space<vmem_shared>>
    tpu.wait_dma2 semaphore(%arg23 : memref<!tpu.dma_semaphore, #tpu.memory_space<semaphore_mem>>) src(%arg6 : memref<56x32xf32, #tpu.memory_space<hbm>>) dst(%dma_wait3A_233 : memref<56x32xf32, #tpu.memory_space<vmem_shared>>)
    %add3A_234 = arith.constant 112 : i32
    %add3A_235 = arith.addi %mul3A_0, %add3A_234 : i32
    %dma_wait3A_236 = arith.constant 0 : i32
    %dma_wait3A_237 = tpu.memref_slice %arg9[%add3A_235, %dma_wait3A_236] : memref<50176x32xf32, #tpu.memory_space<vmem_shared>> -> memref<56x32xf32, #tpu.memory_space<vmem_shared>>
    tpu.wait_dma2 semaphore(%arg23 : memref<!tpu.dma_semaphore, #tpu.memory_space<semaphore_mem>>) src(%arg6 : memref<56x32xf32, #tpu.memory_space<hbm>>) dst(%dma_wait3A_237 : memref<56x32xf32, #tpu.memory_space<vmem_shared>>)
    %add3A_238 = arith.constant 168 : i32
    %add3A_239 = arith.addi %mul3A_0, %add3A_238 : i32
    %dma_wait3A_240 = arith.constant 0 : i32
    %dma_wait3A_241 = tpu.memref_slice %arg9[%add3A_239, %dma_wait3A_240] : memref<50176x32xf32, #tpu.memory_space<vmem_shared>> -> memref<56x32xf32, #tpu.memory_space<vmem_shared>>
    tpu.wait_dma2 semaphore(%arg23 : memref<!tpu.dma_semaphore, #tpu.memory_space<semaphore_mem>>) src(%arg6 : memref<56x32xf32, #tpu.memory_space<hbm>>) dst(%dma_wait3A_241 : memref<56x32xf32, #tpu.memory_space<vmem_shared>>)
    %add3A_242 = arith.constant 224 : i32
    %add3A_243 = arith.addi %mul3A_0, %add3A_242 : i32
    %dma_wait3A_244 = arith.constant 0 : i32
    %dma_wait3A_245 = tpu.memref_slice %arg9[%add3A_243, %dma_wait3A_244] : memref<50176x32xf32, #tpu.memory_space<vmem_shared>> -> memref<56x32xf32, #tpu.memory_space<vmem_shared>>
    tpu.wait_dma2 semaphore(%arg23 : memref<!tpu.dma_semaphore, #tpu.memory_space<semaphore_mem>>) src(%arg6 : memref<56x32xf32, #tpu.memory_space<hbm>>) dst(%dma_wait3A_245 : memref<56x32xf32, #tpu.memory_space<vmem_shared>>)
    %add3A_246 = arith.constant 280 : i32
    %add3A_247 = arith.addi %mul3A_0, %add3A_246 : i32
    %dma_wait3A_248 = arith.constant 0 : i32
    %dma_wait3A_249 = tpu.memref_slice %arg9[%add3A_247, %dma_wait3A_248] : memref<50176x32xf32, #tpu.memory_space<vmem_shared>> -> memref<56x32xf32, #tpu.memory_space<vmem_shared>>
    tpu.wait_dma2 semaphore(%arg23 : memref<!tpu.dma_semaphore, #tpu.memory_space<semaphore_mem>>) src(%arg6 : memref<56x32xf32, #tpu.memory_space<hbm>>) dst(%dma_wait3A_249 : memref<56x32xf32, #tpu.memory_space<vmem_shared>>)
    %add3A_250 = arith.constant 336 : i32
    %add3A_251 = arith.addi %mul3A_0, %add3A_250 : i32
    %dma_wait3A_252 = arith.constant 0 : i32
    %dma_wait3A_253 = tpu.memref_slice %arg9[%add3A_251, %dma_wait3A_252] : memref<50176x32xf32, #tpu.memory_space<vmem_shared>> -> memref<56x32xf32, #tpu.memory_space<vmem_shared>>
    tpu.wait_dma2 semaphore(%arg23 : memref<!tpu.dma_semaphore, #tpu.memory_space<semaphore_mem>>) src(%arg6 : memref<56x32xf32, #tpu.memory_space<hbm>>) dst(%dma_wait3A_253 : memref<56x32xf32, #tpu.memory_space<vmem_shared>>)
    %add3A_254 = arith.constant 392 : i32
    %add3A_255 = arith.addi %mul3A_0, %add3A_254 : i32
    %dma_wait3A_256 = arith.constant 0 : i32
    %dma_wait3A_257 = tpu.memref_slice %arg9[%add3A_255, %dma_wait3A_256] : memref<50176x32xf32, #tpu.memory_space<vmem_shared>> -> memref<56x32xf32, #tpu.memory_space<vmem_shared>>
    tpu.wait_dma2 semaphore(%arg23 : memref<!tpu.dma_semaphore, #tpu.memory_space<semaphore_mem>>) src(%arg6 : memref<56x32xf32, #tpu.memory_space<hbm>>) dst(%dma_wait3A_257 : memref<56x32xf32, #tpu.memory_space<vmem_shared>>)
    %add3A_258 = arith.constant 448 : i32
    %add3A_259 = arith.addi %mul3A_0, %add3A_258 : i32
    %dma_wait3A_260 = arith.constant 0 : i32
    %dma_wait3A_261 = tpu.memref_slice %arg9[%add3A_259, %dma_wait3A_260] : memref<50176x32xf32, #tpu.memory_space<vmem_shared>> -> memref<56x32xf32, #tpu.memory_space<vmem_shared>>
    tpu.wait_dma2 semaphore(%arg23 : memref<!tpu.dma_semaphore, #tpu.memory_space<semaphore_mem>>) src(%arg6 : memref<56x32xf32, #tpu.memory_space<hbm>>) dst(%dma_wait3A_261 : memref<56x32xf32, #tpu.memory_space<vmem_shared>>)
    %add3A_262 = arith.constant 504 : i32
    %add3A_263 = arith.addi %mul3A_0, %add3A_262 : i32
    %dma_wait3A_264 = arith.constant 0 : i32
    %dma_wait3A_265 = tpu.memref_slice %arg9[%add3A_263, %dma_wait3A_264] : memref<50176x32xf32, #tpu.memory_space<vmem_shared>> -> memref<56x32xf32, #tpu.memory_space<vmem_shared>>
    tpu.wait_dma2 semaphore(%arg23 : memref<!tpu.dma_semaphore, #tpu.memory_space<semaphore_mem>>) src(%arg6 : memref<56x32xf32, #tpu.memory_space<hbm>>) dst(%dma_wait3A_265 : memref<56x32xf32, #tpu.memory_space<vmem_shared>>)
    %add3A_266 = arith.constant 560 : i32
    %add3A_267 = arith.addi %mul3A_0, %add3A_266 : i32
    %dma_wait3A_268 = arith.constant 0 : i32
    %dma_wait3A_269 = tpu.memref_slice %arg9[%add3A_267, %dma_wait3A_268] : memref<50176x32xf32, #tpu.memory_space<vmem_shared>> -> memref<56x32xf32, #tpu.memory_space<vmem_shared>>
    tpu.wait_dma2 semaphore(%arg23 : memref<!tpu.dma_semaphore, #tpu.memory_space<semaphore_mem>>) src(%arg6 : memref<56x32xf32, #tpu.memory_space<hbm>>) dst(%dma_wait3A_269 : memref<56x32xf32, #tpu.memory_space<vmem_shared>>)
    %add3A_270 = arith.constant 616 : i32
    %add3A_271 = arith.addi %mul3A_0, %add3A_270 : i32
    %dma_wait3A_272 = arith.constant 0 : i32
    %dma_wait3A_273 = tpu.memref_slice %arg9[%add3A_271, %dma_wait3A_272] : memref<50176x32xf32, #tpu.memory_space<vmem_shared>> -> memref<56x32xf32, #tpu.memory_space<vmem_shared>>
    tpu.wait_dma2 semaphore(%arg23 : memref<!tpu.dma_semaphore, #tpu.memory_space<semaphore_mem>>) src(%arg6 : memref<56x32xf32, #tpu.memory_space<hbm>>) dst(%dma_wait3A_273 : memref<56x32xf32, #tpu.memory_space<vmem_shared>>)
    %add3A_274 = arith.constant 672 : i32
    %add3A_275 = arith.addi %mul3A_0, %add3A_274 : i32
    %dma_wait3A_276 = arith.constant 0 : i32
    %dma_wait3A_277 = tpu.memref_slice %arg9[%add3A_275, %dma_wait3A_276] : memref<50176x32xf32, #tpu.memory_space<vmem_shared>> -> memref<56x32xf32, #tpu.memory_space<vmem_shared>>
    tpu.wait_dma2 semaphore(%arg23 : memref<!tpu.dma_semaphore, #tpu.memory_space<semaphore_mem>>) src(%arg6 : memref<56x32xf32, #tpu.memory_space<hbm>>) dst(%dma_wait3A_277 : memref<56x32xf32, #tpu.memory_space<vmem_shared>>)
    %add3A_278 = arith.constant 728 : i32
    %add3A_279 = arith.addi %mul3A_0, %add3A_278 : i32
    %dma_wait3A_280 = arith.constant 0 : i32
    %dma_wait3A_281 = tpu.memref_slice %arg9[%add3A_279, %dma_wait3A_280] : memref<50176x32xf32, #tpu.memory_space<vmem_shared>> -> memref<56x32xf32, #tpu.memory_space<vmem_shared>>
    tpu.wait_dma2 semaphore(%arg23 : memref<!tpu.dma_semaphore, #tpu.memory_space<semaphore_mem>>) src(%arg6 : memref<56x32xf32, #tpu.memory_space<hbm>>) dst(%dma_wait3A_281 : memref<56x32xf32, #tpu.memory_space<vmem_shared>>)
    %add3A_282 = arith.constant 784 : i32
    %add3A_283 = arith.addi %mul3A_0, %add3A_282 : i32
    %dma_wait3A_284 = arith.constant 0 : i32
    %dma_wait3A_285 = tpu.memref_slice %arg9[%add3A_283, %dma_wait3A_284] : memref<50176x32xf32, #tpu.memory_space<vmem_shared>> -> memref<56x32xf32, #tpu.memory_space<vmem_shared>>
    tpu.wait_dma2 semaphore(%arg23 : memref<!tpu.dma_semaphore, #tpu.memory_space<semaphore_mem>>) src(%arg6 : memref<56x32xf32, #tpu.memory_space<hbm>>) dst(%dma_wait3A_285 : memref<56x32xf32, #tpu.memory_space<vmem_shared>>)
    %add3A_286 = arith.constant 840 : i32
    %add3A_287 = arith.addi %mul3A_0, %add3A_286 : i32
    %dma_wait3A_288 = arith.constant 0 : i32
    %dma_wait3A_289 = tpu.memref_slice %arg9[%add3A_287, %dma_wait3A_288] : memref<50176x32xf32, #tpu.memory_space<vmem_shared>> -> memref<56x32xf32, #tpu.memory_space<vmem_shared>>
    tpu.wait_dma2 semaphore(%arg23 : memref<!tpu.dma_semaphore, #tpu.memory_space<semaphore_mem>>) src(%arg6 : memref<56x32xf32, #tpu.memory_space<hbm>>) dst(%dma_wait3A_289 : memref<56x32xf32, #tpu.memory_space<vmem_shared>>)
    %add3A_290 = arith.constant 896 : i32
    %add3A_291 = arith.addi %mul3A_0, %add3A_290 : i32
    %dma_wait3A_292 = arith.constant 0 : i32
    %dma_wait3A_293 = tpu.memref_slice %arg9[%add3A_291, %dma_wait3A_292] : memref<50176x32xf32, #tpu.memory_space<vmem_shared>> -> memref<56x32xf32, #tpu.memory_space<vmem_shared>>
    tpu.wait_dma2 semaphore(%arg23 : memref<!tpu.dma_semaphore, #tpu.memory_space<semaphore_mem>>) src(%arg6 : memref<56x32xf32, #tpu.memory_space<hbm>>) dst(%dma_wait3A_293 : memref<56x32xf32, #tpu.memory_space<vmem_shared>>)
    %add3A_294 = arith.constant 952 : i32
    %add3A_295 = arith.addi %mul3A_0, %add3A_294 : i32
    %dma_wait3A_296 = arith.constant 0 : i32
    %dma_wait3A_297 = tpu.memref_slice %arg9[%add3A_295, %dma_wait3A_296] : memref<50176x32xf32, #tpu.memory_space<vmem_shared>> -> memref<56x32xf32, #tpu.memory_space<vmem_shared>>
    tpu.wait_dma2 semaphore(%arg23 : memref<!tpu.dma_semaphore, #tpu.memory_space<semaphore_mem>>) src(%arg6 : memref<56x32xf32, #tpu.memory_space<hbm>>) dst(%dma_wait3A_297 : memref<56x32xf32, #tpu.memory_space<vmem_shared>>)
    %add3A_298 = arith.constant 1008 : i32
    %add3A_299 = arith.addi %mul3A_0, %add3A_298 : i32
    %dma_wait3A_300 = arith.constant 0 : i32
    %dma_wait3A_301 = tpu.memref_slice %arg9[%add3A_299, %dma_wait3A_300] : memref<50176x32xf32, #tpu.memory_space<vmem_shared>> -> memref<56x32xf32, #tpu.memory_space<vmem_shared>>
    tpu.wait_dma2 semaphore(%arg23 : memref<!tpu.dma_semaphore, #tpu.memory_space<semaphore_mem>>) src(%arg6 : memref<56x32xf32, #tpu.memory_space<hbm>>) dst(%dma_wait3A_301 : memref<56x32xf32, #tpu.memory_space<vmem_shared>>)
    %add3A_302 = arith.constant 1064 : i32
    %add3A_303 = arith.addi %mul3A_0, %add3A_302 : i32
    %dma_wait3A_304 = arith.constant 0 : i32
    %dma_wait3A_305 = tpu.memref_slice %arg9[%add3A_303, %dma_wait3A_304] : memref<50176x32xf32, #tpu.memory_space<vmem_shared>> -> memref<56x32xf32, #tpu.memory_space<vmem_shared>>
    tpu.wait_dma2 semaphore(%arg23 : memref<!tpu.dma_semaphore, #tpu.memory_space<semaphore_mem>>) src(%arg6 : memref<56x32xf32, #tpu.memory_space<hbm>>) dst(%dma_wait3A_305 : memref<56x32xf32, #tpu.memory_space<vmem_shared>>)
    %add3A_306 = arith.constant 1120 : i32
    %add3A_307 = arith.addi %mul3A_0, %add3A_306 : i32
    %dma_wait3A_308 = arith.constant 0 : i32
    %dma_wait3A_309 = tpu.memref_slice %arg9[%add3A_307, %dma_wait3A_308] : memref<50176x32xf32, #tpu.memory_space<vmem_shared>> -> memref<56x32xf32, #tpu.memory_space<vmem_shared>>
    tpu.wait_dma2 semaphore(%arg23 : memref<!tpu.dma_semaphore, #tpu.memory_space<semaphore_mem>>) src(%arg6 : memref<56x32xf32, #tpu.memory_space<hbm>>) dst(%dma_wait3A_309 : memref<56x32xf32, #tpu.memory_space<vmem_shared>>)
    %add3A_310 = arith.constant 1176 : i32
    %add3A_311 = arith.addi %mul3A_0, %add3A_310 : i32
    %dma_wait3A_312 = arith.constant 0 : i32
    %dma_wait3A_313 = tpu.memref_slice %arg9[%add3A_311, %dma_wait3A_312] : memref<50176x32xf32, #tpu.memory_space<vmem_shared>> -> memref<56x32xf32, #tpu.memory_space<vmem_shared>>
    tpu.wait_dma2 semaphore(%arg23 : memref<!tpu.dma_semaphore, #tpu.memory_space<semaphore_mem>>) src(%arg6 : memref<56x32xf32, #tpu.memory_space<hbm>>) dst(%dma_wait3A_313 : memref<56x32xf32, #tpu.memory_space<vmem_shared>>)
    %add3A_314 = arith.constant 1232 : i32
    %add3A_315 = arith.addi %mul3A_0, %add3A_314 : i32
    %dma_wait3A_316 = arith.constant 0 : i32
    %dma_wait3A_317 = tpu.memref_slice %arg9[%add3A_315, %dma_wait3A_316] : memref<50176x32xf32, #tpu.memory_space<vmem_shared>> -> memref<56x32xf32, #tpu.memory_space<vmem_shared>>
    tpu.wait_dma2 semaphore(%arg23 : memref<!tpu.dma_semaphore, #tpu.memory_space<semaphore_mem>>) src(%arg6 : memref<56x32xf32, #tpu.memory_space<hbm>>) dst(%dma_wait3A_317 : memref<56x32xf32, #tpu.memory_space<vmem_shared>>)
    %add3A_318 = arith.constant 1288 : i32
    %add3A_319 = arith.addi %mul3A_0, %add3A_318 : i32
    %dma_wait3A_320 = arith.constant 0 : i32
    %dma_wait3A_321 = tpu.memref_slice %arg9[%add3A_319, %dma_wait3A_320] : memref<50176x32xf32, #tpu.memory_space<vmem_shared>> -> memref<56x32xf32, #tpu.memory_space<vmem_shared>>
    tpu.wait_dma2 semaphore(%arg23 : memref<!tpu.dma_semaphore, #tpu.memory_space<semaphore_mem>>) src(%arg6 : memref<56x32xf32, #tpu.memory_space<hbm>>) dst(%dma_wait3A_321 : memref<56x32xf32, #tpu.memory_space<vmem_shared>>)
    %add3A_322 = arith.constant 1344 : i32
    %add3A_323 = arith.addi %mul3A_0, %add3A_322 : i32
    %dma_wait3A_324 = arith.constant 0 : i32
    %dma_wait3A_325 = tpu.memref_slice %arg9[%add3A_323, %dma_wait3A_324] : memref<50176x32xf32, #tpu.memory_space<vmem_shared>> -> memref<56x32xf32, #tpu.memory_space<vmem_shared>>
    tpu.wait_dma2 semaphore(%arg23 : memref<!tpu.dma_semaphore, #tpu.memory_space<semaphore_mem>>) src(%arg6 : memref<56x32xf32, #tpu.memory_space<hbm>>) dst(%dma_wait3A_325 : memref<56x32xf32, #tpu.memory_space<vmem_shared>>)
    %add3A_326 = arith.constant 1400 : i32
    %add3A_327 = arith.addi %mul3A_0, %add3A_326 : i32
    %dma_wait3A_328 = arith.constant 0 : i32
    %dma_wait3A_329 = tpu.memref_slice %arg9[%add3A_327, %dma_wait3A_328] : memref<50176x32xf32, #tpu.memory_space<vmem_shared>> -> memref<56x32xf32, #tpu.memory_space<vmem_shared>>
    tpu.wait_dma2 semaphore(%arg23 : memref<!tpu.dma_semaphore, #tpu.memory_space<semaphore_mem>>) src(%arg6 : memref<56x32xf32, #tpu.memory_space<hbm>>) dst(%dma_wait3A_329 : memref<56x32xf32, #tpu.memory_space<vmem_shared>>)
    %add3A_330 = arith.constant 1456 : i32
    %add3A_331 = arith.addi %mul3A_0, %add3A_330 : i32
    %dma_wait3A_332 = arith.constant 0 : i32
    %dma_wait3A_333 = tpu.memref_slice %arg9[%add3A_331, %dma_wait3A_332] : memref<50176x32xf32, #tpu.memory_space<vmem_shared>> -> memref<56x32xf32, #tpu.memory_space<vmem_shared>>
    tpu.wait_dma2 semaphore(%arg23 : memref<!tpu.dma_semaphore, #tpu.memory_space<semaphore_mem>>) src(%arg6 : memref<56x32xf32, #tpu.memory_space<hbm>>) dst(%dma_wait3A_333 : memref<56x32xf32, #tpu.memory_space<vmem_shared>>)
    %add3A_334 = arith.constant 1512 : i32
    %add3A_335 = arith.addi %mul3A_0, %add3A_334 : i32
    %dma_wait3A_336 = arith.constant 0 : i32
    %dma_wait3A_337 = tpu.memref_slice %arg9[%add3A_335, %dma_wait3A_336] : memref<50176x32xf32, #tpu.memory_space<vmem_shared>> -> memref<56x32xf32, #tpu.memory_space<vmem_shared>>
    tpu.wait_dma2 semaphore(%arg23 : memref<!tpu.dma_semaphore, #tpu.memory_space<semaphore_mem>>) src(%arg6 : memref<56x32xf32, #tpu.memory_space<hbm>>) dst(%dma_wait3A_337 : memref<56x32xf32, #tpu.memory_space<vmem_shared>>)
    %add3A_338 = arith.constant 1568 : i32
    %add3A_339 = arith.addi %mul3A_0, %add3A_338 : i32
    %dma_wait3A_340 = arith.constant 0 : i32
    %dma_wait3A_341 = tpu.memref_slice %arg9[%add3A_339, %dma_wait3A_340] : memref<50176x32xf32, #tpu.memory_space<vmem_shared>> -> memref<56x32xf32, #tpu.memory_space<vmem_shared>>
    tpu.wait_dma2 semaphore(%arg23 : memref<!tpu.dma_semaphore, #tpu.memory_space<semaphore_mem>>) src(%arg6 : memref<56x32xf32, #tpu.memory_space<hbm>>) dst(%dma_wait3A_341 : memref<56x32xf32, #tpu.memory_space<vmem_shared>>)
    %add3A_342 = arith.constant 1624 : i32
    %add3A_343 = arith.addi %mul3A_0, %add3A_342 : i32
    %dma_wait3A_344 = arith.constant 0 : i32
    %dma_wait3A_345 = tpu.memref_slice %arg9[%add3A_343, %dma_wait3A_344] : memref<50176x32xf32, #tpu.memory_space<vmem_shared>> -> memref<56x32xf32, #tpu.memory_space<vmem_shared>>
    tpu.wait_dma2 semaphore(%arg23 : memref<!tpu.dma_semaphore, #tpu.memory_space<semaphore_mem>>) src(%arg6 : memref<56x32xf32, #tpu.memory_space<hbm>>) dst(%dma_wait3A_345 : memref<56x32xf32, #tpu.memory_space<vmem_shared>>)
    %add3A_346 = arith.constant 1680 : i32
    %add3A_347 = arith.addi %mul3A_0, %add3A_346 : i32
    %dma_wait3A_348 = arith.constant 0 : i32
    %dma_wait3A_349 = tpu.memref_slice %arg9[%add3A_347, %dma_wait3A_348] : memref<50176x32xf32, #tpu.memory_space<vmem_shared>> -> memref<56x32xf32, #tpu.memory_space<vmem_shared>>
    tpu.wait_dma2 semaphore(%arg23 : memref<!tpu.dma_semaphore, #tpu.memory_space<semaphore_mem>>) src(%arg6 : memref<56x32xf32, #tpu.memory_space<hbm>>) dst(%dma_wait3A_349 : memref<56x32xf32, #tpu.memory_space<vmem_shared>>)
    %add3A_350 = arith.constant 1736 : i32
    %add3A_351 = arith.addi %mul3A_0, %add3A_350 : i32
    %dma_wait3A_352 = arith.constant 0 : i32
    %dma_wait3A_353 = tpu.memref_slice %arg9[%add3A_351, %dma_wait3A_352] : memref<50176x32xf32, #tpu.memory_space<vmem_shared>> -> memref<56x32xf32, #tpu.memory_space<vmem_shared>>
    tpu.wait_dma2 semaphore(%arg23 : memref<!tpu.dma_semaphore, #tpu.memory_space<semaphore_mem>>) src(%arg6 : memref<56x32xf32, #tpu.memory_space<hbm>>) dst(%dma_wait3A_353 : memref<56x32xf32, #tpu.memory_space<vmem_shared>>)
    %add3A_354 = arith.constant 1792 : i32
    %add3A_355 = arith.addi %mul3A_0, %add3A_354 : i32
    %dma_wait3A_356 = arith.constant 0 : i32
    %dma_wait3A_357 = tpu.memref_slice %arg9[%add3A_355, %dma_wait3A_356] : memref<50176x32xf32, #tpu.memory_space<vmem_shared>> -> memref<56x32xf32, #tpu.memory_space<vmem_shared>>
    tpu.wait_dma2 semaphore(%arg23 : memref<!tpu.dma_semaphore, #tpu.memory_space<semaphore_mem>>) src(%arg6 : memref<56x32xf32, #tpu.memory_space<hbm>>) dst(%dma_wait3A_357 : memref<56x32xf32, #tpu.memory_space<vmem_shared>>)
    %add3A_358 = arith.constant 1848 : i32
    %add3A_359 = arith.addi %mul3A_0, %add3A_358 : i32
    %dma_wait3A_360 = arith.constant 0 : i32
    %dma_wait3A_361 = tpu.memref_slice %arg9[%add3A_359, %dma_wait3A_360] : memref<50176x32xf32, #tpu.memory_space<vmem_shared>> -> memref<56x32xf32, #tpu.memory_space<vmem_shared>>
    tpu.wait_dma2 semaphore(%arg23 : memref<!tpu.dma_semaphore, #tpu.memory_space<semaphore_mem>>) src(%arg6 : memref<56x32xf32, #tpu.memory_space<hbm>>) dst(%dma_wait3A_361 : memref<56x32xf32, #tpu.memory_space<vmem_shared>>)
    %add3A_362 = arith.constant 1904 : i32
    %add3A_363 = arith.addi %mul3A_0, %add3A_362 : i32
    %dma_wait3A_364 = arith.constant 0 : i32
    %dma_wait3A_365 = tpu.memref_slice %arg9[%add3A_363, %dma_wait3A_364] : memref<50176x32xf32, #tpu.memory_space<vmem_shared>> -> memref<56x32xf32, #tpu.memory_space<vmem_shared>>
    tpu.wait_dma2 semaphore(%arg23 : memref<!tpu.dma_semaphore, #tpu.memory_space<semaphore_mem>>) src(%arg6 : memref<56x32xf32, #tpu.memory_space<hbm>>) dst(%dma_wait3A_365 : memref<56x32xf32, #tpu.memory_space<vmem_shared>>)
    %add3A_366 = arith.constant 1960 : i32
    %add3A_367 = arith.addi %mul3A_0, %add3A_366 : i32
    %dma_wait3A_368 = arith.constant 0 : i32
    %dma_wait3A_369 = tpu.memref_slice %arg9[%add3A_367, %dma_wait3A_368] : memref<50176x32xf32, #tpu.memory_space<vmem_shared>> -> memref<56x32xf32, #tpu.memory_space<vmem_shared>>
    tpu.wait_dma2 semaphore(%arg23 : memref<!tpu.dma_semaphore, #tpu.memory_space<semaphore_mem>>) src(%arg6 : memref<56x32xf32, #tpu.memory_space<hbm>>) dst(%dma_wait3A_369 : memref<56x32xf32, #tpu.memory_space<vmem_shared>>)
    %add3A_370 = arith.constant 2016 : i32
    %add3A_371 = arith.addi %mul3A_0, %add3A_370 : i32
    %dma_wait3A_372 = arith.constant 0 : i32
    %dma_wait3A_373 = tpu.memref_slice %arg9[%add3A_371, %dma_wait3A_372] : memref<50176x32xf32, #tpu.memory_space<vmem_shared>> -> memref<56x32xf32, #tpu.memory_space<vmem_shared>>
    tpu.wait_dma2 semaphore(%arg23 : memref<!tpu.dma_semaphore, #tpu.memory_space<semaphore_mem>>) src(%arg6 : memref<56x32xf32, #tpu.memory_space<hbm>>) dst(%dma_wait3A_373 : memref<56x32xf32, #tpu.memory_space<vmem_shared>>)
    %add3A_374 = arith.constant 2072 : i32
    %add3A_375 = arith.addi %mul3A_0, %add3A_374 : i32
    %dma_wait3A_376 = arith.constant 0 : i32
    %dma_wait3A_377 = tpu.memref_slice %arg9[%add3A_375, %dma_wait3A_376] : memref<50176x32xf32, #tpu.memory_space<vmem_shared>> -> memref<56x32xf32, #tpu.memory_space<vmem_shared>>
    tpu.wait_dma2 semaphore(%arg23 : memref<!tpu.dma_semaphore, #tpu.memory_space<semaphore_mem>>) src(%arg6 : memref<56x32xf32, #tpu.memory_space<hbm>>) dst(%dma_wait3A_377 : memref<56x32xf32, #tpu.memory_space<vmem_shared>>)
    %add3A_378 = arith.constant 2128 : i32
    %add3A_379 = arith.addi %mul3A_0, %add3A_378 : i32
    %dma_wait3A_380 = arith.constant 0 : i32
    %dma_wait3A_381 = tpu.memref_slice %arg9[%add3A_379, %dma_wait3A_380] : memref<50176x32xf32, #tpu.memory_space<vmem_shared>> -> memref<56x32xf32, #tpu.memory_space<vmem_shared>>
    tpu.wait_dma2 semaphore(%arg23 : memref<!tpu.dma_semaphore, #tpu.memory_space<semaphore_mem>>) src(%arg6 : memref<56x32xf32, #tpu.memory_space<hbm>>) dst(%dma_wait3A_381 : memref<56x32xf32, #tpu.memory_space<vmem_shared>>)
    %add3A_382 = arith.constant 2184 : i32
    %add3A_383 = arith.addi %mul3A_0, %add3A_382 : i32
    %dma_wait3A_384 = arith.constant 0 : i32
    %dma_wait3A_385 = tpu.memref_slice %arg9[%add3A_383, %dma_wait3A_384] : memref<50176x32xf32, #tpu.memory_space<vmem_shared>> -> memref<56x32xf32, #tpu.memory_space<vmem_shared>>
    tpu.wait_dma2 semaphore(%arg23 : memref<!tpu.dma_semaphore, #tpu.memory_space<semaphore_mem>>) src(%arg6 : memref<56x32xf32, #tpu.memory_space<hbm>>) dst(%dma_wait3A_385 : memref<56x32xf32, #tpu.memory_space<vmem_shared>>)
    %add3A_386 = arith.constant 2240 : i32
    %add3A_387 = arith.addi %mul3A_0, %add3A_386 : i32
    %dma_wait3A_388 = arith.constant 0 : i32
    %dma_wait3A_389 = tpu.memref_slice %arg9[%add3A_387, %dma_wait3A_388] : memref<50176x32xf32, #tpu.memory_space<vmem_shared>> -> memref<56x32xf32, #tpu.memory_space<vmem_shared>>
    tpu.wait_dma2 semaphore(%arg23 : memref<!tpu.dma_semaphore, #tpu.memory_space<semaphore_mem>>) src(%arg6 : memref<56x32xf32, #tpu.memory_space<hbm>>) dst(%dma_wait3A_389 : memref<56x32xf32, #tpu.memory_space<vmem_shared>>)
    %add3A_390 = arith.constant 2296 : i32
    %add3A_391 = arith.addi %mul3A_0, %add3A_390 : i32
    %dma_wait3A_392 = arith.constant 0 : i32
    %dma_wait3A_393 = tpu.memref_slice %arg9[%add3A_391, %dma_wait3A_392] : memref<50176x32xf32, #tpu.memory_space<vmem_shared>> -> memref<56x32xf32, #tpu.memory_space<vmem_shared>>
    tpu.wait_dma2 semaphore(%arg23 : memref<!tpu.dma_semaphore, #tpu.memory_space<semaphore_mem>>) src(%arg6 : memref<56x32xf32, #tpu.memory_space<hbm>>) dst(%dma_wait3A_393 : memref<56x32xf32, #tpu.memory_space<vmem_shared>>)
    %add3A_394 = arith.constant 2352 : i32
    %add3A_395 = arith.addi %mul3A_0, %add3A_394 : i32
    %dma_wait3A_396 = arith.constant 0 : i32
    %dma_wait3A_397 = tpu.memref_slice %arg9[%add3A_395, %dma_wait3A_396] : memref<50176x32xf32, #tpu.memory_space<vmem_shared>> -> memref<56x32xf32, #tpu.memory_space<vmem_shared>>
    tpu.wait_dma2 semaphore(%arg23 : memref<!tpu.dma_semaphore, #tpu.memory_space<semaphore_mem>>) src(%arg6 : memref<56x32xf32, #tpu.memory_space<hbm>>) dst(%dma_wait3A_397 : memref<56x32xf32, #tpu.memory_space<vmem_shared>>)
    %add3A_398 = arith.constant 2408 : i32
    %add3A_399 = arith.addi %mul3A_0, %add3A_398 : i32
    %dma_wait3A_400 = arith.constant 0 : i32
    %dma_wait3A_401 = tpu.memref_slice %arg9[%add3A_399, %dma_wait3A_400] : memref<50176x32xf32, #tpu.memory_space<vmem_shared>> -> memref<56x32xf32, #tpu.memory_space<vmem_shared>>
    tpu.wait_dma2 semaphore(%arg23 : memref<!tpu.dma_semaphore, #tpu.memory_space<semaphore_mem>>) src(%arg6 : memref<56x32xf32, #tpu.memory_space<hbm>>) dst(%dma_wait3A_401 : memref<56x32xf32, #tpu.memory_space<vmem_shared>>)
    %add3A_402 = arith.constant 2464 : i32
    %add3A_403 = arith.addi %mul3A_0, %add3A_402 : i32
    %dma_wait3A_404 = arith.constant 0 : i32
    %dma_wait3A_405 = tpu.memref_slice %arg9[%add3A_403, %dma_wait3A_404] : memref<50176x32xf32, #tpu.memory_space<vmem_shared>> -> memref<56x32xf32, #tpu.memory_space<vmem_shared>>
    tpu.wait_dma2 semaphore(%arg23 : memref<!tpu.dma_semaphore, #tpu.memory_space<semaphore_mem>>) src(%arg6 : memref<56x32xf32, #tpu.memory_space<hbm>>) dst(%dma_wait3A_405 : memref<56x32xf32, #tpu.memory_space<vmem_shared>>)
    %add3A_406 = arith.constant 2520 : i32
    %add3A_407 = arith.addi %mul3A_0, %add3A_406 : i32
    %dma_wait3A_408 = arith.constant 0 : i32
    %dma_wait3A_409 = tpu.memref_slice %arg9[%add3A_407, %dma_wait3A_408] : memref<50176x32xf32, #tpu.memory_space<vmem_shared>> -> memref<56x32xf32, #tpu.memory_space<vmem_shared>>
    tpu.wait_dma2 semaphore(%arg23 : memref<!tpu.dma_semaphore, #tpu.memory_space<semaphore_mem>>) src(%arg6 : memref<56x32xf32, #tpu.memory_space<hbm>>) dst(%dma_wait3A_409 : memref<56x32xf32, #tpu.memory_space<vmem_shared>>)
    %add3A_410 = arith.constant 2576 : i32
    %add3A_411 = arith.addi %mul3A_0, %add3A_410 : i32
    %dma_wait3A_412 = arith.constant 0 : i32
    %dma_wait3A_413 = tpu.memref_slice %arg9[%add3A_411, %dma_wait3A_412] : memref<50176x32xf32, #tpu.memory_space<vmem_shared>> -> memref<56x32xf32, #tpu.memory_space<vmem_shared>>
    tpu.wait_dma2 semaphore(%arg23 : memref<!tpu.dma_semaphore, #tpu.memory_space<semaphore_mem>>) src(%arg6 : memref<56x32xf32, #tpu.memory_space<hbm>>) dst(%dma_wait3A_413 : memref<56x32xf32, #tpu.memory_space<vmem_shared>>)
    %add3A_414 = arith.constant 2632 : i32
    %add3A_415 = arith.addi %mul3A_0, %add3A_414 : i32
    %dma_wait3A_416 = arith.constant 0 : i32
    %dma_wait3A_417 = tpu.memref_slice %arg9[%add3A_415, %dma_wait3A_416] : memref<50176x32xf32, #tpu.memory_space<vmem_shared>> -> memref<56x32xf32, #tpu.memory_space<vmem_shared>>
    tpu.wait_dma2 semaphore(%arg23 : memref<!tpu.dma_semaphore, #tpu.memory_space<semaphore_mem>>) src(%arg6 : memref<56x32xf32, #tpu.memory_space<hbm>>) dst(%dma_wait3A_417 : memref<56x32xf32, #tpu.memory_space<vmem_shared>>)
    %add3A_418 = arith.constant 2688 : i32
    %add3A_419 = arith.addi %mul3A_0, %add3A_418 : i32
    %dma_wait3A_420 = arith.constant 0 : i32
    %dma_wait3A_421 = tpu.memref_slice %arg9[%add3A_419, %dma_wait3A_420] : memref<50176x32xf32, #tpu.memory_space<vmem_shared>> -> memref<56x32xf32, #tpu.memory_space<vmem_shared>>
    tpu.wait_dma2 semaphore(%arg23 : memref<!tpu.dma_semaphore, #tpu.memory_space<semaphore_mem>>) src(%arg6 : memref<56x32xf32, #tpu.memory_space<hbm>>) dst(%dma_wait3A_421 : memref<56x32xf32, #tpu.memory_space<vmem_shared>>)
    %add3A_422 = arith.constant 2744 : i32
    %add3A_423 = arith.addi %mul3A_0, %add3A_422 : i32
    %dma_wait3A_424 = arith.constant 0 : i32
    %dma_wait3A_425 = tpu.memref_slice %arg9[%add3A_423, %dma_wait3A_424] : memref<50176x32xf32, #tpu.memory_space<vmem_shared>> -> memref<56x32xf32, #tpu.memory_space<vmem_shared>>
    tpu.wait_dma2 semaphore(%arg23 : memref<!tpu.dma_semaphore, #tpu.memory_space<semaphore_mem>>) src(%arg6 : memref<56x32xf32, #tpu.memory_space<hbm>>) dst(%dma_wait3A_425 : memref<56x32xf32, #tpu.memory_space<vmem_shared>>)
    %add3A_426 = arith.constant 2800 : i32
    %add3A_427 = arith.addi %mul3A_0, %add3A_426 : i32
    %dma_wait3A_428 = arith.constant 0 : i32
    %dma_wait3A_429 = tpu.memref_slice %arg9[%add3A_427, %dma_wait3A_428] : memref<50176x32xf32, #tpu.memory_space<vmem_shared>> -> memref<56x32xf32, #tpu.memory_space<vmem_shared>>
    tpu.wait_dma2 semaphore(%arg23 : memref<!tpu.dma_semaphore, #tpu.memory_space<semaphore_mem>>) src(%arg6 : memref<56x32xf32, #tpu.memory_space<hbm>>) dst(%dma_wait3A_429 : memref<56x32xf32, #tpu.memory_space<vmem_shared>>)
    %add3A_430 = arith.constant 2856 : i32
    %add3A_431 = arith.addi %mul3A_0, %add3A_430 : i32
    %dma_wait3A_432 = arith.constant 0 : i32
    %dma_wait3A_433 = tpu.memref_slice %arg9[%add3A_431, %dma_wait3A_432] : memref<50176x32xf32, #tpu.memory_space<vmem_shared>> -> memref<56x32xf32, #tpu.memory_space<vmem_shared>>
    tpu.wait_dma2 semaphore(%arg23 : memref<!tpu.dma_semaphore, #tpu.memory_space<semaphore_mem>>) src(%arg6 : memref<56x32xf32, #tpu.memory_space<hbm>>) dst(%dma_wait3A_433 : memref<56x32xf32, #tpu.memory_space<vmem_shared>>)
    %add3A_434 = arith.constant 2912 : i32
    %add3A_435 = arith.addi %mul3A_0, %add3A_434 : i32
    %dma_wait3A_436 = arith.constant 0 : i32
    %dma_wait3A_437 = tpu.memref_slice %arg9[%add3A_435, %dma_wait3A_436] : memref<50176x32xf32, #tpu.memory_space<vmem_shared>> -> memref<56x32xf32, #tpu.memory_space<vmem_shared>>
    tpu.wait_dma2 semaphore(%arg23 : memref<!tpu.dma_semaphore, #tpu.memory_space<semaphore_mem>>) src(%arg6 : memref<56x32xf32, #tpu.memory_space<hbm>>) dst(%dma_wait3A_437 : memref<56x32xf32, #tpu.memory_space<vmem_shared>>)
    %add3A_438 = arith.constant 2968 : i32
    %add3A_439 = arith.addi %mul3A_0, %add3A_438 : i32
    %dma_wait3A_440 = arith.constant 0 : i32
    %dma_wait3A_441 = tpu.memref_slice %arg9[%add3A_439, %dma_wait3A_440] : memref<50176x32xf32, #tpu.memory_space<vmem_shared>> -> memref<56x32xf32, #tpu.memory_space<vmem_shared>>
    tpu.wait_dma2 semaphore(%arg23 : memref<!tpu.dma_semaphore, #tpu.memory_space<semaphore_mem>>) src(%arg6 : memref<56x32xf32, #tpu.memory_space<hbm>>) dst(%dma_wait3A_441 : memref<56x32xf32, #tpu.memory_space<vmem_shared>>)
    %add3A_442 = arith.constant 3024 : i32
    %add3A_443 = arith.addi %mul3A_0, %add3A_442 : i32
    %dma_wait3A_444 = arith.constant 0 : i32
    %dma_wait3A_445 = tpu.memref_slice %arg9[%add3A_443, %dma_wait3A_444] : memref<50176x32xf32, #tpu.memory_space<vmem_shared>> -> memref<56x32xf32, #tpu.memory_space<vmem_shared>>
    tpu.wait_dma2 semaphore(%arg23 : memref<!tpu.dma_semaphore, #tpu.memory_space<semaphore_mem>>) src(%arg6 : memref<56x32xf32, #tpu.memory_space<hbm>>) dst(%dma_wait3A_445 : memref<56x32xf32, #tpu.memory_space<vmem_shared>>)
    %add3A_446 = arith.constant 3080 : i32
    %add3A_447 = arith.addi %mul3A_0, %add3A_446 : i32
    %dma_wait3A_448 = arith.constant 0 : i32
    %dma_wait3A_449 = tpu.memref_slice %arg9[%add3A_447, %dma_wait3A_448] : memref<50176x32xf32, #tpu.memory_space<vmem_shared>> -> memref<56x32xf32, #tpu.memory_space<vmem_shared>>
    tpu.wait_dma2 semaphore(%arg23 : memref<!tpu.dma_semaphore, #tpu.memory_space<semaphore_mem>>) src(%arg6 : memref<56x32xf32, #tpu.memory_space<hbm>>) dst(%dma_wait3A_449 : memref<56x32xf32, #tpu.memory_space<vmem_shared>>)
    %barrier3A = arith.constant 0 : index
    tpu.barrier barrier_id(%barrier3A)
    %rem3A = arith.constant 0 : i32
    %rem3A_450 = arith.constant 2 : i32
    %rem3A_451 = arith.remsi %rem3A, %rem3A_450 : i32
    %add3A_452 = arith.constant 0 : i32
    %add3A_453 = arith.addi %mul3A_2, %add3A_452 : i32
    %mul3A_454 = arith.constant 8 : i32
    %mul3A_455 = arith.muli %rem3A_451, %mul3A_454 : i32
    %add3A_456 = arith.constant 0 : i32
    %add3A_457 = arith.addi %mul3A_2, %add3A_456 : i32
    %mul3A_458 = arith.constant 8 : i32
    %mul3A_459 = arith.muli %rem3A_451, %mul3A_458 : i32
    %add3A_460 = arith.constant 0 : i32
    %add3A_461 = arith.addi %mul3A_2, %add3A_460 : i32
    %mul3A_462 = arith.constant 8 : i32
    %mul3A_463 = arith.muli %rem3A_451, %mul3A_462 : i32
    %dma_start3A_464 = arith.constant 0 : i32
    %dma_start3A_465 = tpu.memref_slice %arg10[%mul3A_455, %dma_start3A_464] : memref<16x128xi32, #tpu.memory_space<vmem>> -> memref<8x128xi32, #tpu.memory_space<vmem>>
    %dma_start3A_466 = arith.constant 0 : i32
    %dma_start3A_467 = tpu.memref_slice %arg3[%add3A_453, %dma_start3A_466] : memref<6272x128xi32, #tpu.memory_space<hbm>> -> memref<8x128xi32, #tpu.memory_space<hbm>>
    %dma_start3A_468 = arith.constant 0 : i32
    %dma_start3A_469 = tpu.memref_slice %arg10[%mul3A_455, %dma_start3A_468] : memref<16x128xi32, #tpu.memory_space<vmem>> -> memref<8x128xi32, #tpu.memory_space<vmem>>
    %dma_start3A_470 = arith.constant 0 : i32
    %dma_start3A_471 = tpu.memref_slice %arg3[%add3A_453, %dma_start3A_470] : memref<6272x128xi32, #tpu.memory_space<hbm>> -> memref<8x128xi32, #tpu.memory_space<hbm>>
    tpu.enqueue_dma source(%dma_start3A_471 : memref<8x128xi32, #tpu.memory_space<hbm>>) target(%dma_start3A_469 : memref<8x128xi32, #tpu.memory_space<vmem>>) target_semaphore(%arg16 : memref<!tpu.dma_semaphore, #tpu.memory_space<semaphore_mem>>)
    %dma_start3A_472 = arith.constant 0 : i32
    %dma_start3A_473 = tpu.memref_slice %arg11[%mul3A_459, %dma_start3A_472] : memref<16x128xi32, #tpu.memory_space<vmem>> -> memref<8x128xi32, #tpu.memory_space<vmem>>
    %dma_start3A_474 = arith.constant 0 : i32
    %dma_start3A_475 = tpu.memref_slice %arg4[%add3A_457, %dma_start3A_474] : memref<6272x128xi32, #tpu.memory_space<hbm>> -> memref<8x128xi32, #tpu.memory_space<hbm>>
    %dma_start3A_476 = arith.constant 0 : i32
    %dma_start3A_477 = tpu.memref_slice %arg11[%mul3A_459, %dma_start3A_476] : memref<16x128xi32, #tpu.memory_space<vmem>> -> memref<8x128xi32, #tpu.memory_space<vmem>>
    %dma_start3A_478 = arith.constant 0 : i32
    %dma_start3A_479 = tpu.memref_slice %arg4[%add3A_457, %dma_start3A_478] : memref<6272x128xi32, #tpu.memory_space<hbm>> -> memref<8x128xi32, #tpu.memory_space<hbm>>
    tpu.enqueue_dma source(%dma_start3A_479 : memref<8x128xi32, #tpu.memory_space<hbm>>) target(%dma_start3A_477 : memref<8x128xi32, #tpu.memory_space<vmem>>) target_semaphore(%arg16 : memref<!tpu.dma_semaphore, #tpu.memory_space<semaphore_mem>>)
    %dma_start3A_480 = arith.constant 0 : i32
    %dma_start3A_481 = tpu.memref_slice %arg12[%mul3A_463, %dma_start3A_480] : memref<16x128xf32, #tpu.memory_space<vmem>> -> memref<8x128xf32, #tpu.memory_space<vmem>>
    %dma_start3A_482 = arith.constant 0 : i32
    %dma_start3A_483 = tpu.memref_slice %arg5[%add3A_461, %dma_start3A_482] : memref<6272x128xf32, #tpu.memory_space<hbm>> -> memref<8x128xf32, #tpu.memory_space<hbm>>
    %dma_start3A_484 = arith.constant 0 : i32
    %dma_start3A_485 = tpu.memref_slice %arg12[%mul3A_463, %dma_start3A_484] : memref<16x128xf32, #tpu.memory_space<vmem>> -> memref<8x128xf32, #tpu.memory_space<vmem>>
    %dma_start3A_486 = arith.constant 0 : i32
    %dma_start3A_487 = tpu.memref_slice %arg5[%add3A_461, %dma_start3A_486] : memref<6272x128xf32, #tpu.memory_space<hbm>> -> memref<8x128xf32, #tpu.memory_space<hbm>>
    tpu.enqueue_dma source(%dma_start3A_487 : memref<8x128xf32, #tpu.memory_space<hbm>>) target(%dma_start3A_485 : memref<8x128xf32, #tpu.memory_space<vmem>>) target_semaphore(%arg16 : memref<!tpu.dma_semaphore, #tpu.memory_space<semaphore_mem>>)
    %rem3A_488 = arith.constant 1 : i32
    %rem3A_489 = arith.constant 2 : i32
    %rem3A_490 = arith.remsi %rem3A_488, %rem3A_489 : i32
    %add3A_491 = arith.constant 8 : i32
    %add3A_492 = arith.addi %mul3A_2, %add3A_491 : i32
    %mul3A_493 = arith.constant 8 : i32
    %mul3A_494 = arith.muli %rem3A_490, %mul3A_493 : i32
    %add3A_495 = arith.constant 8 : i32
    %add3A_496 = arith.addi %mul3A_2, %add3A_495 : i32
    %mul3A_497 = arith.constant 8 : i32
    %mul3A_498 = arith.muli %rem3A_490, %mul3A_497 : i32
    %add3A_499 = arith.constant 8 : i32
    %add3A_500 = arith.addi %mul3A_2, %add3A_499 : i32
    %mul3A_501 = arith.constant 8 : i32
    %mul3A_502 = arith.muli %rem3A_490, %mul3A_501 : i32
    %dma_start3A_503 = arith.constant 0 : i32
    %dma_start3A_504 = tpu.memref_slice %arg10[%mul3A_494, %dma_start3A_503] : memref<16x128xi32, #tpu.memory_space<vmem>> -> memref<8x128xi32, #tpu.memory_space<vmem>>
    %dma_start3A_505 = arith.constant 0 : i32
    %dma_start3A_506 = tpu.memref_slice %arg3[%add3A_492, %dma_start3A_505] : memref<6272x128xi32, #tpu.memory_space<hbm>> -> memref<8x128xi32, #tpu.memory_space<hbm>>
    %dma_start3A_507 = arith.constant 0 : i32
    %dma_start3A_508 = tpu.memref_slice %arg10[%mul3A_494, %dma_start3A_507] : memref<16x128xi32, #tpu.memory_space<vmem>> -> memref<8x128xi32, #tpu.memory_space<vmem>>
    %dma_start3A_509 = arith.constant 0 : i32
    %dma_start3A_510 = tpu.memref_slice %arg3[%add3A_492, %dma_start3A_509] : memref<6272x128xi32, #tpu.memory_space<hbm>> -> memref<8x128xi32, #tpu.memory_space<hbm>>
    tpu.enqueue_dma source(%dma_start3A_510 : memref<8x128xi32, #tpu.memory_space<hbm>>) target(%dma_start3A_508 : memref<8x128xi32, #tpu.memory_space<vmem>>) target_semaphore(%arg16 : memref<!tpu.dma_semaphore, #tpu.memory_space<semaphore_mem>>)
    %dma_start3A_511 = arith.constant 0 : i32
    %dma_start3A_512 = tpu.memref_slice %arg11[%mul3A_498, %dma_start3A_511] : memref<16x128xi32, #tpu.memory_space<vmem>> -> memref<8x128xi32, #tpu.memory_space<vmem>>
    %dma_start3A_513 = arith.constant 0 : i32
    %dma_start3A_514 = tpu.memref_slice %arg4[%add3A_496, %dma_start3A_513] : memref<6272x128xi32, #tpu.memory_space<hbm>> -> memref<8x128xi32, #tpu.memory_space<hbm>>
    %dma_start3A_515 = arith.constant 0 : i32
    %dma_start3A_516 = tpu.memref_slice %arg11[%mul3A_498, %dma_start3A_515] : memref<16x128xi32, #tpu.memory_space<vmem>> -> memref<8x128xi32, #tpu.memory_space<vmem>>
    %dma_start3A_517 = arith.constant 0 : i32
    %dma_start3A_518 = tpu.memref_slice %arg4[%add3A_496, %dma_start3A_517] : memref<6272x128xi32, #tpu.memory_space<hbm>> -> memref<8x128xi32, #tpu.memory_space<hbm>>
    tpu.enqueue_dma source(%dma_start3A_518 : memref<8x128xi32, #tpu.memory_space<hbm>>) target(%dma_start3A_516 : memref<8x128xi32, #tpu.memory_space<vmem>>) target_semaphore(%arg16 : memref<!tpu.dma_semaphore, #tpu.memory_space<semaphore_mem>>)
    %dma_start3A_519 = arith.constant 0 : i32
    %dma_start3A_520 = tpu.memref_slice %arg12[%mul3A_502, %dma_start3A_519] : memref<16x128xf32, #tpu.memory_space<vmem>> -> memref<8x128xf32, #tpu.memory_space<vmem>>
    %dma_start3A_521 = arith.constant 0 : i32
    %dma_start3A_522 = tpu.memref_slice %arg5[%add3A_500, %dma_start3A_521] : memref<6272x128xf32, #tpu.memory_space<hbm>> -> memref<8x128xf32, #tpu.memory_space<hbm>>
    %dma_start3A_523 = arith.constant 0 : i32
    %dma_start3A_524 = tpu.memref_slice %arg12[%mul3A_502, %dma_start3A_523] : memref<16x128xf32, #tpu.memory_space<vmem>> -> memref<8x128xf32, #tpu.memory_space<vmem>>
    %dma_start3A_525 = arith.constant 0 : i32
    %dma_start3A_526 = tpu.memref_slice %arg5[%add3A_500, %dma_start3A_525] : memref<6272x128xf32, #tpu.memory_space<hbm>> -> memref<8x128xf32, #tpu.memory_space<hbm>>
    tpu.enqueue_dma source(%dma_start3A_526 : memref<8x128xf32, #tpu.memory_space<hbm>>) target(%dma_start3A_524 : memref<8x128xf32, #tpu.memory_space<vmem>>) target_semaphore(%arg16 : memref<!tpu.dma_semaphore, #tpu.memory_space<semaphore_mem>>)
    %rem3A_527 = arith.constant 0 : i32
    %rem3A_528 = arith.constant 2 : i32
    %rem3A_529 = arith.remsi %rem3A_527, %rem3A_528 : i32
    %add3A_530 = arith.constant 0 : i32
    %add3A_531 = arith.addi %mul3A_2, %add3A_530 : i32
    %mul3A_532 = arith.constant 8 : i32
    %mul3A_533 = arith.muli %rem3A_529, %mul3A_532 : i32
    %add3A_534 = arith.constant 0 : i32
    %add3A_535 = arith.addi %mul3A_2, %add3A_534 : i32
    %mul3A_536 = arith.constant 8 : i32
    %mul3A_537 = arith.muli %rem3A_529, %mul3A_536 : i32
    %add3A_538 = arith.constant 0 : i32
    %add3A_539 = arith.addi %mul3A_2, %add3A_538 : i32
    %mul3A_540 = arith.constant 8 : i32
    %mul3A_541 = arith.muli %rem3A_529, %mul3A_540 : i32
    %dma_wait3A_542 = arith.constant 0 : i32
    %dma_wait3A_543 = tpu.memref_slice %arg10[%mul3A_533, %dma_wait3A_542] : memref<16x128xi32, #tpu.memory_space<vmem>> -> memref<8x128xi32, #tpu.memory_space<vmem>>
    %dma_wait3A_544 = arith.constant 0 : i32
    %dma_wait3A_545 = tpu.memref_slice %arg3[%add3A_531, %dma_wait3A_544] : memref<6272x128xi32, #tpu.memory_space<hbm>> -> memref<8x128xi32, #tpu.memory_space<hbm>>
    %dma_wait3A_546 = arith.constant 0 : i32
    %dma_wait3A_547 = tpu.memref_slice %arg10[%mul3A_533, %dma_wait3A_546] : memref<16x128xi32, #tpu.memory_space<vmem>> -> memref<8x128xi32, #tpu.memory_space<vmem>>
    %dma_wait3A_548 = arith.constant 0 : i32
    %dma_wait3A_549 = tpu.memref_slice %arg3[%add3A_531, %dma_wait3A_548] : memref<6272x128xi32, #tpu.memory_space<hbm>> -> memref<8x128xi32, #tpu.memory_space<hbm>>
    tpu.wait_dma2 semaphore(%arg16 : memref<!tpu.dma_semaphore, #tpu.memory_space<semaphore_mem>>) src(%dma_wait3A_549 : memref<8x128xi32, #tpu.memory_space<hbm>>) dst(%dma_wait3A_547 : memref<8x128xi32, #tpu.memory_space<vmem>>)
    %dma_wait3A_550 = arith.constant 0 : i32
    %dma_wait3A_551 = tpu.memref_slice %arg11[%mul3A_537, %dma_wait3A_550] : memref<16x128xi32, #tpu.memory_space<vmem>> -> memref<8x128xi32, #tpu.memory_space<vmem>>
    %dma_wait3A_552 = arith.constant 0 : i32
    %dma_wait3A_553 = tpu.memref_slice %arg4[%add3A_535, %dma_wait3A_552] : memref<6272x128xi32, #tpu.memory_space<hbm>> -> memref<8x128xi32, #tpu.memory_space<hbm>>
    %dma_wait3A_554 = arith.constant 0 : i32
    %dma_wait3A_555 = tpu.memref_slice %arg11[%mul3A_537, %dma_wait3A_554] : memref<16x128xi32, #tpu.memory_space<vmem>> -> memref<8x128xi32, #tpu.memory_space<vmem>>
    %dma_wait3A_556 = arith.constant 0 : i32
    %dma_wait3A_557 = tpu.memref_slice %arg4[%add3A_535, %dma_wait3A_556] : memref<6272x128xi32, #tpu.memory_space<hbm>> -> memref<8x128xi32, #tpu.memory_space<hbm>>
    tpu.wait_dma2 semaphore(%arg16 : memref<!tpu.dma_semaphore, #tpu.memory_space<semaphore_mem>>) src(%dma_wait3A_557 : memref<8x128xi32, #tpu.memory_space<hbm>>) dst(%dma_wait3A_555 : memref<8x128xi32, #tpu.memory_space<vmem>>)
    %dma_wait3A_558 = arith.constant 0 : i32
    %dma_wait3A_559 = tpu.memref_slice %arg12[%mul3A_541, %dma_wait3A_558] : memref<16x128xf32, #tpu.memory_space<vmem>> -> memref<8x128xf32, #tpu.memory_space<vmem>>
    %dma_wait3A_560 = arith.constant 0 : i32
    %dma_wait3A_561 = tpu.memref_slice %arg5[%add3A_539, %dma_wait3A_560] : memref<6272x128xf32, #tpu.memory_space<hbm>> -> memref<8x128xf32, #tpu.memory_space<hbm>>
    %dma_wait3A_562 = arith.constant 0 : i32
    %dma_wait3A_563 = tpu.memref_slice %arg12[%mul3A_541, %dma_wait3A_562] : memref<16x128xf32, #tpu.memory_space<vmem>> -> memref<8x128xf32, #tpu.memory_space<vmem>>
    %dma_wait3A_564 = arith.constant 0 : i32
    %dma_wait3A_565 = tpu.memref_slice %arg5[%add3A_539, %dma_wait3A_564] : memref<6272x128xf32, #tpu.memory_space<hbm>> -> memref<8x128xf32, #tpu.memory_space<hbm>>
    tpu.wait_dma2 semaphore(%arg16 : memref<!tpu.dma_semaphore, #tpu.memory_space<semaphore_mem>>) src(%dma_wait3A_565 : memref<8x128xf32, #tpu.memory_space<hbm>>) dst(%dma_wait3A_563 : memref<8x128xf32, #tpu.memory_space<vmem>>)
    %rem3A_566 = arith.constant 1 : i32
    %rem3A_567 = arith.constant 2 : i32
    %rem3A_568 = arith.remsi %rem3A_566, %rem3A_567 : i32
    %add3A_569 = arith.constant 8 : i32
    %add3A_570 = arith.addi %mul3A_2, %add3A_569 : i32
    %mul3A_571 = arith.constant 8 : i32
    %mul3A_572 = arith.muli %rem3A_568, %mul3A_571 : i32
    %add3A_573 = arith.constant 8 : i32
    %add3A_574 = arith.addi %mul3A_2, %add3A_573 : i32
    %mul3A_575 = arith.constant 8 : i32
    %mul3A_576 = arith.muli %rem3A_568, %mul3A_575 : i32
    %add3A_577 = arith.constant 8 : i32
    %add3A_578 = arith.addi %mul3A_2, %add3A_577 : i32
    %mul3A_579 = arith.constant 8 : i32
    %mul3A_580 = arith.muli %rem3A_568, %mul3A_579 : i32
    %dma_wait3A_581 = arith.constant 0 : i32
    %dma_wait3A_582 = tpu.memref_slice %arg10[%mul3A_572, %dma_wait3A_581] : memref<16x128xi32, #tpu.memory_space<vmem>> -> memref<8x128xi32, #tpu.memory_space<vmem>>
    %dma_wait3A_583 = arith.constant 0 : i32
    %dma_wait3A_584 = tpu.memref_slice %arg3[%add3A_570, %dma_wait3A_583] : memref<6272x128xi32, #tpu.memory_space<hbm>> -> memref<8x128xi32, #tpu.memory_space<hbm>>
    %dma_wait3A_585 = arith.constant 0 : i32
    %dma_wait3A_586 = tpu.memref_slice %arg10[%mul3A_572, %dma_wait3A_585] : memref<16x128xi32, #tpu.memory_space<vmem>> -> memref<8x128xi32, #tpu.memory_space<vmem>>
    %dma_wait3A_587 = arith.constant 0 : i32
    %dma_wait3A_588 = tpu.memref_slice %arg3[%add3A_570, %dma_wait3A_587] : memref<6272x128xi32, #tpu.memory_space<hbm>> -> memref<8x128xi32, #tpu.memory_space<hbm>>
    tpu.wait_dma2 semaphore(%arg16 : memref<!tpu.dma_semaphore, #tpu.memory_space<semaphore_mem>>) src(%dma_wait3A_588 : memref<8x128xi32, #tpu.memory_space<hbm>>) dst(%dma_wait3A_586 : memref<8x128xi32, #tpu.memory_space<vmem>>)
    %dma_wait3A_589 = arith.constant 0 : i32
    %dma_wait3A_590 = tpu.memref_slice %arg11[%mul3A_576, %dma_wait3A_589] : memref<16x128xi32, #tpu.memory_space<vmem>> -> memref<8x128xi32, #tpu.memory_space<vmem>>
    %dma_wait3A_591 = arith.constant 0 : i32
    %dma_wait3A_592 = tpu.memref_slice %arg4[%add3A_574, %dma_wait3A_591] : memref<6272x128xi32, #tpu.memory_space<hbm>> -> memref<8x128xi32, #tpu.memory_space<hbm>>
    %dma_wait3A_593 = arith.constant 0 : i32
    %dma_wait3A_594 = tpu.memref_slice %arg11[%mul3A_576, %dma_wait3A_593] : memref<16x128xi32, #tpu.memory_space<vmem>> -> memref<8x128xi32, #tpu.memory_space<vmem>>
    %dma_wait3A_595 = arith.constant 0 : i32
    %dma_wait3A_596 = tpu.memref_slice %arg4[%add3A_574, %dma_wait3A_595] : memref<6272x128xi32, #tpu.memory_space<hbm>> -> memref<8x128xi32, #tpu.memory_space<hbm>>
    tpu.wait_dma2 semaphore(%arg16 : memref<!tpu.dma_semaphore, #tpu.memory_space<semaphore_mem>>) src(%dma_wait3A_596 : memref<8x128xi32, #tpu.memory_space<hbm>>) dst(%dma_wait3A_594 : memref<8x128xi32, #tpu.memory_space<vmem>>)
    %dma_wait3A_597 = arith.constant 0 : i32
    %dma_wait3A_598 = tpu.memref_slice %arg12[%mul3A_580, %dma_wait3A_597] : memref<16x128xf32, #tpu.memory_space<vmem>> -> memref<8x128xf32, #tpu.memory_space<vmem>>
    %dma_wait3A_599 = arith.constant 0 : i32
    %dma_wait3A_600 = tpu.memref_slice %arg5[%add3A_578, %dma_wait3A_599] : memref<6272x128xf32, #tpu.memory_space<hbm>> -> memref<8x128xf32, #tpu.memory_space<hbm>>
    %dma_wait3A_601 = arith.constant 0 : i32
    %dma_wait3A_602 = tpu.memref_slice %arg12[%mul3A_580, %dma_wait3A_601] : memref<16x128xf32, #tpu.memory_space<vmem>> -> memref<8x128xf32, #tpu.memory_space<vmem>>
    %dma_wait3A_603 = arith.constant 0 : i32
    %dma_wait3A_604 = tpu.memref_slice %arg5[%add3A_578, %dma_wait3A_603] : memref<6272x128xf32, #tpu.memory_space<hbm>> -> memref<8x128xf32, #tpu.memory_space<hbm>>
    tpu.wait_dma2 semaphore(%arg16 : memref<!tpu.dma_semaphore, #tpu.memory_space<semaphore_mem>>) src(%dma_wait3A_604 : memref<8x128xf32, #tpu.memory_space<hbm>>) dst(%dma_wait3A_602 : memref<8x128xf32, #tpu.memory_space<vmem>>)
    %rem3A_605 = arith.constant 0 : i32
    %rem3A_606 = arith.constant 4 : i32
    %rem3A_607 = arith.remsi %rem3A_605, %rem3A_606 : i32
    %rem3A_608 = arith.constant 0 : i32
    %rem3A_609 = arith.constant 16 : i32
    %rem3A_610 = arith.remsi %rem3A_608, %rem3A_609 : i32
    %mul3A_611 = arith.constant 128 : i32
    %mul3A_612 = arith.muli %rem3A_607, %mul3A_611 : i32
    %dma_start3A_613 = arith.constant 0 : i32
    %dma_start3A_614 = tpu.memref_slice %arg13[%mul3A_612, %dma_start3A_613] : memref<512x32xf32, #tpu.memory_space<vmem>> -> memref<128x32xf32, #tpu.memory_space<vmem>>
    %dma_start3A_615 = arith.constant 0 : i32
    %dma_start3A_616 = tpu.memref_slice %arg10[%rem3A_610, %dma_start3A_615] : memref<16x128xi32, #tpu.memory_space<vmem>> -> memref<1x128xi32, #tpu.memory_space<vmem>>
    %dma_start3A_617 = tpu.memref_squeeze %dma_start3A_616 : memref<1x128xi32, #tpu.memory_space<vmem>> -> memref<128xi32, #tpu.memory_space<vmem>>
    %dma_start3A_618 = arith.constant 0 : i32
    %dma_start3A_619 = tpu.memref_slice %arg2[%mul3A_4, %dma_start3A_618] : memref<100352x32xf32, #tpu.memory_space<hbm>> -> memref<50176x32xf32, #tpu.memory_space<hbm>>
    %dma_start3A_620 = arith.constant 0 : i32
    %dma_start3A_621 = arith.constant 0 : i32
    %dma_start3A_622 = tpu.memref_slice %dma_start3A_619[%dma_start3A_620, %dma_start3A_621] : memref<50176x32xf32, #tpu.memory_space<hbm>> -> memref<50176x32xf32, #tpu.memory_space<hbm>>
    tpu.enqueue_indirect_dma source(%dma_start3A_622 : memref<50176x32xf32, #tpu.memory_space<hbm>>) target(%dma_start3A_614 : memref<128x32xf32, #tpu.memory_space<vmem>>) offsets(%dma_start3A_617 : memref<128xi32, #tpu.memory_space<vmem>>) semaphore(%arg17 : memref<!tpu.dma_semaphore, #tpu.memory_space<semaphore_mem>>)
    %rem3A_623 = arith.constant 1 : i32
    %rem3A_624 = arith.constant 4 : i32
    %rem3A_625 = arith.remsi %rem3A_623, %rem3A_624 : i32
    %rem3A_626 = arith.constant 1 : i32
    %rem3A_627 = arith.constant 16 : i32
    %rem3A_628 = arith.remsi %rem3A_626, %rem3A_627 : i32
    %mul3A_629 = arith.constant 128 : i32
    %mul3A_630 = arith.muli %rem3A_625, %mul3A_629 : i32
    %dma_start3A_631 = arith.constant 0 : i32
    %dma_start3A_632 = tpu.memref_slice %arg13[%mul3A_630, %dma_start3A_631] : memref<512x32xf32, #tpu.memory_space<vmem>> -> memref<128x32xf32, #tpu.memory_space<vmem>>
    %dma_start3A_633 = arith.constant 0 : i32
    %dma_start3A_634 = tpu.memref_slice %arg10[%rem3A_628, %dma_start3A_633] : memref<16x128xi32, #tpu.memory_space<vmem>> -> memref<1x128xi32, #tpu.memory_space<vmem>>
    %dma_start3A_635 = tpu.memref_squeeze %dma_start3A_634 : memref<1x128xi32, #tpu.memory_space<vmem>> -> memref<128xi32, #tpu.memory_space<vmem>>
    %dma_start3A_636 = arith.constant 0 : i32
    %dma_start3A_637 = tpu.memref_slice %arg2[%mul3A_4, %dma_start3A_636] : memref<100352x32xf32, #tpu.memory_space<hbm>> -> memref<50176x32xf32, #tpu.memory_space<hbm>>
    %dma_start3A_638 = arith.constant 0 : i32
    %dma_start3A_639 = arith.constant 0 : i32
    %dma_start3A_640 = tpu.memref_slice %dma_start3A_637[%dma_start3A_638, %dma_start3A_639] : memref<50176x32xf32, #tpu.memory_space<hbm>> -> memref<50176x32xf32, #tpu.memory_space<hbm>>
    tpu.enqueue_indirect_dma source(%dma_start3A_640 : memref<50176x32xf32, #tpu.memory_space<hbm>>) target(%dma_start3A_632 : memref<128x32xf32, #tpu.memory_space<vmem>>) offsets(%dma_start3A_635 : memref<128xi32, #tpu.memory_space<vmem>>) semaphore(%arg18 : memref<!tpu.dma_semaphore, #tpu.memory_space<semaphore_mem>>)
    %scan3A = arith.constant 0 : i32
    %scan3A_641 = arith.constant 0 : i32
    %scan3A_642 = arith.constant 394 : i32
    %scan3A_643 = arith.addi %scan3A_641, %scan3A_642 : i32
    %scan3A_644 = arith.constant 1 : i32
    %scan3A_645 = scf.for %scan3A_1137 = %scan3A_641 to %scan3A_643 step %scan3A_644 iter_args(%scan3A_1138 = %scan3A) -> (i32)  : i32 {
      %div3A = arith.constant 8 : i32
      %div3A_1139 = arith.divsi %scan3A_1137, %div3A : i32
      %rem3A_1140 = arith.constant 8 : i32
      %rem3A_1141 = arith.remsi %scan3A_1137, %rem3A_1140 : i32
      %ge3A = arith.constant 2 : i32
      %ge3A_1142 = arith.cmpi sge, %scan3A_1137, %ge3A : i32
      %convert_element_type3A = arith.extui %ge3A_1142 : i1 to i32
      %cond3A = arith.constant 0 : i32
      %cond3A_1143 = arith.cmpi ne, %convert_element_type3A, %cond3A : i32
      scf.if %cond3A_1143 {
        %dma_wait3A_1212 = arith.constant 0 : i32
        %dma_wait3A_1213 = arith.constant 0 : i32
        %dma_wait3A_1214 = tpu.memref_slice %arg13[%dma_wait3A_1212, %dma_wait3A_1213] : memref<512x32xf32, #tpu.memory_space<vmem>> -> memref<128x32xf32, #tpu.memory_space<vmem>>
        %dma_wait3A_1215 = arith.constant 0 : i32
        %dma_wait3A_1216 = arith.constant 0 : i32
        %dma_wait3A_1217 = tpu.memref_slice %arg2[%dma_wait3A_1215, %dma_wait3A_1216] : memref<100352x32xf32, #tpu.memory_space<hbm>> -> memref<128x32xf32, #tpu.memory_space<hbm>>
        %dma_wait3A_1218 = arith.constant 0 : i32
        %dma_wait3A_1219 = arith.constant 0 : i32
        %dma_wait3A_1220 = tpu.memref_slice %arg13[%dma_wait3A_1218, %dma_wait3A_1219] : memref<512x32xf32, #tpu.memory_space<vmem>> -> memref<128x32xf32, #tpu.memory_space<vmem>>
        %dma_wait3A_1221 = arith.constant 0 : i32
        %dma_wait3A_1222 = arith.constant 0 : i32
        %dma_wait3A_1223 = tpu.memref_slice %arg2[%dma_wait3A_1221, %dma_wait3A_1222] : memref<100352x32xf32, #tpu.memory_space<hbm>> -> memref<128x32xf32, #tpu.memory_space<hbm>>
        tpu.wait_dma2 semaphore(%arg19 : memref<!tpu.dma_semaphore, #tpu.memory_space<semaphore_mem>>) src(%dma_wait3A_1223 : memref<128x32xf32, #tpu.memory_space<hbm>>) dst(%dma_wait3A_1220 : memref<128x32xf32, #tpu.memory_space<vmem>>)
      } else {
      }
      %eq3A = arith.constant 1 : i32
      %eq3A_1144 = arith.cmpi eq, %rem3A_1141, %eq3A : i32
      %ge3A_1145 = arith.constant 1 : i32
      %ge3A_1146 = arith.cmpi sge, %div3A_1139, %ge3A_1145 : i32
      %le3A = arith.constant 47 : i32
      %le3A_1147 = arith.cmpi sle, %div3A_1139, %le3A : i32
      %and3A = arith.andi %ge3A_1146, %le3A_1147 : i1
      %and3A_1148 = arith.andi %eq3A_1144, %and3A : i1
      %convert_element_type3A_1149 = arith.extui %and3A_1148 : i1 to i32
      %cond3A_1150 = arith.constant 0 : i32
      %cond3A_1151 = arith.cmpi ne, %convert_element_type3A_1149, %cond3A_1150 : i32
      scf.if %cond3A_1151 {
        %add3A_1212 = arith.constant 1 : i32
        %add3A_1213 = arith.addi %div3A_1139, %add3A_1212 : i32
        %rem3A_1214 = arith.constant 2 : i32
        %rem3A_1215 = arith.remsi %add3A_1213, %rem3A_1214 : i32
        %mul3A_1216 = arith.constant 8 : i32
        %mul3A_1217 = arith.muli %add3A_1213, %mul3A_1216 : i32
        %add3A_1218 = arith.addi %mul3A_2, %mul3A_1217 : i32
        %mul3A_1219 = arith.constant 8 : i32
        %mul3A_1220 = arith.muli %rem3A_1215, %mul3A_1219 : i32
        %mul3A_1221 = arith.constant 8 : i32
        %mul3A_1222 = arith.muli %add3A_1213, %mul3A_1221 : i32
        %add3A_1223 = arith.addi %mul3A_2, %mul3A_1222 : i32
        %mul3A_1224 = arith.constant 8 : i32
        %mul3A_1225 = arith.muli %rem3A_1215, %mul3A_1224 : i32
        %mul3A_1226 = arith.constant 8 : i32
        %mul3A_1227 = arith.muli %add3A_1213, %mul3A_1226 : i32
        %add3A_1228 = arith.addi %mul3A_2, %mul3A_1227 : i32
        %mul3A_1229 = arith.constant 8 : i32
        %mul3A_1230 = arith.muli %rem3A_1215, %mul3A_1229 : i32
        %dma_start3A_1231 = arith.constant 0 : i32
        %dma_start3A_1232 = tpu.memref_slice %arg10[%mul3A_1220, %dma_start3A_1231] : memref<16x128xi32, #tpu.memory_space<vmem>> -> memref<8x128xi32, #tpu.memory_space<vmem>>
        %dma_start3A_1233 = arith.constant 0 : i32
        %dma_start3A_1234 = tpu.memref_slice %arg3[%add3A_1218, %dma_start3A_1233] : memref<6272x128xi32, #tpu.memory_space<hbm>> -> memref<8x128xi32, #tpu.memory_space<hbm>>
        %dma_start3A_1235 = arith.constant 0 : i32
        %dma_start3A_1236 = tpu.memref_slice %arg10[%mul3A_1220, %dma_start3A_1235] : memref<16x128xi32, #tpu.memory_space<vmem>> -> memref<8x128xi32, #tpu.memory_space<vmem>>
        %dma_start3A_1237 = arith.constant 0 : i32
        %dma_start3A_1238 = tpu.memref_slice %arg3[%add3A_1218, %dma_start3A_1237] : memref<6272x128xi32, #tpu.memory_space<hbm>> -> memref<8x128xi32, #tpu.memory_space<hbm>>
        tpu.enqueue_dma source(%dma_start3A_1238 : memref<8x128xi32, #tpu.memory_space<hbm>>) target(%dma_start3A_1236 : memref<8x128xi32, #tpu.memory_space<vmem>>) target_semaphore(%arg16 : memref<!tpu.dma_semaphore, #tpu.memory_space<semaphore_mem>>)
        %dma_start3A_1239 = arith.constant 0 : i32
        %dma_start3A_1240 = tpu.memref_slice %arg11[%mul3A_1225, %dma_start3A_1239] : memref<16x128xi32, #tpu.memory_space<vmem>> -> memref<8x128xi32, #tpu.memory_space<vmem>>
        %dma_start3A_1241 = arith.constant 0 : i32
        %dma_start3A_1242 = tpu.memref_slice %arg4[%add3A_1223, %dma_start3A_1241] : memref<6272x128xi32, #tpu.memory_space<hbm>> -> memref<8x128xi32, #tpu.memory_space<hbm>>
        %dma_start3A_1243 = arith.constant 0 : i32
        %dma_start3A_1244 = tpu.memref_slice %arg11[%mul3A_1225, %dma_start3A_1243] : memref<16x128xi32, #tpu.memory_space<vmem>> -> memref<8x128xi32, #tpu.memory_space<vmem>>
        %dma_start3A_1245 = arith.constant 0 : i32
        %dma_start3A_1246 = tpu.memref_slice %arg4[%add3A_1223, %dma_start3A_1245] : memref<6272x128xi32, #tpu.memory_space<hbm>> -> memref<8x128xi32, #tpu.memory_space<hbm>>
        tpu.enqueue_dma source(%dma_start3A_1246 : memref<8x128xi32, #tpu.memory_space<hbm>>) target(%dma_start3A_1244 : memref<8x128xi32, #tpu.memory_space<vmem>>) target_semaphore(%arg16 : memref<!tpu.dma_semaphore, #tpu.memory_space<semaphore_mem>>)
        %dma_start3A_1247 = arith.constant 0 : i32
        %dma_start3A_1248 = tpu.memref_slice %arg12[%mul3A_1230, %dma_start3A_1247] : memref<16x128xf32, #tpu.memory_space<vmem>> -> memref<8x128xf32, #tpu.memory_space<vmem>>
        %dma_start3A_1249 = arith.constant 0 : i32
        %dma_start3A_1250 = tpu.memref_slice %arg5[%add3A_1228, %dma_start3A_1249] : memref<6272x128xf32, #tpu.memory_space<hbm>> -> memref<8x128xf32, #tpu.memory_space<hbm>>
        %dma_start3A_1251 = arith.constant 0 : i32
        %dma_start3A_1252 = tpu.memref_slice %arg12[%mul3A_1230, %dma_start3A_1251] : memref<16x128xf32, #tpu.memory_space<vmem>> -> memref<8x128xf32, #tpu.memory_space<vmem>>
        %dma_start3A_1253 = arith.constant 0 : i32
        %dma_start3A_1254 = tpu.memref_slice %arg5[%add3A_1228, %dma_start3A_1253] : memref<6272x128xf32, #tpu.memory_space<hbm>> -> memref<8x128xf32, #tpu.memory_space<hbm>>
        tpu.enqueue_dma source(%dma_start3A_1254 : memref<8x128xf32, #tpu.memory_space<hbm>>) target(%dma_start3A_1252 : memref<8x128xf32, #tpu.memory_space<vmem>>) target_semaphore(%arg16 : memref<!tpu.dma_semaphore, #tpu.memory_space<semaphore_mem>>)
      } else {
      }
      %eq3A_1152 = arith.constant 5 : i32
      %eq3A_1153 = arith.cmpi eq, %rem3A_1141, %eq3A_1152 : i32
      %ge3A_1154 = arith.constant 1 : i32
      %ge3A_1155 = arith.cmpi sge, %div3A_1139, %ge3A_1154 : i32
      %le3A_1156 = arith.constant 47 : i32
      %le3A_1157 = arith.cmpi sle, %div3A_1139, %le3A_1156 : i32
      %and3A_1158 = arith.andi %ge3A_1155, %le3A_1157 : i1
      %and3A_1159 = arith.andi %eq3A_1153, %and3A_1158 : i1
      %convert_element_type3A_1160 = arith.extui %and3A_1159 : i1 to i32
      %cond3A_1161 = arith.constant 0 : i32
      %cond3A_1162 = arith.cmpi ne, %convert_element_type3A_1160, %cond3A_1161 : i32
      scf.if %cond3A_1162 {
        %add3A_1212 = arith.constant 1 : i32
        %add3A_1213 = arith.addi %div3A_1139, %add3A_1212 : i32
        %rem3A_1214 = arith.constant 2 : i32
        %rem3A_1215 = arith.remsi %add3A_1213, %rem3A_1214 : i32
        %mul3A_1216 = arith.constant 8 : i32
        %mul3A_1217 = arith.muli %add3A_1213, %mul3A_1216 : i32
        %add3A_1218 = arith.addi %mul3A_2, %mul3A_1217 : i32
        %mul3A_1219 = arith.constant 8 : i32
        %mul3A_1220 = arith.muli %rem3A_1215, %mul3A_1219 : i32
        %mul3A_1221 = arith.constant 8 : i32
        %mul3A_1222 = arith.muli %add3A_1213, %mul3A_1221 : i32
        %add3A_1223 = arith.addi %mul3A_2, %mul3A_1222 : i32
        %mul3A_1224 = arith.constant 8 : i32
        %mul3A_1225 = arith.muli %rem3A_1215, %mul3A_1224 : i32
        %mul3A_1226 = arith.constant 8 : i32
        %mul3A_1227 = arith.muli %add3A_1213, %mul3A_1226 : i32
        %add3A_1228 = arith.addi %mul3A_2, %mul3A_1227 : i32
        %mul3A_1229 = arith.constant 8 : i32
        %mul3A_1230 = arith.muli %rem3A_1215, %mul3A_1229 : i32
        %dma_wait3A_1231 = arith.constant 0 : i32
        %dma_wait3A_1232 = tpu.memref_slice %arg10[%mul3A_1220, %dma_wait3A_1231] : memref<16x128xi32, #tpu.memory_space<vmem>> -> memref<8x128xi32, #tpu.memory_space<vmem>>
        %dma_wait3A_1233 = arith.constant 0 : i32
        %dma_wait3A_1234 = tpu.memref_slice %arg3[%add3A_1218, %dma_wait3A_1233] : memref<6272x128xi32, #tpu.memory_space<hbm>> -> memref<8x128xi32, #tpu.memory_space<hbm>>
        %dma_wait3A_1235 = arith.constant 0 : i32
        %dma_wait3A_1236 = tpu.memref_slice %arg10[%mul3A_1220, %dma_wait3A_1235] : memref<16x128xi32, #tpu.memory_space<vmem>> -> memref<8x128xi32, #tpu.memory_space<vmem>>
        %dma_wait3A_1237 = arith.constant 0 : i32
        %dma_wait3A_1238 = tpu.memref_slice %arg3[%add3A_1218, %dma_wait3A_1237] : memref<6272x128xi32, #tpu.memory_space<hbm>> -> memref<8x128xi32, #tpu.memory_space<hbm>>
        tpu.wait_dma2 semaphore(%arg16 : memref<!tpu.dma_semaphore, #tpu.memory_space<semaphore_mem>>) src(%dma_wait3A_1238 : memref<8x128xi32, #tpu.memory_space<hbm>>) dst(%dma_wait3A_1236 : memref<8x128xi32, #tpu.memory_space<vmem>>)
        %dma_wait3A_1239 = arith.constant 0 : i32
        %dma_wait3A_1240 = tpu.memref_slice %arg11[%mul3A_1225, %dma_wait3A_1239] : memref<16x128xi32, #tpu.memory_space<vmem>> -> memref<8x128xi32, #tpu.memory_space<vmem>>
        %dma_wait3A_1241 = arith.constant 0 : i32
        %dma_wait3A_1242 = tpu.memref_slice %arg4[%add3A_1223, %dma_wait3A_1241] : memref<6272x128xi32, #tpu.memory_space<hbm>> -> memref<8x128xi32, #tpu.memory_space<hbm>>
        %dma_wait3A_1243 = arith.constant 0 : i32
        %dma_wait3A_1244 = tpu.memref_slice %arg11[%mul3A_1225, %dma_wait3A_1243] : memref<16x128xi32, #tpu.memory_space<vmem>> -> memref<8x128xi32, #tpu.memory_space<vmem>>
        %dma_wait3A_1245 = arith.constant 0 : i32
        %dma_wait3A_1246 = tpu.memref_slice %arg4[%add3A_1223, %dma_wait3A_1245] : memref<6272x128xi32, #tpu.memory_space<hbm>> -> memref<8x128xi32, #tpu.memory_space<hbm>>
        tpu.wait_dma2 semaphore(%arg16 : memref<!tpu.dma_semaphore, #tpu.memory_space<semaphore_mem>>) src(%dma_wait3A_1246 : memref<8x128xi32, #tpu.memory_space<hbm>>) dst(%dma_wait3A_1244 : memref<8x128xi32, #tpu.memory_space<vmem>>)
        %dma_wait3A_1247 = arith.constant 0 : i32
        %dma_wait3A_1248 = tpu.memref_slice %arg12[%mul3A_1230, %dma_wait3A_1247] : memref<16x128xf32, #tpu.memory_space<vmem>> -> memref<8x128xf32, #tpu.memory_space<vmem>>
        %dma_wait3A_1249 = arith.constant 0 : i32
        %dma_wait3A_1250 = tpu.memref_slice %arg5[%add3A_1228, %dma_wait3A_1249] : memref<6272x128xf32, #tpu.memory_space<hbm>> -> memref<8x128xf32, #tpu.memory_space<hbm>>
        %dma_wait3A_1251 = arith.constant 0 : i32
        %dma_wait3A_1252 = tpu.memref_slice %arg12[%mul3A_1230, %dma_wait3A_1251] : memref<16x128xf32, #tpu.memory_space<vmem>> -> memref<8x128xf32, #tpu.memory_space<vmem>>
        %dma_wait3A_1253 = arith.constant 0 : i32
        %dma_wait3A_1254 = tpu.memref_slice %arg5[%add3A_1228, %dma_wait3A_1253] : memref<6272x128xf32, #tpu.memory_space<hbm>> -> memref<8x128xf32, #tpu.memory_space<hbm>>
        tpu.wait_dma2 semaphore(%arg16 : memref<!tpu.dma_semaphore, #tpu.memory_space<semaphore_mem>>) src(%dma_wait3A_1254 : memref<8x128xf32, #tpu.memory_space<hbm>>) dst(%dma_wait3A_1252 : memref<8x128xf32, #tpu.memory_space<vmem>>)
      } else {
      }
      %add3A_1163 = arith.constant 2 : i32
      %add3A_1164 = arith.addi %scan3A_1137, %add3A_1163 : i32
      %lt3A = arith.constant 392 : i32
      %lt3A_1165 = arith.cmpi slt, %add3A_1164, %lt3A : i32
      %rem3A_1166 = arith.constant 2 : i32
      %rem3A_1167 = arith.remsi %scan3A_1137, %rem3A_1166 : i32
      %eq3A_1168 = arith.constant 0 : i32
      %eq3A_1169 = arith.cmpi eq, %rem3A_1167, %eq3A_1168 : i32
      %and3A_1170 = arith.andi %lt3A_1165, %eq3A_1169 : i1
      %convert_element_type3A_1171 = arith.extui %and3A_1170 : i1 to i32
      %cond3A_1172 = arith.constant 0 : i32
      %cond3A_1173 = arith.cmpi ne, %convert_element_type3A_1171, %cond3A_1172 : i32
      scf.if %cond3A_1173 {
        %add3A_1212 = arith.constant 2 : i32
        %add3A_1213 = arith.addi %scan3A_1137, %add3A_1212 : i32
        %rem3A_1214 = arith.constant 4 : i32
        %rem3A_1215 = arith.remsi %add3A_1213, %rem3A_1214 : i32
        %rem3A_1216 = arith.constant 16 : i32
        %rem3A_1217 = arith.remsi %add3A_1213, %rem3A_1216 : i32
        %mul3A_1218 = arith.constant 128 : i32
        %mul3A_1219 = arith.muli %rem3A_1215, %mul3A_1218 : i32
        %dma_start3A_1220 = arith.constant 0 : i32
        %dma_start3A_1221 = tpu.memref_slice %arg13[%mul3A_1219, %dma_start3A_1220] : memref<512x32xf32, #tpu.memory_space<vmem>> -> memref<128x32xf32, #tpu.memory_space<vmem>>
        %dma_start3A_1222 = arith.constant 0 : i32
        %dma_start3A_1223 = tpu.memref_slice %arg10[%rem3A_1217, %dma_start3A_1222] : memref<16x128xi32, #tpu.memory_space<vmem>> -> memref<1x128xi32, #tpu.memory_space<vmem>>
        %dma_start3A_1224 = tpu.memref_squeeze %dma_start3A_1223 : memref<1x128xi32, #tpu.memory_space<vmem>> -> memref<128xi32, #tpu.memory_space<vmem>>
        %dma_start3A_1225 = arith.constant 0 : i32
        %dma_start3A_1226 = tpu.memref_slice %arg2[%mul3A_4, %dma_start3A_1225] : memref<100352x32xf32, #tpu.memory_space<hbm>> -> memref<50176x32xf32, #tpu.memory_space<hbm>>
        %dma_start3A_1227 = arith.constant 0 : i32
        %dma_start3A_1228 = arith.constant 0 : i32
        %dma_start3A_1229 = tpu.memref_slice %dma_start3A_1226[%dma_start3A_1227, %dma_start3A_1228] : memref<50176x32xf32, #tpu.memory_space<hbm>> -> memref<50176x32xf32, #tpu.memory_space<hbm>>
        tpu.enqueue_indirect_dma source(%dma_start3A_1229 : memref<50176x32xf32, #tpu.memory_space<hbm>>) target(%dma_start3A_1221 : memref<128x32xf32, #tpu.memory_space<vmem>>) offsets(%dma_start3A_1224 : memref<128xi32, #tpu.memory_space<vmem>>) semaphore(%arg17 : memref<!tpu.dma_semaphore, #tpu.memory_space<semaphore_mem>>)
      } else {
      }
      %add3A_1174 = arith.constant 2 : i32
      %add3A_1175 = arith.addi %scan3A_1137, %add3A_1174 : i32
      %lt3A_1176 = arith.constant 392 : i32
      %lt3A_1177 = arith.cmpi slt, %add3A_1175, %lt3A_1176 : i32
      %rem3A_1178 = arith.constant 2 : i32
      %rem3A_1179 = arith.remsi %scan3A_1137, %rem3A_1178 : i32
      %eq3A_1180 = arith.constant 1 : i32
      %eq3A_1181 = arith.cmpi eq, %rem3A_1179, %eq3A_1180 : i32
      %and3A_1182 = arith.andi %lt3A_1177, %eq3A_1181 : i1
      %convert_element_type3A_1183 = arith.extui %and3A_1182 : i1 to i32
      %cond3A_1184 = arith.constant 0 : i32
      %cond3A_1185 = arith.cmpi ne, %convert_element_type3A_1183, %cond3A_1184 : i32
      scf.if %cond3A_1185 {
        %add3A_1212 = arith.constant 2 : i32
        %add3A_1213 = arith.addi %scan3A_1137, %add3A_1212 : i32
        %rem3A_1214 = arith.constant 4 : i32
        %rem3A_1215 = arith.remsi %add3A_1213, %rem3A_1214 : i32
        %rem3A_1216 = arith.constant 16 : i32
        %rem3A_1217 = arith.remsi %add3A_1213, %rem3A_1216 : i32
        %mul3A_1218 = arith.constant 128 : i32
        %mul3A_1219 = arith.muli %rem3A_1215, %mul3A_1218 : i32
        %dma_start3A_1220 = arith.constant 0 : i32
        %dma_start3A_1221 = tpu.memref_slice %arg13[%mul3A_1219, %dma_start3A_1220] : memref<512x32xf32, #tpu.memory_space<vmem>> -> memref<128x32xf32, #tpu.memory_space<vmem>>
        %dma_start3A_1222 = arith.constant 0 : i32
        %dma_start3A_1223 = tpu.memref_slice %arg10[%rem3A_1217, %dma_start3A_1222] : memref<16x128xi32, #tpu.memory_space<vmem>> -> memref<1x128xi32, #tpu.memory_space<vmem>>
        %dma_start3A_1224 = tpu.memref_squeeze %dma_start3A_1223 : memref<1x128xi32, #tpu.memory_space<vmem>> -> memref<128xi32, #tpu.memory_space<vmem>>
        %dma_start3A_1225 = arith.constant 0 : i32
        %dma_start3A_1226 = tpu.memref_slice %arg2[%mul3A_4, %dma_start3A_1225] : memref<100352x32xf32, #tpu.memory_space<hbm>> -> memref<50176x32xf32, #tpu.memory_space<hbm>>
        %dma_start3A_1227 = arith.constant 0 : i32
        %dma_start3A_1228 = arith.constant 0 : i32
        %dma_start3A_1229 = tpu.memref_slice %dma_start3A_1226[%dma_start3A_1227, %dma_start3A_1228] : memref<50176x32xf32, #tpu.memory_space<hbm>> -> memref<50176x32xf32, #tpu.memory_space<hbm>>
        tpu.enqueue_indirect_dma source(%dma_start3A_1229 : memref<50176x32xf32, #tpu.memory_space<hbm>>) target(%dma_start3A_1221 : memref<128x32xf32, #tpu.memory_space<vmem>>) offsets(%dma_start3A_1224 : memref<128xi32, #tpu.memory_space<vmem>>) semaphore(%arg18 : memref<!tpu.dma_semaphore, #tpu.memory_space<semaphore_mem>>)
      } else {
      }
      %lt3A_1186 = arith.constant 392 : i32
      %lt3A_1187 = arith.cmpi slt, %scan3A_1137, %lt3A_1186 : i32
      %rem3A_1188 = arith.constant 2 : i32
      %rem3A_1189 = arith.remsi %scan3A_1137, %rem3A_1188 : i32
      %eq3A_1190 = arith.constant 0 : i32
      %eq3A_1191 = arith.cmpi eq, %rem3A_1189, %eq3A_1190 : i32
      %and3A_1192 = arith.andi %lt3A_1187, %eq3A_1191 : i1
      %convert_element_type3A_1193 = arith.extui %and3A_1192 : i1 to i32
      %cond3A_1194 = arith.constant 0 : i32
      %cond3A_1195 = arith.cmpi ne, %convert_element_type3A_1193, %cond3A_1194 : i32
      scf.if %cond3A_1195 {
        %dma_wait3A_1212 = arith.constant 0 : i32
        %dma_wait3A_1213 = arith.constant 0 : i32
        %dma_wait3A_1214 = tpu.memref_slice %arg13[%dma_wait3A_1212, %dma_wait3A_1213] : memref<512x32xf32, #tpu.memory_space<vmem>> -> memref<128x32xf32, #tpu.memory_space<vmem>>
        %dma_wait3A_1215 = arith.constant 0 : i32
        %dma_wait3A_1216 = arith.constant 0 : i32
        %dma_wait3A_1217 = tpu.memref_slice %arg2[%dma_wait3A_1215, %dma_wait3A_1216] : memref<100352x32xf32, #tpu.memory_space<hbm>> -> memref<128x32xf32, #tpu.memory_space<hbm>>
        %dma_wait3A_1218 = arith.constant 0 : i32
        %dma_wait3A_1219 = arith.constant 0 : i32
        %dma_wait3A_1220 = tpu.memref_slice %arg13[%dma_wait3A_1218, %dma_wait3A_1219] : memref<512x32xf32, #tpu.memory_space<vmem>> -> memref<128x32xf32, #tpu.memory_space<vmem>>
        %dma_wait3A_1221 = arith.constant 0 : i32
        %dma_wait3A_1222 = arith.constant 0 : i32
        %dma_wait3A_1223 = tpu.memref_slice %arg2[%dma_wait3A_1221, %dma_wait3A_1222] : memref<100352x32xf32, #tpu.memory_space<hbm>> -> memref<128x32xf32, #tpu.memory_space<hbm>>
        tpu.wait_dma2 semaphore(%arg17 : memref<!tpu.dma_semaphore, #tpu.memory_space<semaphore_mem>>) src(%dma_wait3A_1223 : memref<128x32xf32, #tpu.memory_space<hbm>>) dst(%dma_wait3A_1220 : memref<128x32xf32, #tpu.memory_space<vmem>>)
      } else {
      }
      %lt3A_1196 = arith.constant 392 : i32
      %lt3A_1197 = arith.cmpi slt, %scan3A_1137, %lt3A_1196 : i32
      %rem3A_1198 = arith.constant 2 : i32
      %rem3A_1199 = arith.remsi %scan3A_1137, %rem3A_1198 : i32
      %eq3A_1200 = arith.constant 1 : i32
      %eq3A_1201 = arith.cmpi eq, %rem3A_1199, %eq3A_1200 : i32
      %and3A_1202 = arith.andi %lt3A_1197, %eq3A_1201 : i1
      %convert_element_type3A_1203 = arith.extui %and3A_1202 : i1 to i32
      %cond3A_1204 = arith.constant 0 : i32
      %cond3A_1205 = arith.cmpi ne, %convert_element_type3A_1203, %cond3A_1204 : i32
      scf.if %cond3A_1205 {
        %dma_wait3A_1212 = arith.constant 0 : i32
        %dma_wait3A_1213 = arith.constant 0 : i32
        %dma_wait3A_1214 = tpu.memref_slice %arg13[%dma_wait3A_1212, %dma_wait3A_1213] : memref<512x32xf32, #tpu.memory_space<vmem>> -> memref<128x32xf32, #tpu.memory_space<vmem>>
        %dma_wait3A_1215 = arith.constant 0 : i32
        %dma_wait3A_1216 = arith.constant 0 : i32
        %dma_wait3A_1217 = tpu.memref_slice %arg2[%dma_wait3A_1215, %dma_wait3A_1216] : memref<100352x32xf32, #tpu.memory_space<hbm>> -> memref<128x32xf32, #tpu.memory_space<hbm>>
        %dma_wait3A_1218 = arith.constant 0 : i32
        %dma_wait3A_1219 = arith.constant 0 : i32
        %dma_wait3A_1220 = tpu.memref_slice %arg13[%dma_wait3A_1218, %dma_wait3A_1219] : memref<512x32xf32, #tpu.memory_space<vmem>> -> memref<128x32xf32, #tpu.memory_space<vmem>>
        %dma_wait3A_1221 = arith.constant 0 : i32
        %dma_wait3A_1222 = arith.constant 0 : i32
        %dma_wait3A_1223 = tpu.memref_slice %arg2[%dma_wait3A_1221, %dma_wait3A_1222] : memref<100352x32xf32, #tpu.memory_space<hbm>> -> memref<128x32xf32, #tpu.memory_space<hbm>>
        tpu.wait_dma2 semaphore(%arg18 : memref<!tpu.dma_semaphore, #tpu.memory_space<semaphore_mem>>) src(%dma_wait3A_1223 : memref<128x32xf32, #tpu.memory_space<hbm>>) dst(%dma_wait3A_1220 : memref<128x32xf32, #tpu.memory_space<vmem>>)
      } else {
      }
      %lt3A_1206 = arith.constant 392 : i32
      %lt3A_1207 = arith.cmpi slt, %scan3A_1137, %lt3A_1206 : i32
      %convert_element_type3A_1208 = arith.extui %lt3A_1207 : i1 to i32
      %cond3A_1209 = arith.constant 0 : i32
      %cond3A_1210 = arith.cmpi ne, %convert_element_type3A_1208, %cond3A_1209 : i32
      scf.if %cond3A_1210 {
        %rem3A_1212 = arith.constant 4 : i32
        %rem3A_1213 = arith.remsi %scan3A_1137, %rem3A_1212 : i32
        %rem3A_1214 = arith.constant 16 : i32
        %rem3A_1215 = arith.remsi %scan3A_1137, %rem3A_1214 : i32
        %scan3A_1216 = arith.constant 0 : i32
        %scan3A_1217 = arith.constant 0 : i32
        %scan3A_1218 = arith.constant 8 : i32
        %scan3A_1219 = arith.addi %scan3A_1217, %scan3A_1218 : i32
        %scan3A_1220 = arith.constant 1 : i32
        %scan3A_1221 = scf.for %scan3A_1237 = %scan3A_1217 to %scan3A_1219 step %scan3A_1220 iter_args(%scan3A_1238 = %scan3A_1216) -> (i32)  : i32 {
          %mul3A_1239 = arith.constant 16 : i32
          %mul3A_1240 = arith.muli %scan3A_1237, %mul3A_1239 : i32
          %get3A = arith.index_cast %rem3A_1215 : i32 to index
          %get3A_1241 = arith.index_cast %mul3A_1240 : i32 to index
          %get3A_1242 = tpu.vector_load %arg12[%get3A, %get3A_1241] {strides = array<i32>} : memref<16x128xf32, #tpu.memory_space<vmem>>, vector<1x16xf32>,
          %get3A_1243 = vector.shape_cast %get3A_1242 : vector<1x16xf32> to vector<16xf32>
          %mul3A_1244 = arith.constant 128 : i32
          %mul3A_1245 = arith.muli %rem3A_1213, %mul3A_1244 : i32
          %mul3A_1246 = arith.constant 16 : i32
          %mul3A_1247 = arith.muli %scan3A_1237, %mul3A_1246 : i32
          %add3A_1248 = arith.addi %mul3A_1245, %mul3A_1247 : i32
          %add3A_1249 = arith.constant 0 : i32
          %add3A_1250 = arith.addi %add3A_1248, %add3A_1249 : i32
          %slice3A = vector.extract_strided_slice %get3A_1243 {offsets = [0], sizes = [1], strides = [1]} : vector<16xf32> to vector<1xf32>
          %squeeze3A = vector.extract %slice3A[0] : f32 from vector<1xf32>
          %get3A_1251 = arith.index_cast %add3A_1250 : i32 to index
          %get3A_1252 = arith.constant 0 : index
          %get3A_1253 = tpu.vector_load %arg13[%get3A_1251, %get3A_1252] {strides = array<i32>} : memref<512x32xf32, #tpu.memory_space<vmem>>, vector<1x16xf32>,
          %get3A_1254 = vector.shape_cast %get3A_1253 : vector<1x16xf32> to vector<16xf32>
          %mul3A_1255 = vector.broadcast %squeeze3A : f32 to vector<16xf32>
          %mul3A_1256 = arith.mulf %get3A_1254, %mul3A_1255 : vector<16xf32>
          %swap3A = arith.index_cast %add3A_1250 : i32 to index
          %swap3A_1257 = arith.constant 0 : index
          %swap3A_1258 = tpu.vector_load %arg13[%swap3A, %swap3A_1257] {strides = array<i32>} : memref<512x32xf32, #tpu.memory_space<vmem>>, vector<1x16xf32>,
          %swap3A_1259 = vector.shape_cast %swap3A_1258 : vector<1x16xf32> to vector<16xf32>
          %swap3A_1260 = vector.shape_cast %mul3A_1256 : vector<16xf32> to vector<1x16xf32>
          tpu.vector_store %arg13[%swap3A, %swap3A_1257], %swap3A_1260 {strides = array<i32>} : memref<512x32xf32, #tpu.memory_space<vmem>>, vector<1x16xf32>,
          %get3A_1261 = arith.index_cast %add3A_1250 : i32 to index
          %get3A_1262 = arith.constant 16 : index
          %get3A_1263 = tpu.vector_load %arg13[%get3A_1261, %get3A_1262] {strides = array<i32>} : memref<512x32xf32, #tpu.memory_space<vmem>>, vector<1x16xf32>,
          %get3A_1264 = vector.shape_cast %get3A_1263 : vector<1x16xf32> to vector<16xf32>
          %mul3A_1265 = vector.broadcast %squeeze3A : f32 to vector<16xf32>
          %mul3A_1266 = arith.mulf %get3A_1264, %mul3A_1265 : vector<16xf32>
          %swap3A_1267 = arith.index_cast %add3A_1250 : i32 to index
          %swap3A_1268 = arith.constant 16 : index
          %swap3A_1269 = tpu.vector_load %arg13[%swap3A_1267, %swap3A_1268] {strides = array<i32>} : memref<512x32xf32, #tpu.memory_space<vmem>>, vector<1x16xf32>,
          %swap3A_1270 = vector.shape_cast %swap3A_1269 : vector<1x16xf32> to vector<16xf32>
          %swap3A_1271 = vector.shape_cast %mul3A_1266 : vector<16xf32> to vector<1x16xf32>
          tpu.vector_store %arg13[%swap3A_1267, %swap3A_1268], %swap3A_1271 {strides = array<i32>} : memref<512x32xf32, #tpu.memory_space<vmem>>, vector<1x16xf32>,
          %mul3A_1272 = arith.constant 128 : i32
          %mul3A_1273 = arith.muli %rem3A_1213, %mul3A_1272 : i32
          %mul3A_1274 = arith.constant 16 : i32
          %mul3A_1275 = arith.muli %scan3A_1237, %mul3A_1274 : i32
          %add3A_1276 = arith.addi %mul3A_1273, %mul3A_1275 : i32
          %add3A_1277 = arith.constant 1 : i32
          %add3A_1278 = arith.addi %add3A_1276, %add3A_1277 : i32
          %slice3A_1279 = vector.extract_strided_slice %get3A_1243 {offsets = [1], sizes = [1], strides = [1]} : vector<16xf32> to vector<1xf32>
          %squeeze3A_1280 = vector.extract %slice3A_1279[0] : f32 from vector<1xf32>
          %get3A_1281 = arith.index_cast %add3A_1278 : i32 to index
          %get3A_1282 = arith.constant 0 : index
          %get3A_1283 = tpu.vector_load %arg13[%get3A_1281, %get3A_1282] {strides = array<i32>} : memref<512x32xf32, #tpu.memory_space<vmem>>, vector<1x16xf32>,
          %get3A_1284 = vector.shape_cast %get3A_1283 : vector<1x16xf32> to vector<16xf32>
          %mul3A_1285 = vector.broadcast %squeeze3A_1280 : f32 to vector<16xf32>
          %mul3A_1286 = arith.mulf %get3A_1284, %mul3A_1285 : vector<16xf32>
          %swap3A_1287 = arith.index_cast %add3A_1278 : i32 to index
          %swap3A_1288 = arith.constant 0 : index
          %swap3A_1289 = tpu.vector_load %arg13[%swap3A_1287, %swap3A_1288] {strides = array<i32>} : memref<512x32xf32, #tpu.memory_space<vmem>>, vector<1x16xf32>,
          %swap3A_1290 = vector.shape_cast %swap3A_1289 : vector<1x16xf32> to vector<16xf32>
          %swap3A_1291 = vector.shape_cast %mul3A_1286 : vector<16xf32> to vector<1x16xf32>
          tpu.vector_store %arg13[%swap3A_1287, %swap3A_1288], %swap3A_1291 {strides = array<i32>} : memref<512x32xf32, #tpu.memory_space<vmem>>, vector<1x16xf32>,
          %get3A_1292 = arith.index_cast %add3A_1278 : i32 to index
          %get3A_1293 = arith.constant 16 : index
          %get3A_1294 = tpu.vector_load %arg13[%get3A_1292, %get3A_1293] {strides = array<i32>} : memref<512x32xf32, #tpu.memory_space<vmem>>, vector<1x16xf32>,
          %get3A_1295 = vector.shape_cast %get3A_1294 : vector<1x16xf32> to vector<16xf32>
          %mul3A_1296 = vector.broadcast %squeeze3A_1280 : f32 to vector<16xf32>
          %mul3A_1297 = arith.mulf %get3A_1295, %mul3A_1296 : vector<16xf32>
          %swap3A_1298 = arith.index_cast %add3A_1278 : i32 to index
          %swap3A_1299 = arith.constant 16 : index
          %swap3A_1300 = tpu.vector_load %arg13[%swap3A_1298, %swap3A_1299] {strides = array<i32>} : memref<512x32xf32, #tpu.memory_space<vmem>>, vector<1x16xf32>,
          %swap3A_1301 = vector.shape_cast %swap3A_1300 : vector<1x16xf32> to vector<16xf32>
          %swap3A_1302 = vector.shape_cast %mul3A_1297 : vector<16xf32> to vector<1x16xf32>
          tpu.vector_store %arg13[%swap3A_1298, %swap3A_1299], %swap3A_1302 {strides = array<i32>} : memref<512x32xf32, #tpu.memory_space<vmem>>, vector<1x16xf32>,
          %mul3A_1303 = arith.constant 128 : i32
          %mul3A_1304 = arith.muli %rem3A_1213, %mul3A_1303 : i32
          %mul3A_1305 = arith.constant 16 : i32
          %mul3A_1306 = arith.muli %scan3A_1237, %mul3A_1305 : i32
          %add3A_1307 = arith.addi %mul3A_1304, %mul3A_1306 : i32
          %add3A_1308 = arith.constant 2 : i32
          %add3A_1309 = arith.addi %add3A_1307, %add3A_1308 : i32
          %slice3A_1310 = vector.extract_strided_slice %get3A_1243 {offsets = [2], sizes = [1], strides = [1]} : vector<16xf32> to vector<1xf32>
          %squeeze3A_1311 = vector.extract %slice3A_1310[0] : f32 from vector<1xf32>
          %get3A_1312 = arith.index_cast %add3A_1309 : i32 to index
          %get3A_1313 = arith.constant 0 : index
          %get3A_1314 = tpu.vector_load %arg13[%get3A_1312, %get3A_1313] {strides = array<i32>} : memref<512x32xf32, #tpu.memory_space<vmem>>, vector<1x16xf32>,
          %get3A_1315 = vector.shape_cast %get3A_1314 : vector<1x16xf32> to vector<16xf32>
          %mul3A_1316 = vector.broadcast %squeeze3A_1311 : f32 to vector<16xf32>
          %mul3A_1317 = arith.mulf %get3A_1315, %mul3A_1316 : vector<16xf32>
          %swap3A_1318 = arith.index_cast %add3A_1309 : i32 to index
          %swap3A_1319 = arith.constant 0 : index
          %swap3A_1320 = tpu.vector_load %arg13[%swap3A_1318, %swap3A_1319] {strides = array<i32>} : memref<512x32xf32, #tpu.memory_space<vmem>>, vector<1x16xf32>,
          %swap3A_1321 = vector.shape_cast %swap3A_1320 : vector<1x16xf32> to vector<16xf32>
          %swap3A_1322 = vector.shape_cast %mul3A_1317 : vector<16xf32> to vector<1x16xf32>
          tpu.vector_store %arg13[%swap3A_1318, %swap3A_1319], %swap3A_1322 {strides = array<i32>} : memref<512x32xf32, #tpu.memory_space<vmem>>, vector<1x16xf32>,
          %get3A_1323 = arith.index_cast %add3A_1309 : i32 to index
          %get3A_1324 = arith.constant 16 : index
          %get3A_1325 = tpu.vector_load %arg13[%get3A_1323, %get3A_1324] {strides = array<i32>} : memref<512x32xf32, #tpu.memory_space<vmem>>, vector<1x16xf32>,
          %get3A_1326 = vector.shape_cast %get3A_1325 : vector<1x16xf32> to vector<16xf32>
          %mul3A_1327 = vector.broadcast %squeeze3A_1311 : f32 to vector<16xf32>
          %mul3A_1328 = arith.mulf %get3A_1326, %mul3A_1327 : vector<16xf32>
          %swap3A_1329 = arith.index_cast %add3A_1309 : i32 to index
          %swap3A_1330 = arith.constant 16 : index
          %swap3A_1331 = tpu.vector_load %arg13[%swap3A_1329, %swap3A_1330] {strides = array<i32>} : memref<512x32xf32, #tpu.memory_space<vmem>>, vector<1x16xf32>,
          %swap3A_1332 = vector.shape_cast %swap3A_1331 : vector<1x16xf32> to vector<16xf32>
          %swap3A_1333 = vector.shape_cast %mul3A_1328 : vector<16xf32> to vector<1x16xf32>
          tpu.vector_store %arg13[%swap3A_1329, %swap3A_1330], %swap3A_1333 {strides = array<i32>} : memref<512x32xf32, #tpu.memory_space<vmem>>, vector<1x16xf32>,
          %mul3A_1334 = arith.constant 128 : i32
          %mul3A_1335 = arith.muli %rem3A_1213, %mul3A_1334 : i32
          %mul3A_1336 = arith.constant 16 : i32
          %mul3A_1337 = arith.muli %scan3A_1237, %mul3A_1336 : i32
          %add3A_1338 = arith.addi %mul3A_1335, %mul3A_1337 : i32
          %add3A_1339 = arith.constant 3 : i32
          %add3A_1340 = arith.addi %add3A_1338, %add3A_1339 : i32
          %slice3A_1341 = vector.extract_strided_slice %get3A_1243 {offsets = [3], sizes = [1], strides = [1]} : vector<16xf32> to vector<1xf32>
          %squeeze3A_1342 = vector.extract %slice3A_1341[0] : f32 from vector<1xf32>
          %get3A_1343 = arith.index_cast %add3A_1340 : i32 to index
          %get3A_1344 = arith.constant 0 : index
          %get3A_1345 = tpu.vector_load %arg13[%get3A_1343, %get3A_1344] {strides = array<i32>} : memref<512x32xf32, #tpu.memory_space<vmem>>, vector<1x16xf32>,
          %get3A_1346 = vector.shape_cast %get3A_1345 : vector<1x16xf32> to vector<16xf32>
          %mul3A_1347 = vector.broadcast %squeeze3A_1342 : f32 to vector<16xf32>
          %mul3A_1348 = arith.mulf %get3A_1346, %mul3A_1347 : vector<16xf32>
          %swap3A_1349 = arith.index_cast %add3A_1340 : i32 to index
          %swap3A_1350 = arith.constant 0 : index
          %swap3A_1351 = tpu.vector_load %arg13[%swap3A_1349, %swap3A_1350] {strides = array<i32>} : memref<512x32xf32, #tpu.memory_space<vmem>>, vector<1x16xf32>,
          %swap3A_1352 = vector.shape_cast %swap3A_1351 : vector<1x16xf32> to vector<16xf32>
          %swap3A_1353 = vector.shape_cast %mul3A_1348 : vector<16xf32> to vector<1x16xf32>
          tpu.vector_store %arg13[%swap3A_1349, %swap3A_1350], %swap3A_1353 {strides = array<i32>} : memref<512x32xf32, #tpu.memory_space<vmem>>, vector<1x16xf32>,
          %get3A_1354 = arith.index_cast %add3A_1340 : i32 to index
          %get3A_1355 = arith.constant 16 : index
          %get3A_1356 = tpu.vector_load %arg13[%get3A_1354, %get3A_1355] {strides = array<i32>} : memref<512x32xf32, #tpu.memory_space<vmem>>, vector<1x16xf32>,
          %get3A_1357 = vector.shape_cast %get3A_1356 : vector<1x16xf32> to vector<16xf32>
          %mul3A_1358 = vector.broadcast %squeeze3A_1342 : f32 to vector<16xf32>
          %mul3A_1359 = arith.mulf %get3A_1357, %mul3A_1358 : vector<16xf32>
          %swap3A_1360 = arith.index_cast %add3A_1340 : i32 to index
          %swap3A_1361 = arith.constant 16 : index
          %swap3A_1362 = tpu.vector_load %arg13[%swap3A_1360, %swap3A_1361] {strides = array<i32>} : memref<512x32xf32, #tpu.memory_space<vmem>>, vector<1x16xf32>,
          %swap3A_1363 = vector.shape_cast %swap3A_1362 : vector<1x16xf32> to vector<16xf32>
          %swap3A_1364 = vector.shape_cast %mul3A_1359 : vector<16xf32> to vector<1x16xf32>
          tpu.vector_store %arg13[%swap3A_1360, %swap3A_1361], %swap3A_1364 {strides = array<i32>} : memref<512x32xf32, #tpu.memory_space<vmem>>, vector<1x16xf32>,
          %mul3A_1365 = arith.constant 128 : i32
          %mul3A_1366 = arith.muli %rem3A_1213, %mul3A_1365 : i32
          %mul3A_1367 = arith.constant 16 : i32
          %mul3A_1368 = arith.muli %scan3A_1237, %mul3A_1367 : i32
          %add3A_1369 = arith.addi %mul3A_1366, %mul3A_1368 : i32
          %add3A_1370 = arith.constant 4 : i32
          %add3A_1371 = arith.addi %add3A_1369, %add3A_1370 : i32
          %slice3A_1372 = vector.extract_strided_slice %get3A_1243 {offsets = [4], sizes = [1], strides = [1]} : vector<16xf32> to vector<1xf32>
          %squeeze3A_1373 = vector.extract %slice3A_1372[0] : f32 from vector<1xf32>
          %get3A_1374 = arith.index_cast %add3A_1371 : i32 to index
          %get3A_1375 = arith.constant 0 : index
          %get3A_1376 = tpu.vector_load %arg13[%get3A_1374, %get3A_1375] {strides = array<i32>} : memref<512x32xf32, #tpu.memory_space<vmem>>, vector<1x16xf32>,
          %get3A_1377 = vector.shape_cast %get3A_1376 : vector<1x16xf32> to vector<16xf32>
          %mul3A_1378 = vector.broadcast %squeeze3A_1373 : f32 to vector<16xf32>
          %mul3A_1379 = arith.mulf %get3A_1377, %mul3A_1378 : vector<16xf32>
          %swap3A_1380 = arith.index_cast %add3A_1371 : i32 to index
          %swap3A_1381 = arith.constant 0 : index
          %swap3A_1382 = tpu.vector_load %arg13[%swap3A_1380, %swap3A_1381] {strides = array<i32>} : memref<512x32xf32, #tpu.memory_space<vmem>>, vector<1x16xf32>,
          %swap3A_1383 = vector.shape_cast %swap3A_1382 : vector<1x16xf32> to vector<16xf32>
          %swap3A_1384 = vector.shape_cast %mul3A_1379 : vector<16xf32> to vector<1x16xf32>
          tpu.vector_store %arg13[%swap3A_1380, %swap3A_1381], %swap3A_1384 {strides = array<i32>} : memref<512x32xf32, #tpu.memory_space<vmem>>, vector<1x16xf32>,
          %get3A_1385 = arith.index_cast %add3A_1371 : i32 to index
          %get3A_1386 = arith.constant 16 : index
          %get3A_1387 = tpu.vector_load %arg13[%get3A_1385, %get3A_1386] {strides = array<i32>} : memref<512x32xf32, #tpu.memory_space<vmem>>, vector<1x16xf32>,
          %get3A_1388 = vector.shape_cast %get3A_1387 : vector<1x16xf32> to vector<16xf32>
          %mul3A_1389 = vector.broadcast %squeeze3A_1373 : f32 to vector<16xf32>
          %mul3A_1390 = arith.mulf %get3A_1388, %mul3A_1389 : vector<16xf32>
          %swap3A_1391 = arith.index_cast %add3A_1371 : i32 to index
          %swap3A_1392 = arith.constant 16 : index
          %swap3A_1393 = tpu.vector_load %arg13[%swap3A_1391, %swap3A_1392] {strides = array<i32>} : memref<512x32xf32, #tpu.memory_space<vmem>>, vector<1x16xf32>,
          %swap3A_1394 = vector.shape_cast %swap3A_1393 : vector<1x16xf32> to vector<16xf32>
          %swap3A_1395 = vector.shape_cast %mul3A_1390 : vector<16xf32> to vector<1x16xf32>
          tpu.vector_store %arg13[%swap3A_1391, %swap3A_1392], %swap3A_1395 {strides = array<i32>} : memref<512x32xf32, #tpu.memory_space<vmem>>, vector<1x16xf32>,
          %mul3A_1396 = arith.constant 128 : i32
          %mul3A_1397 = arith.muli %rem3A_1213, %mul3A_1396 : i32
          %mul3A_1398 = arith.constant 16 : i32
          %mul3A_1399 = arith.muli %scan3A_1237, %mul3A_1398 : i32
          %add3A_1400 = arith.addi %mul3A_1397, %mul3A_1399 : i32
          %add3A_1401 = arith.constant 5 : i32
          %add3A_1402 = arith.addi %add3A_1400, %add3A_1401 : i32
          %slice3A_1403 = vector.extract_strided_slice %get3A_1243 {offsets = [5], sizes = [1], strides = [1]} : vector<16xf32> to vector<1xf32>
          %squeeze3A_1404 = vector.extract %slice3A_1403[0] : f32 from vector<1xf32>
          %get3A_1405 = arith.index_cast %add3A_1402 : i32 to index
          %get3A_1406 = arith.constant 0 : index
          %get3A_1407 = tpu.vector_load %arg13[%get3A_1405, %get3A_1406] {strides = array<i32>} : memref<512x32xf32, #tpu.memory_space<vmem>>, vector<1x16xf32>,
          %get3A_1408 = vector.shape_cast %get3A_1407 : vector<1x16xf32> to vector<16xf32>
          %mul3A_1409 = vector.broadcast %squeeze3A_1404 : f32 to vector<16xf32>
          %mul3A_1410 = arith.mulf %get3A_1408, %mul3A_1409 : vector<16xf32>
          %swap3A_1411 = arith.index_cast %add3A_1402 : i32 to index
          %swap3A_1412 = arith.constant 0 : index
          %swap3A_1413 = tpu.vector_load %arg13[%swap3A_1411, %swap3A_1412] {strides = array<i32>} : memref<512x32xf32, #tpu.memory_space<vmem>>, vector<1x16xf32>,
          %swap3A_1414 = vector.shape_cast %swap3A_1413 : vector<1x16xf32> to vector<16xf32>
          %swap3A_1415 = vector.shape_cast %mul3A_1410 : vector<16xf32> to vector<1x16xf32>
          tpu.vector_store %arg13[%swap3A_1411, %swap3A_1412], %swap3A_1415 {strides = array<i32>} : memref<512x32xf32, #tpu.memory_space<vmem>>, vector<1x16xf32>,
          %get3A_1416 = arith.index_cast %add3A_1402 : i32 to index
          %get3A_1417 = arith.constant 16 : index
          %get3A_1418 = tpu.vector_load %arg13[%get3A_1416, %get3A_1417] {strides = array<i32>} : memref<512x32xf32, #tpu.memory_space<vmem>>, vector<1x16xf32>,
          %get3A_1419 = vector.shape_cast %get3A_1418 : vector<1x16xf32> to vector<16xf32>
          %mul3A_1420 = vector.broadcast %squeeze3A_1404 : f32 to vector<16xf32>
          %mul3A_1421 = arith.mulf %get3A_1419, %mul3A_1420 : vector<16xf32>
          %swap3A_1422 = arith.index_cast %add3A_1402 : i32 to index
          %swap3A_1423 = arith.constant 16 : index
          %swap3A_1424 = tpu.vector_load %arg13[%swap3A_1422, %swap3A_1423] {strides = array<i32>} : memref<512x32xf32, #tpu.memory_space<vmem>>, vector<1x16xf32>,
          %swap3A_1425 = vector.shape_cast %swap3A_1424 : vector<1x16xf32> to vector<16xf32>
          %swap3A_1426 = vector.shape_cast %mul3A_1421 : vector<16xf32> to vector<1x16xf32>
          tpu.vector_store %arg13[%swap3A_1422, %swap3A_1423], %swap3A_1426 {strides = array<i32>} : memref<512x32xf32, #tpu.memory_space<vmem>>, vector<1x16xf32>,
          %mul3A_1427 = arith.constant 128 : i32
          %mul3A_1428 = arith.muli %rem3A_1213, %mul3A_1427 : i32
          %mul3A_1429 = arith.constant 16 : i32
          %mul3A_1430 = arith.muli %scan3A_1237, %mul3A_1429 : i32
          %add3A_1431 = arith.addi %mul3A_1428, %mul3A_1430 : i32
          %add3A_1432 = arith.constant 6 : i32
          %add3A_1433 = arith.addi %add3A_1431, %add3A_1432 : i32
          %slice3A_1434 = vector.extract_strided_slice %get3A_1243 {offsets = [6], sizes = [1], strides = [1]} : vector<16xf32> to vector<1xf32>
          %squeeze3A_1435 = vector.extract %slice3A_1434[0] : f32 from vector<1xf32>
          %get3A_1436 = arith.index_cast %add3A_1433 : i32 to index
          %get3A_1437 = arith.constant 0 : index
          %get3A_1438 = tpu.vector_load %arg13[%get3A_1436, %get3A_1437] {strides = array<i32>} : memref<512x32xf32, #tpu.memory_space<vmem>>, vector<1x16xf32>,
          %get3A_1439 = vector.shape_cast %get3A_1438 : vector<1x16xf32> to vector<16xf32>
          %mul3A_1440 = vector.broadcast %squeeze3A_1435 : f32 to vector<16xf32>
          %mul3A_1441 = arith.mulf %get3A_1439, %mul3A_1440 : vector<16xf32>
          %swap3A_1442 = arith.index_cast %add3A_1433 : i32 to index
          %swap3A_1443 = arith.constant 0 : index
          %swap3A_1444 = tpu.vector_load %arg13[%swap3A_1442, %swap3A_1443] {strides = array<i32>} : memref<512x32xf32, #tpu.memory_space<vmem>>, vector<1x16xf32>,
          %swap3A_1445 = vector.shape_cast %swap3A_1444 : vector<1x16xf32> to vector<16xf32>
          %swap3A_1446 = vector.shape_cast %mul3A_1441 : vector<16xf32> to vector<1x16xf32>
          tpu.vector_store %arg13[%swap3A_1442, %swap3A_1443], %swap3A_1446 {strides = array<i32>} : memref<512x32xf32, #tpu.memory_space<vmem>>, vector<1x16xf32>,
          %get3A_1447 = arith.index_cast %add3A_1433 : i32 to index
          %get3A_1448 = arith.constant 16 : index
          %get3A_1449 = tpu.vector_load %arg13[%get3A_1447, %get3A_1448] {strides = array<i32>} : memref<512x32xf32, #tpu.memory_space<vmem>>, vector<1x16xf32>,
          %get3A_1450 = vector.shape_cast %get3A_1449 : vector<1x16xf32> to vector<16xf32>
          %mul3A_1451 = vector.broadcast %squeeze3A_1435 : f32 to vector<16xf32>
          %mul3A_1452 = arith.mulf %get3A_1450, %mul3A_1451 : vector<16xf32>
          %swap3A_1453 = arith.index_cast %add3A_1433 : i32 to index
          %swap3A_1454 = arith.constant 16 : index
          %swap3A_1455 = tpu.vector_load %arg13[%swap3A_1453, %swap3A_1454] {strides = array<i32>} : memref<512x32xf32, #tpu.memory_space<vmem>>, vector<1x16xf32>,
          %swap3A_1456 = vector.shape_cast %swap3A_1455 : vector<1x16xf32> to vector<16xf32>
          %swap3A_1457 = vector.shape_cast %mul3A_1452 : vector<16xf32> to vector<1x16xf32>
          tpu.vector_store %arg13[%swap3A_1453, %swap3A_1454], %swap3A_1457 {strides = array<i32>} : memref<512x32xf32, #tpu.memory_space<vmem>>, vector<1x16xf32>,
          %mul3A_1458 = arith.constant 128 : i32
          %mul3A_1459 = arith.muli %rem3A_1213, %mul3A_1458 : i32
          %mul3A_1460 = arith.constant 16 : i32
          %mul3A_1461 = arith.muli %scan3A_1237, %mul3A_1460 : i32
          %add3A_1462 = arith.addi %mul3A_1459, %mul3A_1461 : i32
          %add3A_1463 = arith.constant 7 : i32
          %add3A_1464 = arith.addi %add3A_1462, %add3A_1463 : i32
          %slice3A_1465 = vector.extract_strided_slice %get3A_1243 {offsets = [7], sizes = [1], strides = [1]} : vector<16xf32> to vector<1xf32>
          %squeeze3A_1466 = vector.extract %slice3A_1465[0] : f32 from vector<1xf32>
          %get3A_1467 = arith.index_cast %add3A_1464 : i32 to index
          %get3A_1468 = arith.constant 0 : index
          %get3A_1469 = tpu.vector_load %arg13[%get3A_1467, %get3A_1468] {strides = array<i32>} : memref<512x32xf32, #tpu.memory_space<vmem>>, vector<1x16xf32>,
          %get3A_1470 = vector.shape_cast %get3A_1469 : vector<1x16xf32> to vector<16xf32>
          %mul3A_1471 = vector.broadcast %squeeze3A_1466 : f32 to vector<16xf32>
          %mul3A_1472 = arith.mulf %get3A_1470, %mul3A_1471 : vector<16xf32>
          %swap3A_1473 = arith.index_cast %add3A_1464 : i32 to index
          %swap3A_1474 = arith.constant 0 : index
          %swap3A_1475 = tpu.vector_load %arg13[%swap3A_1473, %swap3A_1474] {strides = array<i32>} : memref<512x32xf32, #tpu.memory_space<vmem>>, vector<1x16xf32>,
          %swap3A_1476 = vector.shape_cast %swap3A_1475 : vector<1x16xf32> to vector<16xf32>
          %swap3A_1477 = vector.shape_cast %mul3A_1472 : vector<16xf32> to vector<1x16xf32>
          tpu.vector_store %arg13[%swap3A_1473, %swap3A_1474], %swap3A_1477 {strides = array<i32>} : memref<512x32xf32, #tpu.memory_space<vmem>>, vector<1x16xf32>,
          %get3A_1478 = arith.index_cast %add3A_1464 : i32 to index
          %get3A_1479 = arith.constant 16 : index
          %get3A_1480 = tpu.vector_load %arg13[%get3A_1478, %get3A_1479] {strides = array<i32>} : memref<512x32xf32, #tpu.memory_space<vmem>>, vector<1x16xf32>,
          %get3A_1481 = vector.shape_cast %get3A_1480 : vector<1x16xf32> to vector<16xf32>
          %mul3A_1482 = vector.broadcast %squeeze3A_1466 : f32 to vector<16xf32>
          %mul3A_1483 = arith.mulf %get3A_1481, %mul3A_1482 : vector<16xf32>
          %swap3A_1484 = arith.index_cast %add3A_1464 : i32 to index
          %swap3A_1485 = arith.constant 16 : index
          %swap3A_1486 = tpu.vector_load %arg13[%swap3A_1484, %swap3A_1485] {strides = array<i32>} : memref<512x32xf32, #tpu.memory_space<vmem>>, vector<1x16xf32>,
          %swap3A_1487 = vector.shape_cast %swap3A_1486 : vector<1x16xf32> to vector<16xf32>
          %swap3A_1488 = vector.shape_cast %mul3A_1483 : vector<16xf32> to vector<1x16xf32>
          tpu.vector_store %arg13[%swap3A_1484, %swap3A_1485], %swap3A_1488 {strides = array<i32>} : memref<512x32xf32, #tpu.memory_space<vmem>>, vector<1x16xf32>,
          %mul3A_1489 = arith.constant 128 : i32
          %mul3A_1490 = arith.muli %rem3A_1213, %mul3A_1489 : i32
          %mul3A_1491 = arith.constant 16 : i32
          %mul3A_1492 = arith.muli %scan3A_1237, %mul3A_1491 : i32
          %add3A_1493 = arith.addi %mul3A_1490, %mul3A_1492 : i32
          %add3A_1494 = arith.constant 8 : i32
          %add3A_1495 = arith.addi %add3A_1493, %add3A_1494 : i32
          %slice3A_1496 = vector.extract_strided_slice %get3A_1243 {offsets = [8], sizes = [1], strides = [1]} : vector<16xf32> to vector<1xf32>
          %squeeze3A_1497 = vector.extract %slice3A_1496[0] : f32 from vector<1xf32>
          %get3A_1498 = arith.index_cast %add3A_1495 : i32 to index
          %get3A_1499 = arith.constant 0 : index
          %get3A_1500 = tpu.vector_load %arg13[%get3A_1498, %get3A_1499] {strides = array<i32>} : memref<512x32xf32, #tpu.memory_space<vmem>>, vector<1x16xf32>,
          %get3A_1501 = vector.shape_cast %get3A_1500 : vector<1x16xf32> to vector<16xf32>
          %mul3A_1502 = vector.broadcast %squeeze3A_1497 : f32 to vector<16xf32>
          %mul3A_1503 = arith.mulf %get3A_1501, %mul3A_1502 : vector<16xf32>
          %swap3A_1504 = arith.index_cast %add3A_1495 : i32 to index
          %swap3A_1505 = arith.constant 0 : index
          %swap3A_1506 = tpu.vector_load %arg13[%swap3A_1504, %swap3A_1505] {strides = array<i32>} : memref<512x32xf32, #tpu.memory_space<vmem>>, vector<1x16xf32>,
          %swap3A_1507 = vector.shape_cast %swap3A_1506 : vector<1x16xf32> to vector<16xf32>
          %swap3A_1508 = vector.shape_cast %mul3A_1503 : vector<16xf32> to vector<1x16xf32>
          tpu.vector_store %arg13[%swap3A_1504, %swap3A_1505], %swap3A_1508 {strides = array<i32>} : memref<512x32xf32, #tpu.memory_space<vmem>>, vector<1x16xf32>,
          %get3A_1509 = arith.index_cast %add3A_1495 : i32 to index
          %get3A_1510 = arith.constant 16 : index
          %get3A_1511 = tpu.vector_load %arg13[%get3A_1509, %get3A_1510] {strides = array<i32>} : memref<512x32xf32, #tpu.memory_space<vmem>>, vector<1x16xf32>,
          %get3A_1512 = vector.shape_cast %get3A_1511 : vector<1x16xf32> to vector<16xf32>
          %mul3A_1513 = vector.broadcast %squeeze3A_1497 : f32 to vector<16xf32>
          %mul3A_1514 = arith.mulf %get3A_1512, %mul3A_1513 : vector<16xf32>
          %swap3A_1515 = arith.index_cast %add3A_1495 : i32 to index
          %swap3A_1516 = arith.constant 16 : index
          %swap3A_1517 = tpu.vector_load %arg13[%swap3A_1515, %swap3A_1516] {strides = array<i32>} : memref<512x32xf32, #tpu.memory_space<vmem>>, vector<1x16xf32>,
          %swap3A_1518 = vector.shape_cast %swap3A_1517 : vector<1x16xf32> to vector<16xf32>
          %swap3A_1519 = vector.shape_cast %mul3A_1514 : vector<16xf32> to vector<1x16xf32>
          tpu.vector_store %arg13[%swap3A_1515, %swap3A_1516], %swap3A_1519 {strides = array<i32>} : memref<512x32xf32, #tpu.memory_space<vmem>>, vector<1x16xf32>,
          %mul3A_1520 = arith.constant 128 : i32
          %mul3A_1521 = arith.muli %rem3A_1213, %mul3A_1520 : i32
          %mul3A_1522 = arith.constant 16 : i32
          %mul3A_1523 = arith.muli %scan3A_1237, %mul3A_1522 : i32
          %add3A_1524 = arith.addi %mul3A_1521, %mul3A_1523 : i32
          %add3A_1525 = arith.constant 9 : i32
          %add3A_1526 = arith.addi %add3A_1524, %add3A_1525 : i32
          %slice3A_1527 = vector.extract_strided_slice %get3A_1243 {offsets = [9], sizes = [1], strides = [1]} : vector<16xf32> to vector<1xf32>
          %squeeze3A_1528 = vector.extract %slice3A_1527[0] : f32 from vector<1xf32>
          %get3A_1529 = arith.index_cast %add3A_1526 : i32 to index
          %get3A_1530 = arith.constant 0 : index
          %get3A_1531 = tpu.vector_load %arg13[%get3A_1529, %get3A_1530] {strides = array<i32>} : memref<512x32xf32, #tpu.memory_space<vmem>>, vector<1x16xf32>,
          %get3A_1532 = vector.shape_cast %get3A_1531 : vector<1x16xf32> to vector<16xf32>
          %mul3A_1533 = vector.broadcast %squeeze3A_1528 : f32 to vector<16xf32>
          %mul3A_1534 = arith.mulf %get3A_1532, %mul3A_1533 : vector<16xf32>
          %swap3A_1535 = arith.index_cast %add3A_1526 : i32 to index
          %swap3A_1536 = arith.constant 0 : index
          %swap3A_1537 = tpu.vector_load %arg13[%swap3A_1535, %swap3A_1536] {strides = array<i32>} : memref<512x32xf32, #tpu.memory_space<vmem>>, vector<1x16xf32>,
          %swap3A_1538 = vector.shape_cast %swap3A_1537 : vector<1x16xf32> to vector<16xf32>
          %swap3A_1539 = vector.shape_cast %mul3A_1534 : vector<16xf32> to vector<1x16xf32>
          tpu.vector_store %arg13[%swap3A_1535, %swap3A_1536], %swap3A_1539 {strides = array<i32>} : memref<512x32xf32, #tpu.memory_space<vmem>>, vector<1x16xf32>,
          %get3A_1540 = arith.index_cast %add3A_1526 : i32 to index
          %get3A_1541 = arith.constant 16 : index
          %get3A_1542 = tpu.vector_load %arg13[%get3A_1540, %get3A_1541] {strides = array<i32>} : memref<512x32xf32, #tpu.memory_space<vmem>>, vector<1x16xf32>,
          %get3A_1543 = vector.shape_cast %get3A_1542 : vector<1x16xf32> to vector<16xf32>
          %mul3A_1544 = vector.broadcast %squeeze3A_1528 : f32 to vector<16xf32>
          %mul3A_1545 = arith.mulf %get3A_1543, %mul3A_1544 : vector<16xf32>
          %swap3A_1546 = arith.index_cast %add3A_1526 : i32 to index
          %swap3A_1547 = arith.constant 16 : index
          %swap3A_1548 = tpu.vector_load %arg13[%swap3A_1546, %swap3A_1547] {strides = array<i32>} : memref<512x32xf32, #tpu.memory_space<vmem>>, vector<1x16xf32>,
          %swap3A_1549 = vector.shape_cast %swap3A_1548 : vector<1x16xf32> to vector<16xf32>
          %swap3A_1550 = vector.shape_cast %mul3A_1545 : vector<16xf32> to vector<1x16xf32>
          tpu.vector_store %arg13[%swap3A_1546, %swap3A_1547], %swap3A_1550 {strides = array<i32>} : memref<512x32xf32, #tpu.memory_space<vmem>>, vector<1x16xf32>,
          %mul3A_1551 = arith.constant 128 : i32
          %mul3A_1552 = arith.muli %rem3A_1213, %mul3A_1551 : i32
          %mul3A_1553 = arith.constant 16 : i32
          %mul3A_1554 = arith.muli %scan3A_1237, %mul3A_1553 : i32
          %add3A_1555 = arith.addi %mul3A_1552, %mul3A_1554 : i32
          %add3A_1556 = arith.constant 10 : i32
          %add3A_1557 = arith.addi %add3A_1555, %add3A_1556 : i32
          %slice3A_1558 = vector.extract_strided_slice %get3A_1243 {offsets = [10], sizes = [1], strides = [1]} : vector<16xf32> to vector<1xf32>
          %squeeze3A_1559 = vector.extract %slice3A_1558[0] : f32 from vector<1xf32>
          %get3A_1560 = arith.index_cast %add3A_1557 : i32 to index
          %get3A_1561 = arith.constant 0 : index
          %get3A_1562 = tpu.vector_load %arg13[%get3A_1560, %get3A_1561] {strides = array<i32>} : memref<512x32xf32, #tpu.memory_space<vmem>>, vector<1x16xf32>,
          %get3A_1563 = vector.shape_cast %get3A_1562 : vector<1x16xf32> to vector<16xf32>
          %mul3A_1564 = vector.broadcast %squeeze3A_1559 : f32 to vector<16xf32>
          %mul3A_1565 = arith.mulf %get3A_1563, %mul3A_1564 : vector<16xf32>
          %swap3A_1566 = arith.index_cast %add3A_1557 : i32 to index
          %swap3A_1567 = arith.constant 0 : index
          %swap3A_1568 = tpu.vector_load %arg13[%swap3A_1566, %swap3A_1567] {strides = array<i32>} : memref<512x32xf32, #tpu.memory_space<vmem>>, vector<1x16xf32>,
          %swap3A_1569 = vector.shape_cast %swap3A_1568 : vector<1x16xf32> to vector<16xf32>
          %swap3A_1570 = vector.shape_cast %mul3A_1565 : vector<16xf32> to vector<1x16xf32>
          tpu.vector_store %arg13[%swap3A_1566, %swap3A_1567], %swap3A_1570 {strides = array<i32>} : memref<512x32xf32, #tpu.memory_space<vmem>>, vector<1x16xf32>,
          %get3A_1571 = arith.index_cast %add3A_1557 : i32 to index
          %get3A_1572 = arith.constant 16 : index
          %get3A_1573 = tpu.vector_load %arg13[%get3A_1571, %get3A_1572] {strides = array<i32>} : memref<512x32xf32, #tpu.memory_space<vmem>>, vector<1x16xf32>,
          %get3A_1574 = vector.shape_cast %get3A_1573 : vector<1x16xf32> to vector<16xf32>
          %mul3A_1575 = vector.broadcast %squeeze3A_1559 : f32 to vector<16xf32>
          %mul3A_1576 = arith.mulf %get3A_1574, %mul3A_1575 : vector<16xf32>
          %swap3A_1577 = arith.index_cast %add3A_1557 : i32 to index
          %swap3A_1578 = arith.constant 16 : index
          %swap3A_1579 = tpu.vector_load %arg13[%swap3A_1577, %swap3A_1578] {strides = array<i32>} : memref<512x32xf32, #tpu.memory_space<vmem>>, vector<1x16xf32>,
          %swap3A_1580 = vector.shape_cast %swap3A_1579 : vector<1x16xf32> to vector<16xf32>
          %swap3A_1581 = vector.shape_cast %mul3A_1576 : vector<16xf32> to vector<1x16xf32>
          tpu.vector_store %arg13[%swap3A_1577, %swap3A_1578], %swap3A_1581 {strides = array<i32>} : memref<512x32xf32, #tpu.memory_space<vmem>>, vector<1x16xf32>,
          %mul3A_1582 = arith.constant 128 : i32
          %mul3A_1583 = arith.muli %rem3A_1213, %mul3A_1582 : i32
          %mul3A_1584 = arith.constant 16 : i32
          %mul3A_1585 = arith.muli %scan3A_1237, %mul3A_1584 : i32
          %add3A_1586 = arith.addi %mul3A_1583, %mul3A_1585 : i32
          %add3A_1587 = arith.constant 11 : i32
          %add3A_1588 = arith.addi %add3A_1586, %add3A_1587 : i32
          %slice3A_1589 = vector.extract_strided_slice %get3A_1243 {offsets = [11], sizes = [1], strides = [1]} : vector<16xf32> to vector<1xf32>
          %squeeze3A_1590 = vector.extract %slice3A_1589[0] : f32 from vector<1xf32>
          %get3A_1591 = arith.index_cast %add3A_1588 : i32 to index
          %get3A_1592 = arith.constant 0 : index
          %get3A_1593 = tpu.vector_load %arg13[%get3A_1591, %get3A_1592] {strides = array<i32>} : memref<512x32xf32, #tpu.memory_space<vmem>>, vector<1x16xf32>,
          %get3A_1594 = vector.shape_cast %get3A_1593 : vector<1x16xf32> to vector<16xf32>
          %mul3A_1595 = vector.broadcast %squeeze3A_1590 : f32 to vector<16xf32>
          %mul3A_1596 = arith.mulf %get3A_1594, %mul3A_1595 : vector<16xf32>
          %swap3A_1597 = arith.index_cast %add3A_1588 : i32 to index
          %swap3A_1598 = arith.constant 0 : index
          %swap3A_1599 = tpu.vector_load %arg13[%swap3A_1597, %swap3A_1598] {strides = array<i32>} : memref<512x32xf32, #tpu.memory_space<vmem>>, vector<1x16xf32>,
          %swap3A_1600 = vector.shape_cast %swap3A_1599 : vector<1x16xf32> to vector<16xf32>
          %swap3A_1601 = vector.shape_cast %mul3A_1596 : vector<16xf32> to vector<1x16xf32>
          tpu.vector_store %arg13[%swap3A_1597, %swap3A_1598], %swap3A_1601 {strides = array<i32>} : memref<512x32xf32, #tpu.memory_space<vmem>>, vector<1x16xf32>,
          %get3A_1602 = arith.index_cast %add3A_1588 : i32 to index
          %get3A_1603 = arith.constant 16 : index
          %get3A_1604 = tpu.vector_load %arg13[%get3A_1602, %get3A_1603] {strides = array<i32>} : memref<512x32xf32, #tpu.memory_space<vmem>>, vector<1x16xf32>,
          %get3A_1605 = vector.shape_cast %get3A_1604 : vector<1x16xf32> to vector<16xf32>
          %mul3A_1606 = vector.broadcast %squeeze3A_1590 : f32 to vector<16xf32>
          %mul3A_1607 = arith.mulf %get3A_1605, %mul3A_1606 : vector<16xf32>
          %swap3A_1608 = arith.index_cast %add3A_1588 : i32 to index
          %swap3A_1609 = arith.constant 16 : index
          %swap3A_1610 = tpu.vector_load %arg13[%swap3A_1608, %swap3A_1609] {strides = array<i32>} : memref<512x32xf32, #tpu.memory_space<vmem>>, vector<1x16xf32>,
          %swap3A_1611 = vector.shape_cast %swap3A_1610 : vector<1x16xf32> to vector<16xf32>
          %swap3A_1612 = vector.shape_cast %mul3A_1607 : vector<16xf32> to vector<1x16xf32>
          tpu.vector_store %arg13[%swap3A_1608, %swap3A_1609], %swap3A_1612 {strides = array<i32>} : memref<512x32xf32, #tpu.memory_space<vmem>>, vector<1x16xf32>,
          %mul3A_1613 = arith.constant 128 : i32
          %mul3A_1614 = arith.muli %rem3A_1213, %mul3A_1613 : i32
          %mul3A_1615 = arith.constant 16 : i32
          %mul3A_1616 = arith.muli %scan3A_1237, %mul3A_1615 : i32
          %add3A_1617 = arith.addi %mul3A_1614, %mul3A_1616 : i32
          %add3A_1618 = arith.constant 12 : i32
          %add3A_1619 = arith.addi %add3A_1617, %add3A_1618 : i32
          %slice3A_1620 = vector.extract_strided_slice %get3A_1243 {offsets = [12], sizes = [1], strides = [1]} : vector<16xf32> to vector<1xf32>
          %squeeze3A_1621 = vector.extract %slice3A_1620[0] : f32 from vector<1xf32>
          %get3A_1622 = arith.index_cast %add3A_1619 : i32 to index
          %get3A_1623 = arith.constant 0 : index
          %get3A_1624 = tpu.vector_load %arg13[%get3A_1622, %get3A_1623] {strides = array<i32>} : memref<512x32xf32, #tpu.memory_space<vmem>>, vector<1x16xf32>,
          %get3A_1625 = vector.shape_cast %get3A_1624 : vector<1x16xf32> to vector<16xf32>
          %mul3A_1626 = vector.broadcast %squeeze3A_1621 : f32 to vector<16xf32>
          %mul3A_1627 = arith.mulf %get3A_1625, %mul3A_1626 : vector<16xf32>
          %swap3A_1628 = arith.index_cast %add3A_1619 : i32 to index
          %swap3A_1629 = arith.constant 0 : index
          %swap3A_1630 = tpu.vector_load %arg13[%swap3A_1628, %swap3A_1629] {strides = array<i32>} : memref<512x32xf32, #tpu.memory_space<vmem>>, vector<1x16xf32>,
          %swap3A_1631 = vector.shape_cast %swap3A_1630 : vector<1x16xf32> to vector<16xf32>
          %swap3A_1632 = vector.shape_cast %mul3A_1627 : vector<16xf32> to vector<1x16xf32>
          tpu.vector_store %arg13[%swap3A_1628, %swap3A_1629], %swap3A_1632 {strides = array<i32>} : memref<512x32xf32, #tpu.memory_space<vmem>>, vector<1x16xf32>,
          %get3A_1633 = arith.index_cast %add3A_1619 : i32 to index
          %get3A_1634 = arith.constant 16 : index
          %get3A_1635 = tpu.vector_load %arg13[%get3A_1633, %get3A_1634] {strides = array<i32>} : memref<512x32xf32, #tpu.memory_space<vmem>>, vector<1x16xf32>,
          %get3A_1636 = vector.shape_cast %get3A_1635 : vector<1x16xf32> to vector<16xf32>
          %mul3A_1637 = vector.broadcast %squeeze3A_1621 : f32 to vector<16xf32>
          %mul3A_1638 = arith.mulf %get3A_1636, %mul3A_1637 : vector<16xf32>
          %swap3A_1639 = arith.index_cast %add3A_1619 : i32 to index
          %swap3A_1640 = arith.constant 16 : index
          %swap3A_1641 = tpu.vector_load %arg13[%swap3A_1639, %swap3A_1640] {strides = array<i32>} : memref<512x32xf32, #tpu.memory_space<vmem>>, vector<1x16xf32>,
          %swap3A_1642 = vector.shape_cast %swap3A_1641 : vector<1x16xf32> to vector<16xf32>
          %swap3A_1643 = vector.shape_cast %mul3A_1638 : vector<16xf32> to vector<1x16xf32>
          tpu.vector_store %arg13[%swap3A_1639, %swap3A_1640], %swap3A_1643 {strides = array<i32>} : memref<512x32xf32, #tpu.memory_space<vmem>>, vector<1x16xf32>,
          %mul3A_1644 = arith.constant 128 : i32
          %mul3A_1645 = arith.muli %rem3A_1213, %mul3A_1644 : i32
          %mul3A_1646 = arith.constant 16 : i32
          %mul3A_1647 = arith.muli %scan3A_1237, %mul3A_1646 : i32
          %add3A_1648 = arith.addi %mul3A_1645, %mul3A_1647 : i32
          %add3A_1649 = arith.constant 13 : i32
          %add3A_1650 = arith.addi %add3A_1648, %add3A_1649 : i32
          %slice3A_1651 = vector.extract_strided_slice %get3A_1243 {offsets = [13], sizes = [1], strides = [1]} : vector<16xf32> to vector<1xf32>
          %squeeze3A_1652 = vector.extract %slice3A_1651[0] : f32 from vector<1xf32>
          %get3A_1653 = arith.index_cast %add3A_1650 : i32 to index
          %get3A_1654 = arith.constant 0 : index
          %get3A_1655 = tpu.vector_load %arg13[%get3A_1653, %get3A_1654] {strides = array<i32>} : memref<512x32xf32, #tpu.memory_space<vmem>>, vector<1x16xf32>,
          %get3A_1656 = vector.shape_cast %get3A_1655 : vector<1x16xf32> to vector<16xf32>
          %mul3A_1657 = vector.broadcast %squeeze3A_1652 : f32 to vector<16xf32>
          %mul3A_1658 = arith.mulf %get3A_1656, %mul3A_1657 : vector<16xf32>
          %swap3A_1659 = arith.index_cast %add3A_1650 : i32 to index
          %swap3A_1660 = arith.constant 0 : index
          %swap3A_1661 = tpu.vector_load %arg13[%swap3A_1659, %swap3A_1660] {strides = array<i32>} : memref<512x32xf32, #tpu.memory_space<vmem>>, vector<1x16xf32>,
          %swap3A_1662 = vector.shape_cast %swap3A_1661 : vector<1x16xf32> to vector<16xf32>
          %swap3A_1663 = vector.shape_cast %mul3A_1658 : vector<16xf32> to vector<1x16xf32>
          tpu.vector_store %arg13[%swap3A_1659, %swap3A_1660], %swap3A_1663 {strides = array<i32>} : memref<512x32xf32, #tpu.memory_space<vmem>>, vector<1x16xf32>,
          %get3A_1664 = arith.index_cast %add3A_1650 : i32 to index
          %get3A_1665 = arith.constant 16 : index
          %get3A_1666 = tpu.vector_load %arg13[%get3A_1664, %get3A_1665] {strides = array<i32>} : memref<512x32xf32, #tpu.memory_space<vmem>>, vector<1x16xf32>,
          %get3A_1667 = vector.shape_cast %get3A_1666 : vector<1x16xf32> to vector<16xf32>
          %mul3A_1668 = vector.broadcast %squeeze3A_1652 : f32 to vector<16xf32>
          %mul3A_1669 = arith.mulf %get3A_1667, %mul3A_1668 : vector<16xf32>
          %swap3A_1670 = arith.index_cast %add3A_1650 : i32 to index
          %swap3A_1671 = arith.constant 16 : index
          %swap3A_1672 = tpu.vector_load %arg13[%swap3A_1670, %swap3A_1671] {strides = array<i32>} : memref<512x32xf32, #tpu.memory_space<vmem>>, vector<1x16xf32>,
          %swap3A_1673 = vector.shape_cast %swap3A_1672 : vector<1x16xf32> to vector<16xf32>
          %swap3A_1674 = vector.shape_cast %mul3A_1669 : vector<16xf32> to vector<1x16xf32>
          tpu.vector_store %arg13[%swap3A_1670, %swap3A_1671], %swap3A_1674 {strides = array<i32>} : memref<512x32xf32, #tpu.memory_space<vmem>>, vector<1x16xf32>,
          %mul3A_1675 = arith.constant 128 : i32
          %mul3A_1676 = arith.muli %rem3A_1213, %mul3A_1675 : i32
          %mul3A_1677 = arith.constant 16 : i32
          %mul3A_1678 = arith.muli %scan3A_1237, %mul3A_1677 : i32
          %add3A_1679 = arith.addi %mul3A_1676, %mul3A_1678 : i32
          %add3A_1680 = arith.constant 14 : i32
          %add3A_1681 = arith.addi %add3A_1679, %add3A_1680 : i32
          %slice3A_1682 = vector.extract_strided_slice %get3A_1243 {offsets = [14], sizes = [1], strides = [1]} : vector<16xf32> to vector<1xf32>
          %squeeze3A_1683 = vector.extract %slice3A_1682[0] : f32 from vector<1xf32>
          %get3A_1684 = arith.index_cast %add3A_1681 : i32 to index
          %get3A_1685 = arith.constant 0 : index
          %get3A_1686 = tpu.vector_load %arg13[%get3A_1684, %get3A_1685] {strides = array<i32>} : memref<512x32xf32, #tpu.memory_space<vmem>>, vector<1x16xf32>,
          %get3A_1687 = vector.shape_cast %get3A_1686 : vector<1x16xf32> to vector<16xf32>
          %mul3A_1688 = vector.broadcast %squeeze3A_1683 : f32 to vector<16xf32>
          %mul3A_1689 = arith.mulf %get3A_1687, %mul3A_1688 : vector<16xf32>
          %swap3A_1690 = arith.index_cast %add3A_1681 : i32 to index
          %swap3A_1691 = arith.constant 0 : index
          %swap3A_1692 = tpu.vector_load %arg13[%swap3A_1690, %swap3A_1691] {strides = array<i32>} : memref<512x32xf32, #tpu.memory_space<vmem>>, vector<1x16xf32>,
          %swap3A_1693 = vector.shape_cast %swap3A_1692 : vector<1x16xf32> to vector<16xf32>
          %swap3A_1694 = vector.shape_cast %mul3A_1689 : vector<16xf32> to vector<1x16xf32>
          tpu.vector_store %arg13[%swap3A_1690, %swap3A_1691], %swap3A_1694 {strides = array<i32>} : memref<512x32xf32, #tpu.memory_space<vmem>>, vector<1x16xf32>,
          %get3A_1695 = arith.index_cast %add3A_1681 : i32 to index
          %get3A_1696 = arith.constant 16 : index
          %get3A_1697 = tpu.vector_load %arg13[%get3A_1695, %get3A_1696] {strides = array<i32>} : memref<512x32xf32, #tpu.memory_space<vmem>>, vector<1x16xf32>,
          %get3A_1698 = vector.shape_cast %get3A_1697 : vector<1x16xf32> to vector<16xf32>
          %mul3A_1699 = vector.broadcast %squeeze3A_1683 : f32 to vector<16xf32>
          %mul3A_1700 = arith.mulf %get3A_1698, %mul3A_1699 : vector<16xf32>
          %swap3A_1701 = arith.index_cast %add3A_1681 : i32 to index
          %swap3A_1702 = arith.constant 16 : index
          %swap3A_1703 = tpu.vector_load %arg13[%swap3A_1701, %swap3A_1702] {strides = array<i32>} : memref<512x32xf32, #tpu.memory_space<vmem>>, vector<1x16xf32>,
          %swap3A_1704 = vector.shape_cast %swap3A_1703 : vector<1x16xf32> to vector<16xf32>
          %swap3A_1705 = vector.shape_cast %mul3A_1700 : vector<16xf32> to vector<1x16xf32>
          tpu.vector_store %arg13[%swap3A_1701, %swap3A_1702], %swap3A_1705 {strides = array<i32>} : memref<512x32xf32, #tpu.memory_space<vmem>>, vector<1x16xf32>,
          %mul3A_1706 = arith.constant 128 : i32
          %mul3A_1707 = arith.muli %rem3A_1213, %mul3A_1706 : i32
          %mul3A_1708 = arith.constant 16 : i32
          %mul3A_1709 = arith.muli %scan3A_1237, %mul3A_1708 : i32
          %add3A_1710 = arith.addi %mul3A_1707, %mul3A_1709 : i32
          %add3A_1711 = arith.constant 15 : i32
          %add3A_1712 = arith.addi %add3A_1710, %add3A_1711 : i32
          %slice3A_1713 = vector.extract_strided_slice %get3A_1243 {offsets = [15], sizes = [1], strides = [1]} : vector<16xf32> to vector<1xf32>
          %squeeze3A_1714 = vector.extract %slice3A_1713[0] : f32 from vector<1xf32>
          %get3A_1715 = arith.index_cast %add3A_1712 : i32 to index
          %get3A_1716 = arith.constant 0 : index
          %get3A_1717 = tpu.vector_load %arg13[%get3A_1715, %get3A_1716] {strides = array<i32>} : memref<512x32xf32, #tpu.memory_space<vmem>>, vector<1x16xf32>,
          %get3A_1718 = vector.shape_cast %get3A_1717 : vector<1x16xf32> to vector<16xf32>
          %mul3A_1719 = vector.broadcast %squeeze3A_1714 : f32 to vector<16xf32>
          %mul3A_1720 = arith.mulf %get3A_1718, %mul3A_1719 : vector<16xf32>
          %swap3A_1721 = arith.index_cast %add3A_1712 : i32 to index
          %swap3A_1722 = arith.constant 0 : index
          %swap3A_1723 = tpu.vector_load %arg13[%swap3A_1721, %swap3A_1722] {strides = array<i32>} : memref<512x32xf32, #tpu.memory_space<vmem>>, vector<1x16xf32>,
          %swap3A_1724 = vector.shape_cast %swap3A_1723 : vector<1x16xf32> to vector<16xf32>
          %swap3A_1725 = vector.shape_cast %mul3A_1720 : vector<16xf32> to vector<1x16xf32>
          tpu.vector_store %arg13[%swap3A_1721, %swap3A_1722], %swap3A_1725 {strides = array<i32>} : memref<512x32xf32, #tpu.memory_space<vmem>>, vector<1x16xf32>,
          %get3A_1726 = arith.index_cast %add3A_1712 : i32 to index
          %get3A_1727 = arith.constant 16 : index
          %get3A_1728 = tpu.vector_load %arg13[%get3A_1726, %get3A_1727] {strides = array<i32>} : memref<512x32xf32, #tpu.memory_space<vmem>>, vector<1x16xf32>,
          %get3A_1729 = vector.shape_cast %get3A_1728 : vector<1x16xf32> to vector<16xf32>
          %mul3A_1730 = vector.broadcast %squeeze3A_1714 : f32 to vector<16xf32>
          %mul3A_1731 = arith.mulf %get3A_1729, %mul3A_1730 : vector<16xf32>
          %swap3A_1732 = arith.index_cast %add3A_1712 : i32 to index
          %swap3A_1733 = arith.constant 16 : index
          %swap3A_1734 = tpu.vector_load %arg13[%swap3A_1732, %swap3A_1733] {strides = array<i32>} : memref<512x32xf32, #tpu.memory_space<vmem>>, vector<1x16xf32>,
          %swap3A_1735 = vector.shape_cast %swap3A_1734 : vector<1x16xf32> to vector<16xf32>
          %swap3A_1736 = vector.shape_cast %mul3A_1731 : vector<16xf32> to vector<1x16xf32>
          tpu.vector_store %arg13[%swap3A_1732, %swap3A_1733], %swap3A_1736 {strides = array<i32>} : memref<512x32xf32, #tpu.memory_space<vmem>>, vector<1x16xf32>,
          %scan3A_1737 = arith.constant 0 : i32
          scf.yield %scan3A_1737 : i32
        }
        %scan3A_1222 = arith.constant 8 : i32
        %rem3A_1223 = arith.constant 4 : i32
        %rem3A_1224 = arith.remsi %scan3A_1137, %rem3A_1223 : i32
        %mul3A_1225 = arith.constant 128 : i32
        %mul3A_1226 = arith.muli %rem3A_1224, %mul3A_1225 : i32
        %rem3A_1227 = arith.constant 16 : i32
        %rem3A_1228 = arith.remsi %scan3A_1137, %rem3A_1227 : i32
        %dma_start3A_1229 = arith.constant 0 : i32
        %dma_start3A_1230 = tpu.memref_slice %arg13[%mul3A_1226, %dma_start3A_1229] : memref<512x32xf32, #tpu.memory_space<vmem>> -> memref<128x32xf32, #tpu.memory_space<vmem>>
        %dma_start3A_1231 = arith.constant 0 : i32
        %dma_start3A_1232 = tpu.memref_slice %arg11[%rem3A_1228, %dma_start3A_1231] : memref<16x128xi32, #tpu.memory_space<vmem>> -> memref<1x128xi32, #tpu.memory_space<vmem>>
        %dma_start3A_1233 = tpu.memref_squeeze %dma_start3A_1232 : memref<1x128xi32, #tpu.memory_space<vmem>> -> memref<128xi32, #tpu.memory_space<vmem>>
        %dma_start3A_1234 = arith.constant 0 : i32
        %dma_start3A_1235 = arith.constant 0 : i32
        %dma_start3A_1236 = tpu.memref_slice %arg9[%dma_start3A_1234, %dma_start3A_1235] : memref<50176x32xf32, #tpu.memory_space<vmem_shared>> -> memref<50176x32xf32, #tpu.memory_space<vmem_shared>>
        tpu.enqueue_indirect_dma source(%dma_start3A_1230 : memref<128x32xf32, #tpu.memory_space<vmem>>) target(%dma_start3A_1236 : memref<50176x32xf32, #tpu.memory_space<vmem_shared>>) offsets(%dma_start3A_1233 : memref<128xi32, #tpu.memory_space<vmem>>) semaphore(%arg19 : memref<!tpu.dma_semaphore, #tpu.memory_space<semaphore_mem>>) {add = true}
      } else {
      }
      %scan3A_1211 = arith.constant 0 : i32
      scf.yield %scan3A_1211 : i32
    }
    %scan3A_646 = arith.constant 394 : i32
    %barrier3A_647 = arith.constant 0 : index
    tpu.barrier barrier_id(%barrier3A_647)
    %add3A_648 = arith.addi %mul3A_4, %mul3A_0 : i32
    %dma_start3A_649 = arith.constant 0 : i32
    %dma_start3A_650 = tpu.memref_slice %arg8[%add3A_648, %dma_start3A_649] : memref<100352x32xf32, #tpu.memory_space<hbm>> -> memref<3136x32xf32, #tpu.memory_space<hbm>>
    %dma_start3A_651 = arith.constant 0 : i32
    %dma_start3A_652 = tpu.memref_slice %arg9[%mul3A_0, %dma_start3A_651] : memref<50176x32xf32, #tpu.memory_space<vmem_shared>> -> memref<3136x32xf32, #tpu.memory_space<vmem_shared>>
    tpu.enqueue_dma source(%dma_start3A_652 : memref<3136x32xf32, #tpu.memory_space<vmem_shared>>) target(%dma_start3A_650 : memref<3136x32xf32, #tpu.memory_space<hbm>>) target_semaphore(%arg22 : memref<!tpu.dma_semaphore, #tpu.memory_space<semaphore_mem>>)
    %add3A_653 = arith.addi %mul3A_4, %mul3A_0 : i32
    %dma_wait3A_654 = arith.constant 0 : i32
    %dma_wait3A_655 = tpu.memref_slice %arg8[%add3A_653, %dma_wait3A_654] : memref<100352x32xf32, #tpu.memory_space<hbm>> -> memref<3136x32xf32, #tpu.memory_space<hbm>>
    %dma_wait3A_656 = arith.constant 0 : i32
    %dma_wait3A_657 = tpu.memref_slice %arg9[%mul3A_0, %dma_wait3A_656] : memref<50176x32xf32, #tpu.memory_space<vmem_shared>> -> memref<3136x32xf32, #tpu.memory_space<vmem_shared>>
    tpu.wait_dma2 semaphore(%arg22 : memref<!tpu.dma_semaphore, #tpu.memory_space<semaphore_mem>>) src(%dma_wait3A_657 : memref<3136x32xf32, #tpu.memory_space<vmem_shared>>) dst(%dma_wait3A_655 : memref<3136x32xf32, #tpu.memory_space<hbm>>)
    %barrier3A_658 = arith.constant 0 : index
    tpu.barrier barrier_id(%barrier3A_658)
    %rem3A_659 = arith.constant 0 : i32
    %rem3A_660 = arith.constant 2 : i32
    %rem3A_661 = arith.remsi %rem3A_659, %rem3A_660 : i32
    %add3A_662 = arith.constant 0 : i32
    %add3A_663 = arith.addi %mul3A_2, %add3A_662 : i32
    %mul3A_664 = arith.constant 8 : i32
    %mul3A_665 = arith.muli %rem3A_661, %mul3A_664 : i32
    %add3A_666 = arith.constant 0 : i32
    %add3A_667 = arith.addi %mul3A_2, %add3A_666 : i32
    %mul3A_668 = arith.constant 8 : i32
    %mul3A_669 = arith.muli %rem3A_661, %mul3A_668 : i32
    %add3A_670 = arith.constant 0 : i32
    %add3A_671 = arith.addi %mul3A_2, %add3A_670 : i32
    %mul3A_672 = arith.constant 8 : i32
    %mul3A_673 = arith.muli %rem3A_661, %mul3A_672 : i32
    %dma_start3A_674 = arith.constant 0 : i32
    %dma_start3A_675 = tpu.memref_slice %arg10[%mul3A_665, %dma_start3A_674] : memref<16x128xi32, #tpu.memory_space<vmem>> -> memref<8x128xi32, #tpu.memory_space<vmem>>
    %dma_start3A_676 = arith.constant 0 : i32
    %dma_start3A_677 = tpu.memref_slice %arg3[%add3A_663, %dma_start3A_676] : memref<6272x128xi32, #tpu.memory_space<hbm>> -> memref<8x128xi32, #tpu.memory_space<hbm>>
    %dma_start3A_678 = arith.constant 0 : i32
    %dma_start3A_679 = tpu.memref_slice %arg10[%mul3A_665, %dma_start3A_678] : memref<16x128xi32, #tpu.memory_space<vmem>> -> memref<8x128xi32, #tpu.memory_space<vmem>>
    %dma_start3A_680 = arith.constant 0 : i32
    %dma_start3A_681 = tpu.memref_slice %arg3[%add3A_663, %dma_start3A_680] : memref<6272x128xi32, #tpu.memory_space<hbm>> -> memref<8x128xi32, #tpu.memory_space<hbm>>
    tpu.enqueue_dma source(%dma_start3A_681 : memref<8x128xi32, #tpu.memory_space<hbm>>) target(%dma_start3A_679 : memref<8x128xi32, #tpu.memory_space<vmem>>) target_semaphore(%arg16 : memref<!tpu.dma_semaphore, #tpu.memory_space<semaphore_mem>>)
    %dma_start3A_682 = arith.constant 0 : i32
    %dma_start3A_683 = tpu.memref_slice %arg11[%mul3A_669, %dma_start3A_682] : memref<16x128xi32, #tpu.memory_space<vmem>> -> memref<8x128xi32, #tpu.memory_space<vmem>>
    %dma_start3A_684 = arith.constant 0 : i32
    %dma_start3A_685 = tpu.memref_slice %arg4[%add3A_667, %dma_start3A_684] : memref<6272x128xi32, #tpu.memory_space<hbm>> -> memref<8x128xi32, #tpu.memory_space<hbm>>
    %dma_start3A_686 = arith.constant 0 : i32
    %dma_start3A_687 = tpu.memref_slice %arg11[%mul3A_669, %dma_start3A_686] : memref<16x128xi32, #tpu.memory_space<vmem>> -> memref<8x128xi32, #tpu.memory_space<vmem>>
    %dma_start3A_688 = arith.constant 0 : i32
    %dma_start3A_689 = tpu.memref_slice %arg4[%add3A_667, %dma_start3A_688] : memref<6272x128xi32, #tpu.memory_space<hbm>> -> memref<8x128xi32, #tpu.memory_space<hbm>>
    tpu.enqueue_dma source(%dma_start3A_689 : memref<8x128xi32, #tpu.memory_space<hbm>>) target(%dma_start3A_687 : memref<8x128xi32, #tpu.memory_space<vmem>>) target_semaphore(%arg16 : memref<!tpu.dma_semaphore, #tpu.memory_space<semaphore_mem>>)
    %dma_start3A_690 = arith.constant 0 : i32
    %dma_start3A_691 = tpu.memref_slice %arg12[%mul3A_673, %dma_start3A_690] : memref<16x128xf32, #tpu.memory_space<vmem>> -> memref<8x128xf32, #tpu.memory_space<vmem>>
    %dma_start3A_692 = arith.constant 0 : i32
    %dma_start3A_693 = tpu.memref_slice %arg5[%add3A_671, %dma_start3A_692] : memref<6272x128xf32, #tpu.memory_space<hbm>> -> memref<8x128xf32, #tpu.memory_space<hbm>>
    %dma_start3A_694 = arith.constant 0 : i32
    %dma_start3A_695 = tpu.memref_slice %arg12[%mul3A_673, %dma_start3A_694] : memref<16x128xf32, #tpu.memory_space<vmem>> -> memref<8x128xf32, #tpu.memory_space<vmem>>
    %dma_start3A_696 = arith.constant 0 : i32
    %dma_start3A_697 = tpu.memref_slice %arg5[%add3A_671, %dma_start3A_696] : memref<6272x128xf32, #tpu.memory_space<hbm>> -> memref<8x128xf32, #tpu.memory_space<hbm>>
    tpu.enqueue_dma source(%dma_start3A_697 : memref<8x128xf32, #tpu.memory_space<hbm>>) target(%dma_start3A_695 : memref<8x128xf32, #tpu.memory_space<vmem>>) target_semaphore(%arg16 : memref<!tpu.dma_semaphore, #tpu.memory_space<semaphore_mem>>)
    %rem3A_698 = arith.constant 1 : i32
    %rem3A_699 = arith.constant 2 : i32
    %rem3A_700 = arith.remsi %rem3A_698, %rem3A_699 : i32
    %add3A_701 = arith.constant 8 : i32
    %add3A_702 = arith.addi %mul3A_2, %add3A_701 : i32
    %mul3A_703 = arith.constant 8 : i32
    %mul3A_704 = arith.muli %rem3A_700, %mul3A_703 : i32
    %add3A_705 = arith.constant 8 : i32
    %add3A_706 = arith.addi %mul3A_2, %add3A_705 : i32
    %mul3A_707 = arith.constant 8 : i32
    %mul3A_708 = arith.muli %rem3A_700, %mul3A_707 : i32
    %add3A_709 = arith.constant 8 : i32
    %add3A_710 = arith.addi %mul3A_2, %add3A_709 : i32
    %mul3A_711 = arith.constant 8 : i32
    %mul3A_712 = arith.muli %rem3A_700, %mul3A_711 : i32
    %dma_start3A_713 = arith.constant 0 : i32
    %dma_start3A_714 = tpu.memref_slice %arg10[%mul3A_704, %dma_start3A_713] : memref<16x128xi32, #tpu.memory_space<vmem>> -> memref<8x128xi32, #tpu.memory_space<vmem>>
    %dma_start3A_715 = arith.constant 0 : i32
    %dma_start3A_716 = tpu.memref_slice %arg3[%add3A_702, %dma_start3A_715] : memref<6272x128xi32, #tpu.memory_space<hbm>> -> memref<8x128xi32, #tpu.memory_space<hbm>>
    %dma_start3A_717 = arith.constant 0 : i32
    %dma_start3A_718 = tpu.memref_slice %arg10[%mul3A_704, %dma_start3A_717] : memref<16x128xi32, #tpu.memory_space<vmem>> -> memref<8x128xi32, #tpu.memory_space<vmem>>
    %dma_start3A_719 = arith.constant 0 : i32
    %dma_start3A_720 = tpu.memref_slice %arg3[%add3A_702, %dma_start3A_719] : memref<6272x128xi32, #tpu.memory_space<hbm>> -> memref<8x128xi32, #tpu.memory_space<hbm>>
    tpu.enqueue_dma source(%dma_start3A_720 : memref<8x128xi32, #tpu.memory_space<hbm>>) target(%dma_start3A_718 : memref<8x128xi32, #tpu.memory_space<vmem>>) target_semaphore(%arg16 : memref<!tpu.dma_semaphore, #tpu.memory_space<semaphore_mem>>)
    %dma_start3A_721 = arith.constant 0 : i32
    %dma_start3A_722 = tpu.memref_slice %arg11[%mul3A_708, %dma_start3A_721] : memref<16x128xi32, #tpu.memory_space<vmem>> -> memref<8x128xi32, #tpu.memory_space<vmem>>
    %dma_start3A_723 = arith.constant 0 : i32
    %dma_start3A_724 = tpu.memref_slice %arg4[%add3A_706, %dma_start3A_723] : memref<6272x128xi32, #tpu.memory_space<hbm>> -> memref<8x128xi32, #tpu.memory_space<hbm>>
    %dma_start3A_725 = arith.constant 0 : i32
    %dma_start3A_726 = tpu.memref_slice %arg11[%mul3A_708, %dma_start3A_725] : memref<16x128xi32, #tpu.memory_space<vmem>> -> memref<8x128xi32, #tpu.memory_space<vmem>>
    %dma_start3A_727 = arith.constant 0 : i32
    %dma_start3A_728 = tpu.memref_slice %arg4[%add3A_706, %dma_start3A_727] : memref<6272x128xi32, #tpu.memory_space<hbm>> -> memref<8x128xi32, #tpu.memory_space<hbm>>
    tpu.enqueue_dma source(%dma_start3A_728 : memref<8x128xi32, #tpu.memory_space<hbm>>) target(%dma_start3A_726 : memref<8x128xi32, #tpu.memory_space<vmem>>) target_semaphore(%arg16 : memref<!tpu.dma_semaphore, #tpu.memory_space<semaphore_mem>>)
    %dma_start3A_729 = arith.constant 0 : i32
    %dma_start3A_730 = tpu.memref_slice %arg12[%mul3A_712, %dma_start3A_729] : memref<16x128xf32, #tpu.memory_space<vmem>> -> memref<8x128xf32, #tpu.memory_space<vmem>>
    %dma_start3A_731 = arith.constant 0 : i32
    %dma_start3A_732 = tpu.memref_slice %arg5[%add3A_710, %dma_start3A_731] : memref<6272x128xf32, #tpu.memory_space<hbm>> -> memref<8x128xf32, #tpu.memory_space<hbm>>
    %dma_start3A_733 = arith.constant 0 : i32
    %dma_start3A_734 = tpu.memref_slice %arg12[%mul3A_712, %dma_start3A_733] : memref<16x128xf32, #tpu.memory_space<vmem>> -> memref<8x128xf32, #tpu.memory_space<vmem>>
    %dma_start3A_735 = arith.constant 0 : i32
    %dma_start3A_736 = tpu.memref_slice %arg5[%add3A_710, %dma_start3A_735] : memref<6272x128xf32, #tpu.memory_space<hbm>> -> memref<8x128xf32, #tpu.memory_space<hbm>>
    tpu.enqueue_dma source(%dma_start3A_736 : memref<8x128xf32, #tpu.memory_space<hbm>>) target(%dma_start3A_734 : memref<8x128xf32, #tpu.memory_space<vmem>>) target_semaphore(%arg16 : memref<!tpu.dma_semaphore, #tpu.memory_space<semaphore_mem>>)
    %rem3A_737 = arith.constant 0 : i32
    %rem3A_738 = arith.constant 2 : i32
    %rem3A_739 = arith.remsi %rem3A_737, %rem3A_738 : i32
    %add3A_740 = arith.constant 0 : i32
    %add3A_741 = arith.addi %mul3A_2, %add3A_740 : i32
    %mul3A_742 = arith.constant 8 : i32
    %mul3A_743 = arith.muli %rem3A_739, %mul3A_742 : i32
    %add3A_744 = arith.constant 0 : i32
    %add3A_745 = arith.addi %mul3A_2, %add3A_744 : i32
    %mul3A_746 = arith.constant 8 : i32
    %mul3A_747 = arith.muli %rem3A_739, %mul3A_746 : i32
    %add3A_748 = arith.constant 0 : i32
    %add3A_749 = arith.addi %mul3A_2, %add3A_748 : i32
    %mul3A_750 = arith.constant 8 : i32
    %mul3A_751 = arith.muli %rem3A_739, %mul3A_750 : i32
    %dma_wait3A_752 = arith.constant 0 : i32
    %dma_wait3A_753 = tpu.memref_slice %arg10[%mul3A_743, %dma_wait3A_752] : memref<16x128xi32, #tpu.memory_space<vmem>> -> memref<8x128xi32, #tpu.memory_space<vmem>>
    %dma_wait3A_754 = arith.constant 0 : i32
    %dma_wait3A_755 = tpu.memref_slice %arg3[%add3A_741, %dma_wait3A_754] : memref<6272x128xi32, #tpu.memory_space<hbm>> -> memref<8x128xi32, #tpu.memory_space<hbm>>
    %dma_wait3A_756 = arith.constant 0 : i32
    %dma_wait3A_757 = tpu.memref_slice %arg10[%mul3A_743, %dma_wait3A_756] : memref<16x128xi32, #tpu.memory_space<vmem>> -> memref<8x128xi32, #tpu.memory_space<vmem>>
    %dma_wait3A_758 = arith.constant 0 : i32
    %dma_wait3A_759 = tpu.memref_slice %arg3[%add3A_741, %dma_wait3A_758] : memref<6272x128xi32, #tpu.memory_space<hbm>> -> memref<8x128xi32, #tpu.memory_space<hbm>>
    tpu.wait_dma2 semaphore(%arg16 : memref<!tpu.dma_semaphore, #tpu.memory_space<semaphore_mem>>) src(%dma_wait3A_759 : memref<8x128xi32, #tpu.memory_space<hbm>>) dst(%dma_wait3A_757 : memref<8x128xi32, #tpu.memory_space<vmem>>)
    %dma_wait3A_760 = arith.constant 0 : i32
    %dma_wait3A_761 = tpu.memref_slice %arg11[%mul3A_747, %dma_wait3A_760] : memref<16x128xi32, #tpu.memory_space<vmem>> -> memref<8x128xi32, #tpu.memory_space<vmem>>
    %dma_wait3A_762 = arith.constant 0 : i32
    %dma_wait3A_763 = tpu.memref_slice %arg4[%add3A_745, %dma_wait3A_762] : memref<6272x128xi32, #tpu.memory_space<hbm>> -> memref<8x128xi32, #tpu.memory_space<hbm>>
    %dma_wait3A_764 = arith.constant 0 : i32
    %dma_wait3A_765 = tpu.memref_slice %arg11[%mul3A_747, %dma_wait3A_764] : memref<16x128xi32, #tpu.memory_space<vmem>> -> memref<8x128xi32, #tpu.memory_space<vmem>>
    %dma_wait3A_766 = arith.constant 0 : i32
    %dma_wait3A_767 = tpu.memref_slice %arg4[%add3A_745, %dma_wait3A_766] : memref<6272x128xi32, #tpu.memory_space<hbm>> -> memref<8x128xi32, #tpu.memory_space<hbm>>
    tpu.wait_dma2 semaphore(%arg16 : memref<!tpu.dma_semaphore, #tpu.memory_space<semaphore_mem>>) src(%dma_wait3A_767 : memref<8x128xi32, #tpu.memory_space<hbm>>) dst(%dma_wait3A_765 : memref<8x128xi32, #tpu.memory_space<vmem>>)
    %dma_wait3A_768 = arith.constant 0 : i32
    %dma_wait3A_769 = tpu.memref_slice %arg12[%mul3A_751, %dma_wait3A_768] : memref<16x128xf32, #tpu.memory_space<vmem>> -> memref<8x128xf32, #tpu.memory_space<vmem>>
    %dma_wait3A_770 = arith.constant 0 : i32
    %dma_wait3A_771 = tpu.memref_slice %arg5[%add3A_749, %dma_wait3A_770] : memref<6272x128xf32, #tpu.memory_space<hbm>> -> memref<8x128xf32, #tpu.memory_space<hbm>>
    %dma_wait3A_772 = arith.constant 0 : i32
    %dma_wait3A_773 = tpu.memref_slice %arg12[%mul3A_751, %dma_wait3A_772] : memref<16x128xf32, #tpu.memory_space<vmem>> -> memref<8x128xf32, #tpu.memory_space<vmem>>
    %dma_wait3A_774 = arith.constant 0 : i32
    %dma_wait3A_775 = tpu.memref_slice %arg5[%add3A_749, %dma_wait3A_774] : memref<6272x128xf32, #tpu.memory_space<hbm>> -> memref<8x128xf32, #tpu.memory_space<hbm>>
    tpu.wait_dma2 semaphore(%arg16 : memref<!tpu.dma_semaphore, #tpu.memory_space<semaphore_mem>>) src(%dma_wait3A_775 : memref<8x128xf32, #tpu.memory_space<hbm>>) dst(%dma_wait3A_773 : memref<8x128xf32, #tpu.memory_space<vmem>>)
    %rem3A_776 = arith.constant 1 : i32
    %rem3A_777 = arith.constant 2 : i32
    %rem3A_778 = arith.remsi %rem3A_776, %rem3A_777 : i32
    %add3A_779 = arith.constant 8 : i32
    %add3A_780 = arith.addi %mul3A_2, %add3A_779 : i32
    %mul3A_781 = arith.constant 8 : i32
    %mul3A_782 = arith.muli %rem3A_778, %mul3A_781 : i32
    %add3A_783 = arith.constant 8 : i32
    %add3A_784 = arith.addi %mul3A_2, %add3A_783 : i32
    %mul3A_785 = arith.constant 8 : i32
    %mul3A_786 = arith.muli %rem3A_778, %mul3A_785 : i32
    %add3A_787 = arith.constant 8 : i32
    %add3A_788 = arith.addi %mul3A_2, %add3A_787 : i32
    %mul3A_789 = arith.constant 8 : i32
    %mul3A_790 = arith.muli %rem3A_778, %mul3A_789 : i32
    %dma_wait3A_791 = arith.constant 0 : i32
    %dma_wait3A_792 = tpu.memref_slice %arg10[%mul3A_782, %dma_wait3A_791] : memref<16x128xi32, #tpu.memory_space<vmem>> -> memref<8x128xi32, #tpu.memory_space<vmem>>
    %dma_wait3A_793 = arith.constant 0 : i32
    %dma_wait3A_794 = tpu.memref_slice %arg3[%add3A_780, %dma_wait3A_793] : memref<6272x128xi32, #tpu.memory_space<hbm>> -> memref<8x128xi32, #tpu.memory_space<hbm>>
    %dma_wait3A_795 = arith.constant 0 : i32
    %dma_wait3A_796 = tpu.memref_slice %arg10[%mul3A_782, %dma_wait3A_795] : memref<16x128xi32, #tpu.memory_space<vmem>> -> memref<8x128xi32, #tpu.memory_space<vmem>>
    %dma_wait3A_797 = arith.constant 0 : i32
    %dma_wait3A_798 = tpu.memref_slice %arg3[%add3A_780, %dma_wait3A_797] : memref<6272x128xi32, #tpu.memory_space<hbm>> -> memref<8x128xi32, #tpu.memory_space<hbm>>
    tpu.wait_dma2 semaphore(%arg16 : memref<!tpu.dma_semaphore, #tpu.memory_space<semaphore_mem>>) src(%dma_wait3A_798 : memref<8x128xi32, #tpu.memory_space<hbm>>) dst(%dma_wait3A_796 : memref<8x128xi32, #tpu.memory_space<vmem>>)
    %dma_wait3A_799 = arith.constant 0 : i32
    %dma_wait3A_800 = tpu.memref_slice %arg11[%mul3A_786, %dma_wait3A_799] : memref<16x128xi32, #tpu.memory_space<vmem>> -> memref<8x128xi32, #tpu.memory_space<vmem>>
    %dma_wait3A_801 = arith.constant 0 : i32
    %dma_wait3A_802 = tpu.memref_slice %arg4[%add3A_784, %dma_wait3A_801] : memref<6272x128xi32, #tpu.memory_space<hbm>> -> memref<8x128xi32, #tpu.memory_space<hbm>>
    %dma_wait3A_803 = arith.constant 0 : i32
    %dma_wait3A_804 = tpu.memref_slice %arg11[%mul3A_786, %dma_wait3A_803] : memref<16x128xi32, #tpu.memory_space<vmem>> -> memref<8x128xi32, #tpu.memory_space<vmem>>
    %dma_wait3A_805 = arith.constant 0 : i32
    %dma_wait3A_806 = tpu.memref_slice %arg4[%add3A_784, %dma_wait3A_805] : memref<6272x128xi32, #tpu.memory_space<hbm>> -> memref<8x128xi32, #tpu.memory_space<hbm>>
    tpu.wait_dma2 semaphore(%arg16 : memref<!tpu.dma_semaphore, #tpu.memory_space<semaphore_mem>>) src(%dma_wait3A_806 : memref<8x128xi32, #tpu.memory_space<hbm>>) dst(%dma_wait3A_804 : memref<8x128xi32, #tpu.memory_space<vmem>>)
    %dma_wait3A_807 = arith.constant 0 : i32
    %dma_wait3A_808 = tpu.memref_slice %arg12[%mul3A_790, %dma_wait3A_807] : memref<16x128xf32, #tpu.memory_space<vmem>> -> memref<8x128xf32, #tpu.memory_space<vmem>>
    %dma_wait3A_809 = arith.constant 0 : i32
    %dma_wait3A_810 = tpu.memref_slice %arg5[%add3A_788, %dma_wait3A_809] : memref<6272x128xf32, #tpu.memory_space<hbm>> -> memref<8x128xf32, #tpu.memory_space<hbm>>
    %dma_wait3A_811 = arith.constant 0 : i32
    %dma_wait3A_812 = tpu.memref_slice %arg12[%mul3A_790, %dma_wait3A_811] : memref<16x128xf32, #tpu.memory_space<vmem>> -> memref<8x128xf32, #tpu.memory_space<vmem>>
    %dma_wait3A_813 = arith.constant 0 : i32
    %dma_wait3A_814 = tpu.memref_slice %arg5[%add3A_788, %dma_wait3A_813] : memref<6272x128xf32, #tpu.memory_space<hbm>> -> memref<8x128xf32, #tpu.memory_space<hbm>>
    tpu.wait_dma2 semaphore(%arg16 : memref<!tpu.dma_semaphore, #tpu.memory_space<semaphore_mem>>) src(%dma_wait3A_814 : memref<8x128xf32, #tpu.memory_space<hbm>>) dst(%dma_wait3A_812 : memref<8x128xf32, #tpu.memory_space<vmem>>)
    %rem3A_815 = arith.constant 0 : i32
    %rem3A_816 = arith.constant 4 : i32
    %rem3A_817 = arith.remsi %rem3A_815, %rem3A_816 : i32
    %rem3A_818 = arith.constant 0 : i32
    %rem3A_819 = arith.constant 16 : i32
    %rem3A_820 = arith.remsi %rem3A_818, %rem3A_819 : i32
    %mul3A_821 = arith.constant 128 : i32
    %mul3A_822 = arith.muli %rem3A_817, %mul3A_821 : i32
    %dma_start3A_823 = arith.constant 0 : i32
    %dma_start3A_824 = tpu.memref_slice %arg13[%mul3A_822, %dma_start3A_823] : memref<512x32xf32, #tpu.memory_space<vmem>> -> memref<128x32xf32, #tpu.memory_space<vmem>>
    %dma_start3A_825 = arith.constant 0 : i32
    %dma_start3A_826 = tpu.memref_slice %arg10[%rem3A_820, %dma_start3A_825] : memref<16x128xi32, #tpu.memory_space<vmem>> -> memref<1x128xi32, #tpu.memory_space<vmem>>
    %dma_start3A_827 = tpu.memref_squeeze %dma_start3A_826 : memref<1x128xi32, #tpu.memory_space<vmem>> -> memref<128xi32, #tpu.memory_space<vmem>>
    %dma_start3A_828 = arith.constant 0 : i32
    %dma_start3A_829 = tpu.memref_slice %arg8[%mul3A_4, %dma_start3A_828] : memref<100352x32xf32, #tpu.memory_space<hbm>> -> memref<50176x32xf32, #tpu.memory_space<hbm>>
    %dma_start3A_830 = arith.constant 0 : i32
    %dma_start3A_831 = arith.constant 0 : i32
    %dma_start3A_832 = tpu.memref_slice %dma_start3A_829[%dma_start3A_830, %dma_start3A_831] : memref<50176x32xf32, #tpu.memory_space<hbm>> -> memref<50176x32xf32, #tpu.memory_space<hbm>>
    tpu.enqueue_indirect_dma source(%dma_start3A_832 : memref<50176x32xf32, #tpu.memory_space<hbm>>) target(%dma_start3A_824 : memref<128x32xf32, #tpu.memory_space<vmem>>) offsets(%dma_start3A_827 : memref<128xi32, #tpu.memory_space<vmem>>) semaphore(%arg17 : memref<!tpu.dma_semaphore, #tpu.memory_space<semaphore_mem>>)
    %rem3A_833 = arith.constant 1 : i32
    %rem3A_834 = arith.constant 4 : i32
    %rem3A_835 = arith.remsi %rem3A_833, %rem3A_834 : i32
    %rem3A_836 = arith.constant 1 : i32
    %rem3A_837 = arith.constant 16 : i32
    %rem3A_838 = arith.remsi %rem3A_836, %rem3A_837 : i32
    %mul3A_839 = arith.constant 128 : i32
    %mul3A_840 = arith.muli %rem3A_835, %mul3A_839 : i32
    %dma_start3A_841 = arith.constant 0 : i32
    %dma_start3A_842 = tpu.memref_slice %arg13[%mul3A_840, %dma_start3A_841] : memref<512x32xf32, #tpu.memory_space<vmem>> -> memref<128x32xf32, #tpu.memory_space<vmem>>
    %dma_start3A_843 = arith.constant 0 : i32
    %dma_start3A_844 = tpu.memref_slice %arg10[%rem3A_838, %dma_start3A_843] : memref<16x128xi32, #tpu.memory_space<vmem>> -> memref<1x128xi32, #tpu.memory_space<vmem>>
    %dma_start3A_845 = tpu.memref_squeeze %dma_start3A_844 : memref<1x128xi32, #tpu.memory_space<vmem>> -> memref<128xi32, #tpu.memory_space<vmem>>
    %dma_start3A_846 = arith.constant 0 : i32
    %dma_start3A_847 = tpu.memref_slice %arg8[%mul3A_4, %dma_start3A_846] : memref<100352x32xf32, #tpu.memory_space<hbm>> -> memref<50176x32xf32, #tpu.memory_space<hbm>>
    %dma_start3A_848 = arith.constant 0 : i32
    %dma_start3A_849 = arith.constant 0 : i32
    %dma_start3A_850 = tpu.memref_slice %dma_start3A_847[%dma_start3A_848, %dma_start3A_849] : memref<50176x32xf32, #tpu.memory_space<hbm>> -> memref<50176x32xf32, #tpu.memory_space<hbm>>
    tpu.enqueue_indirect_dma source(%dma_start3A_850 : memref<50176x32xf32, #tpu.memory_space<hbm>>) target(%dma_start3A_842 : memref<128x32xf32, #tpu.memory_space<vmem>>) offsets(%dma_start3A_845 : memref<128xi32, #tpu.memory_space<vmem>>) semaphore(%arg18 : memref<!tpu.dma_semaphore, #tpu.memory_space<semaphore_mem>>)
    %scan3A_851 = arith.constant 0 : i32
    %scan3A_852 = arith.constant 0 : i32
    %scan3A_853 = arith.constant 394 : i32
    %scan3A_854 = arith.addi %scan3A_852, %scan3A_853 : i32
    %scan3A_855 = arith.constant 1 : i32
    %scan3A_856 = scf.for %scan3A_1137 = %scan3A_852 to %scan3A_854 step %scan3A_855 iter_args(%scan3A_1138 = %scan3A_851) -> (i32)  : i32 {
      %div3A = arith.constant 8 : i32
      %div3A_1139 = arith.divsi %scan3A_1137, %div3A : i32
      %rem3A_1140 = arith.constant 8 : i32
      %rem3A_1141 = arith.remsi %scan3A_1137, %rem3A_1140 : i32
      %ge3A = arith.constant 2 : i32
      %ge3A_1142 = arith.cmpi sge, %scan3A_1137, %ge3A : i32
      %convert_element_type3A = arith.extui %ge3A_1142 : i1 to i32
      %cond3A = arith.constant 0 : i32
      %cond3A_1143 = arith.cmpi ne, %convert_element_type3A, %cond3A : i32
      scf.if %cond3A_1143 {
        %dma_wait3A_1212 = arith.constant 0 : i32
        %dma_wait3A_1213 = arith.constant 0 : i32
        %dma_wait3A_1214 = tpu.memref_slice %arg13[%dma_wait3A_1212, %dma_wait3A_1213] : memref<512x32xf32, #tpu.memory_space<vmem>> -> memref<128x32xf32, #tpu.memory_space<vmem>>
        %dma_wait3A_1215 = arith.constant 0 : i32
        %dma_wait3A_1216 = arith.constant 0 : i32
        %dma_wait3A_1217 = tpu.memref_slice %arg2[%dma_wait3A_1215, %dma_wait3A_1216] : memref<100352x32xf32, #tpu.memory_space<hbm>> -> memref<128x32xf32, #tpu.memory_space<hbm>>
        %dma_wait3A_1218 = arith.constant 0 : i32
        %dma_wait3A_1219 = arith.constant 0 : i32
        %dma_wait3A_1220 = tpu.memref_slice %arg13[%dma_wait3A_1218, %dma_wait3A_1219] : memref<512x32xf32, #tpu.memory_space<vmem>> -> memref<128x32xf32, #tpu.memory_space<vmem>>
        %dma_wait3A_1221 = arith.constant 0 : i32
        %dma_wait3A_1222 = arith.constant 0 : i32
        %dma_wait3A_1223 = tpu.memref_slice %arg2[%dma_wait3A_1221, %dma_wait3A_1222] : memref<100352x32xf32, #tpu.memory_space<hbm>> -> memref<128x32xf32, #tpu.memory_space<hbm>>
        tpu.wait_dma2 semaphore(%arg19 : memref<!tpu.dma_semaphore, #tpu.memory_space<semaphore_mem>>) src(%dma_wait3A_1223 : memref<128x32xf32, #tpu.memory_space<hbm>>) dst(%dma_wait3A_1220 : memref<128x32xf32, #tpu.memory_space<vmem>>)
      } else {
      }
      %eq3A = arith.constant 1 : i32
      %eq3A_1144 = arith.cmpi eq, %rem3A_1141, %eq3A : i32
      %ge3A_1145 = arith.constant 1 : i32
      %ge3A_1146 = arith.cmpi sge, %div3A_1139, %ge3A_1145 : i32
      %le3A = arith.constant 47 : i32
      %le3A_1147 = arith.cmpi sle, %div3A_1139, %le3A : i32
      %and3A = arith.andi %ge3A_1146, %le3A_1147 : i1
      %and3A_1148 = arith.andi %eq3A_1144, %and3A : i1
      %convert_element_type3A_1149 = arith.extui %and3A_1148 : i1 to i32
      %cond3A_1150 = arith.constant 0 : i32
      %cond3A_1151 = arith.cmpi ne, %convert_element_type3A_1149, %cond3A_1150 : i32
      scf.if %cond3A_1151 {
        %add3A_1212 = arith.constant 1 : i32
        %add3A_1213 = arith.addi %div3A_1139, %add3A_1212 : i32
        %rem3A_1214 = arith.constant 2 : i32
        %rem3A_1215 = arith.remsi %add3A_1213, %rem3A_1214 : i32
        %mul3A_1216 = arith.constant 8 : i32
        %mul3A_1217 = arith.muli %add3A_1213, %mul3A_1216 : i32
        %add3A_1218 = arith.addi %mul3A_2, %mul3A_1217 : i32
        %mul3A_1219 = arith.constant 8 : i32
        %mul3A_1220 = arith.muli %rem3A_1215, %mul3A_1219 : i32
        %mul3A_1221 = arith.constant 8 : i32
        %mul3A_1222 = arith.muli %add3A_1213, %mul3A_1221 : i32
        %add3A_1223 = arith.addi %mul3A_2, %mul3A_1222 : i32
        %mul3A_1224 = arith.constant 8 : i32
        %mul3A_1225 = arith.muli %rem3A_1215, %mul3A_1224 : i32
        %mul3A_1226 = arith.constant 8 : i32
        %mul3A_1227 = arith.muli %add3A_1213, %mul3A_1226 : i32
        %add3A_1228 = arith.addi %mul3A_2, %mul3A_1227 : i32
        %mul3A_1229 = arith.constant 8 : i32
        %mul3A_1230 = arith.muli %rem3A_1215, %mul3A_1229 : i32
        %dma_start3A_1231 = arith.constant 0 : i32
        %dma_start3A_1232 = tpu.memref_slice %arg10[%mul3A_1220, %dma_start3A_1231] : memref<16x128xi32, #tpu.memory_space<vmem>> -> memref<8x128xi32, #tpu.memory_space<vmem>>
        %dma_start3A_1233 = arith.constant 0 : i32
        %dma_start3A_1234 = tpu.memref_slice %arg3[%add3A_1218, %dma_start3A_1233] : memref<6272x128xi32, #tpu.memory_space<hbm>> -> memref<8x128xi32, #tpu.memory_space<hbm>>
        %dma_start3A_1235 = arith.constant 0 : i32
        %dma_start3A_1236 = tpu.memref_slice %arg10[%mul3A_1220, %dma_start3A_1235] : memref<16x128xi32, #tpu.memory_space<vmem>> -> memref<8x128xi32, #tpu.memory_space<vmem>>
        %dma_start3A_1237 = arith.constant 0 : i32
        %dma_start3A_1238 = tpu.memref_slice %arg3[%add3A_1218, %dma_start3A_1237] : memref<6272x128xi32, #tpu.memory_space<hbm>> -> memref<8x128xi32, #tpu.memory_space<hbm>>
        tpu.enqueue_dma source(%dma_start3A_1238 : memref<8x128xi32, #tpu.memory_space<hbm>>) target(%dma_start3A_1236 : memref<8x128xi32, #tpu.memory_space<vmem>>) target_semaphore(%arg16 : memref<!tpu.dma_semaphore, #tpu.memory_space<semaphore_mem>>)
        %dma_start3A_1239 = arith.constant 0 : i32
        %dma_start3A_1240 = tpu.memref_slice %arg11[%mul3A_1225, %dma_start3A_1239] : memref<16x128xi32, #tpu.memory_space<vmem>> -> memref<8x128xi32, #tpu.memory_space<vmem>>
        %dma_start3A_1241 = arith.constant 0 : i32
        %dma_start3A_1242 = tpu.memref_slice %arg4[%add3A_1223, %dma_start3A_1241] : memref<6272x128xi32, #tpu.memory_space<hbm>> -> memref<8x128xi32, #tpu.memory_space<hbm>>
        %dma_start3A_1243 = arith.constant 0 : i32
        %dma_start3A_1244 = tpu.memref_slice %arg11[%mul3A_1225, %dma_start3A_1243] : memref<16x128xi32, #tpu.memory_space<vmem>> -> memref<8x128xi32, #tpu.memory_space<vmem>>
        %dma_start3A_1245 = arith.constant 0 : i32
        %dma_start3A_1246 = tpu.memref_slice %arg4[%add3A_1223, %dma_start3A_1245] : memref<6272x128xi32, #tpu.memory_space<hbm>> -> memref<8x128xi32, #tpu.memory_space<hbm>>
        tpu.enqueue_dma source(%dma_start3A_1246 : memref<8x128xi32, #tpu.memory_space<hbm>>) target(%dma_start3A_1244 : memref<8x128xi32, #tpu.memory_space<vmem>>) target_semaphore(%arg16 : memref<!tpu.dma_semaphore, #tpu.memory_space<semaphore_mem>>)
        %dma_start3A_1247 = arith.constant 0 : i32
        %dma_start3A_1248 = tpu.memref_slice %arg12[%mul3A_1230, %dma_start3A_1247] : memref<16x128xf32, #tpu.memory_space<vmem>> -> memref<8x128xf32, #tpu.memory_space<vmem>>
        %dma_start3A_1249 = arith.constant 0 : i32
        %dma_start3A_1250 = tpu.memref_slice %arg5[%add3A_1228, %dma_start3A_1249] : memref<6272x128xf32, #tpu.memory_space<hbm>> -> memref<8x128xf32, #tpu.memory_space<hbm>>
        %dma_start3A_1251 = arith.constant 0 : i32
        %dma_start3A_1252 = tpu.memref_slice %arg12[%mul3A_1230, %dma_start3A_1251] : memref<16x128xf32, #tpu.memory_space<vmem>> -> memref<8x128xf32, #tpu.memory_space<vmem>>
        %dma_start3A_1253 = arith.constant 0 : i32
        %dma_start3A_1254 = tpu.memref_slice %arg5[%add3A_1228, %dma_start3A_1253] : memref<6272x128xf32, #tpu.memory_space<hbm>> -> memref<8x128xf32, #tpu.memory_space<hbm>>
        tpu.enqueue_dma source(%dma_start3A_1254 : memref<8x128xf32, #tpu.memory_space<hbm>>) target(%dma_start3A_1252 : memref<8x128xf32, #tpu.memory_space<vmem>>) target_semaphore(%arg16 : memref<!tpu.dma_semaphore, #tpu.memory_space<semaphore_mem>>)
      } else {
      }
      %eq3A_1152 = arith.constant 5 : i32
      %eq3A_1153 = arith.cmpi eq, %rem3A_1141, %eq3A_1152 : i32
      %ge3A_1154 = arith.constant 1 : i32
      %ge3A_1155 = arith.cmpi sge, %div3A_1139, %ge3A_1154 : i32
      %le3A_1156 = arith.constant 47 : i32
      %le3A_1157 = arith.cmpi sle, %div3A_1139, %le3A_1156 : i32
      %and3A_1158 = arith.andi %ge3A_1155, %le3A_1157 : i1
      %and3A_1159 = arith.andi %eq3A_1153, %and3A_1158 : i1
      %convert_element_type3A_1160 = arith.extui %and3A_1159 : i1 to i32
      %cond3A_1161 = arith.constant 0 : i32
      %cond3A_1162 = arith.cmpi ne, %convert_element_type3A_1160, %cond3A_1161 : i32
      scf.if %cond3A_1162 {
        %add3A_1212 = arith.constant 1 : i32
        %add3A_1213 = arith.addi %div3A_1139, %add3A_1212 : i32
        %rem3A_1214 = arith.constant 2 : i32
        %rem3A_1215 = arith.remsi %add3A_1213, %rem3A_1214 : i32
        %mul3A_1216 = arith.constant 8 : i32
        %mul3A_1217 = arith.muli %add3A_1213, %mul3A_1216 : i32
        %add3A_1218 = arith.addi %mul3A_2, %mul3A_1217 : i32
        %mul3A_1219 = arith.constant 8 : i32
        %mul3A_1220 = arith.muli %rem3A_1215, %mul3A_1219 : i32
        %mul3A_1221 = arith.constant 8 : i32
        %mul3A_1222 = arith.muli %add3A_1213, %mul3A_1221 : i32
        %add3A_1223 = arith.addi %mul3A_2, %mul3A_1222 : i32
        %mul3A_1224 = arith.constant 8 : i32
        %mul3A_1225 = arith.muli %rem3A_1215, %mul3A_1224 : i32
        %mul3A_1226 = arith.constant 8 : i32
        %mul3A_1227 = arith.muli %add3A_1213, %mul3A_1226 : i32
        %add3A_1228 = arith.addi %mul3A_2, %mul3A_1227 : i32
        %mul3A_1229 = arith.constant 8 : i32
        %mul3A_1230 = arith.muli %rem3A_1215, %mul3A_1229 : i32
        %dma_wait3A_1231 = arith.constant 0 : i32
        %dma_wait3A_1232 = tpu.memref_slice %arg10[%mul3A_1220, %dma_wait3A_1231] : memref<16x128xi32, #tpu.memory_space<vmem>> -> memref<8x128xi32, #tpu.memory_space<vmem>>
        %dma_wait3A_1233 = arith.constant 0 : i32
        %dma_wait3A_1234 = tpu.memref_slice %arg3[%add3A_1218, %dma_wait3A_1233] : memref<6272x128xi32, #tpu.memory_space<hbm>> -> memref<8x128xi32, #tpu.memory_space<hbm>>
        %dma_wait3A_1235 = arith.constant 0 : i32
        %dma_wait3A_1236 = tpu.memref_slice %arg10[%mul3A_1220, %dma_wait3A_1235] : memref<16x128xi32, #tpu.memory_space<vmem>> -> memref<8x128xi32, #tpu.memory_space<vmem>>
        %dma_wait3A_1237 = arith.constant 0 : i32
        %dma_wait3A_1238 = tpu.memref_slice %arg3[%add3A_1218, %dma_wait3A_1237] : memref<6272x128xi32, #tpu.memory_space<hbm>> -> memref<8x128xi32, #tpu.memory_space<hbm>>
        tpu.wait_dma2 semaphore(%arg16 : memref<!tpu.dma_semaphore, #tpu.memory_space<semaphore_mem>>) src(%dma_wait3A_1238 : memref<8x128xi32, #tpu.memory_space<hbm>>) dst(%dma_wait3A_1236 : memref<8x128xi32, #tpu.memory_space<vmem>>)
        %dma_wait3A_1239 = arith.constant 0 : i32
        %dma_wait3A_1240 = tpu.memref_slice %arg11[%mul3A_1225, %dma_wait3A_1239] : memref<16x128xi32, #tpu.memory_space<vmem>> -> memref<8x128xi32, #tpu.memory_space<vmem>>
        %dma_wait3A_1241 = arith.constant 0 : i32
        %dma_wait3A_1242 = tpu.memref_slice %arg4[%add3A_1223, %dma_wait3A_1241] : memref<6272x128xi32, #tpu.memory_space<hbm>> -> memref<8x128xi32, #tpu.memory_space<hbm>>
        %dma_wait3A_1243 = arith.constant 0 : i32
        %dma_wait3A_1244 = tpu.memref_slice %arg11[%mul3A_1225, %dma_wait3A_1243] : memref<16x128xi32, #tpu.memory_space<vmem>> -> memref<8x128xi32, #tpu.memory_space<vmem>>
        %dma_wait3A_1245 = arith.constant 0 : i32
        %dma_wait3A_1246 = tpu.memref_slice %arg4[%add3A_1223, %dma_wait3A_1245] : memref<6272x128xi32, #tpu.memory_space<hbm>> -> memref<8x128xi32, #tpu.memory_space<hbm>>
        tpu.wait_dma2 semaphore(%arg16 : memref<!tpu.dma_semaphore, #tpu.memory_space<semaphore_mem>>) src(%dma_wait3A_1246 : memref<8x128xi32, #tpu.memory_space<hbm>>) dst(%dma_wait3A_1244 : memref<8x128xi32, #tpu.memory_space<vmem>>)
        %dma_wait3A_1247 = arith.constant 0 : i32
        %dma_wait3A_1248 = tpu.memref_slice %arg12[%mul3A_1230, %dma_wait3A_1247] : memref<16x128xf32, #tpu.memory_space<vmem>> -> memref<8x128xf32, #tpu.memory_space<vmem>>
        %dma_wait3A_1249 = arith.constant 0 : i32
        %dma_wait3A_1250 = tpu.memref_slice %arg5[%add3A_1228, %dma_wait3A_1249] : memref<6272x128xf32, #tpu.memory_space<hbm>> -> memref<8x128xf32, #tpu.memory_space<hbm>>
        %dma_wait3A_1251 = arith.constant 0 : i32
        %dma_wait3A_1252 = tpu.memref_slice %arg12[%mul3A_1230, %dma_wait3A_1251] : memref<16x128xf32, #tpu.memory_space<vmem>> -> memref<8x128xf32, #tpu.memory_space<vmem>>
        %dma_wait3A_1253 = arith.constant 0 : i32
        %dma_wait3A_1254 = tpu.memref_slice %arg5[%add3A_1228, %dma_wait3A_1253] : memref<6272x128xf32, #tpu.memory_space<hbm>> -> memref<8x128xf32, #tpu.memory_space<hbm>>
        tpu.wait_dma2 semaphore(%arg16 : memref<!tpu.dma_semaphore, #tpu.memory_space<semaphore_mem>>) src(%dma_wait3A_1254 : memref<8x128xf32, #tpu.memory_space<hbm>>) dst(%dma_wait3A_1252 : memref<8x128xf32, #tpu.memory_space<vmem>>)
      } else {
      }
      %add3A_1163 = arith.constant 2 : i32
      %add3A_1164 = arith.addi %scan3A_1137, %add3A_1163 : i32
      %lt3A = arith.constant 392 : i32
      %lt3A_1165 = arith.cmpi slt, %add3A_1164, %lt3A : i32
      %rem3A_1166 = arith.constant 2 : i32
      %rem3A_1167 = arith.remsi %scan3A_1137, %rem3A_1166 : i32
      %eq3A_1168 = arith.constant 0 : i32
      %eq3A_1169 = arith.cmpi eq, %rem3A_1167, %eq3A_1168 : i32
      %and3A_1170 = arith.andi %lt3A_1165, %eq3A_1169 : i1
      %convert_element_type3A_1171 = arith.extui %and3A_1170 : i1 to i32
      %cond3A_1172 = arith.constant 0 : i32
      %cond3A_1173 = arith.cmpi ne, %convert_element_type3A_1171, %cond3A_1172 : i32
      scf.if %cond3A_1173 {
        %add3A_1212 = arith.constant 2 : i32
        %add3A_1213 = arith.addi %scan3A_1137, %add3A_1212 : i32
        %rem3A_1214 = arith.constant 4 : i32
        %rem3A_1215 = arith.remsi %add3A_1213, %rem3A_1214 : i32
        %rem3A_1216 = arith.constant 16 : i32
        %rem3A_1217 = arith.remsi %add3A_1213, %rem3A_1216 : i32
        %mul3A_1218 = arith.constant 128 : i32
        %mul3A_1219 = arith.muli %rem3A_1215, %mul3A_1218 : i32
        %dma_start3A_1220 = arith.constant 0 : i32
        %dma_start3A_1221 = tpu.memref_slice %arg13[%mul3A_1219, %dma_start3A_1220] : memref<512x32xf32, #tpu.memory_space<vmem>> -> memref<128x32xf32, #tpu.memory_space<vmem>>
        %dma_start3A_1222 = arith.constant 0 : i32
        %dma_start3A_1223 = tpu.memref_slice %arg10[%rem3A_1217, %dma_start3A_1222] : memref<16x128xi32, #tpu.memory_space<vmem>> -> memref<1x128xi32, #tpu.memory_space<vmem>>
        %dma_start3A_1224 = tpu.memref_squeeze %dma_start3A_1223 : memref<1x128xi32, #tpu.memory_space<vmem>> -> memref<128xi32, #tpu.memory_space<vmem>>
        %dma_start3A_1225 = arith.constant 0 : i32
        %dma_start3A_1226 = tpu.memref_slice %arg8[%mul3A_4, %dma_start3A_1225] : memref<100352x32xf32, #tpu.memory_space<hbm>> -> memref<50176x32xf32, #tpu.memory_space<hbm>>
        %dma_start3A_1227 = arith.constant 0 : i32
        %dma_start3A_1228 = arith.constant 0 : i32
        %dma_start3A_1229 = tpu.memref_slice %dma_start3A_1226[%dma_start3A_1227, %dma_start3A_1228] : memref<50176x32xf32, #tpu.memory_space<hbm>> -> memref<50176x32xf32, #tpu.memory_space<hbm>>
        tpu.enqueue_indirect_dma source(%dma_start3A_1229 : memref<50176x32xf32, #tpu.memory_space<hbm>>) target(%dma_start3A_1221 : memref<128x32xf32, #tpu.memory_space<vmem>>) offsets(%dma_start3A_1224 : memref<128xi32, #tpu.memory_space<vmem>>) semaphore(%arg17 : memref<!tpu.dma_semaphore, #tpu.memory_space<semaphore_mem>>)
      } else {
      }
      %add3A_1174 = arith.constant 2 : i32
      %add3A_1175 = arith.addi %scan3A_1137, %add3A_1174 : i32
      %lt3A_1176 = arith.constant 392 : i32
      %lt3A_1177 = arith.cmpi slt, %add3A_1175, %lt3A_1176 : i32
      %rem3A_1178 = arith.constant 2 : i32
      %rem3A_1179 = arith.remsi %scan3A_1137, %rem3A_1178 : i32
      %eq3A_1180 = arith.constant 1 : i32
      %eq3A_1181 = arith.cmpi eq, %rem3A_1179, %eq3A_1180 : i32
      %and3A_1182 = arith.andi %lt3A_1177, %eq3A_1181 : i1
      %convert_element_type3A_1183 = arith.extui %and3A_1182 : i1 to i32
      %cond3A_1184 = arith.constant 0 : i32
      %cond3A_1185 = arith.cmpi ne, %convert_element_type3A_1183, %cond3A_1184 : i32
      scf.if %cond3A_1185 {
        %add3A_1212 = arith.constant 2 : i32
        %add3A_1213 = arith.addi %scan3A_1137, %add3A_1212 : i32
        %rem3A_1214 = arith.constant 4 : i32
        %rem3A_1215 = arith.remsi %add3A_1213, %rem3A_1214 : i32
        %rem3A_1216 = arith.constant 16 : i32
        %rem3A_1217 = arith.remsi %add3A_1213, %rem3A_1216 : i32
        %mul3A_1218 = arith.constant 128 : i32
        %mul3A_1219 = arith.muli %rem3A_1215, %mul3A_1218 : i32
        %dma_start3A_1220 = arith.constant 0 : i32
        %dma_start3A_1221 = tpu.memref_slice %arg13[%mul3A_1219, %dma_start3A_1220] : memref<512x32xf32, #tpu.memory_space<vmem>> -> memref<128x32xf32, #tpu.memory_space<vmem>>
        %dma_start3A_1222 = arith.constant 0 : i32
        %dma_start3A_1223 = tpu.memref_slice %arg10[%rem3A_1217, %dma_start3A_1222] : memref<16x128xi32, #tpu.memory_space<vmem>> -> memref<1x128xi32, #tpu.memory_space<vmem>>
        %dma_start3A_1224 = tpu.memref_squeeze %dma_start3A_1223 : memref<1x128xi32, #tpu.memory_space<vmem>> -> memref<128xi32, #tpu.memory_space<vmem>>
        %dma_start3A_1225 = arith.constant 0 : i32
        %dma_start3A_1226 = tpu.memref_slice %arg8[%mul3A_4, %dma_start3A_1225] : memref<100352x32xf32, #tpu.memory_space<hbm>> -> memref<50176x32xf32, #tpu.memory_space<hbm>>
        %dma_start3A_1227 = arith.constant 0 : i32
        %dma_start3A_1228 = arith.constant 0 : i32
        %dma_start3A_1229 = tpu.memref_slice %dma_start3A_1226[%dma_start3A_1227, %dma_start3A_1228] : memref<50176x32xf32, #tpu.memory_space<hbm>> -> memref<50176x32xf32, #tpu.memory_space<hbm>>
        tpu.enqueue_indirect_dma source(%dma_start3A_1229 : memref<50176x32xf32, #tpu.memory_space<hbm>>) target(%dma_start3A_1221 : memref<128x32xf32, #tpu.memory_space<vmem>>) offsets(%dma_start3A_1224 : memref<128xi32, #tpu.memory_space<vmem>>) semaphore(%arg18 : memref<!tpu.dma_semaphore, #tpu.memory_space<semaphore_mem>>)
      } else {
      }
      %lt3A_1186 = arith.constant 392 : i32
      %lt3A_1187 = arith.cmpi slt, %scan3A_1137, %lt3A_1186 : i32
      %rem3A_1188 = arith.constant 2 : i32
      %rem3A_1189 = arith.remsi %scan3A_1137, %rem3A_1188 : i32
      %eq3A_1190 = arith.constant 0 : i32
      %eq3A_1191 = arith.cmpi eq, %rem3A_1189, %eq3A_1190 : i32
      %and3A_1192 = arith.andi %lt3A_1187, %eq3A_1191 : i1
      %convert_element_type3A_1193 = arith.extui %and3A_1192 : i1 to i32
      %cond3A_1194 = arith.constant 0 : i32
      %cond3A_1195 = arith.cmpi ne, %convert_element_type3A_1193, %cond3A_1194 : i32
      scf.if %cond3A_1195 {
        %dma_wait3A_1212 = arith.constant 0 : i32
        %dma_wait3A_1213 = arith.constant 0 : i32
        %dma_wait3A_1214 = tpu.memref_slice %arg13[%dma_wait3A_1212, %dma_wait3A_1213] : memref<512x32xf32, #tpu.memory_space<vmem>> -> memref<128x32xf32, #tpu.memory_space<vmem>>
        %dma_wait3A_1215 = arith.constant 0 : i32
        %dma_wait3A_1216 = arith.constant 0 : i32
        %dma_wait3A_1217 = tpu.memref_slice %arg2[%dma_wait3A_1215, %dma_wait3A_1216] : memref<100352x32xf32, #tpu.memory_space<hbm>> -> memref<128x32xf32, #tpu.memory_space<hbm>>
        %dma_wait3A_1218 = arith.constant 0 : i32
        %dma_wait3A_1219 = arith.constant 0 : i32
        %dma_wait3A_1220 = tpu.memref_slice %arg13[%dma_wait3A_1218, %dma_wait3A_1219] : memref<512x32xf32, #tpu.memory_space<vmem>> -> memref<128x32xf32, #tpu.memory_space<vmem>>
        %dma_wait3A_1221 = arith.constant 0 : i32
        %dma_wait3A_1222 = arith.constant 0 : i32
        %dma_wait3A_1223 = tpu.memref_slice %arg2[%dma_wait3A_1221, %dma_wait3A_1222] : memref<100352x32xf32, #tpu.memory_space<hbm>> -> memref<128x32xf32, #tpu.memory_space<hbm>>
        tpu.wait_dma2 semaphore(%arg17 : memref<!tpu.dma_semaphore, #tpu.memory_space<semaphore_mem>>) src(%dma_wait3A_1223 : memref<128x32xf32, #tpu.memory_space<hbm>>) dst(%dma_wait3A_1220 : memref<128x32xf32, #tpu.memory_space<vmem>>)
      } else {
      }
      %lt3A_1196 = arith.constant 392 : i32
      %lt3A_1197 = arith.cmpi slt, %scan3A_1137, %lt3A_1196 : i32
      %rem3A_1198 = arith.constant 2 : i32
      %rem3A_1199 = arith.remsi %scan3A_1137, %rem3A_1198 : i32
      %eq3A_1200 = arith.constant 1 : i32
      %eq3A_1201 = arith.cmpi eq, %rem3A_1199, %eq3A_1200 : i32
      %and3A_1202 = arith.andi %lt3A_1197, %eq3A_1201 : i1
      %convert_element_type3A_1203 = arith.extui %and3A_1202 : i1 to i32
      %cond3A_1204 = arith.constant 0 : i32
      %cond3A_1205 = arith.cmpi ne, %convert_element_type3A_1203, %cond3A_1204 : i32
      scf.if %cond3A_1205 {
        %dma_wait3A_1212 = arith.constant 0 : i32
        %dma_wait3A_1213 = arith.constant 0 : i32
        %dma_wait3A_1214 = tpu.memref_slice %arg13[%dma_wait3A_1212, %dma_wait3A_1213] : memref<512x32xf32, #tpu.memory_space<vmem>> -> memref<128x32xf32, #tpu.memory_space<vmem>>
        %dma_wait3A_1215 = arith.constant 0 : i32
        %dma_wait3A_1216 = arith.constant 0 : i32
        %dma_wait3A_1217 = tpu.memref_slice %arg2[%dma_wait3A_1215, %dma_wait3A_1216] : memref<100352x32xf32, #tpu.memory_space<hbm>> -> memref<128x32xf32, #tpu.memory_space<hbm>>
        %dma_wait3A_1218 = arith.constant 0 : i32
        %dma_wait3A_1219 = arith.constant 0 : i32
        %dma_wait3A_1220 = tpu.memref_slice %arg13[%dma_wait3A_1218, %dma_wait3A_1219] : memref<512x32xf32, #tpu.memory_space<vmem>> -> memref<128x32xf32, #tpu.memory_space<vmem>>
        %dma_wait3A_1221 = arith.constant 0 : i32
        %dma_wait3A_1222 = arith.constant 0 : i32
        %dma_wait3A_1223 = tpu.memref_slice %arg2[%dma_wait3A_1221, %dma_wait3A_1222] : memref<100352x32xf32, #tpu.memory_space<hbm>> -> memref<128x32xf32, #tpu.memory_space<hbm>>
        tpu.wait_dma2 semaphore(%arg18 : memref<!tpu.dma_semaphore, #tpu.memory_space<semaphore_mem>>) src(%dma_wait3A_1223 : memref<128x32xf32, #tpu.memory_space<hbm>>) dst(%dma_wait3A_1220 : memref<128x32xf32, #tpu.memory_space<vmem>>)
      } else {
      }
      %lt3A_1206 = arith.constant 392 : i32
      %lt3A_1207 = arith.cmpi slt, %scan3A_1137, %lt3A_1206 : i32
      %convert_element_type3A_1208 = arith.extui %lt3A_1207 : i1 to i32
      %cond3A_1209 = arith.constant 0 : i32
      %cond3A_1210 = arith.cmpi ne, %convert_element_type3A_1208, %cond3A_1209 : i32
      scf.if %cond3A_1210 {
        %rem3A_1212 = arith.constant 4 : i32
        %rem3A_1213 = arith.remsi %scan3A_1137, %rem3A_1212 : i32
        %rem3A_1214 = arith.constant 16 : i32
        %rem3A_1215 = arith.remsi %scan3A_1137, %rem3A_1214 : i32
        %scan3A_1216 = arith.constant 0 : i32
        %scan3A_1217 = arith.constant 0 : i32
        %scan3A_1218 = arith.constant 8 : i32
        %scan3A_1219 = arith.addi %scan3A_1217, %scan3A_1218 : i32
        %scan3A_1220 = arith.constant 1 : i32
        %scan3A_1221 = scf.for %scan3A_1237 = %scan3A_1217 to %scan3A_1219 step %scan3A_1220 iter_args(%scan3A_1238 = %scan3A_1216) -> (i32)  : i32 {
          %mul3A_1239 = arith.constant 16 : i32
          %mul3A_1240 = arith.muli %scan3A_1237, %mul3A_1239 : i32
          %get3A = arith.index_cast %rem3A_1215 : i32 to index
          %get3A_1241 = arith.index_cast %mul3A_1240 : i32 to index
          %get3A_1242 = tpu.vector_load %arg12[%get3A, %get3A_1241] {strides = array<i32>} : memref<16x128xf32, #tpu.memory_space<vmem>>, vector<1x16xf32>,
          %get3A_1243 = vector.shape_cast %get3A_1242 : vector<1x16xf32> to vector<16xf32>
          %mul3A_1244 = arith.constant 128 : i32
          %mul3A_1245 = arith.muli %rem3A_1213, %mul3A_1244 : i32
          %mul3A_1246 = arith.constant 16 : i32
          %mul3A_1247 = arith.muli %scan3A_1237, %mul3A_1246 : i32
          %add3A_1248 = arith.addi %mul3A_1245, %mul3A_1247 : i32
          %add3A_1249 = arith.constant 0 : i32
          %add3A_1250 = arith.addi %add3A_1248, %add3A_1249 : i32
          %slice3A = vector.extract_strided_slice %get3A_1243 {offsets = [0], sizes = [1], strides = [1]} : vector<16xf32> to vector<1xf32>
          %squeeze3A = vector.extract %slice3A[0] : f32 from vector<1xf32>
          %get3A_1251 = arith.index_cast %add3A_1250 : i32 to index
          %get3A_1252 = arith.constant 0 : index
          %get3A_1253 = tpu.vector_load %arg13[%get3A_1251, %get3A_1252] {strides = array<i32>} : memref<512x32xf32, #tpu.memory_space<vmem>>, vector<1x16xf32>,
          %get3A_1254 = vector.shape_cast %get3A_1253 : vector<1x16xf32> to vector<16xf32>
          %mul3A_1255 = vector.broadcast %squeeze3A : f32 to vector<16xf32>
          %mul3A_1256 = arith.mulf %get3A_1254, %mul3A_1255 : vector<16xf32>
          %swap3A = arith.index_cast %add3A_1250 : i32 to index
          %swap3A_1257 = arith.constant 0 : index
          %swap3A_1258 = tpu.vector_load %arg13[%swap3A, %swap3A_1257] {strides = array<i32>} : memref<512x32xf32, #tpu.memory_space<vmem>>, vector<1x16xf32>,
          %swap3A_1259 = vector.shape_cast %swap3A_1258 : vector<1x16xf32> to vector<16xf32>
          %swap3A_1260 = vector.shape_cast %mul3A_1256 : vector<16xf32> to vector<1x16xf32>
          tpu.vector_store %arg13[%swap3A, %swap3A_1257], %swap3A_1260 {strides = array<i32>} : memref<512x32xf32, #tpu.memory_space<vmem>>, vector<1x16xf32>,
          %get3A_1261 = arith.index_cast %add3A_1250 : i32 to index
          %get3A_1262 = arith.constant 16 : index
          %get3A_1263 = tpu.vector_load %arg13[%get3A_1261, %get3A_1262] {strides = array<i32>} : memref<512x32xf32, #tpu.memory_space<vmem>>, vector<1x16xf32>,
          %get3A_1264 = vector.shape_cast %get3A_1263 : vector<1x16xf32> to vector<16xf32>
          %mul3A_1265 = vector.broadcast %squeeze3A : f32 to vector<16xf32>
          %mul3A_1266 = arith.mulf %get3A_1264, %mul3A_1265 : vector<16xf32>
          %swap3A_1267 = arith.index_cast %add3A_1250 : i32 to index
          %swap3A_1268 = arith.constant 16 : index
          %swap3A_1269 = tpu.vector_load %arg13[%swap3A_1267, %swap3A_1268] {strides = array<i32>} : memref<512x32xf32, #tpu.memory_space<vmem>>, vector<1x16xf32>,
          %swap3A_1270 = vector.shape_cast %swap3A_1269 : vector<1x16xf32> to vector<16xf32>
          %swap3A_1271 = vector.shape_cast %mul3A_1266 : vector<16xf32> to vector<1x16xf32>
          tpu.vector_store %arg13[%swap3A_1267, %swap3A_1268], %swap3A_1271 {strides = array<i32>} : memref<512x32xf32, #tpu.memory_space<vmem>>, vector<1x16xf32>,
          %mul3A_1272 = arith.constant 128 : i32
          %mul3A_1273 = arith.muli %rem3A_1213, %mul3A_1272 : i32
          %mul3A_1274 = arith.constant 16 : i32
          %mul3A_1275 = arith.muli %scan3A_1237, %mul3A_1274 : i32
          %add3A_1276 = arith.addi %mul3A_1273, %mul3A_1275 : i32
          %add3A_1277 = arith.constant 1 : i32
          %add3A_1278 = arith.addi %add3A_1276, %add3A_1277 : i32
          %slice3A_1279 = vector.extract_strided_slice %get3A_1243 {offsets = [1], sizes = [1], strides = [1]} : vector<16xf32> to vector<1xf32>
          %squeeze3A_1280 = vector.extract %slice3A_1279[0] : f32 from vector<1xf32>
          %get3A_1281 = arith.index_cast %add3A_1278 : i32 to index
          %get3A_1282 = arith.constant 0 : index
          %get3A_1283 = tpu.vector_load %arg13[%get3A_1281, %get3A_1282] {strides = array<i32>} : memref<512x32xf32, #tpu.memory_space<vmem>>, vector<1x16xf32>,
          %get3A_1284 = vector.shape_cast %get3A_1283 : vector<1x16xf32> to vector<16xf32>
          %mul3A_1285 = vector.broadcast %squeeze3A_1280 : f32 to vector<16xf32>
          %mul3A_1286 = arith.mulf %get3A_1284, %mul3A_1285 : vector<16xf32>
          %swap3A_1287 = arith.index_cast %add3A_1278 : i32 to index
          %swap3A_1288 = arith.constant 0 : index
          %swap3A_1289 = tpu.vector_load %arg13[%swap3A_1287, %swap3A_1288] {strides = array<i32>} : memref<512x32xf32, #tpu.memory_space<vmem>>, vector<1x16xf32>,
          %swap3A_1290 = vector.shape_cast %swap3A_1289 : vector<1x16xf32> to vector<16xf32>
          %swap3A_1291 = vector.shape_cast %mul3A_1286 : vector<16xf32> to vector<1x16xf32>
          tpu.vector_store %arg13[%swap3A_1287, %swap3A_1288], %swap3A_1291 {strides = array<i32>} : memref<512x32xf32, #tpu.memory_space<vmem>>, vector<1x16xf32>,
          %get3A_1292 = arith.index_cast %add3A_1278 : i32 to index
          %get3A_1293 = arith.constant 16 : index
          %get3A_1294 = tpu.vector_load %arg13[%get3A_1292, %get3A_1293] {strides = array<i32>} : memref<512x32xf32, #tpu.memory_space<vmem>>, vector<1x16xf32>,
          %get3A_1295 = vector.shape_cast %get3A_1294 : vector<1x16xf32> to vector<16xf32>
          %mul3A_1296 = vector.broadcast %squeeze3A_1280 : f32 to vector<16xf32>
          %mul3A_1297 = arith.mulf %get3A_1295, %mul3A_1296 : vector<16xf32>
          %swap3A_1298 = arith.index_cast %add3A_1278 : i32 to index
          %swap3A_1299 = arith.constant 16 : index
          %swap3A_1300 = tpu.vector_load %arg13[%swap3A_1298, %swap3A_1299] {strides = array<i32>} : memref<512x32xf32, #tpu.memory_space<vmem>>, vector<1x16xf32>,
          %swap3A_1301 = vector.shape_cast %swap3A_1300 : vector<1x16xf32> to vector<16xf32>
          %swap3A_1302 = vector.shape_cast %mul3A_1297 : vector<16xf32> to vector<1x16xf32>
          tpu.vector_store %arg13[%swap3A_1298, %swap3A_1299], %swap3A_1302 {strides = array<i32>} : memref<512x32xf32, #tpu.memory_space<vmem>>, vector<1x16xf32>,
          %mul3A_1303 = arith.constant 128 : i32
          %mul3A_1304 = arith.muli %rem3A_1213, %mul3A_1303 : i32
          %mul3A_1305 = arith.constant 16 : i32
          %mul3A_1306 = arith.muli %scan3A_1237, %mul3A_1305 : i32
          %add3A_1307 = arith.addi %mul3A_1304, %mul3A_1306 : i32
          %add3A_1308 = arith.constant 2 : i32
          %add3A_1309 = arith.addi %add3A_1307, %add3A_1308 : i32
          %slice3A_1310 = vector.extract_strided_slice %get3A_1243 {offsets = [2], sizes = [1], strides = [1]} : vector<16xf32> to vector<1xf32>
          %squeeze3A_1311 = vector.extract %slice3A_1310[0] : f32 from vector<1xf32>
          %get3A_1312 = arith.index_cast %add3A_1309 : i32 to index
          %get3A_1313 = arith.constant 0 : index
          %get3A_1314 = tpu.vector_load %arg13[%get3A_1312, %get3A_1313] {strides = array<i32>} : memref<512x32xf32, #tpu.memory_space<vmem>>, vector<1x16xf32>,
          %get3A_1315 = vector.shape_cast %get3A_1314 : vector<1x16xf32> to vector<16xf32>
          %mul3A_1316 = vector.broadcast %squeeze3A_1311 : f32 to vector<16xf32>
          %mul3A_1317 = arith.mulf %get3A_1315, %mul3A_1316 : vector<16xf32>
          %swap3A_1318 = arith.index_cast %add3A_1309 : i32 to index
          %swap3A_1319 = arith.constant 0 : index
          %swap3A_1320 = tpu.vector_load %arg13[%swap3A_1318, %swap3A_1319] {strides = array<i32>} : memref<512x32xf32, #tpu.memory_space<vmem>>, vector<1x16xf32>,
          %swap3A_1321 = vector.shape_cast %swap3A_1320 : vector<1x16xf32> to vector<16xf32>
          %swap3A_1322 = vector.shape_cast %mul3A_1317 : vector<16xf32> to vector<1x16xf32>
          tpu.vector_store %arg13[%swap3A_1318, %swap3A_1319], %swap3A_1322 {strides = array<i32>} : memref<512x32xf32, #tpu.memory_space<vmem>>, vector<1x16xf32>,
          %get3A_1323 = arith.index_cast %add3A_1309 : i32 to index
          %get3A_1324 = arith.constant 16 : index
          %get3A_1325 = tpu.vector_load %arg13[%get3A_1323, %get3A_1324] {strides = array<i32>} : memref<512x32xf32, #tpu.memory_space<vmem>>, vector<1x16xf32>,
          %get3A_1326 = vector.shape_cast %get3A_1325 : vector<1x16xf32> to vector<16xf32>
          %mul3A_1327 = vector.broadcast %squeeze3A_1311 : f32 to vector<16xf32>
          %mul3A_1328 = arith.mulf %get3A_1326, %mul3A_1327 : vector<16xf32>
          %swap3A_1329 = arith.index_cast %add3A_1309 : i32 to index
          %swap3A_1330 = arith.constant 16 : index
          %swap3A_1331 = tpu.vector_load %arg13[%swap3A_1329, %swap3A_1330] {strides = array<i32>} : memref<512x32xf32, #tpu.memory_space<vmem>>, vector<1x16xf32>,
          %swap3A_1332 = vector.shape_cast %swap3A_1331 : vector<1x16xf32> to vector<16xf32>
          %swap3A_1333 = vector.shape_cast %mul3A_1328 : vector<16xf32> to vector<1x16xf32>
          tpu.vector_store %arg13[%swap3A_1329, %swap3A_1330], %swap3A_1333 {strides = array<i32>} : memref<512x32xf32, #tpu.memory_space<vmem>>, vector<1x16xf32>,
          %mul3A_1334 = arith.constant 128 : i32
          %mul3A_1335 = arith.muli %rem3A_1213, %mul3A_1334 : i32
          %mul3A_1336 = arith.constant 16 : i32
          %mul3A_1337 = arith.muli %scan3A_1237, %mul3A_1336 : i32
          %add3A_1338 = arith.addi %mul3A_1335, %mul3A_1337 : i32
          %add3A_1339 = arith.constant 3 : i32
          %add3A_1340 = arith.addi %add3A_1338, %add3A_1339 : i32
          %slice3A_1341 = vector.extract_strided_slice %get3A_1243 {offsets = [3], sizes = [1], strides = [1]} : vector<16xf32> to vector<1xf32>
          %squeeze3A_1342 = vector.extract %slice3A_1341[0] : f32 from vector<1xf32>
          %get3A_1343 = arith.index_cast %add3A_1340 : i32 to index
          %get3A_1344 = arith.constant 0 : index
          %get3A_1345 = tpu.vector_load %arg13[%get3A_1343, %get3A_1344] {strides = array<i32>} : memref<512x32xf32, #tpu.memory_space<vmem>>, vector<1x16xf32>,
          %get3A_1346 = vector.shape_cast %get3A_1345 : vector<1x16xf32> to vector<16xf32>
          %mul3A_1347 = vector.broadcast %squeeze3A_1342 : f32 to vector<16xf32>
          %mul3A_1348 = arith.mulf %get3A_1346, %mul3A_1347 : vector<16xf32>
          %swap3A_1349 = arith.index_cast %add3A_1340 : i32 to index
          %swap3A_1350 = arith.constant 0 : index
          %swap3A_1351 = tpu.vector_load %arg13[%swap3A_1349, %swap3A_1350] {strides = array<i32>} : memref<512x32xf32, #tpu.memory_space<vmem>>, vector<1x16xf32>,
          %swap3A_1352 = vector.shape_cast %swap3A_1351 : vector<1x16xf32> to vector<16xf32>
          %swap3A_1353 = vector.shape_cast %mul3A_1348 : vector<16xf32> to vector<1x16xf32>
          tpu.vector_store %arg13[%swap3A_1349, %swap3A_1350], %swap3A_1353 {strides = array<i32>} : memref<512x32xf32, #tpu.memory_space<vmem>>, vector<1x16xf32>,
          %get3A_1354 = arith.index_cast %add3A_1340 : i32 to index
          %get3A_1355 = arith.constant 16 : index
          %get3A_1356 = tpu.vector_load %arg13[%get3A_1354, %get3A_1355] {strides = array<i32>} : memref<512x32xf32, #tpu.memory_space<vmem>>, vector<1x16xf32>,
          %get3A_1357 = vector.shape_cast %get3A_1356 : vector<1x16xf32> to vector<16xf32>
          %mul3A_1358 = vector.broadcast %squeeze3A_1342 : f32 to vector<16xf32>
          %mul3A_1359 = arith.mulf %get3A_1357, %mul3A_1358 : vector<16xf32>
          %swap3A_1360 = arith.index_cast %add3A_1340 : i32 to index
          %swap3A_1361 = arith.constant 16 : index
          %swap3A_1362 = tpu.vector_load %arg13[%swap3A_1360, %swap3A_1361] {strides = array<i32>} : memref<512x32xf32, #tpu.memory_space<vmem>>, vector<1x16xf32>,
          %swap3A_1363 = vector.shape_cast %swap3A_1362 : vector<1x16xf32> to vector<16xf32>
          %swap3A_1364 = vector.shape_cast %mul3A_1359 : vector<16xf32> to vector<1x16xf32>
          tpu.vector_store %arg13[%swap3A_1360, %swap3A_1361], %swap3A_1364 {strides = array<i32>} : memref<512x32xf32, #tpu.memory_space<vmem>>, vector<1x16xf32>,
          %mul3A_1365 = arith.constant 128 : i32
          %mul3A_1366 = arith.muli %rem3A_1213, %mul3A_1365 : i32
          %mul3A_1367 = arith.constant 16 : i32
          %mul3A_1368 = arith.muli %scan3A_1237, %mul3A_1367 : i32
          %add3A_1369 = arith.addi %mul3A_1366, %mul3A_1368 : i32
          %add3A_1370 = arith.constant 4 : i32
          %add3A_1371 = arith.addi %add3A_1369, %add3A_1370 : i32
          %slice3A_1372 = vector.extract_strided_slice %get3A_1243 {offsets = [4], sizes = [1], strides = [1]} : vector<16xf32> to vector<1xf32>
          %squeeze3A_1373 = vector.extract %slice3A_1372[0] : f32 from vector<1xf32>
          %get3A_1374 = arith.index_cast %add3A_1371 : i32 to index
          %get3A_1375 = arith.constant 0 : index
          %get3A_1376 = tpu.vector_load %arg13[%get3A_1374, %get3A_1375] {strides = array<i32>} : memref<512x32xf32, #tpu.memory_space<vmem>>, vector<1x16xf32>,
          %get3A_1377 = vector.shape_cast %get3A_1376 : vector<1x16xf32> to vector<16xf32>
          %mul3A_1378 = vector.broadcast %squeeze3A_1373 : f32 to vector<16xf32>
          %mul3A_1379 = arith.mulf %get3A_1377, %mul3A_1378 : vector<16xf32>
          %swap3A_1380 = arith.index_cast %add3A_1371 : i32 to index
          %swap3A_1381 = arith.constant 0 : index
          %swap3A_1382 = tpu.vector_load %arg13[%swap3A_1380, %swap3A_1381] {strides = array<i32>} : memref<512x32xf32, #tpu.memory_space<vmem>>, vector<1x16xf32>,
          %swap3A_1383 = vector.shape_cast %swap3A_1382 : vector<1x16xf32> to vector<16xf32>
          %swap3A_1384 = vector.shape_cast %mul3A_1379 : vector<16xf32> to vector<1x16xf32>
          tpu.vector_store %arg13[%swap3A_1380, %swap3A_1381], %swap3A_1384 {strides = array<i32>} : memref<512x32xf32, #tpu.memory_space<vmem>>, vector<1x16xf32>,
          %get3A_1385 = arith.index_cast %add3A_1371 : i32 to index
          %get3A_1386 = arith.constant 16 : index
          %get3A_1387 = tpu.vector_load %arg13[%get3A_1385, %get3A_1386] {strides = array<i32>} : memref<512x32xf32, #tpu.memory_space<vmem>>, vector<1x16xf32>,
          %get3A_1388 = vector.shape_cast %get3A_1387 : vector<1x16xf32> to vector<16xf32>
          %mul3A_1389 = vector.broadcast %squeeze3A_1373 : f32 to vector<16xf32>
          %mul3A_1390 = arith.mulf %get3A_1388, %mul3A_1389 : vector<16xf32>
          %swap3A_1391 = arith.index_cast %add3A_1371 : i32 to index
          %swap3A_1392 = arith.constant 16 : index
          %swap3A_1393 = tpu.vector_load %arg13[%swap3A_1391, %swap3A_1392] {strides = array<i32>} : memref<512x32xf32, #tpu.memory_space<vmem>>, vector<1x16xf32>,
          %swap3A_1394 = vector.shape_cast %swap3A_1393 : vector<1x16xf32> to vector<16xf32>
          %swap3A_1395 = vector.shape_cast %mul3A_1390 : vector<16xf32> to vector<1x16xf32>
          tpu.vector_store %arg13[%swap3A_1391, %swap3A_1392], %swap3A_1395 {strides = array<i32>} : memref<512x32xf32, #tpu.memory_space<vmem>>, vector<1x16xf32>,
          %mul3A_1396 = arith.constant 128 : i32
          %mul3A_1397 = arith.muli %rem3A_1213, %mul3A_1396 : i32
          %mul3A_1398 = arith.constant 16 : i32
          %mul3A_1399 = arith.muli %scan3A_1237, %mul3A_1398 : i32
          %add3A_1400 = arith.addi %mul3A_1397, %mul3A_1399 : i32
          %add3A_1401 = arith.constant 5 : i32
          %add3A_1402 = arith.addi %add3A_1400, %add3A_1401 : i32
          %slice3A_1403 = vector.extract_strided_slice %get3A_1243 {offsets = [5], sizes = [1], strides = [1]} : vector<16xf32> to vector<1xf32>
          %squeeze3A_1404 = vector.extract %slice3A_1403[0] : f32 from vector<1xf32>
          %get3A_1405 = arith.index_cast %add3A_1402 : i32 to index
          %get3A_1406 = arith.constant 0 : index
          %get3A_1407 = tpu.vector_load %arg13[%get3A_1405, %get3A_1406] {strides = array<i32>} : memref<512x32xf32, #tpu.memory_space<vmem>>, vector<1x16xf32>,
          %get3A_1408 = vector.shape_cast %get3A_1407 : vector<1x16xf32> to vector<16xf32>
          %mul3A_1409 = vector.broadcast %squeeze3A_1404 : f32 to vector<16xf32>
          %mul3A_1410 = arith.mulf %get3A_1408, %mul3A_1409 : vector<16xf32>
          %swap3A_1411 = arith.index_cast %add3A_1402 : i32 to index
          %swap3A_1412 = arith.constant 0 : index
          %swap3A_1413 = tpu.vector_load %arg13[%swap3A_1411, %swap3A_1412] {strides = array<i32>} : memref<512x32xf32, #tpu.memory_space<vmem>>, vector<1x16xf32>,
          %swap3A_1414 = vector.shape_cast %swap3A_1413 : vector<1x16xf32> to vector<16xf32>
          %swap3A_1415 = vector.shape_cast %mul3A_1410 : vector<16xf32> to vector<1x16xf32>
          tpu.vector_store %arg13[%swap3A_1411, %swap3A_1412], %swap3A_1415 {strides = array<i32>} : memref<512x32xf32, #tpu.memory_space<vmem>>, vector<1x16xf32>,
          %get3A_1416 = arith.index_cast %add3A_1402 : i32 to index
          %get3A_1417 = arith.constant 16 : index
          %get3A_1418 = tpu.vector_load %arg13[%get3A_1416, %get3A_1417] {strides = array<i32>} : memref<512x32xf32, #tpu.memory_space<vmem>>, vector<1x16xf32>,
          %get3A_1419 = vector.shape_cast %get3A_1418 : vector<1x16xf32> to vector<16xf32>
          %mul3A_1420 = vector.broadcast %squeeze3A_1404 : f32 to vector<16xf32>
          %mul3A_1421 = arith.mulf %get3A_1419, %mul3A_1420 : vector<16xf32>
          %swap3A_1422 = arith.index_cast %add3A_1402 : i32 to index
          %swap3A_1423 = arith.constant 16 : index
          %swap3A_1424 = tpu.vector_load %arg13[%swap3A_1422, %swap3A_1423] {strides = array<i32>} : memref<512x32xf32, #tpu.memory_space<vmem>>, vector<1x16xf32>,
          %swap3A_1425 = vector.shape_cast %swap3A_1424 : vector<1x16xf32> to vector<16xf32>
          %swap3A_1426 = vector.shape_cast %mul3A_1421 : vector<16xf32> to vector<1x16xf32>
          tpu.vector_store %arg13[%swap3A_1422, %swap3A_1423], %swap3A_1426 {strides = array<i32>} : memref<512x32xf32, #tpu.memory_space<vmem>>, vector<1x16xf32>,
          %mul3A_1427 = arith.constant 128 : i32
          %mul3A_1428 = arith.muli %rem3A_1213, %mul3A_1427 : i32
          %mul3A_1429 = arith.constant 16 : i32
          %mul3A_1430 = arith.muli %scan3A_1237, %mul3A_1429 : i32
          %add3A_1431 = arith.addi %mul3A_1428, %mul3A_1430 : i32
          %add3A_1432 = arith.constant 6 : i32
          %add3A_1433 = arith.addi %add3A_1431, %add3A_1432 : i32
          %slice3A_1434 = vector.extract_strided_slice %get3A_1243 {offsets = [6], sizes = [1], strides = [1]} : vector<16xf32> to vector<1xf32>
          %squeeze3A_1435 = vector.extract %slice3A_1434[0] : f32 from vector<1xf32>
          %get3A_1436 = arith.index_cast %add3A_1433 : i32 to index
          %get3A_1437 = arith.constant 0 : index
          %get3A_1438 = tpu.vector_load %arg13[%get3A_1436, %get3A_1437] {strides = array<i32>} : memref<512x32xf32, #tpu.memory_space<vmem>>, vector<1x16xf32>,
          %get3A_1439 = vector.shape_cast %get3A_1438 : vector<1x16xf32> to vector<16xf32>
          %mul3A_1440 = vector.broadcast %squeeze3A_1435 : f32 to vector<16xf32>
          %mul3A_1441 = arith.mulf %get3A_1439, %mul3A_1440 : vector<16xf32>
          %swap3A_1442 = arith.index_cast %add3A_1433 : i32 to index
          %swap3A_1443 = arith.constant 0 : index
          %swap3A_1444 = tpu.vector_load %arg13[%swap3A_1442, %swap3A_1443] {strides = array<i32>} : memref<512x32xf32, #tpu.memory_space<vmem>>, vector<1x16xf32>,
          %swap3A_1445 = vector.shape_cast %swap3A_1444 : vector<1x16xf32> to vector<16xf32>
          %swap3A_1446 = vector.shape_cast %mul3A_1441 : vector<16xf32> to vector<1x16xf32>
          tpu.vector_store %arg13[%swap3A_1442, %swap3A_1443], %swap3A_1446 {strides = array<i32>} : memref<512x32xf32, #tpu.memory_space<vmem>>, vector<1x16xf32>,
          %get3A_1447 = arith.index_cast %add3A_1433 : i32 to index
          %get3A_1448 = arith.constant 16 : index
          %get3A_1449 = tpu.vector_load %arg13[%get3A_1447, %get3A_1448] {strides = array<i32>} : memref<512x32xf32, #tpu.memory_space<vmem>>, vector<1x16xf32>,
          %get3A_1450 = vector.shape_cast %get3A_1449 : vector<1x16xf32> to vector<16xf32>
          %mul3A_1451 = vector.broadcast %squeeze3A_1435 : f32 to vector<16xf32>
          %mul3A_1452 = arith.mulf %get3A_1450, %mul3A_1451 : vector<16xf32>
          %swap3A_1453 = arith.index_cast %add3A_1433 : i32 to index
          %swap3A_1454 = arith.constant 16 : index
          %swap3A_1455 = tpu.vector_load %arg13[%swap3A_1453, %swap3A_1454] {strides = array<i32>} : memref<512x32xf32, #tpu.memory_space<vmem>>, vector<1x16xf32>,
          %swap3A_1456 = vector.shape_cast %swap3A_1455 : vector<1x16xf32> to vector<16xf32>
          %swap3A_1457 = vector.shape_cast %mul3A_1452 : vector<16xf32> to vector<1x16xf32>
          tpu.vector_store %arg13[%swap3A_1453, %swap3A_1454], %swap3A_1457 {strides = array<i32>} : memref<512x32xf32, #tpu.memory_space<vmem>>, vector<1x16xf32>,
          %mul3A_1458 = arith.constant 128 : i32
          %mul3A_1459 = arith.muli %rem3A_1213, %mul3A_1458 : i32
          %mul3A_1460 = arith.constant 16 : i32
          %mul3A_1461 = arith.muli %scan3A_1237, %mul3A_1460 : i32
          %add3A_1462 = arith.addi %mul3A_1459, %mul3A_1461 : i32
          %add3A_1463 = arith.constant 7 : i32
          %add3A_1464 = arith.addi %add3A_1462, %add3A_1463 : i32
          %slice3A_1465 = vector.extract_strided_slice %get3A_1243 {offsets = [7], sizes = [1], strides = [1]} : vector<16xf32> to vector<1xf32>
          %squeeze3A_1466 = vector.extract %slice3A_1465[0] : f32 from vector<1xf32>
          %get3A_1467 = arith.index_cast %add3A_1464 : i32 to index
          %get3A_1468 = arith.constant 0 : index
          %get3A_1469 = tpu.vector_load %arg13[%get3A_1467, %get3A_1468] {strides = array<i32>} : memref<512x32xf32, #tpu.memory_space<vmem>>, vector<1x16xf32>,
          %get3A_1470 = vector.shape_cast %get3A_1469 : vector<1x16xf32> to vector<16xf32>
          %mul3A_1471 = vector.broadcast %squeeze3A_1466 : f32 to vector<16xf32>
          %mul3A_1472 = arith.mulf %get3A_1470, %mul3A_1471 : vector<16xf32>
          %swap3A_1473 = arith.index_cast %add3A_1464 : i32 to index
          %swap3A_1474 = arith.constant 0 : index
          %swap3A_1475 = tpu.vector_load %arg13[%swap3A_1473, %swap3A_1474] {strides = array<i32>} : memref<512x32xf32, #tpu.memory_space<vmem>>, vector<1x16xf32>,
          %swap3A_1476 = vector.shape_cast %swap3A_1475 : vector<1x16xf32> to vector<16xf32>
          %swap3A_1477 = vector.shape_cast %mul3A_1472 : vector<16xf32> to vector<1x16xf32>
          tpu.vector_store %arg13[%swap3A_1473, %swap3A_1474], %swap3A_1477 {strides = array<i32>} : memref<512x32xf32, #tpu.memory_space<vmem>>, vector<1x16xf32>,
          %get3A_1478 = arith.index_cast %add3A_1464 : i32 to index
          %get3A_1479 = arith.constant 16 : index
          %get3A_1480 = tpu.vector_load %arg13[%get3A_1478, %get3A_1479] {strides = array<i32>} : memref<512x32xf32, #tpu.memory_space<vmem>>, vector<1x16xf32>,
          %get3A_1481 = vector.shape_cast %get3A_1480 : vector<1x16xf32> to vector<16xf32>
          %mul3A_1482 = vector.broadcast %squeeze3A_1466 : f32 to vector<16xf32>
          %mul3A_1483 = arith.mulf %get3A_1481, %mul3A_1482 : vector<16xf32>
          %swap3A_1484 = arith.index_cast %add3A_1464 : i32 to index
          %swap3A_1485 = arith.constant 16 : index
          %swap3A_1486 = tpu.vector_load %arg13[%swap3A_1484, %swap3A_1485] {strides = array<i32>} : memref<512x32xf32, #tpu.memory_space<vmem>>, vector<1x16xf32>,
          %swap3A_1487 = vector.shape_cast %swap3A_1486 : vector<1x16xf32> to vector<16xf32>
          %swap3A_1488 = vector.shape_cast %mul3A_1483 : vector<16xf32> to vector<1x16xf32>
          tpu.vector_store %arg13[%swap3A_1484, %swap3A_1485], %swap3A_1488 {strides = array<i32>} : memref<512x32xf32, #tpu.memory_space<vmem>>, vector<1x16xf32>,
          %mul3A_1489 = arith.constant 128 : i32
          %mul3A_1490 = arith.muli %rem3A_1213, %mul3A_1489 : i32
          %mul3A_1491 = arith.constant 16 : i32
          %mul3A_1492 = arith.muli %scan3A_1237, %mul3A_1491 : i32
          %add3A_1493 = arith.addi %mul3A_1490, %mul3A_1492 : i32
          %add3A_1494 = arith.constant 8 : i32
          %add3A_1495 = arith.addi %add3A_1493, %add3A_1494 : i32
          %slice3A_1496 = vector.extract_strided_slice %get3A_1243 {offsets = [8], sizes = [1], strides = [1]} : vector<16xf32> to vector<1xf32>
          %squeeze3A_1497 = vector.extract %slice3A_1496[0] : f32 from vector<1xf32>
          %get3A_1498 = arith.index_cast %add3A_1495 : i32 to index
          %get3A_1499 = arith.constant 0 : index
          %get3A_1500 = tpu.vector_load %arg13[%get3A_1498, %get3A_1499] {strides = array<i32>} : memref<512x32xf32, #tpu.memory_space<vmem>>, vector<1x16xf32>,
          %get3A_1501 = vector.shape_cast %get3A_1500 : vector<1x16xf32> to vector<16xf32>
          %mul3A_1502 = vector.broadcast %squeeze3A_1497 : f32 to vector<16xf32>
          %mul3A_1503 = arith.mulf %get3A_1501, %mul3A_1502 : vector<16xf32>
          %swap3A_1504 = arith.index_cast %add3A_1495 : i32 to index
          %swap3A_1505 = arith.constant 0 : index
          %swap3A_1506 = tpu.vector_load %arg13[%swap3A_1504, %swap3A_1505] {strides = array<i32>} : memref<512x32xf32, #tpu.memory_space<vmem>>, vector<1x16xf32>,
          %swap3A_1507 = vector.shape_cast %swap3A_1506 : vector<1x16xf32> to vector<16xf32>
          %swap3A_1508 = vector.shape_cast %mul3A_1503 : vector<16xf32> to vector<1x16xf32>
          tpu.vector_store %arg13[%swap3A_1504, %swap3A_1505], %swap3A_1508 {strides = array<i32>} : memref<512x32xf32, #tpu.memory_space<vmem>>, vector<1x16xf32>,
          %get3A_1509 = arith.index_cast %add3A_1495 : i32 to index
          %get3A_1510 = arith.constant 16 : index
          %get3A_1511 = tpu.vector_load %arg13[%get3A_1509, %get3A_1510] {strides = array<i32>} : memref<512x32xf32, #tpu.memory_space<vmem>>, vector<1x16xf32>,
          %get3A_1512 = vector.shape_cast %get3A_1511 : vector<1x16xf32> to vector<16xf32>
          %mul3A_1513 = vector.broadcast %squeeze3A_1497 : f32 to vector<16xf32>
          %mul3A_1514 = arith.mulf %get3A_1512, %mul3A_1513 : vector<16xf32>
          %swap3A_1515 = arith.index_cast %add3A_1495 : i32 to index
          %swap3A_1516 = arith.constant 16 : index
          %swap3A_1517 = tpu.vector_load %arg13[%swap3A_1515, %swap3A_1516] {strides = array<i32>} : memref<512x32xf32, #tpu.memory_space<vmem>>, vector<1x16xf32>,
          %swap3A_1518 = vector.shape_cast %swap3A_1517 : vector<1x16xf32> to vector<16xf32>
          %swap3A_1519 = vector.shape_cast %mul3A_1514 : vector<16xf32> to vector<1x16xf32>
          tpu.vector_store %arg13[%swap3A_1515, %swap3A_1516], %swap3A_1519 {strides = array<i32>} : memref<512x32xf32, #tpu.memory_space<vmem>>, vector<1x16xf32>,
          %mul3A_1520 = arith.constant 128 : i32
          %mul3A_1521 = arith.muli %rem3A_1213, %mul3A_1520 : i32
          %mul3A_1522 = arith.constant 16 : i32
          %mul3A_1523 = arith.muli %scan3A_1237, %mul3A_1522 : i32
          %add3A_1524 = arith.addi %mul3A_1521, %mul3A_1523 : i32
          %add3A_1525 = arith.constant 9 : i32
          %add3A_1526 = arith.addi %add3A_1524, %add3A_1525 : i32
          %slice3A_1527 = vector.extract_strided_slice %get3A_1243 {offsets = [9], sizes = [1], strides = [1]} : vector<16xf32> to vector<1xf32>
          %squeeze3A_1528 = vector.extract %slice3A_1527[0] : f32 from vector<1xf32>
          %get3A_1529 = arith.index_cast %add3A_1526 : i32 to index
          %get3A_1530 = arith.constant 0 : index
          %get3A_1531 = tpu.vector_load %arg13[%get3A_1529, %get3A_1530] {strides = array<i32>} : memref<512x32xf32, #tpu.memory_space<vmem>>, vector<1x16xf32>,
          %get3A_1532 = vector.shape_cast %get3A_1531 : vector<1x16xf32> to vector<16xf32>
          %mul3A_1533 = vector.broadcast %squeeze3A_1528 : f32 to vector<16xf32>
          %mul3A_1534 = arith.mulf %get3A_1532, %mul3A_1533 : vector<16xf32>
          %swap3A_1535 = arith.index_cast %add3A_1526 : i32 to index
          %swap3A_1536 = arith.constant 0 : index
          %swap3A_1537 = tpu.vector_load %arg13[%swap3A_1535, %swap3A_1536] {strides = array<i32>} : memref<512x32xf32, #tpu.memory_space<vmem>>, vector<1x16xf32>,
          %swap3A_1538 = vector.shape_cast %swap3A_1537 : vector<1x16xf32> to vector<16xf32>
          %swap3A_1539 = vector.shape_cast %mul3A_1534 : vector<16xf32> to vector<1x16xf32>
          tpu.vector_store %arg13[%swap3A_1535, %swap3A_1536], %swap3A_1539 {strides = array<i32>} : memref<512x32xf32, #tpu.memory_space<vmem>>, vector<1x16xf32>,
          %get3A_1540 = arith.index_cast %add3A_1526 : i32 to index
          %get3A_1541 = arith.constant 16 : index
          %get3A_1542 = tpu.vector_load %arg13[%get3A_1540, %get3A_1541] {strides = array<i32>} : memref<512x32xf32, #tpu.memory_space<vmem>>, vector<1x16xf32>,
          %get3A_1543 = vector.shape_cast %get3A_1542 : vector<1x16xf32> to vector<16xf32>
          %mul3A_1544 = vector.broadcast %squeeze3A_1528 : f32 to vector<16xf32>
          %mul3A_1545 = arith.mulf %get3A_1543, %mul3A_1544 : vector<16xf32>
          %swap3A_1546 = arith.index_cast %add3A_1526 : i32 to index
          %swap3A_1547 = arith.constant 16 : index
          %swap3A_1548 = tpu.vector_load %arg13[%swap3A_1546, %swap3A_1547] {strides = array<i32>} : memref<512x32xf32, #tpu.memory_space<vmem>>, vector<1x16xf32>,
          %swap3A_1549 = vector.shape_cast %swap3A_1548 : vector<1x16xf32> to vector<16xf32>
          %swap3A_1550 = vector.shape_cast %mul3A_1545 : vector<16xf32> to vector<1x16xf32>
          tpu.vector_store %arg13[%swap3A_1546, %swap3A_1547], %swap3A_1550 {strides = array<i32>} : memref<512x32xf32, #tpu.memory_space<vmem>>, vector<1x16xf32>,
          %mul3A_1551 = arith.constant 128 : i32
          %mul3A_1552 = arith.muli %rem3A_1213, %mul3A_1551 : i32
          %mul3A_1553 = arith.constant 16 : i32
          %mul3A_1554 = arith.muli %scan3A_1237, %mul3A_1553 : i32
          %add3A_1555 = arith.addi %mul3A_1552, %mul3A_1554 : i32
          %add3A_1556 = arith.constant 10 : i32
          %add3A_1557 = arith.addi %add3A_1555, %add3A_1556 : i32
          %slice3A_1558 = vector.extract_strided_slice %get3A_1243 {offsets = [10], sizes = [1], strides = [1]} : vector<16xf32> to vector<1xf32>
          %squeeze3A_1559 = vector.extract %slice3A_1558[0] : f32 from vector<1xf32>
          %get3A_1560 = arith.index_cast %add3A_1557 : i32 to index
          %get3A_1561 = arith.constant 0 : index
          %get3A_1562 = tpu.vector_load %arg13[%get3A_1560, %get3A_1561] {strides = array<i32>} : memref<512x32xf32, #tpu.memory_space<vmem>>, vector<1x16xf32>,
          %get3A_1563 = vector.shape_cast %get3A_1562 : vector<1x16xf32> to vector<16xf32>
          %mul3A_1564 = vector.broadcast %squeeze3A_1559 : f32 to vector<16xf32>
          %mul3A_1565 = arith.mulf %get3A_1563, %mul3A_1564 : vector<16xf32>
          %swap3A_1566 = arith.index_cast %add3A_1557 : i32 to index
          %swap3A_1567 = arith.constant 0 : index
          %swap3A_1568 = tpu.vector_load %arg13[%swap3A_1566, %swap3A_1567] {strides = array<i32>} : memref<512x32xf32, #tpu.memory_space<vmem>>, vector<1x16xf32>,
          %swap3A_1569 = vector.shape_cast %swap3A_1568 : vector<1x16xf32> to vector<16xf32>
          %swap3A_1570 = vector.shape_cast %mul3A_1565 : vector<16xf32> to vector<1x16xf32>
          tpu.vector_store %arg13[%swap3A_1566, %swap3A_1567], %swap3A_1570 {strides = array<i32>} : memref<512x32xf32, #tpu.memory_space<vmem>>, vector<1x16xf32>,
          %get3A_1571 = arith.index_cast %add3A_1557 : i32 to index
          %get3A_1572 = arith.constant 16 : index
          %get3A_1573 = tpu.vector_load %arg13[%get3A_1571, %get3A_1572] {strides = array<i32>} : memref<512x32xf32, #tpu.memory_space<vmem>>, vector<1x16xf32>,
          %get3A_1574 = vector.shape_cast %get3A_1573 : vector<1x16xf32> to vector<16xf32>
          %mul3A_1575 = vector.broadcast %squeeze3A_1559 : f32 to vector<16xf32>
          %mul3A_1576 = arith.mulf %get3A_1574, %mul3A_1575 : vector<16xf32>
          %swap3A_1577 = arith.index_cast %add3A_1557 : i32 to index
          %swap3A_1578 = arith.constant 16 : index
          %swap3A_1579 = tpu.vector_load %arg13[%swap3A_1577, %swap3A_1578] {strides = array<i32>} : memref<512x32xf32, #tpu.memory_space<vmem>>, vector<1x16xf32>,
          %swap3A_1580 = vector.shape_cast %swap3A_1579 : vector<1x16xf32> to vector<16xf32>
          %swap3A_1581 = vector.shape_cast %mul3A_1576 : vector<16xf32> to vector<1x16xf32>
          tpu.vector_store %arg13[%swap3A_1577, %swap3A_1578], %swap3A_1581 {strides = array<i32>} : memref<512x32xf32, #tpu.memory_space<vmem>>, vector<1x16xf32>,
          %mul3A_1582 = arith.constant 128 : i32
          %mul3A_1583 = arith.muli %rem3A_1213, %mul3A_1582 : i32
          %mul3A_1584 = arith.constant 16 : i32
          %mul3A_1585 = arith.muli %scan3A_1237, %mul3A_1584 : i32
          %add3A_1586 = arith.addi %mul3A_1583, %mul3A_1585 : i32
          %add3A_1587 = arith.constant 11 : i32
          %add3A_1588 = arith.addi %add3A_1586, %add3A_1587 : i32
          %slice3A_1589 = vector.extract_strided_slice %get3A_1243 {offsets = [11], sizes = [1], strides = [1]} : vector<16xf32> to vector<1xf32>
          %squeeze3A_1590 = vector.extract %slice3A_1589[0] : f32 from vector<1xf32>
          %get3A_1591 = arith.index_cast %add3A_1588 : i32 to index
          %get3A_1592 = arith.constant 0 : index
          %get3A_1593 = tpu.vector_load %arg13[%get3A_1591, %get3A_1592] {strides = array<i32>} : memref<512x32xf32, #tpu.memory_space<vmem>>, vector<1x16xf32>,
          %get3A_1594 = vector.shape_cast %get3A_1593 : vector<1x16xf32> to vector<16xf32>
          %mul3A_1595 = vector.broadcast %squeeze3A_1590 : f32 to vector<16xf32>
          %mul3A_1596 = arith.mulf %get3A_1594, %mul3A_1595 : vector<16xf32>
          %swap3A_1597 = arith.index_cast %add3A_1588 : i32 to index
          %swap3A_1598 = arith.constant 0 : index
          %swap3A_1599 = tpu.vector_load %arg13[%swap3A_1597, %swap3A_1598] {strides = array<i32>} : memref<512x32xf32, #tpu.memory_space<vmem>>, vector<1x16xf32>,
          %swap3A_1600 = vector.shape_cast %swap3A_1599 : vector<1x16xf32> to vector<16xf32>
          %swap3A_1601 = vector.shape_cast %mul3A_1596 : vector<16xf32> to vector<1x16xf32>
          tpu.vector_store %arg13[%swap3A_1597, %swap3A_1598], %swap3A_1601 {strides = array<i32>} : memref<512x32xf32, #tpu.memory_space<vmem>>, vector<1x16xf32>,
          %get3A_1602 = arith.index_cast %add3A_1588 : i32 to index
          %get3A_1603 = arith.constant 16 : index
          %get3A_1604 = tpu.vector_load %arg13[%get3A_1602, %get3A_1603] {strides = array<i32>} : memref<512x32xf32, #tpu.memory_space<vmem>>, vector<1x16xf32>,
          %get3A_1605 = vector.shape_cast %get3A_1604 : vector<1x16xf32> to vector<16xf32>
          %mul3A_1606 = vector.broadcast %squeeze3A_1590 : f32 to vector<16xf32>
          %mul3A_1607 = arith.mulf %get3A_1605, %mul3A_1606 : vector<16xf32>
          %swap3A_1608 = arith.index_cast %add3A_1588 : i32 to index
          %swap3A_1609 = arith.constant 16 : index
          %swap3A_1610 = tpu.vector_load %arg13[%swap3A_1608, %swap3A_1609] {strides = array<i32>} : memref<512x32xf32, #tpu.memory_space<vmem>>, vector<1x16xf32>,
          %swap3A_1611 = vector.shape_cast %swap3A_1610 : vector<1x16xf32> to vector<16xf32>
          %swap3A_1612 = vector.shape_cast %mul3A_1607 : vector<16xf32> to vector<1x16xf32>
          tpu.vector_store %arg13[%swap3A_1608, %swap3A_1609], %swap3A_1612 {strides = array<i32>} : memref<512x32xf32, #tpu.memory_space<vmem>>, vector<1x16xf32>,
          %mul3A_1613 = arith.constant 128 : i32
          %mul3A_1614 = arith.muli %rem3A_1213, %mul3A_1613 : i32
          %mul3A_1615 = arith.constant 16 : i32
          %mul3A_1616 = arith.muli %scan3A_1237, %mul3A_1615 : i32
          %add3A_1617 = arith.addi %mul3A_1614, %mul3A_1616 : i32
          %add3A_1618 = arith.constant 12 : i32
          %add3A_1619 = arith.addi %add3A_1617, %add3A_1618 : i32
          %slice3A_1620 = vector.extract_strided_slice %get3A_1243 {offsets = [12], sizes = [1], strides = [1]} : vector<16xf32> to vector<1xf32>
          %squeeze3A_1621 = vector.extract %slice3A_1620[0] : f32 from vector<1xf32>
          %get3A_1622 = arith.index_cast %add3A_1619 : i32 to index
          %get3A_1623 = arith.constant 0 : index
          %get3A_1624 = tpu.vector_load %arg13[%get3A_1622, %get3A_1623] {strides = array<i32>} : memref<512x32xf32, #tpu.memory_space<vmem>>, vector<1x16xf32>,
          %get3A_1625 = vector.shape_cast %get3A_1624 : vector<1x16xf32> to vector<16xf32>
          %mul3A_1626 = vector.broadcast %squeeze3A_1621 : f32 to vector<16xf32>
          %mul3A_1627 = arith.mulf %get3A_1625, %mul3A_1626 : vector<16xf32>
          %swap3A_1628 = arith.index_cast %add3A_1619 : i32 to index
          %swap3A_1629 = arith.constant 0 : index
          %swap3A_1630 = tpu.vector_load %arg13[%swap3A_1628, %swap3A_1629] {strides = array<i32>} : memref<512x32xf32, #tpu.memory_space<vmem>>, vector<1x16xf32>,
          %swap3A_1631 = vector.shape_cast %swap3A_1630 : vector<1x16xf32> to vector<16xf32>
          %swap3A_1632 = vector.shape_cast %mul3A_1627 : vector<16xf32> to vector<1x16xf32>
          tpu.vector_store %arg13[%swap3A_1628, %swap3A_1629], %swap3A_1632 {strides = array<i32>} : memref<512x32xf32, #tpu.memory_space<vmem>>, vector<1x16xf32>,
          %get3A_1633 = arith.index_cast %add3A_1619 : i32 to index
          %get3A_1634 = arith.constant 16 : index
          %get3A_1635 = tpu.vector_load %arg13[%get3A_1633, %get3A_1634] {strides = array<i32>} : memref<512x32xf32, #tpu.memory_space<vmem>>, vector<1x16xf32>,
          %get3A_1636 = vector.shape_cast %get3A_1635 : vector<1x16xf32> to vector<16xf32>
          %mul3A_1637 = vector.broadcast %squeeze3A_1621 : f32 to vector<16xf32>
          %mul3A_1638 = arith.mulf %get3A_1636, %mul3A_1637 : vector<16xf32>
          %swap3A_1639 = arith.index_cast %add3A_1619 : i32 to index
          %swap3A_1640 = arith.constant 16 : index
          %swap3A_1641 = tpu.vector_load %arg13[%swap3A_1639, %swap3A_1640] {strides = array<i32>} : memref<512x32xf32, #tpu.memory_space<vmem>>, vector<1x16xf32>,
          %swap3A_1642 = vector.shape_cast %swap3A_1641 : vector<1x16xf32> to vector<16xf32>
          %swap3A_1643 = vector.shape_cast %mul3A_1638 : vector<16xf32> to vector<1x16xf32>
          tpu.vector_store %arg13[%swap3A_1639, %swap3A_1640], %swap3A_1643 {strides = array<i32>} : memref<512x32xf32, #tpu.memory_space<vmem>>, vector<1x16xf32>,
          %mul3A_1644 = arith.constant 128 : i32
          %mul3A_1645 = arith.muli %rem3A_1213, %mul3A_1644 : i32
          %mul3A_1646 = arith.constant 16 : i32
          %mul3A_1647 = arith.muli %scan3A_1237, %mul3A_1646 : i32
          %add3A_1648 = arith.addi %mul3A_1645, %mul3A_1647 : i32
          %add3A_1649 = arith.constant 13 : i32
          %add3A_1650 = arith.addi %add3A_1648, %add3A_1649 : i32
          %slice3A_1651 = vector.extract_strided_slice %get3A_1243 {offsets = [13], sizes = [1], strides = [1]} : vector<16xf32> to vector<1xf32>
          %squeeze3A_1652 = vector.extract %slice3A_1651[0] : f32 from vector<1xf32>
          %get3A_1653 = arith.index_cast %add3A_1650 : i32 to index
          %get3A_1654 = arith.constant 0 : index
          %get3A_1655 = tpu.vector_load %arg13[%get3A_1653, %get3A_1654] {strides = array<i32>} : memref<512x32xf32, #tpu.memory_space<vmem>>, vector<1x16xf32>,
          %get3A_1656 = vector.shape_cast %get3A_1655 : vector<1x16xf32> to vector<16xf32>
          %mul3A_1657 = vector.broadcast %squeeze3A_1652 : f32 to vector<16xf32>
          %mul3A_1658 = arith.mulf %get3A_1656, %mul3A_1657 : vector<16xf32>
          %swap3A_1659 = arith.index_cast %add3A_1650 : i32 to index
          %swap3A_1660 = arith.constant 0 : index
          %swap3A_1661 = tpu.vector_load %arg13[%swap3A_1659, %swap3A_1660] {strides = array<i32>} : memref<512x32xf32, #tpu.memory_space<vmem>>, vector<1x16xf32>,
          %swap3A_1662 = vector.shape_cast %swap3A_1661 : vector<1x16xf32> to vector<16xf32>
          %swap3A_1663 = vector.shape_cast %mul3A_1658 : vector<16xf32> to vector<1x16xf32>
          tpu.vector_store %arg13[%swap3A_1659, %swap3A_1660], %swap3A_1663 {strides = array<i32>} : memref<512x32xf32, #tpu.memory_space<vmem>>, vector<1x16xf32>,
          %get3A_1664 = arith.index_cast %add3A_1650 : i32 to index
          %get3A_1665 = arith.constant 16 : index
          %get3A_1666 = tpu.vector_load %arg13[%get3A_1664, %get3A_1665] {strides = array<i32>} : memref<512x32xf32, #tpu.memory_space<vmem>>, vector<1x16xf32>,
          %get3A_1667 = vector.shape_cast %get3A_1666 : vector<1x16xf32> to vector<16xf32>
          %mul3A_1668 = vector.broadcast %squeeze3A_1652 : f32 to vector<16xf32>
          %mul3A_1669 = arith.mulf %get3A_1667, %mul3A_1668 : vector<16xf32>
          %swap3A_1670 = arith.index_cast %add3A_1650 : i32 to index
          %swap3A_1671 = arith.constant 16 : index
          %swap3A_1672 = tpu.vector_load %arg13[%swap3A_1670, %swap3A_1671] {strides = array<i32>} : memref<512x32xf32, #tpu.memory_space<vmem>>, vector<1x16xf32>,
          %swap3A_1673 = vector.shape_cast %swap3A_1672 : vector<1x16xf32> to vector<16xf32>
          %swap3A_1674 = vector.shape_cast %mul3A_1669 : vector<16xf32> to vector<1x16xf32>
          tpu.vector_store %arg13[%swap3A_1670, %swap3A_1671], %swap3A_1674 {strides = array<i32>} : memref<512x32xf32, #tpu.memory_space<vmem>>, vector<1x16xf32>,
          %mul3A_1675 = arith.constant 128 : i32
          %mul3A_1676 = arith.muli %rem3A_1213, %mul3A_1675 : i32
          %mul3A_1677 = arith.constant 16 : i32
          %mul3A_1678 = arith.muli %scan3A_1237, %mul3A_1677 : i32
          %add3A_1679 = arith.addi %mul3A_1676, %mul3A_1678 : i32
          %add3A_1680 = arith.constant 14 : i32
          %add3A_1681 = arith.addi %add3A_1679, %add3A_1680 : i32
          %slice3A_1682 = vector.extract_strided_slice %get3A_1243 {offsets = [14], sizes = [1], strides = [1]} : vector<16xf32> to vector<1xf32>
          %squeeze3A_1683 = vector.extract %slice3A_1682[0] : f32 from vector<1xf32>
          %get3A_1684 = arith.index_cast %add3A_1681 : i32 to index
          %get3A_1685 = arith.constant 0 : index
          %get3A_1686 = tpu.vector_load %arg13[%get3A_1684, %get3A_1685] {strides = array<i32>} : memref<512x32xf32, #tpu.memory_space<vmem>>, vector<1x16xf32>,
          %get3A_1687 = vector.shape_cast %get3A_1686 : vector<1x16xf32> to vector<16xf32>
          %mul3A_1688 = vector.broadcast %squeeze3A_1683 : f32 to vector<16xf32>
          %mul3A_1689 = arith.mulf %get3A_1687, %mul3A_1688 : vector<16xf32>
          %swap3A_1690 = arith.index_cast %add3A_1681 : i32 to index
          %swap3A_1691 = arith.constant 0 : index
          %swap3A_1692 = tpu.vector_load %arg13[%swap3A_1690, %swap3A_1691] {strides = array<i32>} : memref<512x32xf32, #tpu.memory_space<vmem>>, vector<1x16xf32>,
          %swap3A_1693 = vector.shape_cast %swap3A_1692 : vector<1x16xf32> to vector<16xf32>
          %swap3A_1694 = vector.shape_cast %mul3A_1689 : vector<16xf32> to vector<1x16xf32>
          tpu.vector_store %arg13[%swap3A_1690, %swap3A_1691], %swap3A_1694 {strides = array<i32>} : memref<512x32xf32, #tpu.memory_space<vmem>>, vector<1x16xf32>,
          %get3A_1695 = arith.index_cast %add3A_1681 : i32 to index
          %get3A_1696 = arith.constant 16 : index
          %get3A_1697 = tpu.vector_load %arg13[%get3A_1695, %get3A_1696] {strides = array<i32>} : memref<512x32xf32, #tpu.memory_space<vmem>>, vector<1x16xf32>,
          %get3A_1698 = vector.shape_cast %get3A_1697 : vector<1x16xf32> to vector<16xf32>
          %mul3A_1699 = vector.broadcast %squeeze3A_1683 : f32 to vector<16xf32>
          %mul3A_1700 = arith.mulf %get3A_1698, %mul3A_1699 : vector<16xf32>
          %swap3A_1701 = arith.index_cast %add3A_1681 : i32 to index
          %swap3A_1702 = arith.constant 16 : index
          %swap3A_1703 = tpu.vector_load %arg13[%swap3A_1701, %swap3A_1702] {strides = array<i32>} : memref<512x32xf32, #tpu.memory_space<vmem>>, vector<1x16xf32>,
          %swap3A_1704 = vector.shape_cast %swap3A_1703 : vector<1x16xf32> to vector<16xf32>
          %swap3A_1705 = vector.shape_cast %mul3A_1700 : vector<16xf32> to vector<1x16xf32>
          tpu.vector_store %arg13[%swap3A_1701, %swap3A_1702], %swap3A_1705 {strides = array<i32>} : memref<512x32xf32, #tpu.memory_space<vmem>>, vector<1x16xf32>,
          %mul3A_1706 = arith.constant 128 : i32
          %mul3A_1707 = arith.muli %rem3A_1213, %mul3A_1706 : i32
          %mul3A_1708 = arith.constant 16 : i32
          %mul3A_1709 = arith.muli %scan3A_1237, %mul3A_1708 : i32
          %add3A_1710 = arith.addi %mul3A_1707, %mul3A_1709 : i32
          %add3A_1711 = arith.constant 15 : i32
          %add3A_1712 = arith.addi %add3A_1710, %add3A_1711 : i32
          %slice3A_1713 = vector.extract_strided_slice %get3A_1243 {offsets = [15], sizes = [1], strides = [1]} : vector<16xf32> to vector<1xf32>
          %squeeze3A_1714 = vector.extract %slice3A_1713[0] : f32 from vector<1xf32>
          %get3A_1715 = arith.index_cast %add3A_1712 : i32 to index
          %get3A_1716 = arith.constant 0 : index
          %get3A_1717 = tpu.vector_load %arg13[%get3A_1715, %get3A_1716] {strides = array<i32>} : memref<512x32xf32, #tpu.memory_space<vmem>>, vector<1x16xf32>,
          %get3A_1718 = vector.shape_cast %get3A_1717 : vector<1x16xf32> to vector<16xf32>
          %mul3A_1719 = vector.broadcast %squeeze3A_1714 : f32 to vector<16xf32>
          %mul3A_1720 = arith.mulf %get3A_1718, %mul3A_1719 : vector<16xf32>
          %swap3A_1721 = arith.index_cast %add3A_1712 : i32 to index
          %swap3A_1722 = arith.constant 0 : index
          %swap3A_1723 = tpu.vector_load %arg13[%swap3A_1721, %swap3A_1722] {strides = array<i32>} : memref<512x32xf32, #tpu.memory_space<vmem>>, vector<1x16xf32>,
          %swap3A_1724 = vector.shape_cast %swap3A_1723 : vector<1x16xf32> to vector<16xf32>
          %swap3A_1725 = vector.shape_cast %mul3A_1720 : vector<16xf32> to vector<1x16xf32>
          tpu.vector_store %arg13[%swap3A_1721, %swap3A_1722], %swap3A_1725 {strides = array<i32>} : memref<512x32xf32, #tpu.memory_space<vmem>>, vector<1x16xf32>,
          %get3A_1726 = arith.index_cast %add3A_1712 : i32 to index
          %get3A_1727 = arith.constant 16 : index
          %get3A_1728 = tpu.vector_load %arg13[%get3A_1726, %get3A_1727] {strides = array<i32>} : memref<512x32xf32, #tpu.memory_space<vmem>>, vector<1x16xf32>,
          %get3A_1729 = vector.shape_cast %get3A_1728 : vector<1x16xf32> to vector<16xf32>
          %mul3A_1730 = vector.broadcast %squeeze3A_1714 : f32 to vector<16xf32>
          %mul3A_1731 = arith.mulf %get3A_1729, %mul3A_1730 : vector<16xf32>
          %swap3A_1732 = arith.index_cast %add3A_1712 : i32 to index
          %swap3A_1733 = arith.constant 16 : index
          %swap3A_1734 = tpu.vector_load %arg13[%swap3A_1732, %swap3A_1733] {strides = array<i32>} : memref<512x32xf32, #tpu.memory_space<vmem>>, vector<1x16xf32>,
          %swap3A_1735 = vector.shape_cast %swap3A_1734 : vector<1x16xf32> to vector<16xf32>
          %swap3A_1736 = vector.shape_cast %mul3A_1731 : vector<16xf32> to vector<1x16xf32>
          tpu.vector_store %arg13[%swap3A_1732, %swap3A_1733], %swap3A_1736 {strides = array<i32>} : memref<512x32xf32, #tpu.memory_space<vmem>>, vector<1x16xf32>,
          %scan3A_1737 = arith.constant 0 : i32
          scf.yield %scan3A_1737 : i32
        }
        %scan3A_1222 = arith.constant 8 : i32
        %rem3A_1223 = arith.constant 4 : i32
        %rem3A_1224 = arith.remsi %scan3A_1137, %rem3A_1223 : i32
        %mul3A_1225 = arith.constant 128 : i32
        %mul3A_1226 = arith.muli %rem3A_1224, %mul3A_1225 : i32
        %rem3A_1227 = arith.constant 16 : i32
        %rem3A_1228 = arith.remsi %scan3A_1137, %rem3A_1227 : i32
        %dma_start3A_1229 = arith.constant 0 : i32
        %dma_start3A_1230 = tpu.memref_slice %arg13[%mul3A_1226, %dma_start3A_1229] : memref<512x32xf32, #tpu.memory_space<vmem>> -> memref<128x32xf32, #tpu.memory_space<vmem>>
        %dma_start3A_1231 = arith.constant 0 : i32
        %dma_start3A_1232 = tpu.memref_slice %arg11[%rem3A_1228, %dma_start3A_1231] : memref<16x128xi32, #tpu.memory_space<vmem>> -> memref<1x128xi32, #tpu.memory_space<vmem>>
        %dma_start3A_1233 = tpu.memref_squeeze %dma_start3A_1232 : memref<1x128xi32, #tpu.memory_space<vmem>> -> memref<128xi32, #tpu.memory_space<vmem>>
        %dma_start3A_1234 = arith.constant 0 : i32
        %dma_start3A_1235 = arith.constant 0 : i32
        %dma_start3A_1236 = tpu.memref_slice %arg9[%dma_start3A_1234, %dma_start3A_1235] : memref<50176x32xf32, #tpu.memory_space<vmem_shared>> -> memref<50176x32xf32, #tpu.memory_space<vmem_shared>>
        tpu.enqueue_indirect_dma source(%dma_start3A_1230 : memref<128x32xf32, #tpu.memory_space<vmem>>) target(%dma_start3A_1236 : memref<50176x32xf32, #tpu.memory_space<vmem_shared>>) offsets(%dma_start3A_1233 : memref<128xi32, #tpu.memory_space<vmem>>) semaphore(%arg19 : memref<!tpu.dma_semaphore, #tpu.memory_space<semaphore_mem>>) {add = true}
      } else {
      }
      %scan3A_1211 = arith.constant 0 : i32
      scf.yield %scan3A_1211 : i32
    }
    %scan3A_857 = arith.constant 394 : i32
    %barrier3A_858 = arith.constant 0 : index
    tpu.barrier barrier_id(%barrier3A_858)
    %rem3A_859 = arith.constant 0 : i32
    %rem3A_860 = arith.constant 2 : i32
    %rem3A_861 = arith.remsi %rem3A_859, %rem3A_860 : i32
    %add3A_862 = arith.constant 0 : i32
    %add3A_863 = arith.addi %mul3A_0, %add3A_862 : i32
    %mul3A_864 = arith.constant 56 : i32
    %mul3A_865 = arith.muli %rem3A_861, %mul3A_864 : i32
    %dma_start3A_866 = arith.constant 0 : i32
    %dma_start3A_867 = tpu.memref_slice %arg14[%mul3A_865, %dma_start3A_866] : memref<112x32xf32, #tpu.memory_space<vmem>> -> memref<56x32xf32, #tpu.memory_space<vmem>>
    %dma_start3A_868 = arith.constant 0 : i32
    %dma_start3A_869 = tpu.memref_slice %arg9[%add3A_863, %dma_start3A_868] : memref<50176x32xf32, #tpu.memory_space<vmem_shared>> -> memref<56x32xf32, #tpu.memory_space<vmem_shared>>
    %dma_start3A_870 = arith.constant 0 : i32
    %dma_start3A_871 = tpu.memref_slice %arg14[%mul3A_865, %dma_start3A_870] : memref<112x32xf32, #tpu.memory_space<vmem>> -> memref<56x32xf32, #tpu.memory_space<vmem>>
    %dma_start3A_872 = arith.constant 0 : i32
    %dma_start3A_873 = tpu.memref_slice %arg9[%add3A_863, %dma_start3A_872] : memref<50176x32xf32, #tpu.memory_space<vmem_shared>> -> memref<56x32xf32, #tpu.memory_space<vmem_shared>>
    tpu.enqueue_dma source(%dma_start3A_873 : memref<56x32xf32, #tpu.memory_space<vmem_shared>>) target(%dma_start3A_871 : memref<56x32xf32, #tpu.memory_space<vmem>>) target_semaphore(%arg20 : memref<!tpu.dma_semaphore, #tpu.memory_space<semaphore_mem>>)
    %rem3A_874 = arith.constant 0 : i32
    %rem3A_875 = arith.constant 2 : i32
    %rem3A_876 = arith.remsi %rem3A_874, %rem3A_875 : i32
    %add3A_877 = arith.addi %mul3A_4, %mul3A_0 : i32
    %add3A_878 = arith.constant 0 : i32
    %add3A_879 = arith.addi %add3A_877, %add3A_878 : i32
    %mul3A_880 = arith.constant 56 : i32
    %mul3A_881 = arith.muli %rem3A_876, %mul3A_880 : i32
    %dma_start3A_882 = arith.constant 0 : i32
    %dma_start3A_883 = tpu.memref_slice %arg15[%mul3A_881, %dma_start3A_882] : memref<112x32xf32, #tpu.memory_space<vmem>> -> memref<56x32xf32, #tpu.memory_space<vmem>>
    %dma_start3A_884 = arith.constant 0 : i32
    %dma_start3A_885 = tpu.memref_slice %arg8[%add3A_879, %dma_start3A_884] : memref<100352x32xf32, #tpu.memory_space<hbm>> -> memref<56x32xf32, #tpu.memory_space<hbm>>
    %dma_start3A_886 = arith.constant 0 : i32
    %dma_start3A_887 = tpu.memref_slice %arg15[%mul3A_881, %dma_start3A_886] : memref<112x32xf32, #tpu.memory_space<vmem>> -> memref<56x32xf32, #tpu.memory_space<vmem>>
    %dma_start3A_888 = arith.constant 0 : i32
    %dma_start3A_889 = tpu.memref_slice %arg8[%add3A_879, %dma_start3A_888] : memref<100352x32xf32, #tpu.memory_space<hbm>> -> memref<56x32xf32, #tpu.memory_space<hbm>>
    tpu.enqueue_dma source(%dma_start3A_889 : memref<56x32xf32, #tpu.memory_space<hbm>>) target(%dma_start3A_887 : memref<56x32xf32, #tpu.memory_space<vmem>>) target_semaphore(%arg21 : memref<!tpu.dma_semaphore, #tpu.memory_space<semaphore_mem>>)
    %scan3A_890 = arith.constant 0 : i32
    %scan3A_891 = arith.constant 0 : i32
    %scan3A_892 = arith.constant 57 : i32
    %scan3A_893 = arith.addi %scan3A_891, %scan3A_892 : i32
    %scan3A_894 = arith.constant 1 : i32
    %scan3A_895 = scf.for %scan3A_1137 = %scan3A_891 to %scan3A_893 step %scan3A_894 iter_args(%scan3A_1138 = %scan3A_890) -> (i32)  : i32 {
      %lt3A = arith.constant 56 : i32
      %lt3A_1139 = arith.cmpi slt, %scan3A_1137, %lt3A : i32
      %convert_element_type3A = arith.extui %lt3A_1139 : i1 to i32
      %cond3A = arith.constant 0 : i32
      %cond3A_1140 = arith.cmpi ne, %convert_element_type3A, %cond3A : i32
      scf.if %cond3A_1140 {
        %rem3A_1158 = arith.constant 2 : i32
        %rem3A_1159 = arith.remsi %scan3A_1137, %rem3A_1158 : i32
        %mul3A_1160 = arith.constant 56 : i32
        %mul3A_1161 = arith.muli %scan3A_1137, %mul3A_1160 : i32
        %add3A_1162 = arith.addi %mul3A_0, %mul3A_1161 : i32
        %mul3A_1163 = arith.constant 56 : i32
        %mul3A_1164 = arith.muli %rem3A_1159, %mul3A_1163 : i32
        %dma_wait3A_1165 = arith.constant 0 : i32
        %dma_wait3A_1166 = tpu.memref_slice %arg14[%mul3A_1164, %dma_wait3A_1165] : memref<112x32xf32, #tpu.memory_space<vmem>> -> memref<56x32xf32, #tpu.memory_space<vmem>>
        %dma_wait3A_1167 = arith.constant 0 : i32
        %dma_wait3A_1168 = tpu.memref_slice %arg9[%add3A_1162, %dma_wait3A_1167] : memref<50176x32xf32, #tpu.memory_space<vmem_shared>> -> memref<56x32xf32, #tpu.memory_space<vmem_shared>>
        %dma_wait3A_1169 = arith.constant 0 : i32
        %dma_wait3A_1170 = tpu.memref_slice %arg14[%mul3A_1164, %dma_wait3A_1169] : memref<112x32xf32, #tpu.memory_space<vmem>> -> memref<56x32xf32, #tpu.memory_space<vmem>>
        %dma_wait3A_1171 = arith.constant 0 : i32
        %dma_wait3A_1172 = tpu.memref_slice %arg9[%add3A_1162, %dma_wait3A_1171] : memref<50176x32xf32, #tpu.memory_space<vmem_shared>> -> memref<56x32xf32, #tpu.memory_space<vmem_shared>>
        tpu.wait_dma2 semaphore(%arg20 : memref<!tpu.dma_semaphore, #tpu.memory_space<semaphore_mem>>) src(%dma_wait3A_1172 : memref<56x32xf32, #tpu.memory_space<vmem_shared>>) dst(%dma_wait3A_1170 : memref<56x32xf32, #tpu.memory_space<vmem>>)
        %rem3A_1173 = arith.constant 2 : i32
        %rem3A_1174 = arith.remsi %scan3A_1137, %rem3A_1173 : i32
        %add3A_1175 = arith.addi %mul3A_4, %mul3A_0 : i32
        %mul3A_1176 = arith.constant 56 : i32
        %mul3A_1177 = arith.muli %scan3A_1137, %mul3A_1176 : i32
        %add3A_1178 = arith.addi %add3A_1175, %mul3A_1177 : i32
        %mul3A_1179 = arith.constant 56 : i32
        %mul3A_1180 = arith.muli %rem3A_1174, %mul3A_1179 : i32
        %dma_wait3A_1181 = arith.constant 0 : i32
        %dma_wait3A_1182 = tpu.memref_slice %arg15[%mul3A_1180, %dma_wait3A_1181] : memref<112x32xf32, #tpu.memory_space<vmem>> -> memref<56x32xf32, #tpu.memory_space<vmem>>
        %dma_wait3A_1183 = arith.constant 0 : i32
        %dma_wait3A_1184 = tpu.memref_slice %arg8[%add3A_1178, %dma_wait3A_1183] : memref<100352x32xf32, #tpu.memory_space<hbm>> -> memref<56x32xf32, #tpu.memory_space<hbm>>
        %dma_wait3A_1185 = arith.constant 0 : i32
        %dma_wait3A_1186 = tpu.memref_slice %arg15[%mul3A_1180, %dma_wait3A_1185] : memref<112x32xf32, #tpu.memory_space<vmem>> -> memref<56x32xf32, #tpu.memory_space<vmem>>
        %dma_wait3A_1187 = arith.constant 0 : i32
        %dma_wait3A_1188 = tpu.memref_slice %arg8[%add3A_1178, %dma_wait3A_1187] : memref<100352x32xf32, #tpu.memory_space<hbm>> -> memref<56x32xf32, #tpu.memory_space<hbm>>
        tpu.wait_dma2 semaphore(%arg21 : memref<!tpu.dma_semaphore, #tpu.memory_space<semaphore_mem>>) src(%dma_wait3A_1188 : memref<56x32xf32, #tpu.memory_space<hbm>>) dst(%dma_wait3A_1186 : memref<56x32xf32, #tpu.memory_space<vmem>>)
      } else {
      }
      %ge3A = arith.constant 1 : i32
      %ge3A_1141 = arith.cmpi sge, %scan3A_1137, %ge3A : i32
      %convert_element_type3A_1142 = arith.extui %ge3A_1141 : i1 to i32
      %cond3A_1143 = arith.constant 0 : i32
      %cond3A_1144 = arith.cmpi ne, %convert_element_type3A_1142, %cond3A_1143 : i32
      scf.if %cond3A_1144 {
        %sub3A = arith.constant 1 : i32
        %sub3A_1158 = arith.subi %scan3A_1137, %sub3A : i32
        %rem3A_1159 = arith.constant 2 : i32
        %rem3A_1160 = arith.remsi %sub3A_1158, %rem3A_1159 : i32
        %mul3A_1161 = arith.constant 56 : i32
        %mul3A_1162 = arith.muli %rem3A_1160, %mul3A_1161 : i32
        %add3A_1163 = arith.addi %mul3A_4, %mul3A_0 : i32
        %mul3A_1164 = arith.constant 56 : i32
        %mul3A_1165 = arith.muli %sub3A_1158, %mul3A_1164 : i32
        %add3A_1166 = arith.addi %add3A_1163, %mul3A_1165 : i32
        %dma_wait3A_1167 = arith.constant 0 : i32
        %dma_wait3A_1168 = tpu.memref_slice %arg15[%mul3A_1162, %dma_wait3A_1167] : memref<112x32xf32, #tpu.memory_space<vmem>> -> memref<56x32xf32, #tpu.memory_space<vmem>>
        %dma_wait3A_1169 = arith.constant 0 : i32
        %dma_wait3A_1170 = tpu.memref_slice %arg8[%add3A_1166, %dma_wait3A_1169] : memref<100352x32xf32, #tpu.memory_space<hbm>> -> memref<56x32xf32, #tpu.memory_space<hbm>>
        %dma_wait3A_1171 = arith.constant 0 : i32
        %dma_wait3A_1172 = tpu.memref_slice %arg8[%add3A_1166, %dma_wait3A_1171] : memref<100352x32xf32, #tpu.memory_space<hbm>> -> memref<56x32xf32, #tpu.memory_space<hbm>>
        %dma_wait3A_1173 = arith.constant 0 : i32
        %dma_wait3A_1174 = tpu.memref_slice %arg15[%mul3A_1162, %dma_wait3A_1173] : memref<112x32xf32, #tpu.memory_space<vmem>> -> memref<56x32xf32, #tpu.memory_space<vmem>>
        tpu.wait_dma2 semaphore(%arg22 : memref<!tpu.dma_semaphore, #tpu.memory_space<semaphore_mem>>) src(%dma_wait3A_1174 : memref<56x32xf32, #tpu.memory_space<vmem>>) dst(%dma_wait3A_1172 : memref<56x32xf32, #tpu.memory_space<hbm>>)
      } else {
      }
      %add3A_1145 = arith.constant 1 : i32
      %add3A_1146 = arith.addi %scan3A_1137, %add3A_1145 : i32
      %lt3A_1147 = arith.constant 56 : i32
      %lt3A_1148 = arith.cmpi slt, %add3A_1146, %lt3A_1147 : i32
      %convert_element_type3A_1149 = arith.extui %lt3A_1148 : i1 to i32
      %cond3A_1150 = arith.constant 0 : i32
      %cond3A_1151 = arith.cmpi ne, %convert_element_type3A_1149, %cond3A_1150 : i32
      scf.if %cond3A_1151 {
        %add3A_1158 = arith.constant 1 : i32
        %add3A_1159 = arith.addi %scan3A_1137, %add3A_1158 : i32
        %rem3A_1160 = arith.constant 2 : i32
        %rem3A_1161 = arith.remsi %add3A_1159, %rem3A_1160 : i32
        %mul3A_1162 = arith.constant 56 : i32
        %mul3A_1163 = arith.muli %add3A_1159, %mul3A_1162 : i32
        %add3A_1164 = arith.addi %mul3A_0, %mul3A_1163 : i32
        %mul3A_1165 = arith.constant 56 : i32
        %mul3A_1166 = arith.muli %rem3A_1161, %mul3A_1165 : i32
        %dma_start3A_1167 = arith.constant 0 : i32
        %dma_start3A_1168 = tpu.memref_slice %arg14[%mul3A_1166, %dma_start3A_1167] : memref<112x32xf32, #tpu.memory_space<vmem>> -> memref<56x32xf32, #tpu.memory_space<vmem>>
        %dma_start3A_1169 = arith.constant 0 : i32
        %dma_start3A_1170 = tpu.memref_slice %arg9[%add3A_1164, %dma_start3A_1169] : memref<50176x32xf32, #tpu.memory_space<vmem_shared>> -> memref<56x32xf32, #tpu.memory_space<vmem_shared>>
        %dma_start3A_1171 = arith.constant 0 : i32
        %dma_start3A_1172 = tpu.memref_slice %arg14[%mul3A_1166, %dma_start3A_1171] : memref<112x32xf32, #tpu.memory_space<vmem>> -> memref<56x32xf32, #tpu.memory_space<vmem>>
        %dma_start3A_1173 = arith.constant 0 : i32
        %dma_start3A_1174 = tpu.memref_slice %arg9[%add3A_1164, %dma_start3A_1173] : memref<50176x32xf32, #tpu.memory_space<vmem_shared>> -> memref<56x32xf32, #tpu.memory_space<vmem_shared>>
        tpu.enqueue_dma source(%dma_start3A_1174 : memref<56x32xf32, #tpu.memory_space<vmem_shared>>) target(%dma_start3A_1172 : memref<56x32xf32, #tpu.memory_space<vmem>>) target_semaphore(%arg20 : memref<!tpu.dma_semaphore, #tpu.memory_space<semaphore_mem>>)
        %add3A_1175 = arith.constant 1 : i32
        %add3A_1176 = arith.addi %scan3A_1137, %add3A_1175 : i32
        %rem3A_1177 = arith.constant 2 : i32
        %rem3A_1178 = arith.remsi %add3A_1176, %rem3A_1177 : i32
        %add3A_1179 = arith.addi %mul3A_4, %mul3A_0 : i32
        %mul3A_1180 = arith.constant 56 : i32
        %mul3A_1181 = arith.muli %add3A_1176, %mul3A_1180 : i32
        %add3A_1182 = arith.addi %add3A_1179, %mul3A_1181 : i32
        %mul3A_1183 = arith.constant 56 : i32
        %mul3A_1184 = arith.muli %rem3A_1178, %mul3A_1183 : i32
        %dma_start3A_1185 = arith.constant 0 : i32
        %dma_start3A_1186 = tpu.memref_slice %arg15[%mul3A_1184, %dma_start3A_1185] : memref<112x32xf32, #tpu.memory_space<vmem>> -> memref<56x32xf32, #tpu.memory_space<vmem>>
        %dma_start3A_1187 = arith.constant 0 : i32
        %dma_start3A_1188 = tpu.memref_slice %arg8[%add3A_1182, %dma_start3A_1187] : memref<100352x32xf32, #tpu.memory_space<hbm>> -> memref<56x32xf32, #tpu.memory_space<hbm>>
        %dma_start3A_1189 = arith.constant 0 : i32
        %dma_start3A_1190 = tpu.memref_slice %arg15[%mul3A_1184, %dma_start3A_1189] : memref<112x32xf32, #tpu.memory_space<vmem>> -> memref<56x32xf32, #tpu.memory_space<vmem>>
        %dma_start3A_1191 = arith.constant 0 : i32
        %dma_start3A_1192 = tpu.memref_slice %arg8[%add3A_1182, %dma_start3A_1191] : memref<100352x32xf32, #tpu.memory_space<hbm>> -> memref<56x32xf32, #tpu.memory_space<hbm>>
        tpu.enqueue_dma source(%dma_start3A_1192 : memref<56x32xf32, #tpu.memory_space<hbm>>) target(%dma_start3A_1190 : memref<56x32xf32, #tpu.memory_space<vmem>>) target_semaphore(%arg21 : memref<!tpu.dma_semaphore, #tpu.memory_space<semaphore_mem>>)
      } else {
      }
      %lt3A_1152 = arith.constant 56 : i32
      %lt3A_1153 = arith.cmpi slt, %scan3A_1137, %lt3A_1152 : i32
      %convert_element_type3A_1154 = arith.extui %lt3A_1153 : i1 to i32
      %cond3A_1155 = arith.constant 0 : i32
      %cond3A_1156 = arith.cmpi ne, %convert_element_type3A_1154, %cond3A_1155 : i32
      scf.if %cond3A_1156 {
        %rem3A_1158 = arith.constant 2 : i32
        %rem3A_1159 = arith.remsi %scan3A_1137, %rem3A_1158 : i32
        %scan3A_1160 = arith.constant 0 : i32
        %scan3A_1161 = arith.constant 0 : i32
        %scan3A_1162 = arith.constant 14 : i32
        %scan3A_1163 = arith.addi %scan3A_1161, %scan3A_1162 : i32
        %scan3A_1164 = arith.constant 1 : i32
        %scan3A_1165 = scf.for %scan3A_1183 = %scan3A_1161 to %scan3A_1163 step %scan3A_1164 iter_args(%scan3A_1184 = %scan3A_1160) -> (i32)  : i32 {
          %mul3A_1185 = arith.constant 56 : i32
          %mul3A_1186 = arith.muli %rem3A_1159, %mul3A_1185 : i32
          %mul3A_1187 = arith.constant 4 : i32
          %mul3A_1188 = arith.muli %scan3A_1183, %mul3A_1187 : i32
          %add3A_1189 = arith.addi %mul3A_1186, %mul3A_1188 : i32
          %add3A_1190 = arith.constant 0 : i32
          %add3A_1191 = arith.addi %add3A_1189, %add3A_1190 : i32
          %get3A = arith.index_cast %add3A_1191 : i32 to index
          %get3A_1192 = arith.constant 0 : index
          %get3A_1193 = tpu.vector_load %arg14[%get3A, %get3A_1192] {strides = array<i32>} : memref<112x32xf32, #tpu.memory_space<vmem>>, vector<1x16xf32>,
          %get3A_1194 = vector.shape_cast %get3A_1193 : vector<1x16xf32> to vector<16xf32>
          %get3A_1195 = arith.index_cast %add3A_1191 : i32 to index
          %get3A_1196 = arith.constant 0 : index
          %get3A_1197 = tpu.vector_load %arg15[%get3A_1195, %get3A_1196] {strides = array<i32>} : memref<112x32xf32, #tpu.memory_space<vmem>>, vector<1x16xf32>,
          %get3A_1198 = vector.shape_cast %get3A_1197 : vector<1x16xf32> to vector<16xf32>
          %sub3A = arith.subf %get3A_1194, %get3A_1198 : vector<16xf32>
          %swap3A = arith.index_cast %add3A_1191 : i32 to index
          %swap3A_1199 = arith.constant 0 : index
          %swap3A_1200 = tpu.vector_load %arg15[%swap3A, %swap3A_1199] {strides = array<i32>} : memref<112x32xf32, #tpu.memory_space<vmem>>, vector<1x16xf32>,
          %swap3A_1201 = vector.shape_cast %swap3A_1200 : vector<1x16xf32> to vector<16xf32>
          %swap3A_1202 = vector.shape_cast %sub3A : vector<16xf32> to vector<1x16xf32>
          tpu.vector_store %arg15[%swap3A, %swap3A_1199], %swap3A_1202 {strides = array<i32>} : memref<112x32xf32, #tpu.memory_space<vmem>>, vector<1x16xf32>,
          %get3A_1203 = arith.index_cast %add3A_1191 : i32 to index
          %get3A_1204 = arith.constant 16 : index
          %get3A_1205 = tpu.vector_load %arg14[%get3A_1203, %get3A_1204] {strides = array<i32>} : memref<112x32xf32, #tpu.memory_space<vmem>>, vector<1x16xf32>,
          %get3A_1206 = vector.shape_cast %get3A_1205 : vector<1x16xf32> to vector<16xf32>
          %get3A_1207 = arith.index_cast %add3A_1191 : i32 to index
          %get3A_1208 = arith.constant 16 : index
          %get3A_1209 = tpu.vector_load %arg15[%get3A_1207, %get3A_1208] {strides = array<i32>} : memref<112x32xf32, #tpu.memory_space<vmem>>, vector<1x16xf32>,
          %get3A_1210 = vector.shape_cast %get3A_1209 : vector<1x16xf32> to vector<16xf32>
          %sub3A_1211 = arith.subf %get3A_1206, %get3A_1210 : vector<16xf32>
          %swap3A_1212 = arith.index_cast %add3A_1191 : i32 to index
          %swap3A_1213 = arith.constant 16 : index
          %swap3A_1214 = tpu.vector_load %arg15[%swap3A_1212, %swap3A_1213] {strides = array<i32>} : memref<112x32xf32, #tpu.memory_space<vmem>>, vector<1x16xf32>,
          %swap3A_1215 = vector.shape_cast %swap3A_1214 : vector<1x16xf32> to vector<16xf32>
          %swap3A_1216 = vector.shape_cast %sub3A_1211 : vector<16xf32> to vector<1x16xf32>
          tpu.vector_store %arg15[%swap3A_1212, %swap3A_1213], %swap3A_1216 {strides = array<i32>} : memref<112x32xf32, #tpu.memory_space<vmem>>, vector<1x16xf32>,
          %mul3A_1217 = arith.constant 56 : i32
          %mul3A_1218 = arith.muli %rem3A_1159, %mul3A_1217 : i32
          %mul3A_1219 = arith.constant 4 : i32
          %mul3A_1220 = arith.muli %scan3A_1183, %mul3A_1219 : i32
          %add3A_1221 = arith.addi %mul3A_1218, %mul3A_1220 : i32
          %add3A_1222 = arith.constant 1 : i32
          %add3A_1223 = arith.addi %add3A_1221, %add3A_1222 : i32
          %get3A_1224 = arith.index_cast %add3A_1223 : i32 to index
          %get3A_1225 = arith.constant 0 : index
          %get3A_1226 = tpu.vector_load %arg14[%get3A_1224, %get3A_1225] {strides = array<i32>} : memref<112x32xf32, #tpu.memory_space<vmem>>, vector<1x16xf32>,
          %get3A_1227 = vector.shape_cast %get3A_1226 : vector<1x16xf32> to vector<16xf32>
          %get3A_1228 = arith.index_cast %add3A_1223 : i32 to index
          %get3A_1229 = arith.constant 0 : index
          %get3A_1230 = tpu.vector_load %arg15[%get3A_1228, %get3A_1229] {strides = array<i32>} : memref<112x32xf32, #tpu.memory_space<vmem>>, vector<1x16xf32>,
          %get3A_1231 = vector.shape_cast %get3A_1230 : vector<1x16xf32> to vector<16xf32>
          %sub3A_1232 = arith.subf %get3A_1227, %get3A_1231 : vector<16xf32>
          %swap3A_1233 = arith.index_cast %add3A_1223 : i32 to index
          %swap3A_1234 = arith.constant 0 : index
          %swap3A_1235 = tpu.vector_load %arg15[%swap3A_1233, %swap3A_1234] {strides = array<i32>} : memref<112x32xf32, #tpu.memory_space<vmem>>, vector<1x16xf32>,
          %swap3A_1236 = vector.shape_cast %swap3A_1235 : vector<1x16xf32> to vector<16xf32>
          %swap3A_1237 = vector.shape_cast %sub3A_1232 : vector<16xf32> to vector<1x16xf32>
          tpu.vector_store %arg15[%swap3A_1233, %swap3A_1234], %swap3A_1237 {strides = array<i32>} : memref<112x32xf32, #tpu.memory_space<vmem>>, vector<1x16xf32>,
          %get3A_1238 = arith.index_cast %add3A_1223 : i32 to index
          %get3A_1239 = arith.constant 16 : index
          %get3A_1240 = tpu.vector_load %arg14[%get3A_1238, %get3A_1239] {strides = array<i32>} : memref<112x32xf32, #tpu.memory_space<vmem>>, vector<1x16xf32>,
          %get3A_1241 = vector.shape_cast %get3A_1240 : vector<1x16xf32> to vector<16xf32>
          %get3A_1242 = arith.index_cast %add3A_1223 : i32 to index
          %get3A_1243 = arith.constant 16 : index
          %get3A_1244 = tpu.vector_load %arg15[%get3A_1242, %get3A_1243] {strides = array<i32>} : memref<112x32xf32, #tpu.memory_space<vmem>>, vector<1x16xf32>,
          %get3A_1245 = vector.shape_cast %get3A_1244 : vector<1x16xf32> to vector<16xf32>
          %sub3A_1246 = arith.subf %get3A_1241, %get3A_1245 : vector<16xf32>
          %swap3A_1247 = arith.index_cast %add3A_1223 : i32 to index
          %swap3A_1248 = arith.constant 16 : index
          %swap3A_1249 = tpu.vector_load %arg15[%swap3A_1247, %swap3A_1248] {strides = array<i32>} : memref<112x32xf32, #tpu.memory_space<vmem>>, vector<1x16xf32>,
          %swap3A_1250 = vector.shape_cast %swap3A_1249 : vector<1x16xf32> to vector<16xf32>
          %swap3A_1251 = vector.shape_cast %sub3A_1246 : vector<16xf32> to vector<1x16xf32>
          tpu.vector_store %arg15[%swap3A_1247, %swap3A_1248], %swap3A_1251 {strides = array<i32>} : memref<112x32xf32, #tpu.memory_space<vmem>>, vector<1x16xf32>,
          %mul3A_1252 = arith.constant 56 : i32
          %mul3A_1253 = arith.muli %rem3A_1159, %mul3A_1252 : i32
          %mul3A_1254 = arith.constant 4 : i32
          %mul3A_1255 = arith.muli %scan3A_1183, %mul3A_1254 : i32
          %add3A_1256 = arith.addi %mul3A_1253, %mul3A_1255 : i32
          %add3A_1257 = arith.constant 2 : i32
          %add3A_1258 = arith.addi %add3A_1256, %add3A_1257 : i32
          %get3A_1259 = arith.index_cast %add3A_1258 : i32 to index
          %get3A_1260 = arith.constant 0 : index
          %get3A_1261 = tpu.vector_load %arg14[%get3A_1259, %get3A_1260] {strides = array<i32>} : memref<112x32xf32, #tpu.memory_space<vmem>>, vector<1x16xf32>,
          %get3A_1262 = vector.shape_cast %get3A_1261 : vector<1x16xf32> to vector<16xf32>
          %get3A_1263 = arith.index_cast %add3A_1258 : i32 to index
          %get3A_1264 = arith.constant 0 : index
          %get3A_1265 = tpu.vector_load %arg15[%get3A_1263, %get3A_1264] {strides = array<i32>} : memref<112x32xf32, #tpu.memory_space<vmem>>, vector<1x16xf32>,
          %get3A_1266 = vector.shape_cast %get3A_1265 : vector<1x16xf32> to vector<16xf32>
          %sub3A_1267 = arith.subf %get3A_1262, %get3A_1266 : vector<16xf32>
          %swap3A_1268 = arith.index_cast %add3A_1258 : i32 to index
          %swap3A_1269 = arith.constant 0 : index
          %swap3A_1270 = tpu.vector_load %arg15[%swap3A_1268, %swap3A_1269] {strides = array<i32>} : memref<112x32xf32, #tpu.memory_space<vmem>>, vector<1x16xf32>,
          %swap3A_1271 = vector.shape_cast %swap3A_1270 : vector<1x16xf32> to vector<16xf32>
          %swap3A_1272 = vector.shape_cast %sub3A_1267 : vector<16xf32> to vector<1x16xf32>
          tpu.vector_store %arg15[%swap3A_1268, %swap3A_1269], %swap3A_1272 {strides = array<i32>} : memref<112x32xf32, #tpu.memory_space<vmem>>, vector<1x16xf32>,
          %get3A_1273 = arith.index_cast %add3A_1258 : i32 to index
          %get3A_1274 = arith.constant 16 : index
          %get3A_1275 = tpu.vector_load %arg14[%get3A_1273, %get3A_1274] {strides = array<i32>} : memref<112x32xf32, #tpu.memory_space<vmem>>, vector<1x16xf32>,
          %get3A_1276 = vector.shape_cast %get3A_1275 : vector<1x16xf32> to vector<16xf32>
          %get3A_1277 = arith.index_cast %add3A_1258 : i32 to index
          %get3A_1278 = arith.constant 16 : index
          %get3A_1279 = tpu.vector_load %arg15[%get3A_1277, %get3A_1278] {strides = array<i32>} : memref<112x32xf32, #tpu.memory_space<vmem>>, vector<1x16xf32>,
          %get3A_1280 = vector.shape_cast %get3A_1279 : vector<1x16xf32> to vector<16xf32>
          %sub3A_1281 = arith.subf %get3A_1276, %get3A_1280 : vector<16xf32>
          %swap3A_1282 = arith.index_cast %add3A_1258 : i32 to index
          %swap3A_1283 = arith.constant 16 : index
          %swap3A_1284 = tpu.vector_load %arg15[%swap3A_1282, %swap3A_1283] {strides = array<i32>} : memref<112x32xf32, #tpu.memory_space<vmem>>, vector<1x16xf32>,
          %swap3A_1285 = vector.shape_cast %swap3A_1284 : vector<1x16xf32> to vector<16xf32>
          %swap3A_1286 = vector.shape_cast %sub3A_1281 : vector<16xf32> to vector<1x16xf32>
          tpu.vector_store %arg15[%swap3A_1282, %swap3A_1283], %swap3A_1286 {strides = array<i32>} : memref<112x32xf32, #tpu.memory_space<vmem>>, vector<1x16xf32>,
          %mul3A_1287 = arith.constant 56 : i32
          %mul3A_1288 = arith.muli %rem3A_1159, %mul3A_1287 : i32
          %mul3A_1289 = arith.constant 4 : i32
          %mul3A_1290 = arith.muli %scan3A_1183, %mul3A_1289 : i32
          %add3A_1291 = arith.addi %mul3A_1288, %mul3A_1290 : i32
          %add3A_1292 = arith.constant 3 : i32
          %add3A_1293 = arith.addi %add3A_1291, %add3A_1292 : i32
          %get3A_1294 = arith.index_cast %add3A_1293 : i32 to index
          %get3A_1295 = arith.constant 0 : index
          %get3A_1296 = tpu.vector_load %arg14[%get3A_1294, %get3A_1295] {strides = array<i32>} : memref<112x32xf32, #tpu.memory_space<vmem>>, vector<1x16xf32>,
          %get3A_1297 = vector.shape_cast %get3A_1296 : vector<1x16xf32> to vector<16xf32>
          %get3A_1298 = arith.index_cast %add3A_1293 : i32 to index
          %get3A_1299 = arith.constant 0 : index
          %get3A_1300 = tpu.vector_load %arg15[%get3A_1298, %get3A_1299] {strides = array<i32>} : memref<112x32xf32, #tpu.memory_space<vmem>>, vector<1x16xf32>,
          %get3A_1301 = vector.shape_cast %get3A_1300 : vector<1x16xf32> to vector<16xf32>
          %sub3A_1302 = arith.subf %get3A_1297, %get3A_1301 : vector<16xf32>
          %swap3A_1303 = arith.index_cast %add3A_1293 : i32 to index
          %swap3A_1304 = arith.constant 0 : index
          %swap3A_1305 = tpu.vector_load %arg15[%swap3A_1303, %swap3A_1304] {strides = array<i32>} : memref<112x32xf32, #tpu.memory_space<vmem>>, vector<1x16xf32>,
          %swap3A_1306 = vector.shape_cast %swap3A_1305 : vector<1x16xf32> to vector<16xf32>
          %swap3A_1307 = vector.shape_cast %sub3A_1302 : vector<16xf32> to vector<1x16xf32>
          tpu.vector_store %arg15[%swap3A_1303, %swap3A_1304], %swap3A_1307 {strides = array<i32>} : memref<112x32xf32, #tpu.memory_space<vmem>>, vector<1x16xf32>,
          %get3A_1308 = arith.index_cast %add3A_1293 : i32 to index
          %get3A_1309 = arith.constant 16 : index
          %get3A_1310 = tpu.vector_load %arg14[%get3A_1308, %get3A_1309] {strides = array<i32>} : memref<112x32xf32, #tpu.memory_space<vmem>>, vector<1x16xf32>,
          %get3A_1311 = vector.shape_cast %get3A_1310 : vector<1x16xf32> to vector<16xf32>
          %get3A_1312 = arith.index_cast %add3A_1293 : i32 to index
          %get3A_1313 = arith.constant 16 : index
          %get3A_1314 = tpu.vector_load %arg15[%get3A_1312, %get3A_1313] {strides = array<i32>} : memref<112x32xf32, #tpu.memory_space<vmem>>, vector<1x16xf32>,
          %get3A_1315 = vector.shape_cast %get3A_1314 : vector<1x16xf32> to vector<16xf32>
          %sub3A_1316 = arith.subf %get3A_1311, %get3A_1315 : vector<16xf32>
          %swap3A_1317 = arith.index_cast %add3A_1293 : i32 to index
          %swap3A_1318 = arith.constant 16 : index
          %swap3A_1319 = tpu.vector_load %arg15[%swap3A_1317, %swap3A_1318] {strides = array<i32>} : memref<112x32xf32, #tpu.memory_space<vmem>>, vector<1x16xf32>,
          %swap3A_1320 = vector.shape_cast %swap3A_1319 : vector<1x16xf32> to vector<16xf32>
          %swap3A_1321 = vector.shape_cast %sub3A_1316 : vector<16xf32> to vector<1x16xf32>
          tpu.vector_store %arg15[%swap3A_1317, %swap3A_1318], %swap3A_1321 {strides = array<i32>} : memref<112x32xf32, #tpu.memory_space<vmem>>, vector<1x16xf32>,
          %scan3A_1322 = arith.constant 0 : i32
          scf.yield %scan3A_1322 : i32
        }
        %scan3A_1166 = arith.constant 14 : i32
        %rem3A_1167 = arith.constant 2 : i32
        %rem3A_1168 = arith.remsi %scan3A_1137, %rem3A_1167 : i32
        %mul3A_1169 = arith.constant 56 : i32
        %mul3A_1170 = arith.muli %rem3A_1168, %mul3A_1169 : i32
        %add3A_1171 = arith.addi %mul3A_4, %mul3A_0 : i32
        %mul3A_1172 = arith.constant 56 : i32
        %mul3A_1173 = arith.muli %scan3A_1137, %mul3A_1172 : i32
        %add3A_1174 = arith.addi %add3A_1171, %mul3A_1173 : i32
        %dma_start3A_1175 = arith.constant 0 : i32
        %dma_start3A_1176 = tpu.memref_slice %arg15[%mul3A_1170, %dma_start3A_1175] : memref<112x32xf32, #tpu.memory_space<vmem>> -> memref<56x32xf32, #tpu.memory_space<vmem>>
        %dma_start3A_1177 = arith.constant 0 : i32
        %dma_start3A_1178 = tpu.memref_slice %arg8[%add3A_1174, %dma_start3A_1177] : memref<100352x32xf32, #tpu.memory_space<hbm>> -> memref<56x32xf32, #tpu.memory_space<hbm>>
        %dma_start3A_1179 = arith.constant 0 : i32
        %dma_start3A_1180 = tpu.memref_slice %arg8[%add3A_1174, %dma_start3A_1179] : memref<100352x32xf32, #tpu.memory_space<hbm>> -> memref<56x32xf32, #tpu.memory_space<hbm>>
        %dma_start3A_1181 = arith.constant 0 : i32
        %dma_start3A_1182 = tpu.memref_slice %arg15[%mul3A_1170, %dma_start3A_1181] : memref<112x32xf32, #tpu.memory_space<vmem>> -> memref<56x32xf32, #tpu.memory_space<vmem>>
        tpu.enqueue_dma source(%dma_start3A_1182 : memref<56x32xf32, #tpu.memory_space<vmem>>) target(%dma_start3A_1180 : memref<56x32xf32, #tpu.memory_space<hbm>>) target_semaphore(%arg22 : memref<!tpu.dma_semaphore, #tpu.memory_space<semaphore_mem>>)
      } else {
      }
      %scan3A_1157 = arith.constant 0 : i32
      scf.yield %scan3A_1157 : i32
    }
    %scan3A_896 = arith.constant 57 : i32
    %barrier3A_897 = arith.constant 0 : index
    tpu.barrier barrier_id(%barrier3A_897)
    %rem3A_898 = arith.constant 0 : i32
    %rem3A_899 = arith.constant 2 : i32
    %rem3A_900 = arith.remsi %rem3A_898, %rem3A_899 : i32
    %add3A_901 = arith.constant 0 : i32
    %add3A_902 = arith.addi %mul3A_2, %add3A_901 : i32
    %mul3A_903 = arith.constant 8 : i32
    %mul3A_904 = arith.muli %rem3A_900, %mul3A_903 : i32
    %add3A_905 = arith.constant 0 : i32
    %add3A_906 = arith.addi %mul3A_2, %add3A_905 : i32
    %mul3A_907 = arith.constant 8 : i32
    %mul3A_908 = arith.muli %rem3A_900, %mul3A_907 : i32
    %add3A_909 = arith.constant 0 : i32
    %add3A_910 = arith.addi %mul3A_2, %add3A_909 : i32
    %mul3A_911 = arith.constant 8 : i32
    %mul3A_912 = arith.muli %rem3A_900, %mul3A_911 : i32
    %dma_start3A_913 = arith.constant 0 : i32
    %dma_start3A_914 = tpu.memref_slice %arg10[%mul3A_904, %dma_start3A_913] : memref<16x128xi32, #tpu.memory_space<vmem>> -> memref<8x128xi32, #tpu.memory_space<vmem>>
    %dma_start3A_915 = arith.constant 0 : i32
    %dma_start3A_916 = tpu.memref_slice %arg3[%add3A_902, %dma_start3A_915] : memref<6272x128xi32, #tpu.memory_space<hbm>> -> memref<8x128xi32, #tpu.memory_space<hbm>>
    %dma_start3A_917 = arith.constant 0 : i32
    %dma_start3A_918 = tpu.memref_slice %arg10[%mul3A_904, %dma_start3A_917] : memref<16x128xi32, #tpu.memory_space<vmem>> -> memref<8x128xi32, #tpu.memory_space<vmem>>
    %dma_start3A_919 = arith.constant 0 : i32
    %dma_start3A_920 = tpu.memref_slice %arg3[%add3A_902, %dma_start3A_919] : memref<6272x128xi32, #tpu.memory_space<hbm>> -> memref<8x128xi32, #tpu.memory_space<hbm>>
    tpu.enqueue_dma source(%dma_start3A_920 : memref<8x128xi32, #tpu.memory_space<hbm>>) target(%dma_start3A_918 : memref<8x128xi32, #tpu.memory_space<vmem>>) target_semaphore(%arg16 : memref<!tpu.dma_semaphore, #tpu.memory_space<semaphore_mem>>)
    %dma_start3A_921 = arith.constant 0 : i32
    %dma_start3A_922 = tpu.memref_slice %arg11[%mul3A_908, %dma_start3A_921] : memref<16x128xi32, #tpu.memory_space<vmem>> -> memref<8x128xi32, #tpu.memory_space<vmem>>
    %dma_start3A_923 = arith.constant 0 : i32
    %dma_start3A_924 = tpu.memref_slice %arg4[%add3A_906, %dma_start3A_923] : memref<6272x128xi32, #tpu.memory_space<hbm>> -> memref<8x128xi32, #tpu.memory_space<hbm>>
    %dma_start3A_925 = arith.constant 0 : i32
    %dma_start3A_926 = tpu.memref_slice %arg11[%mul3A_908, %dma_start3A_925] : memref<16x128xi32, #tpu.memory_space<vmem>> -> memref<8x128xi32, #tpu.memory_space<vmem>>
    %dma_start3A_927 = arith.constant 0 : i32
    %dma_start3A_928 = tpu.memref_slice %arg4[%add3A_906, %dma_start3A_927] : memref<6272x128xi32, #tpu.memory_space<hbm>> -> memref<8x128xi32, #tpu.memory_space<hbm>>
    tpu.enqueue_dma source(%dma_start3A_928 : memref<8x128xi32, #tpu.memory_space<hbm>>) target(%dma_start3A_926 : memref<8x128xi32, #tpu.memory_space<vmem>>) target_semaphore(%arg16 : memref<!tpu.dma_semaphore, #tpu.memory_space<semaphore_mem>>)
    %dma_start3A_929 = arith.constant 0 : i32
    %dma_start3A_930 = tpu.memref_slice %arg12[%mul3A_912, %dma_start3A_929] : memref<16x128xf32, #tpu.memory_space<vmem>> -> memref<8x128xf32, #tpu.memory_space<vmem>>
    %dma_start3A_931 = arith.constant 0 : i32
    %dma_start3A_932 = tpu.memref_slice %arg5[%add3A_910, %dma_start3A_931] : memref<6272x128xf32, #tpu.memory_space<hbm>> -> memref<8x128xf32, #tpu.memory_space<hbm>>
    %dma_start3A_933 = arith.constant 0 : i32
    %dma_start3A_934 = tpu.memref_slice %arg12[%mul3A_912, %dma_start3A_933] : memref<16x128xf32, #tpu.memory_space<vmem>> -> memref<8x128xf32, #tpu.memory_space<vmem>>
    %dma_start3A_935 = arith.constant 0 : i32
    %dma_start3A_936 = tpu.memref_slice %arg5[%add3A_910, %dma_start3A_935] : memref<6272x128xf32, #tpu.memory_space<hbm>> -> memref<8x128xf32, #tpu.memory_space<hbm>>
    tpu.enqueue_dma source(%dma_start3A_936 : memref<8x128xf32, #tpu.memory_space<hbm>>) target(%dma_start3A_934 : memref<8x128xf32, #tpu.memory_space<vmem>>) target_semaphore(%arg16 : memref<!tpu.dma_semaphore, #tpu.memory_space<semaphore_mem>>)
    %rem3A_937 = arith.constant 1 : i32
    %rem3A_938 = arith.constant 2 : i32
    %rem3A_939 = arith.remsi %rem3A_937, %rem3A_938 : i32
    %add3A_940 = arith.constant 8 : i32
    %add3A_941 = arith.addi %mul3A_2, %add3A_940 : i32
    %mul3A_942 = arith.constant 8 : i32
    %mul3A_943 = arith.muli %rem3A_939, %mul3A_942 : i32
    %add3A_944 = arith.constant 8 : i32
    %add3A_945 = arith.addi %mul3A_2, %add3A_944 : i32
    %mul3A_946 = arith.constant 8 : i32
    %mul3A_947 = arith.muli %rem3A_939, %mul3A_946 : i32
    %add3A_948 = arith.constant 8 : i32
    %add3A_949 = arith.addi %mul3A_2, %add3A_948 : i32
    %mul3A_950 = arith.constant 8 : i32
    %mul3A_951 = arith.muli %rem3A_939, %mul3A_950 : i32
    %dma_start3A_952 = arith.constant 0 : i32
    %dma_start3A_953 = tpu.memref_slice %arg10[%mul3A_943, %dma_start3A_952] : memref<16x128xi32, #tpu.memory_space<vmem>> -> memref<8x128xi32, #tpu.memory_space<vmem>>
    %dma_start3A_954 = arith.constant 0 : i32
    %dma_start3A_955 = tpu.memref_slice %arg3[%add3A_941, %dma_start3A_954] : memref<6272x128xi32, #tpu.memory_space<hbm>> -> memref<8x128xi32, #tpu.memory_space<hbm>>
    %dma_start3A_956 = arith.constant 0 : i32
    %dma_start3A_957 = tpu.memref_slice %arg10[%mul3A_943, %dma_start3A_956] : memref<16x128xi32, #tpu.memory_space<vmem>> -> memref<8x128xi32, #tpu.memory_space<vmem>>
    %dma_start3A_958 = arith.constant 0 : i32
    %dma_start3A_959 = tpu.memref_slice %arg3[%add3A_941, %dma_start3A_958] : memref<6272x128xi32, #tpu.memory_space<hbm>> -> memref<8x128xi32, #tpu.memory_space<hbm>>
    tpu.enqueue_dma source(%dma_start3A_959 : memref<8x128xi32, #tpu.memory_space<hbm>>) target(%dma_start3A_957 : memref<8x128xi32, #tpu.memory_space<vmem>>) target_semaphore(%arg16 : memref<!tpu.dma_semaphore, #tpu.memory_space<semaphore_mem>>)
    %dma_start3A_960 = arith.constant 0 : i32
    %dma_start3A_961 = tpu.memref_slice %arg11[%mul3A_947, %dma_start3A_960] : memref<16x128xi32, #tpu.memory_space<vmem>> -> memref<8x128xi32, #tpu.memory_space<vmem>>
    %dma_start3A_962 = arith.constant 0 : i32
    %dma_start3A_963 = tpu.memref_slice %arg4[%add3A_945, %dma_start3A_962] : memref<6272x128xi32, #tpu.memory_space<hbm>> -> memref<8x128xi32, #tpu.memory_space<hbm>>
    %dma_start3A_964 = arith.constant 0 : i32
    %dma_start3A_965 = tpu.memref_slice %arg11[%mul3A_947, %dma_start3A_964] : memref<16x128xi32, #tpu.memory_space<vmem>> -> memref<8x128xi32, #tpu.memory_space<vmem>>
    %dma_start3A_966 = arith.constant 0 : i32
    %dma_start3A_967 = tpu.memref_slice %arg4[%add3A_945, %dma_start3A_966] : memref<6272x128xi32, #tpu.memory_space<hbm>> -> memref<8x128xi32, #tpu.memory_space<hbm>>
    tpu.enqueue_dma source(%dma_start3A_967 : memref<8x128xi32, #tpu.memory_space<hbm>>) target(%dma_start3A_965 : memref<8x128xi32, #tpu.memory_space<vmem>>) target_semaphore(%arg16 : memref<!tpu.dma_semaphore, #tpu.memory_space<semaphore_mem>>)
    %dma_start3A_968 = arith.constant 0 : i32
    %dma_start3A_969 = tpu.memref_slice %arg12[%mul3A_951, %dma_start3A_968] : memref<16x128xf32, #tpu.memory_space<vmem>> -> memref<8x128xf32, #tpu.memory_space<vmem>>
    %dma_start3A_970 = arith.constant 0 : i32
    %dma_start3A_971 = tpu.memref_slice %arg5[%add3A_949, %dma_start3A_970] : memref<6272x128xf32, #tpu.memory_space<hbm>> -> memref<8x128xf32, #tpu.memory_space<hbm>>
    %dma_start3A_972 = arith.constant 0 : i32
    %dma_start3A_973 = tpu.memref_slice %arg12[%mul3A_951, %dma_start3A_972] : memref<16x128xf32, #tpu.memory_space<vmem>> -> memref<8x128xf32, #tpu.memory_space<vmem>>
    %dma_start3A_974 = arith.constant 0 : i32
    %dma_start3A_975 = tpu.memref_slice %arg5[%add3A_949, %dma_start3A_974] : memref<6272x128xf32, #tpu.memory_space<hbm>> -> memref<8x128xf32, #tpu.memory_space<hbm>>
    tpu.enqueue_dma source(%dma_start3A_975 : memref<8x128xf32, #tpu.memory_space<hbm>>) target(%dma_start3A_973 : memref<8x128xf32, #tpu.memory_space<vmem>>) target_semaphore(%arg16 : memref<!tpu.dma_semaphore, #tpu.memory_space<semaphore_mem>>)
    %rem3A_976 = arith.constant 0 : i32
    %rem3A_977 = arith.constant 2 : i32
    %rem3A_978 = arith.remsi %rem3A_976, %rem3A_977 : i32
    %add3A_979 = arith.constant 0 : i32
    %add3A_980 = arith.addi %mul3A_2, %add3A_979 : i32
    %mul3A_981 = arith.constant 8 : i32
    %mul3A_982 = arith.muli %rem3A_978, %mul3A_981 : i32
    %add3A_983 = arith.constant 0 : i32
    %add3A_984 = arith.addi %mul3A_2, %add3A_983 : i32
    %mul3A_985 = arith.constant 8 : i32
    %mul3A_986 = arith.muli %rem3A_978, %mul3A_985 : i32
    %add3A_987 = arith.constant 0 : i32
    %add3A_988 = arith.addi %mul3A_2, %add3A_987 : i32
    %mul3A_989 = arith.constant 8 : i32
    %mul3A_990 = arith.muli %rem3A_978, %mul3A_989 : i32
    %dma_wait3A_991 = arith.constant 0 : i32
    %dma_wait3A_992 = tpu.memref_slice %arg10[%mul3A_982, %dma_wait3A_991] : memref<16x128xi32, #tpu.memory_space<vmem>> -> memref<8x128xi32, #tpu.memory_space<vmem>>
    %dma_wait3A_993 = arith.constant 0 : i32
    %dma_wait3A_994 = tpu.memref_slice %arg3[%add3A_980, %dma_wait3A_993] : memref<6272x128xi32, #tpu.memory_space<hbm>> -> memref<8x128xi32, #tpu.memory_space<hbm>>
    %dma_wait3A_995 = arith.constant 0 : i32
    %dma_wait3A_996 = tpu.memref_slice %arg10[%mul3A_982, %dma_wait3A_995] : memref<16x128xi32, #tpu.memory_space<vmem>> -> memref<8x128xi32, #tpu.memory_space<vmem>>
    %dma_wait3A_997 = arith.constant 0 : i32
    %dma_wait3A_998 = tpu.memref_slice %arg3[%add3A_980, %dma_wait3A_997] : memref<6272x128xi32, #tpu.memory_space<hbm>> -> memref<8x128xi32, #tpu.memory_space<hbm>>
    tpu.wait_dma2 semaphore(%arg16 : memref<!tpu.dma_semaphore, #tpu.memory_space<semaphore_mem>>) src(%dma_wait3A_998 : memref<8x128xi32, #tpu.memory_space<hbm>>) dst(%dma_wait3A_996 : memref<8x128xi32, #tpu.memory_space<vmem>>)
    %dma_wait3A_999 = arith.constant 0 : i32
    %dma_wait3A_1000 = tpu.memref_slice %arg11[%mul3A_986, %dma_wait3A_999] : memref<16x128xi32, #tpu.memory_space<vmem>> -> memref<8x128xi32, #tpu.memory_space<vmem>>
    %dma_wait3A_1001 = arith.constant 0 : i32
    %dma_wait3A_1002 = tpu.memref_slice %arg4[%add3A_984, %dma_wait3A_1001] : memref<6272x128xi32, #tpu.memory_space<hbm>> -> memref<8x128xi32, #tpu.memory_space<hbm>>
    %dma_wait3A_1003 = arith.constant 0 : i32
    %dma_wait3A_1004 = tpu.memref_slice %arg11[%mul3A_986, %dma_wait3A_1003] : memref<16x128xi32, #tpu.memory_space<vmem>> -> memref<8x128xi32, #tpu.memory_space<vmem>>
    %dma_wait3A_1005 = arith.constant 0 : i32
    %dma_wait3A_1006 = tpu.memref_slice %arg4[%add3A_984, %dma_wait3A_1005] : memref<6272x128xi32, #tpu.memory_space<hbm>> -> memref<8x128xi32, #tpu.memory_space<hbm>>
    tpu.wait_dma2 semaphore(%arg16 : memref<!tpu.dma_semaphore, #tpu.memory_space<semaphore_mem>>) src(%dma_wait3A_1006 : memref<8x128xi32, #tpu.memory_space<hbm>>) dst(%dma_wait3A_1004 : memref<8x128xi32, #tpu.memory_space<vmem>>)
    %dma_wait3A_1007 = arith.constant 0 : i32
    %dma_wait3A_1008 = tpu.memref_slice %arg12[%mul3A_990, %dma_wait3A_1007] : memref<16x128xf32, #tpu.memory_space<vmem>> -> memref<8x128xf32, #tpu.memory_space<vmem>>
    %dma_wait3A_1009 = arith.constant 0 : i32
    %dma_wait3A_1010 = tpu.memref_slice %arg5[%add3A_988, %dma_wait3A_1009] : memref<6272x128xf32, #tpu.memory_space<hbm>> -> memref<8x128xf32, #tpu.memory_space<hbm>>
    %dma_wait3A_1011 = arith.constant 0 : i32
    %dma_wait3A_1012 = tpu.memref_slice %arg12[%mul3A_990, %dma_wait3A_1011] : memref<16x128xf32, #tpu.memory_space<vmem>> -> memref<8x128xf32, #tpu.memory_space<vmem>>
    %dma_wait3A_1013 = arith.constant 0 : i32
    %dma_wait3A_1014 = tpu.memref_slice %arg5[%add3A_988, %dma_wait3A_1013] : memref<6272x128xf32, #tpu.memory_space<hbm>> -> memref<8x128xf32, #tpu.memory_space<hbm>>
    tpu.wait_dma2 semaphore(%arg16 : memref<!tpu.dma_semaphore, #tpu.memory_space<semaphore_mem>>) src(%dma_wait3A_1014 : memref<8x128xf32, #tpu.memory_space<hbm>>) dst(%dma_wait3A_1012 : memref<8x128xf32, #tpu.memory_space<vmem>>)
    %rem3A_1015 = arith.constant 1 : i32
    %rem3A_1016 = arith.constant 2 : i32
    %rem3A_1017 = arith.remsi %rem3A_1015, %rem3A_1016 : i32
    %add3A_1018 = arith.constant 8 : i32
    %add3A_1019 = arith.addi %mul3A_2, %add3A_1018 : i32
    %mul3A_1020 = arith.constant 8 : i32
    %mul3A_1021 = arith.muli %rem3A_1017, %mul3A_1020 : i32
    %add3A_1022 = arith.constant 8 : i32
    %add3A_1023 = arith.addi %mul3A_2, %add3A_1022 : i32
    %mul3A_1024 = arith.constant 8 : i32
    %mul3A_1025 = arith.muli %rem3A_1017, %mul3A_1024 : i32
    %add3A_1026 = arith.constant 8 : i32
    %add3A_1027 = arith.addi %mul3A_2, %add3A_1026 : i32
    %mul3A_1028 = arith.constant 8 : i32
    %mul3A_1029 = arith.muli %rem3A_1017, %mul3A_1028 : i32
    %dma_wait3A_1030 = arith.constant 0 : i32
    %dma_wait3A_1031 = tpu.memref_slice %arg10[%mul3A_1021, %dma_wait3A_1030] : memref<16x128xi32, #tpu.memory_space<vmem>> -> memref<8x128xi32, #tpu.memory_space<vmem>>
    %dma_wait3A_1032 = arith.constant 0 : i32
    %dma_wait3A_1033 = tpu.memref_slice %arg3[%add3A_1019, %dma_wait3A_1032] : memref<6272x128xi32, #tpu.memory_space<hbm>> -> memref<8x128xi32, #tpu.memory_space<hbm>>
    %dma_wait3A_1034 = arith.constant 0 : i32
    %dma_wait3A_1035 = tpu.memref_slice %arg10[%mul3A_1021, %dma_wait3A_1034] : memref<16x128xi32, #tpu.memory_space<vmem>> -> memref<8x128xi32, #tpu.memory_space<vmem>>
    %dma_wait3A_1036 = arith.constant 0 : i32
    %dma_wait3A_1037 = tpu.memref_slice %arg3[%add3A_1019, %dma_wait3A_1036] : memref<6272x128xi32, #tpu.memory_space<hbm>> -> memref<8x128xi32, #tpu.memory_space<hbm>>
    tpu.wait_dma2 semaphore(%arg16 : memref<!tpu.dma_semaphore, #tpu.memory_space<semaphore_mem>>) src(%dma_wait3A_1037 : memref<8x128xi32, #tpu.memory_space<hbm>>) dst(%dma_wait3A_1035 : memref<8x128xi32, #tpu.memory_space<vmem>>)
    %dma_wait3A_1038 = arith.constant 0 : i32
    %dma_wait3A_1039 = tpu.memref_slice %arg11[%mul3A_1025, %dma_wait3A_1038] : memref<16x128xi32, #tpu.memory_space<vmem>> -> memref<8x128xi32, #tpu.memory_space<vmem>>
    %dma_wait3A_1040 = arith.constant 0 : i32
    %dma_wait3A_1041 = tpu.memref_slice %arg4[%add3A_1023, %dma_wait3A_1040] : memref<6272x128xi32, #tpu.memory_space<hbm>> -> memref<8x128xi32, #tpu.memory_space<hbm>>
    %dma_wait3A_1042 = arith.constant 0 : i32
    %dma_wait3A_1043 = tpu.memref_slice %arg11[%mul3A_1025, %dma_wait3A_1042] : memref<16x128xi32, #tpu.memory_space<vmem>> -> memref<8x128xi32, #tpu.memory_space<vmem>>
    %dma_wait3A_1044 = arith.constant 0 : i32
    %dma_wait3A_1045 = tpu.memref_slice %arg4[%add3A_1023, %dma_wait3A_1044] : memref<6272x128xi32, #tpu.memory_space<hbm>> -> memref<8x128xi32, #tpu.memory_space<hbm>>
    tpu.wait_dma2 semaphore(%arg16 : memref<!tpu.dma_semaphore, #tpu.memory_space<semaphore_mem>>) src(%dma_wait3A_1045 : memref<8x128xi32, #tpu.memory_space<hbm>>) dst(%dma_wait3A_1043 : memref<8x128xi32, #tpu.memory_space<vmem>>)
    %dma_wait3A_1046 = arith.constant 0 : i32
    %dma_wait3A_1047 = tpu.memref_slice %arg12[%mul3A_1029, %dma_wait3A_1046] : memref<16x128xf32, #tpu.memory_space<vmem>> -> memref<8x128xf32, #tpu.memory_space<vmem>>
    %dma_wait3A_1048 = arith.constant 0 : i32
    %dma_wait3A_1049 = tpu.memref_slice %arg5[%add3A_1027, %dma_wait3A_1048] : memref<6272x128xf32, #tpu.memory_space<hbm>> -> memref<8x128xf32, #tpu.memory_space<hbm>>
    %dma_wait3A_1050 = arith.constant 0 : i32
    %dma_wait3A_1051 = tpu.memref_slice %arg12[%mul3A_1029, %dma_wait3A_1050] : memref<16x128xf32, #tpu.memory_space<vmem>> -> memref<8x128xf32, #tpu.memory_space<vmem>>
    %dma_wait3A_1052 = arith.constant 0 : i32
    %dma_wait3A_1053 = tpu.memref_slice %arg5[%add3A_1027, %dma_wait3A_1052] : memref<6272x128xf32, #tpu.memory_space<hbm>> -> memref<8x128xf32, #tpu.memory_space<hbm>>
    tpu.wait_dma2 semaphore(%arg16 : memref<!tpu.dma_semaphore, #tpu.memory_space<semaphore_mem>>) src(%dma_wait3A_1053 : memref<8x128xf32, #tpu.memory_space<hbm>>) dst(%dma_wait3A_1051 : memref<8x128xf32, #tpu.memory_space<vmem>>)
    %rem3A_1054 = arith.constant 0 : i32
    %rem3A_1055 = arith.constant 4 : i32
    %rem3A_1056 = arith.remsi %rem3A_1054, %rem3A_1055 : i32
    %rem3A_1057 = arith.constant 0 : i32
    %rem3A_1058 = arith.constant 16 : i32
    %rem3A_1059 = arith.remsi %rem3A_1057, %rem3A_1058 : i32
    %mul3A_1060 = arith.constant 128 : i32
    %mul3A_1061 = arith.muli %rem3A_1056, %mul3A_1060 : i32
    %dma_start3A_1062 = arith.constant 0 : i32
    %dma_start3A_1063 = tpu.memref_slice %arg13[%mul3A_1061, %dma_start3A_1062] : memref<512x32xf32, #tpu.memory_space<vmem>> -> memref<128x32xf32, #tpu.memory_space<vmem>>
    %dma_start3A_1064 = arith.constant 0 : i32
    %dma_start3A_1065 = tpu.memref_slice %arg10[%rem3A_1059, %dma_start3A_1064] : memref<16x128xi32, #tpu.memory_space<vmem>> -> memref<1x128xi32, #tpu.memory_space<vmem>>
    %dma_start3A_1066 = tpu.memref_squeeze %dma_start3A_1065 : memref<1x128xi32, #tpu.memory_space<vmem>> -> memref<128xi32, #tpu.memory_space<vmem>>
    %dma_start3A_1067 = arith.constant 0 : i32
    %dma_start3A_1068 = tpu.memref_slice %arg8[%mul3A_4, %dma_start3A_1067] : memref<100352x32xf32, #tpu.memory_space<hbm>> -> memref<50176x32xf32, #tpu.memory_space<hbm>>
    %dma_start3A_1069 = arith.constant 0 : i32
    %dma_start3A_1070 = arith.constant 0 : i32
    %dma_start3A_1071 = tpu.memref_slice %dma_start3A_1068[%dma_start3A_1069, %dma_start3A_1070] : memref<50176x32xf32, #tpu.memory_space<hbm>> -> memref<50176x32xf32, #tpu.memory_space<hbm>>
    tpu.enqueue_indirect_dma source(%dma_start3A_1071 : memref<50176x32xf32, #tpu.memory_space<hbm>>) target(%dma_start3A_1063 : memref<128x32xf32, #tpu.memory_space<vmem>>) offsets(%dma_start3A_1066 : memref<128xi32, #tpu.memory_space<vmem>>) semaphore(%arg17 : memref<!tpu.dma_semaphore, #tpu.memory_space<semaphore_mem>>)
    %rem3A_1072 = arith.constant 1 : i32
    %rem3A_1073 = arith.constant 4 : i32
    %rem3A_1074 = arith.remsi %rem3A_1072, %rem3A_1073 : i32
    %rem3A_1075 = arith.constant 1 : i32
    %rem3A_1076 = arith.constant 16 : i32
    %rem3A_1077 = arith.remsi %rem3A_1075, %rem3A_1076 : i32
    %mul3A_1078 = arith.constant 128 : i32
    %mul3A_1079 = arith.muli %rem3A_1074, %mul3A_1078 : i32
    %dma_start3A_1080 = arith.constant 0 : i32
    %dma_start3A_1081 = tpu.memref_slice %arg13[%mul3A_1079, %dma_start3A_1080] : memref<512x32xf32, #tpu.memory_space<vmem>> -> memref<128x32xf32, #tpu.memory_space<vmem>>
    %dma_start3A_1082 = arith.constant 0 : i32
    %dma_start3A_1083 = tpu.memref_slice %arg10[%rem3A_1077, %dma_start3A_1082] : memref<16x128xi32, #tpu.memory_space<vmem>> -> memref<1x128xi32, #tpu.memory_space<vmem>>
    %dma_start3A_1084 = tpu.memref_squeeze %dma_start3A_1083 : memref<1x128xi32, #tpu.memory_space<vmem>> -> memref<128xi32, #tpu.memory_space<vmem>>
    %dma_start3A_1085 = arith.constant 0 : i32
    %dma_start3A_1086 = tpu.memref_slice %arg8[%mul3A_4, %dma_start3A_1085] : memref<100352x32xf32, #tpu.memory_space<hbm>> -> memref<50176x32xf32, #tpu.memory_space<hbm>>
    %dma_start3A_1087 = arith.constant 0 : i32
    %dma_start3A_1088 = arith.constant 0 : i32
    %dma_start3A_1089 = tpu.memref_slice %dma_start3A_1086[%dma_start3A_1087, %dma_start3A_1088] : memref<50176x32xf32, #tpu.memory_space<hbm>> -> memref<50176x32xf32, #tpu.memory_space<hbm>>
    tpu.enqueue_indirect_dma source(%dma_start3A_1089 : memref<50176x32xf32, #tpu.memory_space<hbm>>) target(%dma_start3A_1081 : memref<128x32xf32, #tpu.memory_space<vmem>>) offsets(%dma_start3A_1084 : memref<128xi32, #tpu.memory_space<vmem>>) semaphore(%arg18 : memref<!tpu.dma_semaphore, #tpu.memory_space<semaphore_mem>>)
    %scan3A_1090 = arith.constant 0 : i32
    %scan3A_1091 = arith.constant 0 : i32
    %scan3A_1092 = arith.constant 394 : i32
    %scan3A_1093 = arith.addi %scan3A_1091, %scan3A_1092 : i32
    %scan3A_1094 = arith.constant 1 : i32
    %scan3A_1095 = scf.for %scan3A_1137 = %scan3A_1091 to %scan3A_1093 step %scan3A_1094 iter_args(%scan3A_1138 = %scan3A_1090) -> (i32)  : i32 {
      %div3A = arith.constant 8 : i32
      %div3A_1139 = arith.divsi %scan3A_1137, %div3A : i32
      %rem3A_1140 = arith.constant 8 : i32
      %rem3A_1141 = arith.remsi %scan3A_1137, %rem3A_1140 : i32
      %ge3A = arith.constant 2 : i32
      %ge3A_1142 = arith.cmpi sge, %scan3A_1137, %ge3A : i32
      %convert_element_type3A = arith.extui %ge3A_1142 : i1 to i32
      %cond3A = arith.constant 0 : i32
      %cond3A_1143 = arith.cmpi ne, %convert_element_type3A, %cond3A : i32
      scf.if %cond3A_1143 {
        %dma_wait3A_1212 = arith.constant 0 : i32
        %dma_wait3A_1213 = arith.constant 0 : i32
        %dma_wait3A_1214 = tpu.memref_slice %arg13[%dma_wait3A_1212, %dma_wait3A_1213] : memref<512x32xf32, #tpu.memory_space<vmem>> -> memref<128x32xf32, #tpu.memory_space<vmem>>
        %dma_wait3A_1215 = arith.constant 0 : i32
        %dma_wait3A_1216 = arith.constant 0 : i32
        %dma_wait3A_1217 = tpu.memref_slice %arg2[%dma_wait3A_1215, %dma_wait3A_1216] : memref<100352x32xf32, #tpu.memory_space<hbm>> -> memref<128x32xf32, #tpu.memory_space<hbm>>
        %dma_wait3A_1218 = arith.constant 0 : i32
        %dma_wait3A_1219 = arith.constant 0 : i32
        %dma_wait3A_1220 = tpu.memref_slice %arg13[%dma_wait3A_1218, %dma_wait3A_1219] : memref<512x32xf32, #tpu.memory_space<vmem>> -> memref<128x32xf32, #tpu.memory_space<vmem>>
        %dma_wait3A_1221 = arith.constant 0 : i32
        %dma_wait3A_1222 = arith.constant 0 : i32
        %dma_wait3A_1223 = tpu.memref_slice %arg2[%dma_wait3A_1221, %dma_wait3A_1222] : memref<100352x32xf32, #tpu.memory_space<hbm>> -> memref<128x32xf32, #tpu.memory_space<hbm>>
        tpu.wait_dma2 semaphore(%arg19 : memref<!tpu.dma_semaphore, #tpu.memory_space<semaphore_mem>>) src(%dma_wait3A_1223 : memref<128x32xf32, #tpu.memory_space<hbm>>) dst(%dma_wait3A_1220 : memref<128x32xf32, #tpu.memory_space<vmem>>)
      } else {
      }
      %eq3A = arith.constant 1 : i32
      %eq3A_1144 = arith.cmpi eq, %rem3A_1141, %eq3A : i32
      %ge3A_1145 = arith.constant 1 : i32
      %ge3A_1146 = arith.cmpi sge, %div3A_1139, %ge3A_1145 : i32
      %le3A = arith.constant 47 : i32
      %le3A_1147 = arith.cmpi sle, %div3A_1139, %le3A : i32
      %and3A = arith.andi %ge3A_1146, %le3A_1147 : i1
      %and3A_1148 = arith.andi %eq3A_1144, %and3A : i1
      %convert_element_type3A_1149 = arith.extui %and3A_1148 : i1 to i32
      %cond3A_1150 = arith.constant 0 : i32
      %cond3A_1151 = arith.cmpi ne, %convert_element_type3A_1149, %cond3A_1150 : i32
      scf.if %cond3A_1151 {
        %add3A_1212 = arith.constant 1 : i32
        %add3A_1213 = arith.addi %div3A_1139, %add3A_1212 : i32
        %rem3A_1214 = arith.constant 2 : i32
        %rem3A_1215 = arith.remsi %add3A_1213, %rem3A_1214 : i32
        %mul3A_1216 = arith.constant 8 : i32
        %mul3A_1217 = arith.muli %add3A_1213, %mul3A_1216 : i32
        %add3A_1218 = arith.addi %mul3A_2, %mul3A_1217 : i32
        %mul3A_1219 = arith.constant 8 : i32
        %mul3A_1220 = arith.muli %rem3A_1215, %mul3A_1219 : i32
        %mul3A_1221 = arith.constant 8 : i32
        %mul3A_1222 = arith.muli %add3A_1213, %mul3A_1221 : i32
        %add3A_1223 = arith.addi %mul3A_2, %mul3A_1222 : i32
        %mul3A_1224 = arith.constant 8 : i32
        %mul3A_1225 = arith.muli %rem3A_1215, %mul3A_1224 : i32
        %mul3A_1226 = arith.constant 8 : i32
        %mul3A_1227 = arith.muli %add3A_1213, %mul3A_1226 : i32
        %add3A_1228 = arith.addi %mul3A_2, %mul3A_1227 : i32
        %mul3A_1229 = arith.constant 8 : i32
        %mul3A_1230 = arith.muli %rem3A_1215, %mul3A_1229 : i32
        %dma_start3A_1231 = arith.constant 0 : i32
        %dma_start3A_1232 = tpu.memref_slice %arg10[%mul3A_1220, %dma_start3A_1231] : memref<16x128xi32, #tpu.memory_space<vmem>> -> memref<8x128xi32, #tpu.memory_space<vmem>>
        %dma_start3A_1233 = arith.constant 0 : i32
        %dma_start3A_1234 = tpu.memref_slice %arg3[%add3A_1218, %dma_start3A_1233] : memref<6272x128xi32, #tpu.memory_space<hbm>> -> memref<8x128xi32, #tpu.memory_space<hbm>>
        %dma_start3A_1235 = arith.constant 0 : i32
        %dma_start3A_1236 = tpu.memref_slice %arg10[%mul3A_1220, %dma_start3A_1235] : memref<16x128xi32, #tpu.memory_space<vmem>> -> memref<8x128xi32, #tpu.memory_space<vmem>>
        %dma_start3A_1237 = arith.constant 0 : i32
        %dma_start3A_1238 = tpu.memref_slice %arg3[%add3A_1218, %dma_start3A_1237] : memref<6272x128xi32, #tpu.memory_space<hbm>> -> memref<8x128xi32, #tpu.memory_space<hbm>>
        tpu.enqueue_dma source(%dma_start3A_1238 : memref<8x128xi32, #tpu.memory_space<hbm>>) target(%dma_start3A_1236 : memref<8x128xi32, #tpu.memory_space<vmem>>) target_semaphore(%arg16 : memref<!tpu.dma_semaphore, #tpu.memory_space<semaphore_mem>>)
        %dma_start3A_1239 = arith.constant 0 : i32
        %dma_start3A_1240 = tpu.memref_slice %arg11[%mul3A_1225, %dma_start3A_1239] : memref<16x128xi32, #tpu.memory_space<vmem>> -> memref<8x128xi32, #tpu.memory_space<vmem>>
        %dma_start3A_1241 = arith.constant 0 : i32
        %dma_start3A_1242 = tpu.memref_slice %arg4[%add3A_1223, %dma_start3A_1241] : memref<6272x128xi32, #tpu.memory_space<hbm>> -> memref<8x128xi32, #tpu.memory_space<hbm>>
        %dma_start3A_1243 = arith.constant 0 : i32
        %dma_start3A_1244 = tpu.memref_slice %arg11[%mul3A_1225, %dma_start3A_1243] : memref<16x128xi32, #tpu.memory_space<vmem>> -> memref<8x128xi32, #tpu.memory_space<vmem>>
        %dma_start3A_1245 = arith.constant 0 : i32
        %dma_start3A_1246 = tpu.memref_slice %arg4[%add3A_1223, %dma_start3A_1245] : memref<6272x128xi32, #tpu.memory_space<hbm>> -> memref<8x128xi32, #tpu.memory_space<hbm>>
        tpu.enqueue_dma source(%dma_start3A_1246 : memref<8x128xi32, #tpu.memory_space<hbm>>) target(%dma_start3A_1244 : memref<8x128xi32, #tpu.memory_space<vmem>>) target_semaphore(%arg16 : memref<!tpu.dma_semaphore, #tpu.memory_space<semaphore_mem>>)
        %dma_start3A_1247 = arith.constant 0 : i32
        %dma_start3A_1248 = tpu.memref_slice %arg12[%mul3A_1230, %dma_start3A_1247] : memref<16x128xf32, #tpu.memory_space<vmem>> -> memref<8x128xf32, #tpu.memory_space<vmem>>
        %dma_start3A_1249 = arith.constant 0 : i32
        %dma_start3A_1250 = tpu.memref_slice %arg5[%add3A_1228, %dma_start3A_1249] : memref<6272x128xf32, #tpu.memory_space<hbm>> -> memref<8x128xf32, #tpu.memory_space<hbm>>
        %dma_start3A_1251 = arith.constant 0 : i32
        %dma_start3A_1252 = tpu.memref_slice %arg12[%mul3A_1230, %dma_start3A_1251] : memref<16x128xf32, #tpu.memory_space<vmem>> -> memref<8x128xf32, #tpu.memory_space<vmem>>
        %dma_start3A_1253 = arith.constant 0 : i32
        %dma_start3A_1254 = tpu.memref_slice %arg5[%add3A_1228, %dma_start3A_1253] : memref<6272x128xf32, #tpu.memory_space<hbm>> -> memref<8x128xf32, #tpu.memory_space<hbm>>
        tpu.enqueue_dma source(%dma_start3A_1254 : memref<8x128xf32, #tpu.memory_space<hbm>>) target(%dma_start3A_1252 : memref<8x128xf32, #tpu.memory_space<vmem>>) target_semaphore(%arg16 : memref<!tpu.dma_semaphore, #tpu.memory_space<semaphore_mem>>)
      } else {
      }
      %eq3A_1152 = arith.constant 5 : i32
      %eq3A_1153 = arith.cmpi eq, %rem3A_1141, %eq3A_1152 : i32
      %ge3A_1154 = arith.constant 1 : i32
      %ge3A_1155 = arith.cmpi sge, %div3A_1139, %ge3A_1154 : i32
      %le3A_1156 = arith.constant 47 : i32
      %le3A_1157 = arith.cmpi sle, %div3A_1139, %le3A_1156 : i32
      %and3A_1158 = arith.andi %ge3A_1155, %le3A_1157 : i1
      %and3A_1159 = arith.andi %eq3A_1153, %and3A_1158 : i1
      %convert_element_type3A_1160 = arith.extui %and3A_1159 : i1 to i32
      %cond3A_1161 = arith.constant 0 : i32
      %cond3A_1162 = arith.cmpi ne, %convert_element_type3A_1160, %cond3A_1161 : i32
      scf.if %cond3A_1162 {
        %add3A_1212 = arith.constant 1 : i32
        %add3A_1213 = arith.addi %div3A_1139, %add3A_1212 : i32
        %rem3A_1214 = arith.constant 2 : i32
        %rem3A_1215 = arith.remsi %add3A_1213, %rem3A_1214 : i32
        %mul3A_1216 = arith.constant 8 : i32
        %mul3A_1217 = arith.muli %add3A_1213, %mul3A_1216 : i32
        %add3A_1218 = arith.addi %mul3A_2, %mul3A_1217 : i32
        %mul3A_1219 = arith.constant 8 : i32
        %mul3A_1220 = arith.muli %rem3A_1215, %mul3A_1219 : i32
        %mul3A_1221 = arith.constant 8 : i32
        %mul3A_1222 = arith.muli %add3A_1213, %mul3A_1221 : i32
        %add3A_1223 = arith.addi %mul3A_2, %mul3A_1222 : i32
        %mul3A_1224 = arith.constant 8 : i32
        %mul3A_1225 = arith.muli %rem3A_1215, %mul3A_1224 : i32
        %mul3A_1226 = arith.constant 8 : i32
        %mul3A_1227 = arith.muli %add3A_1213, %mul3A_1226 : i32
        %add3A_1228 = arith.addi %mul3A_2, %mul3A_1227 : i32
        %mul3A_1229 = arith.constant 8 : i32
        %mul3A_1230 = arith.muli %rem3A_1215, %mul3A_1229 : i32
        %dma_wait3A_1231 = arith.constant 0 : i32
        %dma_wait3A_1232 = tpu.memref_slice %arg10[%mul3A_1220, %dma_wait3A_1231] : memref<16x128xi32, #tpu.memory_space<vmem>> -> memref<8x128xi32, #tpu.memory_space<vmem>>
        %dma_wait3A_1233 = arith.constant 0 : i32
        %dma_wait3A_1234 = tpu.memref_slice %arg3[%add3A_1218, %dma_wait3A_1233] : memref<6272x128xi32, #tpu.memory_space<hbm>> -> memref<8x128xi32, #tpu.memory_space<hbm>>
        %dma_wait3A_1235 = arith.constant 0 : i32
        %dma_wait3A_1236 = tpu.memref_slice %arg10[%mul3A_1220, %dma_wait3A_1235] : memref<16x128xi32, #tpu.memory_space<vmem>> -> memref<8x128xi32, #tpu.memory_space<vmem>>
        %dma_wait3A_1237 = arith.constant 0 : i32
        %dma_wait3A_1238 = tpu.memref_slice %arg3[%add3A_1218, %dma_wait3A_1237] : memref<6272x128xi32, #tpu.memory_space<hbm>> -> memref<8x128xi32, #tpu.memory_space<hbm>>
        tpu.wait_dma2 semaphore(%arg16 : memref<!tpu.dma_semaphore, #tpu.memory_space<semaphore_mem>>) src(%dma_wait3A_1238 : memref<8x128xi32, #tpu.memory_space<hbm>>) dst(%dma_wait3A_1236 : memref<8x128xi32, #tpu.memory_space<vmem>>)
        %dma_wait3A_1239 = arith.constant 0 : i32
        %dma_wait3A_1240 = tpu.memref_slice %arg11[%mul3A_1225, %dma_wait3A_1239] : memref<16x128xi32, #tpu.memory_space<vmem>> -> memref<8x128xi32, #tpu.memory_space<vmem>>
        %dma_wait3A_1241 = arith.constant 0 : i32
        %dma_wait3A_1242 = tpu.memref_slice %arg4[%add3A_1223, %dma_wait3A_1241] : memref<6272x128xi32, #tpu.memory_space<hbm>> -> memref<8x128xi32, #tpu.memory_space<hbm>>
        %dma_wait3A_1243 = arith.constant 0 : i32
        %dma_wait3A_1244 = tpu.memref_slice %arg11[%mul3A_1225, %dma_wait3A_1243] : memref<16x128xi32, #tpu.memory_space<vmem>> -> memref<8x128xi32, #tpu.memory_space<vmem>>
        %dma_wait3A_1245 = arith.constant 0 : i32
        %dma_wait3A_1246 = tpu.memref_slice %arg4[%add3A_1223, %dma_wait3A_1245] : memref<6272x128xi32, #tpu.memory_space<hbm>> -> memref<8x128xi32, #tpu.memory_space<hbm>>
        tpu.wait_dma2 semaphore(%arg16 : memref<!tpu.dma_semaphore, #tpu.memory_space<semaphore_mem>>) src(%dma_wait3A_1246 : memref<8x128xi32, #tpu.memory_space<hbm>>) dst(%dma_wait3A_1244 : memref<8x128xi32, #tpu.memory_space<vmem>>)
        %dma_wait3A_1247 = arith.constant 0 : i32
        %dma_wait3A_1248 = tpu.memref_slice %arg12[%mul3A_1230, %dma_wait3A_1247] : memref<16x128xf32, #tpu.memory_space<vmem>> -> memref<8x128xf32, #tpu.memory_space<vmem>>
        %dma_wait3A_1249 = arith.constant 0 : i32
        %dma_wait3A_1250 = tpu.memref_slice %arg5[%add3A_1228, %dma_wait3A_1249] : memref<6272x128xf32, #tpu.memory_space<hbm>> -> memref<8x128xf32, #tpu.memory_space<hbm>>
        %dma_wait3A_1251 = arith.constant 0 : i32
        %dma_wait3A_1252 = tpu.memref_slice %arg12[%mul3A_1230, %dma_wait3A_1251] : memref<16x128xf32, #tpu.memory_space<vmem>> -> memref<8x128xf32, #tpu.memory_space<vmem>>
        %dma_wait3A_1253 = arith.constant 0 : i32
        %dma_wait3A_1254 = tpu.memref_slice %arg5[%add3A_1228, %dma_wait3A_1253] : memref<6272x128xf32, #tpu.memory_space<hbm>> -> memref<8x128xf32, #tpu.memory_space<hbm>>
        tpu.wait_dma2 semaphore(%arg16 : memref<!tpu.dma_semaphore, #tpu.memory_space<semaphore_mem>>) src(%dma_wait3A_1254 : memref<8x128xf32, #tpu.memory_space<hbm>>) dst(%dma_wait3A_1252 : memref<8x128xf32, #tpu.memory_space<vmem>>)
      } else {
      }
      %add3A_1163 = arith.constant 2 : i32
      %add3A_1164 = arith.addi %scan3A_1137, %add3A_1163 : i32
      %lt3A = arith.constant 392 : i32
      %lt3A_1165 = arith.cmpi slt, %add3A_1164, %lt3A : i32
      %rem3A_1166 = arith.constant 2 : i32
      %rem3A_1167 = arith.remsi %scan3A_1137, %rem3A_1166 : i32
      %eq3A_1168 = arith.constant 0 : i32
      %eq3A_1169 = arith.cmpi eq, %rem3A_1167, %eq3A_1168 : i32
      %and3A_1170 = arith.andi %lt3A_1165, %eq3A_1169 : i1
      %convert_element_type3A_1171 = arith.extui %and3A_1170 : i1 to i32
      %cond3A_1172 = arith.constant 0 : i32
      %cond3A_1173 = arith.cmpi ne, %convert_element_type3A_1171, %cond3A_1172 : i32
      scf.if %cond3A_1173 {
        %add3A_1212 = arith.constant 2 : i32
        %add3A_1213 = arith.addi %scan3A_1137, %add3A_1212 : i32
        %rem3A_1214 = arith.constant 4 : i32
        %rem3A_1215 = arith.remsi %add3A_1213, %rem3A_1214 : i32
        %rem3A_1216 = arith.constant 16 : i32
        %rem3A_1217 = arith.remsi %add3A_1213, %rem3A_1216 : i32
        %mul3A_1218 = arith.constant 128 : i32
        %mul3A_1219 = arith.muli %rem3A_1215, %mul3A_1218 : i32
        %dma_start3A_1220 = arith.constant 0 : i32
        %dma_start3A_1221 = tpu.memref_slice %arg13[%mul3A_1219, %dma_start3A_1220] : memref<512x32xf32, #tpu.memory_space<vmem>> -> memref<128x32xf32, #tpu.memory_space<vmem>>
        %dma_start3A_1222 = arith.constant 0 : i32
        %dma_start3A_1223 = tpu.memref_slice %arg10[%rem3A_1217, %dma_start3A_1222] : memref<16x128xi32, #tpu.memory_space<vmem>> -> memref<1x128xi32, #tpu.memory_space<vmem>>
        %dma_start3A_1224 = tpu.memref_squeeze %dma_start3A_1223 : memref<1x128xi32, #tpu.memory_space<vmem>> -> memref<128xi32, #tpu.memory_space<vmem>>
        %dma_start3A_1225 = arith.constant 0 : i32
        %dma_start3A_1226 = tpu.memref_slice %arg8[%mul3A_4, %dma_start3A_1225] : memref<100352x32xf32, #tpu.memory_space<hbm>> -> memref<50176x32xf32, #tpu.memory_space<hbm>>
        %dma_start3A_1227 = arith.constant 0 : i32
        %dma_start3A_1228 = arith.constant 0 : i32
        %dma_start3A_1229 = tpu.memref_slice %dma_start3A_1226[%dma_start3A_1227, %dma_start3A_1228] : memref<50176x32xf32, #tpu.memory_space<hbm>> -> memref<50176x32xf32, #tpu.memory_space<hbm>>
        tpu.enqueue_indirect_dma source(%dma_start3A_1229 : memref<50176x32xf32, #tpu.memory_space<hbm>>) target(%dma_start3A_1221 : memref<128x32xf32, #tpu.memory_space<vmem>>) offsets(%dma_start3A_1224 : memref<128xi32, #tpu.memory_space<vmem>>) semaphore(%arg17 : memref<!tpu.dma_semaphore, #tpu.memory_space<semaphore_mem>>)
      } else {
      }
      %add3A_1174 = arith.constant 2 : i32
      %add3A_1175 = arith.addi %scan3A_1137, %add3A_1174 : i32
      %lt3A_1176 = arith.constant 392 : i32
      %lt3A_1177 = arith.cmpi slt, %add3A_1175, %lt3A_1176 : i32
      %rem3A_1178 = arith.constant 2 : i32
      %rem3A_1179 = arith.remsi %scan3A_1137, %rem3A_1178 : i32
      %eq3A_1180 = arith.constant 1 : i32
      %eq3A_1181 = arith.cmpi eq, %rem3A_1179, %eq3A_1180 : i32
      %and3A_1182 = arith.andi %lt3A_1177, %eq3A_1181 : i1
      %convert_element_type3A_1183 = arith.extui %and3A_1182 : i1 to i32
      %cond3A_1184 = arith.constant 0 : i32
      %cond3A_1185 = arith.cmpi ne, %convert_element_type3A_1183, %cond3A_1184 : i32
      scf.if %cond3A_1185 {
        %add3A_1212 = arith.constant 2 : i32
        %add3A_1213 = arith.addi %scan3A_1137, %add3A_1212 : i32
        %rem3A_1214 = arith.constant 4 : i32
        %rem3A_1215 = arith.remsi %add3A_1213, %rem3A_1214 : i32
        %rem3A_1216 = arith.constant 16 : i32
        %rem3A_1217 = arith.remsi %add3A_1213, %rem3A_1216 : i32
        %mul3A_1218 = arith.constant 128 : i32
        %mul3A_1219 = arith.muli %rem3A_1215, %mul3A_1218 : i32
        %dma_start3A_1220 = arith.constant 0 : i32
        %dma_start3A_1221 = tpu.memref_slice %arg13[%mul3A_1219, %dma_start3A_1220] : memref<512x32xf32, #tpu.memory_space<vmem>> -> memref<128x32xf32, #tpu.memory_space<vmem>>
        %dma_start3A_1222 = arith.constant 0 : i32
        %dma_start3A_1223 = tpu.memref_slice %arg10[%rem3A_1217, %dma_start3A_1222] : memref<16x128xi32, #tpu.memory_space<vmem>> -> memref<1x128xi32, #tpu.memory_space<vmem>>
        %dma_start3A_1224 = tpu.memref_squeeze %dma_start3A_1223 : memref<1x128xi32, #tpu.memory_space<vmem>> -> memref<128xi32, #tpu.memory_space<vmem>>
        %dma_start3A_1225 = arith.constant 0 : i32
        %dma_start3A_1226 = tpu.memref_slice %arg8[%mul3A_4, %dma_start3A_1225] : memref<100352x32xf32, #tpu.memory_space<hbm>> -> memref<50176x32xf32, #tpu.memory_space<hbm>>
        %dma_start3A_1227 = arith.constant 0 : i32
        %dma_start3A_1228 = arith.constant 0 : i32
        %dma_start3A_1229 = tpu.memref_slice %dma_start3A_1226[%dma_start3A_1227, %dma_start3A_1228] : memref<50176x32xf32, #tpu.memory_space<hbm>> -> memref<50176x32xf32, #tpu.memory_space<hbm>>
        tpu.enqueue_indirect_dma source(%dma_start3A_1229 : memref<50176x32xf32, #tpu.memory_space<hbm>>) target(%dma_start3A_1221 : memref<128x32xf32, #tpu.memory_space<vmem>>) offsets(%dma_start3A_1224 : memref<128xi32, #tpu.memory_space<vmem>>) semaphore(%arg18 : memref<!tpu.dma_semaphore, #tpu.memory_space<semaphore_mem>>)
      } else {
      }
      %lt3A_1186 = arith.constant 392 : i32
      %lt3A_1187 = arith.cmpi slt, %scan3A_1137, %lt3A_1186 : i32
      %rem3A_1188 = arith.constant 2 : i32
      %rem3A_1189 = arith.remsi %scan3A_1137, %rem3A_1188 : i32
      %eq3A_1190 = arith.constant 0 : i32
      %eq3A_1191 = arith.cmpi eq, %rem3A_1189, %eq3A_1190 : i32
      %and3A_1192 = arith.andi %lt3A_1187, %eq3A_1191 : i1
      %convert_element_type3A_1193 = arith.extui %and3A_1192 : i1 to i32
      %cond3A_1194 = arith.constant 0 : i32
      %cond3A_1195 = arith.cmpi ne, %convert_element_type3A_1193, %cond3A_1194 : i32
      scf.if %cond3A_1195 {
        %dma_wait3A_1212 = arith.constant 0 : i32
        %dma_wait3A_1213 = arith.constant 0 : i32
        %dma_wait3A_1214 = tpu.memref_slice %arg13[%dma_wait3A_1212, %dma_wait3A_1213] : memref<512x32xf32, #tpu.memory_space<vmem>> -> memref<128x32xf32, #tpu.memory_space<vmem>>
        %dma_wait3A_1215 = arith.constant 0 : i32
        %dma_wait3A_1216 = arith.constant 0 : i32
        %dma_wait3A_1217 = tpu.memref_slice %arg2[%dma_wait3A_1215, %dma_wait3A_1216] : memref<100352x32xf32, #tpu.memory_space<hbm>> -> memref<128x32xf32, #tpu.memory_space<hbm>>
        %dma_wait3A_1218 = arith.constant 0 : i32
        %dma_wait3A_1219 = arith.constant 0 : i32
        %dma_wait3A_1220 = tpu.memref_slice %arg13[%dma_wait3A_1218, %dma_wait3A_1219] : memref<512x32xf32, #tpu.memory_space<vmem>> -> memref<128x32xf32, #tpu.memory_space<vmem>>
        %dma_wait3A_1221 = arith.constant 0 : i32
        %dma_wait3A_1222 = arith.constant 0 : i32
        %dma_wait3A_1223 = tpu.memref_slice %arg2[%dma_wait3A_1221, %dma_wait3A_1222] : memref<100352x32xf32, #tpu.memory_space<hbm>> -> memref<128x32xf32, #tpu.memory_space<hbm>>
        tpu.wait_dma2 semaphore(%arg17 : memref<!tpu.dma_semaphore, #tpu.memory_space<semaphore_mem>>) src(%dma_wait3A_1223 : memref<128x32xf32, #tpu.memory_space<hbm>>) dst(%dma_wait3A_1220 : memref<128x32xf32, #tpu.memory_space<vmem>>)
      } else {
      }
      %lt3A_1196 = arith.constant 392 : i32
      %lt3A_1197 = arith.cmpi slt, %scan3A_1137, %lt3A_1196 : i32
      %rem3A_1198 = arith.constant 2 : i32
      %rem3A_1199 = arith.remsi %scan3A_1137, %rem3A_1198 : i32
      %eq3A_1200 = arith.constant 1 : i32
      %eq3A_1201 = arith.cmpi eq, %rem3A_1199, %eq3A_1200 : i32
      %and3A_1202 = arith.andi %lt3A_1197, %eq3A_1201 : i1
      %convert_element_type3A_1203 = arith.extui %and3A_1202 : i1 to i32
      %cond3A_1204 = arith.constant 0 : i32
      %cond3A_1205 = arith.cmpi ne, %convert_element_type3A_1203, %cond3A_1204 : i32
      scf.if %cond3A_1205 {
        %dma_wait3A_1212 = arith.constant 0 : i32
        %dma_wait3A_1213 = arith.constant 0 : i32
        %dma_wait3A_1214 = tpu.memref_slice %arg13[%dma_wait3A_1212, %dma_wait3A_1213] : memref<512x32xf32, #tpu.memory_space<vmem>> -> memref<128x32xf32, #tpu.memory_space<vmem>>
        %dma_wait3A_1215 = arith.constant 0 : i32
        %dma_wait3A_1216 = arith.constant 0 : i32
        %dma_wait3A_1217 = tpu.memref_slice %arg2[%dma_wait3A_1215, %dma_wait3A_1216] : memref<100352x32xf32, #tpu.memory_space<hbm>> -> memref<128x32xf32, #tpu.memory_space<hbm>>
        %dma_wait3A_1218 = arith.constant 0 : i32
        %dma_wait3A_1219 = arith.constant 0 : i32
        %dma_wait3A_1220 = tpu.memref_slice %arg13[%dma_wait3A_1218, %dma_wait3A_1219] : memref<512x32xf32, #tpu.memory_space<vmem>> -> memref<128x32xf32, #tpu.memory_space<vmem>>
        %dma_wait3A_1221 = arith.constant 0 : i32
        %dma_wait3A_1222 = arith.constant 0 : i32
        %dma_wait3A_1223 = tpu.memref_slice %arg2[%dma_wait3A_1221, %dma_wait3A_1222] : memref<100352x32xf32, #tpu.memory_space<hbm>> -> memref<128x32xf32, #tpu.memory_space<hbm>>
        tpu.wait_dma2 semaphore(%arg18 : memref<!tpu.dma_semaphore, #tpu.memory_space<semaphore_mem>>) src(%dma_wait3A_1223 : memref<128x32xf32, #tpu.memory_space<hbm>>) dst(%dma_wait3A_1220 : memref<128x32xf32, #tpu.memory_space<vmem>>)
      } else {
      }
      %lt3A_1206 = arith.constant 392 : i32
      %lt3A_1207 = arith.cmpi slt, %scan3A_1137, %lt3A_1206 : i32
      %convert_element_type3A_1208 = arith.extui %lt3A_1207 : i1 to i32
      %cond3A_1209 = arith.constant 0 : i32
      %cond3A_1210 = arith.cmpi ne, %convert_element_type3A_1208, %cond3A_1209 : i32
      scf.if %cond3A_1210 {
        %rem3A_1212 = arith.constant 4 : i32
        %rem3A_1213 = arith.remsi %scan3A_1137, %rem3A_1212 : i32
        %rem3A_1214 = arith.constant 16 : i32
        %rem3A_1215 = arith.remsi %scan3A_1137, %rem3A_1214 : i32
        %scan3A_1216 = arith.constant 0 : i32
        %scan3A_1217 = arith.constant 0 : i32
        %scan3A_1218 = arith.constant 8 : i32
        %scan3A_1219 = arith.addi %scan3A_1217, %scan3A_1218 : i32
        %scan3A_1220 = arith.constant 1 : i32
        %scan3A_1221 = scf.for %scan3A_1237 = %scan3A_1217 to %scan3A_1219 step %scan3A_1220 iter_args(%scan3A_1238 = %scan3A_1216) -> (i32)  : i32 {
          %mul3A_1239 = arith.constant 16 : i32
          %mul3A_1240 = arith.muli %scan3A_1237, %mul3A_1239 : i32
          %get3A = arith.index_cast %rem3A_1215 : i32 to index
          %get3A_1241 = arith.index_cast %mul3A_1240 : i32 to index
          %get3A_1242 = tpu.vector_load %arg12[%get3A, %get3A_1241] {strides = array<i32>} : memref<16x128xf32, #tpu.memory_space<vmem>>, vector<1x16xf32>,
          %get3A_1243 = vector.shape_cast %get3A_1242 : vector<1x16xf32> to vector<16xf32>
          %mul3A_1244 = arith.constant 128 : i32
          %mul3A_1245 = arith.muli %rem3A_1213, %mul3A_1244 : i32
          %mul3A_1246 = arith.constant 16 : i32
          %mul3A_1247 = arith.muli %scan3A_1237, %mul3A_1246 : i32
          %add3A_1248 = arith.addi %mul3A_1245, %mul3A_1247 : i32
          %add3A_1249 = arith.constant 0 : i32
          %add3A_1250 = arith.addi %add3A_1248, %add3A_1249 : i32
          %slice3A = vector.extract_strided_slice %get3A_1243 {offsets = [0], sizes = [1], strides = [1]} : vector<16xf32> to vector<1xf32>
          %squeeze3A = vector.extract %slice3A[0] : f32 from vector<1xf32>
          %get3A_1251 = arith.index_cast %add3A_1250 : i32 to index
          %get3A_1252 = arith.constant 0 : index
          %get3A_1253 = tpu.vector_load %arg13[%get3A_1251, %get3A_1252] {strides = array<i32>} : memref<512x32xf32, #tpu.memory_space<vmem>>, vector<1x16xf32>,
          %get3A_1254 = vector.shape_cast %get3A_1253 : vector<1x16xf32> to vector<16xf32>
          %mul3A_1255 = vector.broadcast %squeeze3A : f32 to vector<16xf32>
          %mul3A_1256 = arith.mulf %get3A_1254, %mul3A_1255 : vector<16xf32>
          %swap3A = arith.index_cast %add3A_1250 : i32 to index
          %swap3A_1257 = arith.constant 0 : index
          %swap3A_1258 = tpu.vector_load %arg13[%swap3A, %swap3A_1257] {strides = array<i32>} : memref<512x32xf32, #tpu.memory_space<vmem>>, vector<1x16xf32>,
          %swap3A_1259 = vector.shape_cast %swap3A_1258 : vector<1x16xf32> to vector<16xf32>
          %swap3A_1260 = vector.shape_cast %mul3A_1256 : vector<16xf32> to vector<1x16xf32>
          tpu.vector_store %arg13[%swap3A, %swap3A_1257], %swap3A_1260 {strides = array<i32>} : memref<512x32xf32, #tpu.memory_space<vmem>>, vector<1x16xf32>,
          %get3A_1261 = arith.index_cast %add3A_1250 : i32 to index
          %get3A_1262 = arith.constant 16 : index
          %get3A_1263 = tpu.vector_load %arg13[%get3A_1261, %get3A_1262] {strides = array<i32>} : memref<512x32xf32, #tpu.memory_space<vmem>>, vector<1x16xf32>,
          %get3A_1264 = vector.shape_cast %get3A_1263 : vector<1x16xf32> to vector<16xf32>
          %mul3A_1265 = vector.broadcast %squeeze3A : f32 to vector<16xf32>
          %mul3A_1266 = arith.mulf %get3A_1264, %mul3A_1265 : vector<16xf32>
          %swap3A_1267 = arith.index_cast %add3A_1250 : i32 to index
          %swap3A_1268 = arith.constant 16 : index
          %swap3A_1269 = tpu.vector_load %arg13[%swap3A_1267, %swap3A_1268] {strides = array<i32>} : memref<512x32xf32, #tpu.memory_space<vmem>>, vector<1x16xf32>,
          %swap3A_1270 = vector.shape_cast %swap3A_1269 : vector<1x16xf32> to vector<16xf32>
          %swap3A_1271 = vector.shape_cast %mul3A_1266 : vector<16xf32> to vector<1x16xf32>
          tpu.vector_store %arg13[%swap3A_1267, %swap3A_1268], %swap3A_1271 {strides = array<i32>} : memref<512x32xf32, #tpu.memory_space<vmem>>, vector<1x16xf32>,
          %mul3A_1272 = arith.constant 128 : i32
          %mul3A_1273 = arith.muli %rem3A_1213, %mul3A_1272 : i32
          %mul3A_1274 = arith.constant 16 : i32
          %mul3A_1275 = arith.muli %scan3A_1237, %mul3A_1274 : i32
          %add3A_1276 = arith.addi %mul3A_1273, %mul3A_1275 : i32
          %add3A_1277 = arith.constant 1 : i32
          %add3A_1278 = arith.addi %add3A_1276, %add3A_1277 : i32
          %slice3A_1279 = vector.extract_strided_slice %get3A_1243 {offsets = [1], sizes = [1], strides = [1]} : vector<16xf32> to vector<1xf32>
          %squeeze3A_1280 = vector.extract %slice3A_1279[0] : f32 from vector<1xf32>
          %get3A_1281 = arith.index_cast %add3A_1278 : i32 to index
          %get3A_1282 = arith.constant 0 : index
          %get3A_1283 = tpu.vector_load %arg13[%get3A_1281, %get3A_1282] {strides = array<i32>} : memref<512x32xf32, #tpu.memory_space<vmem>>, vector<1x16xf32>,
          %get3A_1284 = vector.shape_cast %get3A_1283 : vector<1x16xf32> to vector<16xf32>
          %mul3A_1285 = vector.broadcast %squeeze3A_1280 : f32 to vector<16xf32>
          %mul3A_1286 = arith.mulf %get3A_1284, %mul3A_1285 : vector<16xf32>
          %swap3A_1287 = arith.index_cast %add3A_1278 : i32 to index
          %swap3A_1288 = arith.constant 0 : index
          %swap3A_1289 = tpu.vector_load %arg13[%swap3A_1287, %swap3A_1288] {strides = array<i32>} : memref<512x32xf32, #tpu.memory_space<vmem>>, vector<1x16xf32>,
          %swap3A_1290 = vector.shape_cast %swap3A_1289 : vector<1x16xf32> to vector<16xf32>
          %swap3A_1291 = vector.shape_cast %mul3A_1286 : vector<16xf32> to vector<1x16xf32>
          tpu.vector_store %arg13[%swap3A_1287, %swap3A_1288], %swap3A_1291 {strides = array<i32>} : memref<512x32xf32, #tpu.memory_space<vmem>>, vector<1x16xf32>,
          %get3A_1292 = arith.index_cast %add3A_1278 : i32 to index
          %get3A_1293 = arith.constant 16 : index
          %get3A_1294 = tpu.vector_load %arg13[%get3A_1292, %get3A_1293] {strides = array<i32>} : memref<512x32xf32, #tpu.memory_space<vmem>>, vector<1x16xf32>,
          %get3A_1295 = vector.shape_cast %get3A_1294 : vector<1x16xf32> to vector<16xf32>
          %mul3A_1296 = vector.broadcast %squeeze3A_1280 : f32 to vector<16xf32>
          %mul3A_1297 = arith.mulf %get3A_1295, %mul3A_1296 : vector<16xf32>
          %swap3A_1298 = arith.index_cast %add3A_1278 : i32 to index
          %swap3A_1299 = arith.constant 16 : index
          %swap3A_1300 = tpu.vector_load %arg13[%swap3A_1298, %swap3A_1299] {strides = array<i32>} : memref<512x32xf32, #tpu.memory_space<vmem>>, vector<1x16xf32>,
          %swap3A_1301 = vector.shape_cast %swap3A_1300 : vector<1x16xf32> to vector<16xf32>
          %swap3A_1302 = vector.shape_cast %mul3A_1297 : vector<16xf32> to vector<1x16xf32>
          tpu.vector_store %arg13[%swap3A_1298, %swap3A_1299], %swap3A_1302 {strides = array<i32>} : memref<512x32xf32, #tpu.memory_space<vmem>>, vector<1x16xf32>,
          %mul3A_1303 = arith.constant 128 : i32
          %mul3A_1304 = arith.muli %rem3A_1213, %mul3A_1303 : i32
          %mul3A_1305 = arith.constant 16 : i32
          %mul3A_1306 = arith.muli %scan3A_1237, %mul3A_1305 : i32
          %add3A_1307 = arith.addi %mul3A_1304, %mul3A_1306 : i32
          %add3A_1308 = arith.constant 2 : i32
          %add3A_1309 = arith.addi %add3A_1307, %add3A_1308 : i32
          %slice3A_1310 = vector.extract_strided_slice %get3A_1243 {offsets = [2], sizes = [1], strides = [1]} : vector<16xf32> to vector<1xf32>
          %squeeze3A_1311 = vector.extract %slice3A_1310[0] : f32 from vector<1xf32>
          %get3A_1312 = arith.index_cast %add3A_1309 : i32 to index
          %get3A_1313 = arith.constant 0 : index
          %get3A_1314 = tpu.vector_load %arg13[%get3A_1312, %get3A_1313] {strides = array<i32>} : memref<512x32xf32, #tpu.memory_space<vmem>>, vector<1x16xf32>,
          %get3A_1315 = vector.shape_cast %get3A_1314 : vector<1x16xf32> to vector<16xf32>
          %mul3A_1316 = vector.broadcast %squeeze3A_1311 : f32 to vector<16xf32>
          %mul3A_1317 = arith.mulf %get3A_1315, %mul3A_1316 : vector<16xf32>
          %swap3A_1318 = arith.index_cast %add3A_1309 : i32 to index
          %swap3A_1319 = arith.constant 0 : index
          %swap3A_1320 = tpu.vector_load %arg13[%swap3A_1318, %swap3A_1319] {strides = array<i32>} : memref<512x32xf32, #tpu.memory_space<vmem>>, vector<1x16xf32>,
          %swap3A_1321 = vector.shape_cast %swap3A_1320 : vector<1x16xf32> to vector<16xf32>
          %swap3A_1322 = vector.shape_cast %mul3A_1317 : vector<16xf32> to vector<1x16xf32>
          tpu.vector_store %arg13[%swap3A_1318, %swap3A_1319], %swap3A_1322 {strides = array<i32>} : memref<512x32xf32, #tpu.memory_space<vmem>>, vector<1x16xf32>,
          %get3A_1323 = arith.index_cast %add3A_1309 : i32 to index
          %get3A_1324 = arith.constant 16 : index
          %get3A_1325 = tpu.vector_load %arg13[%get3A_1323, %get3A_1324] {strides = array<i32>} : memref<512x32xf32, #tpu.memory_space<vmem>>, vector<1x16xf32>,
          %get3A_1326 = vector.shape_cast %get3A_1325 : vector<1x16xf32> to vector<16xf32>
          %mul3A_1327 = vector.broadcast %squeeze3A_1311 : f32 to vector<16xf32>
          %mul3A_1328 = arith.mulf %get3A_1326, %mul3A_1327 : vector<16xf32>
          %swap3A_1329 = arith.index_cast %add3A_1309 : i32 to index
          %swap3A_1330 = arith.constant 16 : index
          %swap3A_1331 = tpu.vector_load %arg13[%swap3A_1329, %swap3A_1330] {strides = array<i32>} : memref<512x32xf32, #tpu.memory_space<vmem>>, vector<1x16xf32>,
          %swap3A_1332 = vector.shape_cast %swap3A_1331 : vector<1x16xf32> to vector<16xf32>
          %swap3A_1333 = vector.shape_cast %mul3A_1328 : vector<16xf32> to vector<1x16xf32>
          tpu.vector_store %arg13[%swap3A_1329, %swap3A_1330], %swap3A_1333 {strides = array<i32>} : memref<512x32xf32, #tpu.memory_space<vmem>>, vector<1x16xf32>,
          %mul3A_1334 = arith.constant 128 : i32
          %mul3A_1335 = arith.muli %rem3A_1213, %mul3A_1334 : i32
          %mul3A_1336 = arith.constant 16 : i32
          %mul3A_1337 = arith.muli %scan3A_1237, %mul3A_1336 : i32
          %add3A_1338 = arith.addi %mul3A_1335, %mul3A_1337 : i32
          %add3A_1339 = arith.constant 3 : i32
          %add3A_1340 = arith.addi %add3A_1338, %add3A_1339 : i32
          %slice3A_1341 = vector.extract_strided_slice %get3A_1243 {offsets = [3], sizes = [1], strides = [1]} : vector<16xf32> to vector<1xf32>
          %squeeze3A_1342 = vector.extract %slice3A_1341[0] : f32 from vector<1xf32>
          %get3A_1343 = arith.index_cast %add3A_1340 : i32 to index
          %get3A_1344 = arith.constant 0 : index
          %get3A_1345 = tpu.vector_load %arg13[%get3A_1343, %get3A_1344] {strides = array<i32>} : memref<512x32xf32, #tpu.memory_space<vmem>>, vector<1x16xf32>,
          %get3A_1346 = vector.shape_cast %get3A_1345 : vector<1x16xf32> to vector<16xf32>
          %mul3A_1347 = vector.broadcast %squeeze3A_1342 : f32 to vector<16xf32>
          %mul3A_1348 = arith.mulf %get3A_1346, %mul3A_1347 : vector<16xf32>
          %swap3A_1349 = arith.index_cast %add3A_1340 : i32 to index
          %swap3A_1350 = arith.constant 0 : index
          %swap3A_1351 = tpu.vector_load %arg13[%swap3A_1349, %swap3A_1350] {strides = array<i32>} : memref<512x32xf32, #tpu.memory_space<vmem>>, vector<1x16xf32>,
          %swap3A_1352 = vector.shape_cast %swap3A_1351 : vector<1x16xf32> to vector<16xf32>
          %swap3A_1353 = vector.shape_cast %mul3A_1348 : vector<16xf32> to vector<1x16xf32>
          tpu.vector_store %arg13[%swap3A_1349, %swap3A_1350], %swap3A_1353 {strides = array<i32>} : memref<512x32xf32, #tpu.memory_space<vmem>>, vector<1x16xf32>,
          %get3A_1354 = arith.index_cast %add3A_1340 : i32 to index
          %get3A_1355 = arith.constant 16 : index
          %get3A_1356 = tpu.vector_load %arg13[%get3A_1354, %get3A_1355] {strides = array<i32>} : memref<512x32xf32, #tpu.memory_space<vmem>>, vector<1x16xf32>,
          %get3A_1357 = vector.shape_cast %get3A_1356 : vector<1x16xf32> to vector<16xf32>
          %mul3A_1358 = vector.broadcast %squeeze3A_1342 : f32 to vector<16xf32>
          %mul3A_1359 = arith.mulf %get3A_1357, %mul3A_1358 : vector<16xf32>
          %swap3A_1360 = arith.index_cast %add3A_1340 : i32 to index
          %swap3A_1361 = arith.constant 16 : index
          %swap3A_1362 = tpu.vector_load %arg13[%swap3A_1360, %swap3A_1361] {strides = array<i32>} : memref<512x32xf32, #tpu.memory_space<vmem>>, vector<1x16xf32>,
          %swap3A_1363 = vector.shape_cast %swap3A_1362 : vector<1x16xf32> to vector<16xf32>
          %swap3A_1364 = vector.shape_cast %mul3A_1359 : vector<16xf32> to vector<1x16xf32>
          tpu.vector_store %arg13[%swap3A_1360, %swap3A_1361], %swap3A_1364 {strides = array<i32>} : memref<512x32xf32, #tpu.memory_space<vmem>>, vector<1x16xf32>,
          %mul3A_1365 = arith.constant 128 : i32
          %mul3A_1366 = arith.muli %rem3A_1213, %mul3A_1365 : i32
          %mul3A_1367 = arith.constant 16 : i32
          %mul3A_1368 = arith.muli %scan3A_1237, %mul3A_1367 : i32
          %add3A_1369 = arith.addi %mul3A_1366, %mul3A_1368 : i32
          %add3A_1370 = arith.constant 4 : i32
          %add3A_1371 = arith.addi %add3A_1369, %add3A_1370 : i32
          %slice3A_1372 = vector.extract_strided_slice %get3A_1243 {offsets = [4], sizes = [1], strides = [1]} : vector<16xf32> to vector<1xf32>
          %squeeze3A_1373 = vector.extract %slice3A_1372[0] : f32 from vector<1xf32>
          %get3A_1374 = arith.index_cast %add3A_1371 : i32 to index
          %get3A_1375 = arith.constant 0 : index
          %get3A_1376 = tpu.vector_load %arg13[%get3A_1374, %get3A_1375] {strides = array<i32>} : memref<512x32xf32, #tpu.memory_space<vmem>>, vector<1x16xf32>,
          %get3A_1377 = vector.shape_cast %get3A_1376 : vector<1x16xf32> to vector<16xf32>
          %mul3A_1378 = vector.broadcast %squeeze3A_1373 : f32 to vector<16xf32>
          %mul3A_1379 = arith.mulf %get3A_1377, %mul3A_1378 : vector<16xf32>
          %swap3A_1380 = arith.index_cast %add3A_1371 : i32 to index
          %swap3A_1381 = arith.constant 0 : index
          %swap3A_1382 = tpu.vector_load %arg13[%swap3A_1380, %swap3A_1381] {strides = array<i32>} : memref<512x32xf32, #tpu.memory_space<vmem>>, vector<1x16xf32>,
          %swap3A_1383 = vector.shape_cast %swap3A_1382 : vector<1x16xf32> to vector<16xf32>
          %swap3A_1384 = vector.shape_cast %mul3A_1379 : vector<16xf32> to vector<1x16xf32>
          tpu.vector_store %arg13[%swap3A_1380, %swap3A_1381], %swap3A_1384 {strides = array<i32>} : memref<512x32xf32, #tpu.memory_space<vmem>>, vector<1x16xf32>,
          %get3A_1385 = arith.index_cast %add3A_1371 : i32 to index
          %get3A_1386 = arith.constant 16 : index
          %get3A_1387 = tpu.vector_load %arg13[%get3A_1385, %get3A_1386] {strides = array<i32>} : memref<512x32xf32, #tpu.memory_space<vmem>>, vector<1x16xf32>,
          %get3A_1388 = vector.shape_cast %get3A_1387 : vector<1x16xf32> to vector<16xf32>
          %mul3A_1389 = vector.broadcast %squeeze3A_1373 : f32 to vector<16xf32>
          %mul3A_1390 = arith.mulf %get3A_1388, %mul3A_1389 : vector<16xf32>
          %swap3A_1391 = arith.index_cast %add3A_1371 : i32 to index
          %swap3A_1392 = arith.constant 16 : index
          %swap3A_1393 = tpu.vector_load %arg13[%swap3A_1391, %swap3A_1392] {strides = array<i32>} : memref<512x32xf32, #tpu.memory_space<vmem>>, vector<1x16xf32>,
          %swap3A_1394 = vector.shape_cast %swap3A_1393 : vector<1x16xf32> to vector<16xf32>
          %swap3A_1395 = vector.shape_cast %mul3A_1390 : vector<16xf32> to vector<1x16xf32>
          tpu.vector_store %arg13[%swap3A_1391, %swap3A_1392], %swap3A_1395 {strides = array<i32>} : memref<512x32xf32, #tpu.memory_space<vmem>>, vector<1x16xf32>,
          %mul3A_1396 = arith.constant 128 : i32
          %mul3A_1397 = arith.muli %rem3A_1213, %mul3A_1396 : i32
          %mul3A_1398 = arith.constant 16 : i32
          %mul3A_1399 = arith.muli %scan3A_1237, %mul3A_1398 : i32
          %add3A_1400 = arith.addi %mul3A_1397, %mul3A_1399 : i32
          %add3A_1401 = arith.constant 5 : i32
          %add3A_1402 = arith.addi %add3A_1400, %add3A_1401 : i32
          %slice3A_1403 = vector.extract_strided_slice %get3A_1243 {offsets = [5], sizes = [1], strides = [1]} : vector<16xf32> to vector<1xf32>
          %squeeze3A_1404 = vector.extract %slice3A_1403[0] : f32 from vector<1xf32>
          %get3A_1405 = arith.index_cast %add3A_1402 : i32 to index
          %get3A_1406 = arith.constant 0 : index
          %get3A_1407 = tpu.vector_load %arg13[%get3A_1405, %get3A_1406] {strides = array<i32>} : memref<512x32xf32, #tpu.memory_space<vmem>>, vector<1x16xf32>,
          %get3A_1408 = vector.shape_cast %get3A_1407 : vector<1x16xf32> to vector<16xf32>
          %mul3A_1409 = vector.broadcast %squeeze3A_1404 : f32 to vector<16xf32>
          %mul3A_1410 = arith.mulf %get3A_1408, %mul3A_1409 : vector<16xf32>
          %swap3A_1411 = arith.index_cast %add3A_1402 : i32 to index
          %swap3A_1412 = arith.constant 0 : index
          %swap3A_1413 = tpu.vector_load %arg13[%swap3A_1411, %swap3A_1412] {strides = array<i32>} : memref<512x32xf32, #tpu.memory_space<vmem>>, vector<1x16xf32>,
          %swap3A_1414 = vector.shape_cast %swap3A_1413 : vector<1x16xf32> to vector<16xf32>
          %swap3A_1415 = vector.shape_cast %mul3A_1410 : vector<16xf32> to vector<1x16xf32>
          tpu.vector_store %arg13[%swap3A_1411, %swap3A_1412], %swap3A_1415 {strides = array<i32>} : memref<512x32xf32, #tpu.memory_space<vmem>>, vector<1x16xf32>,
          %get3A_1416 = arith.index_cast %add3A_1402 : i32 to index
          %get3A_1417 = arith.constant 16 : index
          %get3A_1418 = tpu.vector_load %arg13[%get3A_1416, %get3A_1417] {strides = array<i32>} : memref<512x32xf32, #tpu.memory_space<vmem>>, vector<1x16xf32>,
          %get3A_1419 = vector.shape_cast %get3A_1418 : vector<1x16xf32> to vector<16xf32>
          %mul3A_1420 = vector.broadcast %squeeze3A_1404 : f32 to vector<16xf32>
          %mul3A_1421 = arith.mulf %get3A_1419, %mul3A_1420 : vector<16xf32>
          %swap3A_1422 = arith.index_cast %add3A_1402 : i32 to index
          %swap3A_1423 = arith.constant 16 : index
          %swap3A_1424 = tpu.vector_load %arg13[%swap3A_1422, %swap3A_1423] {strides = array<i32>} : memref<512x32xf32, #tpu.memory_space<vmem>>, vector<1x16xf32>,
          %swap3A_1425 = vector.shape_cast %swap3A_1424 : vector<1x16xf32> to vector<16xf32>
          %swap3A_1426 = vector.shape_cast %mul3A_1421 : vector<16xf32> to vector<1x16xf32>
          tpu.vector_store %arg13[%swap3A_1422, %swap3A_1423], %swap3A_1426 {strides = array<i32>} : memref<512x32xf32, #tpu.memory_space<vmem>>, vector<1x16xf32>,
          %mul3A_1427 = arith.constant 128 : i32
          %mul3A_1428 = arith.muli %rem3A_1213, %mul3A_1427 : i32
          %mul3A_1429 = arith.constant 16 : i32
          %mul3A_1430 = arith.muli %scan3A_1237, %mul3A_1429 : i32
          %add3A_1431 = arith.addi %mul3A_1428, %mul3A_1430 : i32
          %add3A_1432 = arith.constant 6 : i32
          %add3A_1433 = arith.addi %add3A_1431, %add3A_1432 : i32
          %slice3A_1434 = vector.extract_strided_slice %get3A_1243 {offsets = [6], sizes = [1], strides = [1]} : vector<16xf32> to vector<1xf32>
          %squeeze3A_1435 = vector.extract %slice3A_1434[0] : f32 from vector<1xf32>
          %get3A_1436 = arith.index_cast %add3A_1433 : i32 to index
          %get3A_1437 = arith.constant 0 : index
          %get3A_1438 = tpu.vector_load %arg13[%get3A_1436, %get3A_1437] {strides = array<i32>} : memref<512x32xf32, #tpu.memory_space<vmem>>, vector<1x16xf32>,
          %get3A_1439 = vector.shape_cast %get3A_1438 : vector<1x16xf32> to vector<16xf32>
          %mul3A_1440 = vector.broadcast %squeeze3A_1435 : f32 to vector<16xf32>
          %mul3A_1441 = arith.mulf %get3A_1439, %mul3A_1440 : vector<16xf32>
          %swap3A_1442 = arith.index_cast %add3A_1433 : i32 to index
          %swap3A_1443 = arith.constant 0 : index
          %swap3A_1444 = tpu.vector_load %arg13[%swap3A_1442, %swap3A_1443] {strides = array<i32>} : memref<512x32xf32, #tpu.memory_space<vmem>>, vector<1x16xf32>,
          %swap3A_1445 = vector.shape_cast %swap3A_1444 : vector<1x16xf32> to vector<16xf32>
          %swap3A_1446 = vector.shape_cast %mul3A_1441 : vector<16xf32> to vector<1x16xf32>
          tpu.vector_store %arg13[%swap3A_1442, %swap3A_1443], %swap3A_1446 {strides = array<i32>} : memref<512x32xf32, #tpu.memory_space<vmem>>, vector<1x16xf32>,
          %get3A_1447 = arith.index_cast %add3A_1433 : i32 to index
          %get3A_1448 = arith.constant 16 : index
          %get3A_1449 = tpu.vector_load %arg13[%get3A_1447, %get3A_1448] {strides = array<i32>} : memref<512x32xf32, #tpu.memory_space<vmem>>, vector<1x16xf32>,
          %get3A_1450 = vector.shape_cast %get3A_1449 : vector<1x16xf32> to vector<16xf32>
          %mul3A_1451 = vector.broadcast %squeeze3A_1435 : f32 to vector<16xf32>
          %mul3A_1452 = arith.mulf %get3A_1450, %mul3A_1451 : vector<16xf32>
          %swap3A_1453 = arith.index_cast %add3A_1433 : i32 to index
          %swap3A_1454 = arith.constant 16 : index
          %swap3A_1455 = tpu.vector_load %arg13[%swap3A_1453, %swap3A_1454] {strides = array<i32>} : memref<512x32xf32, #tpu.memory_space<vmem>>, vector<1x16xf32>,
          %swap3A_1456 = vector.shape_cast %swap3A_1455 : vector<1x16xf32> to vector<16xf32>
          %swap3A_1457 = vector.shape_cast %mul3A_1452 : vector<16xf32> to vector<1x16xf32>
          tpu.vector_store %arg13[%swap3A_1453, %swap3A_1454], %swap3A_1457 {strides = array<i32>} : memref<512x32xf32, #tpu.memory_space<vmem>>, vector<1x16xf32>,
          %mul3A_1458 = arith.constant 128 : i32
          %mul3A_1459 = arith.muli %rem3A_1213, %mul3A_1458 : i32
          %mul3A_1460 = arith.constant 16 : i32
          %mul3A_1461 = arith.muli %scan3A_1237, %mul3A_1460 : i32
          %add3A_1462 = arith.addi %mul3A_1459, %mul3A_1461 : i32
          %add3A_1463 = arith.constant 7 : i32
          %add3A_1464 = arith.addi %add3A_1462, %add3A_1463 : i32
          %slice3A_1465 = vector.extract_strided_slice %get3A_1243 {offsets = [7], sizes = [1], strides = [1]} : vector<16xf32> to vector<1xf32>
          %squeeze3A_1466 = vector.extract %slice3A_1465[0] : f32 from vector<1xf32>
          %get3A_1467 = arith.index_cast %add3A_1464 : i32 to index
          %get3A_1468 = arith.constant 0 : index
          %get3A_1469 = tpu.vector_load %arg13[%get3A_1467, %get3A_1468] {strides = array<i32>} : memref<512x32xf32, #tpu.memory_space<vmem>>, vector<1x16xf32>,
          %get3A_1470 = vector.shape_cast %get3A_1469 : vector<1x16xf32> to vector<16xf32>
          %mul3A_1471 = vector.broadcast %squeeze3A_1466 : f32 to vector<16xf32>
          %mul3A_1472 = arith.mulf %get3A_1470, %mul3A_1471 : vector<16xf32>
          %swap3A_1473 = arith.index_cast %add3A_1464 : i32 to index
          %swap3A_1474 = arith.constant 0 : index
          %swap3A_1475 = tpu.vector_load %arg13[%swap3A_1473, %swap3A_1474] {strides = array<i32>} : memref<512x32xf32, #tpu.memory_space<vmem>>, vector<1x16xf32>,
          %swap3A_1476 = vector.shape_cast %swap3A_1475 : vector<1x16xf32> to vector<16xf32>
          %swap3A_1477 = vector.shape_cast %mul3A_1472 : vector<16xf32> to vector<1x16xf32>
          tpu.vector_store %arg13[%swap3A_1473, %swap3A_1474], %swap3A_1477 {strides = array<i32>} : memref<512x32xf32, #tpu.memory_space<vmem>>, vector<1x16xf32>,
          %get3A_1478 = arith.index_cast %add3A_1464 : i32 to index
          %get3A_1479 = arith.constant 16 : index
          %get3A_1480 = tpu.vector_load %arg13[%get3A_1478, %get3A_1479] {strides = array<i32>} : memref<512x32xf32, #tpu.memory_space<vmem>>, vector<1x16xf32>,
          %get3A_1481 = vector.shape_cast %get3A_1480 : vector<1x16xf32> to vector<16xf32>
          %mul3A_1482 = vector.broadcast %squeeze3A_1466 : f32 to vector<16xf32>
          %mul3A_1483 = arith.mulf %get3A_1481, %mul3A_1482 : vector<16xf32>
          %swap3A_1484 = arith.index_cast %add3A_1464 : i32 to index
          %swap3A_1485 = arith.constant 16 : index
          %swap3A_1486 = tpu.vector_load %arg13[%swap3A_1484, %swap3A_1485] {strides = array<i32>} : memref<512x32xf32, #tpu.memory_space<vmem>>, vector<1x16xf32>,
          %swap3A_1487 = vector.shape_cast %swap3A_1486 : vector<1x16xf32> to vector<16xf32>
          %swap3A_1488 = vector.shape_cast %mul3A_1483 : vector<16xf32> to vector<1x16xf32>
          tpu.vector_store %arg13[%swap3A_1484, %swap3A_1485], %swap3A_1488 {strides = array<i32>} : memref<512x32xf32, #tpu.memory_space<vmem>>, vector<1x16xf32>,
          %mul3A_1489 = arith.constant 128 : i32
          %mul3A_1490 = arith.muli %rem3A_1213, %mul3A_1489 : i32
          %mul3A_1491 = arith.constant 16 : i32
          %mul3A_1492 = arith.muli %scan3A_1237, %mul3A_1491 : i32
          %add3A_1493 = arith.addi %mul3A_1490, %mul3A_1492 : i32
          %add3A_1494 = arith.constant 8 : i32
          %add3A_1495 = arith.addi %add3A_1493, %add3A_1494 : i32
          %slice3A_1496 = vector.extract_strided_slice %get3A_1243 {offsets = [8], sizes = [1], strides = [1]} : vector<16xf32> to vector<1xf32>
          %squeeze3A_1497 = vector.extract %slice3A_1496[0] : f32 from vector<1xf32>
          %get3A_1498 = arith.index_cast %add3A_1495 : i32 to index
          %get3A_1499 = arith.constant 0 : index
          %get3A_1500 = tpu.vector_load %arg13[%get3A_1498, %get3A_1499] {strides = array<i32>} : memref<512x32xf32, #tpu.memory_space<vmem>>, vector<1x16xf32>,
          %get3A_1501 = vector.shape_cast %get3A_1500 : vector<1x16xf32> to vector<16xf32>
          %mul3A_1502 = vector.broadcast %squeeze3A_1497 : f32 to vector<16xf32>
          %mul3A_1503 = arith.mulf %get3A_1501, %mul3A_1502 : vector<16xf32>
          %swap3A_1504 = arith.index_cast %add3A_1495 : i32 to index
          %swap3A_1505 = arith.constant 0 : index
          %swap3A_1506 = tpu.vector_load %arg13[%swap3A_1504, %swap3A_1505] {strides = array<i32>} : memref<512x32xf32, #tpu.memory_space<vmem>>, vector<1x16xf32>,
          %swap3A_1507 = vector.shape_cast %swap3A_1506 : vector<1x16xf32> to vector<16xf32>
          %swap3A_1508 = vector.shape_cast %mul3A_1503 : vector<16xf32> to vector<1x16xf32>
          tpu.vector_store %arg13[%swap3A_1504, %swap3A_1505], %swap3A_1508 {strides = array<i32>} : memref<512x32xf32, #tpu.memory_space<vmem>>, vector<1x16xf32>,
          %get3A_1509 = arith.index_cast %add3A_1495 : i32 to index
          %get3A_1510 = arith.constant 16 : index
          %get3A_1511 = tpu.vector_load %arg13[%get3A_1509, %get3A_1510] {strides = array<i32>} : memref<512x32xf32, #tpu.memory_space<vmem>>, vector<1x16xf32>,
          %get3A_1512 = vector.shape_cast %get3A_1511 : vector<1x16xf32> to vector<16xf32>
          %mul3A_1513 = vector.broadcast %squeeze3A_1497 : f32 to vector<16xf32>
          %mul3A_1514 = arith.mulf %get3A_1512, %mul3A_1513 : vector<16xf32>
          %swap3A_1515 = arith.index_cast %add3A_1495 : i32 to index
          %swap3A_1516 = arith.constant 16 : index
          %swap3A_1517 = tpu.vector_load %arg13[%swap3A_1515, %swap3A_1516] {strides = array<i32>} : memref<512x32xf32, #tpu.memory_space<vmem>>, vector<1x16xf32>,
          %swap3A_1518 = vector.shape_cast %swap3A_1517 : vector<1x16xf32> to vector<16xf32>
          %swap3A_1519 = vector.shape_cast %mul3A_1514 : vector<16xf32> to vector<1x16xf32>
          tpu.vector_store %arg13[%swap3A_1515, %swap3A_1516], %swap3A_1519 {strides = array<i32>} : memref<512x32xf32, #tpu.memory_space<vmem>>, vector<1x16xf32>,
          %mul3A_1520 = arith.constant 128 : i32
          %mul3A_1521 = arith.muli %rem3A_1213, %mul3A_1520 : i32
          %mul3A_1522 = arith.constant 16 : i32
          %mul3A_1523 = arith.muli %scan3A_1237, %mul3A_1522 : i32
          %add3A_1524 = arith.addi %mul3A_1521, %mul3A_1523 : i32
          %add3A_1525 = arith.constant 9 : i32
          %add3A_1526 = arith.addi %add3A_1524, %add3A_1525 : i32
          %slice3A_1527 = vector.extract_strided_slice %get3A_1243 {offsets = [9], sizes = [1], strides = [1]} : vector<16xf32> to vector<1xf32>
          %squeeze3A_1528 = vector.extract %slice3A_1527[0] : f32 from vector<1xf32>
          %get3A_1529 = arith.index_cast %add3A_1526 : i32 to index
          %get3A_1530 = arith.constant 0 : index
          %get3A_1531 = tpu.vector_load %arg13[%get3A_1529, %get3A_1530] {strides = array<i32>} : memref<512x32xf32, #tpu.memory_space<vmem>>, vector<1x16xf32>,
          %get3A_1532 = vector.shape_cast %get3A_1531 : vector<1x16xf32> to vector<16xf32>
          %mul3A_1533 = vector.broadcast %squeeze3A_1528 : f32 to vector<16xf32>
          %mul3A_1534 = arith.mulf %get3A_1532, %mul3A_1533 : vector<16xf32>
          %swap3A_1535 = arith.index_cast %add3A_1526 : i32 to index
          %swap3A_1536 = arith.constant 0 : index
          %swap3A_1537 = tpu.vector_load %arg13[%swap3A_1535, %swap3A_1536] {strides = array<i32>} : memref<512x32xf32, #tpu.memory_space<vmem>>, vector<1x16xf32>,
          %swap3A_1538 = vector.shape_cast %swap3A_1537 : vector<1x16xf32> to vector<16xf32>
          %swap3A_1539 = vector.shape_cast %mul3A_1534 : vector<16xf32> to vector<1x16xf32>
          tpu.vector_store %arg13[%swap3A_1535, %swap3A_1536], %swap3A_1539 {strides = array<i32>} : memref<512x32xf32, #tpu.memory_space<vmem>>, vector<1x16xf32>,
          %get3A_1540 = arith.index_cast %add3A_1526 : i32 to index
          %get3A_1541 = arith.constant 16 : index
          %get3A_1542 = tpu.vector_load %arg13[%get3A_1540, %get3A_1541] {strides = array<i32>} : memref<512x32xf32, #tpu.memory_space<vmem>>, vector<1x16xf32>,
          %get3A_1543 = vector.shape_cast %get3A_1542 : vector<1x16xf32> to vector<16xf32>
          %mul3A_1544 = vector.broadcast %squeeze3A_1528 : f32 to vector<16xf32>
          %mul3A_1545 = arith.mulf %get3A_1543, %mul3A_1544 : vector<16xf32>
          %swap3A_1546 = arith.index_cast %add3A_1526 : i32 to index
          %swap3A_1547 = arith.constant 16 : index
          %swap3A_1548 = tpu.vector_load %arg13[%swap3A_1546, %swap3A_1547] {strides = array<i32>} : memref<512x32xf32, #tpu.memory_space<vmem>>, vector<1x16xf32>,
          %swap3A_1549 = vector.shape_cast %swap3A_1548 : vector<1x16xf32> to vector<16xf32>
          %swap3A_1550 = vector.shape_cast %mul3A_1545 : vector<16xf32> to vector<1x16xf32>
          tpu.vector_store %arg13[%swap3A_1546, %swap3A_1547], %swap3A_1550 {strides = array<i32>} : memref<512x32xf32, #tpu.memory_space<vmem>>, vector<1x16xf32>,
          %mul3A_1551 = arith.constant 128 : i32
          %mul3A_1552 = arith.muli %rem3A_1213, %mul3A_1551 : i32
          %mul3A_1553 = arith.constant 16 : i32
          %mul3A_1554 = arith.muli %scan3A_1237, %mul3A_1553 : i32
          %add3A_1555 = arith.addi %mul3A_1552, %mul3A_1554 : i32
          %add3A_1556 = arith.constant 10 : i32
          %add3A_1557 = arith.addi %add3A_1555, %add3A_1556 : i32
          %slice3A_1558 = vector.extract_strided_slice %get3A_1243 {offsets = [10], sizes = [1], strides = [1]} : vector<16xf32> to vector<1xf32>
          %squeeze3A_1559 = vector.extract %slice3A_1558[0] : f32 from vector<1xf32>
          %get3A_1560 = arith.index_cast %add3A_1557 : i32 to index
          %get3A_1561 = arith.constant 0 : index
          %get3A_1562 = tpu.vector_load %arg13[%get3A_1560, %get3A_1561] {strides = array<i32>} : memref<512x32xf32, #tpu.memory_space<vmem>>, vector<1x16xf32>,
          %get3A_1563 = vector.shape_cast %get3A_1562 : vector<1x16xf32> to vector<16xf32>
          %mul3A_1564 = vector.broadcast %squeeze3A_1559 : f32 to vector<16xf32>
          %mul3A_1565 = arith.mulf %get3A_1563, %mul3A_1564 : vector<16xf32>
          %swap3A_1566 = arith.index_cast %add3A_1557 : i32 to index
          %swap3A_1567 = arith.constant 0 : index
          %swap3A_1568 = tpu.vector_load %arg13[%swap3A_1566, %swap3A_1567] {strides = array<i32>} : memref<512x32xf32, #tpu.memory_space<vmem>>, vector<1x16xf32>,
          %swap3A_1569 = vector.shape_cast %swap3A_1568 : vector<1x16xf32> to vector<16xf32>
          %swap3A_1570 = vector.shape_cast %mul3A_1565 : vector<16xf32> to vector<1x16xf32>
          tpu.vector_store %arg13[%swap3A_1566, %swap3A_1567], %swap3A_1570 {strides = array<i32>} : memref<512x32xf32, #tpu.memory_space<vmem>>, vector<1x16xf32>,
          %get3A_1571 = arith.index_cast %add3A_1557 : i32 to index
          %get3A_1572 = arith.constant 16 : index
          %get3A_1573 = tpu.vector_load %arg13[%get3A_1571, %get3A_1572] {strides = array<i32>} : memref<512x32xf32, #tpu.memory_space<vmem>>, vector<1x16xf32>,
          %get3A_1574 = vector.shape_cast %get3A_1573 : vector<1x16xf32> to vector<16xf32>
          %mul3A_1575 = vector.broadcast %squeeze3A_1559 : f32 to vector<16xf32>
          %mul3A_1576 = arith.mulf %get3A_1574, %mul3A_1575 : vector<16xf32>
          %swap3A_1577 = arith.index_cast %add3A_1557 : i32 to index
          %swap3A_1578 = arith.constant 16 : index
          %swap3A_1579 = tpu.vector_load %arg13[%swap3A_1577, %swap3A_1578] {strides = array<i32>} : memref<512x32xf32, #tpu.memory_space<vmem>>, vector<1x16xf32>,
          %swap3A_1580 = vector.shape_cast %swap3A_1579 : vector<1x16xf32> to vector<16xf32>
          %swap3A_1581 = vector.shape_cast %mul3A_1576 : vector<16xf32> to vector<1x16xf32>
          tpu.vector_store %arg13[%swap3A_1577, %swap3A_1578], %swap3A_1581 {strides = array<i32>} : memref<512x32xf32, #tpu.memory_space<vmem>>, vector<1x16xf32>,
          %mul3A_1582 = arith.constant 128 : i32
          %mul3A_1583 = arith.muli %rem3A_1213, %mul3A_1582 : i32
          %mul3A_1584 = arith.constant 16 : i32
          %mul3A_1585 = arith.muli %scan3A_1237, %mul3A_1584 : i32
          %add3A_1586 = arith.addi %mul3A_1583, %mul3A_1585 : i32
          %add3A_1587 = arith.constant 11 : i32
          %add3A_1588 = arith.addi %add3A_1586, %add3A_1587 : i32
          %slice3A_1589 = vector.extract_strided_slice %get3A_1243 {offsets = [11], sizes = [1], strides = [1]} : vector<16xf32> to vector<1xf32>
          %squeeze3A_1590 = vector.extract %slice3A_1589[0] : f32 from vector<1xf32>
          %get3A_1591 = arith.index_cast %add3A_1588 : i32 to index
          %get3A_1592 = arith.constant 0 : index
          %get3A_1593 = tpu.vector_load %arg13[%get3A_1591, %get3A_1592] {strides = array<i32>} : memref<512x32xf32, #tpu.memory_space<vmem>>, vector<1x16xf32>,
          %get3A_1594 = vector.shape_cast %get3A_1593 : vector<1x16xf32> to vector<16xf32>
          %mul3A_1595 = vector.broadcast %squeeze3A_1590 : f32 to vector<16xf32>
          %mul3A_1596 = arith.mulf %get3A_1594, %mul3A_1595 : vector<16xf32>
          %swap3A_1597 = arith.index_cast %add3A_1588 : i32 to index
          %swap3A_1598 = arith.constant 0 : index
          %swap3A_1599 = tpu.vector_load %arg13[%swap3A_1597, %swap3A_1598] {strides = array<i32>} : memref<512x32xf32, #tpu.memory_space<vmem>>, vector<1x16xf32>,
          %swap3A_1600 = vector.shape_cast %swap3A_1599 : vector<1x16xf32> to vector<16xf32>
          %swap3A_1601 = vector.shape_cast %mul3A_1596 : vector<16xf32> to vector<1x16xf32>
          tpu.vector_store %arg13[%swap3A_1597, %swap3A_1598], %swap3A_1601 {strides = array<i32>} : memref<512x32xf32, #tpu.memory_space<vmem>>, vector<1x16xf32>,
          %get3A_1602 = arith.index_cast %add3A_1588 : i32 to index
          %get3A_1603 = arith.constant 16 : index
          %get3A_1604 = tpu.vector_load %arg13[%get3A_1602, %get3A_1603] {strides = array<i32>} : memref<512x32xf32, #tpu.memory_space<vmem>>, vector<1x16xf32>,
          %get3A_1605 = vector.shape_cast %get3A_1604 : vector<1x16xf32> to vector<16xf32>
          %mul3A_1606 = vector.broadcast %squeeze3A_1590 : f32 to vector<16xf32>
          %mul3A_1607 = arith.mulf %get3A_1605, %mul3A_1606 : vector<16xf32>
          %swap3A_1608 = arith.index_cast %add3A_1588 : i32 to index
          %swap3A_1609 = arith.constant 16 : index
          %swap3A_1610 = tpu.vector_load %arg13[%swap3A_1608, %swap3A_1609] {strides = array<i32>} : memref<512x32xf32, #tpu.memory_space<vmem>>, vector<1x16xf32>,
          %swap3A_1611 = vector.shape_cast %swap3A_1610 : vector<1x16xf32> to vector<16xf32>
          %swap3A_1612 = vector.shape_cast %mul3A_1607 : vector<16xf32> to vector<1x16xf32>
          tpu.vector_store %arg13[%swap3A_1608, %swap3A_1609], %swap3A_1612 {strides = array<i32>} : memref<512x32xf32, #tpu.memory_space<vmem>>, vector<1x16xf32>,
          %mul3A_1613 = arith.constant 128 : i32
          %mul3A_1614 = arith.muli %rem3A_1213, %mul3A_1613 : i32
          %mul3A_1615 = arith.constant 16 : i32
          %mul3A_1616 = arith.muli %scan3A_1237, %mul3A_1615 : i32
          %add3A_1617 = arith.addi %mul3A_1614, %mul3A_1616 : i32
          %add3A_1618 = arith.constant 12 : i32
          %add3A_1619 = arith.addi %add3A_1617, %add3A_1618 : i32
          %slice3A_1620 = vector.extract_strided_slice %get3A_1243 {offsets = [12], sizes = [1], strides = [1]} : vector<16xf32> to vector<1xf32>
          %squeeze3A_1621 = vector.extract %slice3A_1620[0] : f32 from vector<1xf32>
          %get3A_1622 = arith.index_cast %add3A_1619 : i32 to index
          %get3A_1623 = arith.constant 0 : index
          %get3A_1624 = tpu.vector_load %arg13[%get3A_1622, %get3A_1623] {strides = array<i32>} : memref<512x32xf32, #tpu.memory_space<vmem>>, vector<1x16xf32>,
          %get3A_1625 = vector.shape_cast %get3A_1624 : vector<1x16xf32> to vector<16xf32>
          %mul3A_1626 = vector.broadcast %squeeze3A_1621 : f32 to vector<16xf32>
          %mul3A_1627 = arith.mulf %get3A_1625, %mul3A_1626 : vector<16xf32>
          %swap3A_1628 = arith.index_cast %add3A_1619 : i32 to index
          %swap3A_1629 = arith.constant 0 : index
          %swap3A_1630 = tpu.vector_load %arg13[%swap3A_1628, %swap3A_1629] {strides = array<i32>} : memref<512x32xf32, #tpu.memory_space<vmem>>, vector<1x16xf32>,
          %swap3A_1631 = vector.shape_cast %swap3A_1630 : vector<1x16xf32> to vector<16xf32>
          %swap3A_1632 = vector.shape_cast %mul3A_1627 : vector<16xf32> to vector<1x16xf32>
          tpu.vector_store %arg13[%swap3A_1628, %swap3A_1629], %swap3A_1632 {strides = array<i32>} : memref<512x32xf32, #tpu.memory_space<vmem>>, vector<1x16xf32>,
          %get3A_1633 = arith.index_cast %add3A_1619 : i32 to index
          %get3A_1634 = arith.constant 16 : index
          %get3A_1635 = tpu.vector_load %arg13[%get3A_1633, %get3A_1634] {strides = array<i32>} : memref<512x32xf32, #tpu.memory_space<vmem>>, vector<1x16xf32>,
          %get3A_1636 = vector.shape_cast %get3A_1635 : vector<1x16xf32> to vector<16xf32>
          %mul3A_1637 = vector.broadcast %squeeze3A_1621 : f32 to vector<16xf32>
          %mul3A_1638 = arith.mulf %get3A_1636, %mul3A_1637 : vector<16xf32>
          %swap3A_1639 = arith.index_cast %add3A_1619 : i32 to index
          %swap3A_1640 = arith.constant 16 : index
          %swap3A_1641 = tpu.vector_load %arg13[%swap3A_1639, %swap3A_1640] {strides = array<i32>} : memref<512x32xf32, #tpu.memory_space<vmem>>, vector<1x16xf32>,
          %swap3A_1642 = vector.shape_cast %swap3A_1641 : vector<1x16xf32> to vector<16xf32>
          %swap3A_1643 = vector.shape_cast %mul3A_1638 : vector<16xf32> to vector<1x16xf32>
          tpu.vector_store %arg13[%swap3A_1639, %swap3A_1640], %swap3A_1643 {strides = array<i32>} : memref<512x32xf32, #tpu.memory_space<vmem>>, vector<1x16xf32>,
          %mul3A_1644 = arith.constant 128 : i32
          %mul3A_1645 = arith.muli %rem3A_1213, %mul3A_1644 : i32
          %mul3A_1646 = arith.constant 16 : i32
          %mul3A_1647 = arith.muli %scan3A_1237, %mul3A_1646 : i32
          %add3A_1648 = arith.addi %mul3A_1645, %mul3A_1647 : i32
          %add3A_1649 = arith.constant 13 : i32
          %add3A_1650 = arith.addi %add3A_1648, %add3A_1649 : i32
          %slice3A_1651 = vector.extract_strided_slice %get3A_1243 {offsets = [13], sizes = [1], strides = [1]} : vector<16xf32> to vector<1xf32>
          %squeeze3A_1652 = vector.extract %slice3A_1651[0] : f32 from vector<1xf32>
          %get3A_1653 = arith.index_cast %add3A_1650 : i32 to index
          %get3A_1654 = arith.constant 0 : index
          %get3A_1655 = tpu.vector_load %arg13[%get3A_1653, %get3A_1654] {strides = array<i32>} : memref<512x32xf32, #tpu.memory_space<vmem>>, vector<1x16xf32>,
          %get3A_1656 = vector.shape_cast %get3A_1655 : vector<1x16xf32> to vector<16xf32>
          %mul3A_1657 = vector.broadcast %squeeze3A_1652 : f32 to vector<16xf32>
          %mul3A_1658 = arith.mulf %get3A_1656, %mul3A_1657 : vector<16xf32>
          %swap3A_1659 = arith.index_cast %add3A_1650 : i32 to index
          %swap3A_1660 = arith.constant 0 : index
          %swap3A_1661 = tpu.vector_load %arg13[%swap3A_1659, %swap3A_1660] {strides = array<i32>} : memref<512x32xf32, #tpu.memory_space<vmem>>, vector<1x16xf32>,
          %swap3A_1662 = vector.shape_cast %swap3A_1661 : vector<1x16xf32> to vector<16xf32>
          %swap3A_1663 = vector.shape_cast %mul3A_1658 : vector<16xf32> to vector<1x16xf32>
          tpu.vector_store %arg13[%swap3A_1659, %swap3A_1660], %swap3A_1663 {strides = array<i32>} : memref<512x32xf32, #tpu.memory_space<vmem>>, vector<1x16xf32>,
          %get3A_1664 = arith.index_cast %add3A_1650 : i32 to index
          %get3A_1665 = arith.constant 16 : index
          %get3A_1666 = tpu.vector_load %arg13[%get3A_1664, %get3A_1665] {strides = array<i32>} : memref<512x32xf32, #tpu.memory_space<vmem>>, vector<1x16xf32>,
          %get3A_1667 = vector.shape_cast %get3A_1666 : vector<1x16xf32> to vector<16xf32>
          %mul3A_1668 = vector.broadcast %squeeze3A_1652 : f32 to vector<16xf32>
          %mul3A_1669 = arith.mulf %get3A_1667, %mul3A_1668 : vector<16xf32>
          %swap3A_1670 = arith.index_cast %add3A_1650 : i32 to index
          %swap3A_1671 = arith.constant 16 : index
          %swap3A_1672 = tpu.vector_load %arg13[%swap3A_1670, %swap3A_1671] {strides = array<i32>} : memref<512x32xf32, #tpu.memory_space<vmem>>, vector<1x16xf32>,
          %swap3A_1673 = vector.shape_cast %swap3A_1672 : vector<1x16xf32> to vector<16xf32>
          %swap3A_1674 = vector.shape_cast %mul3A_1669 : vector<16xf32> to vector<1x16xf32>
          tpu.vector_store %arg13[%swap3A_1670, %swap3A_1671], %swap3A_1674 {strides = array<i32>} : memref<512x32xf32, #tpu.memory_space<vmem>>, vector<1x16xf32>,
          %mul3A_1675 = arith.constant 128 : i32
          %mul3A_1676 = arith.muli %rem3A_1213, %mul3A_1675 : i32
          %mul3A_1677 = arith.constant 16 : i32
          %mul3A_1678 = arith.muli %scan3A_1237, %mul3A_1677 : i32
          %add3A_1679 = arith.addi %mul3A_1676, %mul3A_1678 : i32
          %add3A_1680 = arith.constant 14 : i32
          %add3A_1681 = arith.addi %add3A_1679, %add3A_1680 : i32
          %slice3A_1682 = vector.extract_strided_slice %get3A_1243 {offsets = [14], sizes = [1], strides = [1]} : vector<16xf32> to vector<1xf32>
          %squeeze3A_1683 = vector.extract %slice3A_1682[0] : f32 from vector<1xf32>
          %get3A_1684 = arith.index_cast %add3A_1681 : i32 to index
          %get3A_1685 = arith.constant 0 : index
          %get3A_1686 = tpu.vector_load %arg13[%get3A_1684, %get3A_1685] {strides = array<i32>} : memref<512x32xf32, #tpu.memory_space<vmem>>, vector<1x16xf32>,
          %get3A_1687 = vector.shape_cast %get3A_1686 : vector<1x16xf32> to vector<16xf32>
          %mul3A_1688 = vector.broadcast %squeeze3A_1683 : f32 to vector<16xf32>
          %mul3A_1689 = arith.mulf %get3A_1687, %mul3A_1688 : vector<16xf32>
          %swap3A_1690 = arith.index_cast %add3A_1681 : i32 to index
          %swap3A_1691 = arith.constant 0 : index
          %swap3A_1692 = tpu.vector_load %arg13[%swap3A_1690, %swap3A_1691] {strides = array<i32>} : memref<512x32xf32, #tpu.memory_space<vmem>>, vector<1x16xf32>,
          %swap3A_1693 = vector.shape_cast %swap3A_1692 : vector<1x16xf32> to vector<16xf32>
          %swap3A_1694 = vector.shape_cast %mul3A_1689 : vector<16xf32> to vector<1x16xf32>
          tpu.vector_store %arg13[%swap3A_1690, %swap3A_1691], %swap3A_1694 {strides = array<i32>} : memref<512x32xf32, #tpu.memory_space<vmem>>, vector<1x16xf32>,
          %get3A_1695 = arith.index_cast %add3A_1681 : i32 to index
          %get3A_1696 = arith.constant 16 : index
          %get3A_1697 = tpu.vector_load %arg13[%get3A_1695, %get3A_1696] {strides = array<i32>} : memref<512x32xf32, #tpu.memory_space<vmem>>, vector<1x16xf32>,
          %get3A_1698 = vector.shape_cast %get3A_1697 : vector<1x16xf32> to vector<16xf32>
          %mul3A_1699 = vector.broadcast %squeeze3A_1683 : f32 to vector<16xf32>
          %mul3A_1700 = arith.mulf %get3A_1698, %mul3A_1699 : vector<16xf32>
          %swap3A_1701 = arith.index_cast %add3A_1681 : i32 to index
          %swap3A_1702 = arith.constant 16 : index
          %swap3A_1703 = tpu.vector_load %arg13[%swap3A_1701, %swap3A_1702] {strides = array<i32>} : memref<512x32xf32, #tpu.memory_space<vmem>>, vector<1x16xf32>,
          %swap3A_1704 = vector.shape_cast %swap3A_1703 : vector<1x16xf32> to vector<16xf32>
          %swap3A_1705 = vector.shape_cast %mul3A_1700 : vector<16xf32> to vector<1x16xf32>
          tpu.vector_store %arg13[%swap3A_1701, %swap3A_1702], %swap3A_1705 {strides = array<i32>} : memref<512x32xf32, #tpu.memory_space<vmem>>, vector<1x16xf32>,
          %mul3A_1706 = arith.constant 128 : i32
          %mul3A_1707 = arith.muli %rem3A_1213, %mul3A_1706 : i32
          %mul3A_1708 = arith.constant 16 : i32
          %mul3A_1709 = arith.muli %scan3A_1237, %mul3A_1708 : i32
          %add3A_1710 = arith.addi %mul3A_1707, %mul3A_1709 : i32
          %add3A_1711 = arith.constant 15 : i32
          %add3A_1712 = arith.addi %add3A_1710, %add3A_1711 : i32
          %slice3A_1713 = vector.extract_strided_slice %get3A_1243 {offsets = [15], sizes = [1], strides = [1]} : vector<16xf32> to vector<1xf32>
          %squeeze3A_1714 = vector.extract %slice3A_1713[0] : f32 from vector<1xf32>
          %get3A_1715 = arith.index_cast %add3A_1712 : i32 to index
          %get3A_1716 = arith.constant 0 : index
          %get3A_1717 = tpu.vector_load %arg13[%get3A_1715, %get3A_1716] {strides = array<i32>} : memref<512x32xf32, #tpu.memory_space<vmem>>, vector<1x16xf32>,
          %get3A_1718 = vector.shape_cast %get3A_1717 : vector<1x16xf32> to vector<16xf32>
          %mul3A_1719 = vector.broadcast %squeeze3A_1714 : f32 to vector<16xf32>
          %mul3A_1720 = arith.mulf %get3A_1718, %mul3A_1719 : vector<16xf32>
          %swap3A_1721 = arith.index_cast %add3A_1712 : i32 to index
          %swap3A_1722 = arith.constant 0 : index
          %swap3A_1723 = tpu.vector_load %arg13[%swap3A_1721, %swap3A_1722] {strides = array<i32>} : memref<512x32xf32, #tpu.memory_space<vmem>>, vector<1x16xf32>,
          %swap3A_1724 = vector.shape_cast %swap3A_1723 : vector<1x16xf32> to vector<16xf32>
          %swap3A_1725 = vector.shape_cast %mul3A_1720 : vector<16xf32> to vector<1x16xf32>
          tpu.vector_store %arg13[%swap3A_1721, %swap3A_1722], %swap3A_1725 {strides = array<i32>} : memref<512x32xf32, #tpu.memory_space<vmem>>, vector<1x16xf32>,
          %get3A_1726 = arith.index_cast %add3A_1712 : i32 to index
          %get3A_1727 = arith.constant 16 : index
          %get3A_1728 = tpu.vector_load %arg13[%get3A_1726, %get3A_1727] {strides = array<i32>} : memref<512x32xf32, #tpu.memory_space<vmem>>, vector<1x16xf32>,
          %get3A_1729 = vector.shape_cast %get3A_1728 : vector<1x16xf32> to vector<16xf32>
          %mul3A_1730 = vector.broadcast %squeeze3A_1714 : f32 to vector<16xf32>
          %mul3A_1731 = arith.mulf %get3A_1729, %mul3A_1730 : vector<16xf32>
          %swap3A_1732 = arith.index_cast %add3A_1712 : i32 to index
          %swap3A_1733 = arith.constant 16 : index
          %swap3A_1734 = tpu.vector_load %arg13[%swap3A_1732, %swap3A_1733] {strides = array<i32>} : memref<512x32xf32, #tpu.memory_space<vmem>>, vector<1x16xf32>,
          %swap3A_1735 = vector.shape_cast %swap3A_1734 : vector<1x16xf32> to vector<16xf32>
          %swap3A_1736 = vector.shape_cast %mul3A_1731 : vector<16xf32> to vector<1x16xf32>
          tpu.vector_store %arg13[%swap3A_1732, %swap3A_1733], %swap3A_1736 {strides = array<i32>} : memref<512x32xf32, #tpu.memory_space<vmem>>, vector<1x16xf32>,
          %scan3A_1737 = arith.constant 0 : i32
          scf.yield %scan3A_1737 : i32
        }
        %scan3A_1222 = arith.constant 8 : i32
        %rem3A_1223 = arith.constant 4 : i32
        %rem3A_1224 = arith.remsi %scan3A_1137, %rem3A_1223 : i32
        %mul3A_1225 = arith.constant 128 : i32
        %mul3A_1226 = arith.muli %rem3A_1224, %mul3A_1225 : i32
        %rem3A_1227 = arith.constant 16 : i32
        %rem3A_1228 = arith.remsi %scan3A_1137, %rem3A_1227 : i32
        %dma_start3A_1229 = arith.constant 0 : i32
        %dma_start3A_1230 = tpu.memref_slice %arg13[%mul3A_1226, %dma_start3A_1229] : memref<512x32xf32, #tpu.memory_space<vmem>> -> memref<128x32xf32, #tpu.memory_space<vmem>>
        %dma_start3A_1231 = arith.constant 0 : i32
        %dma_start3A_1232 = tpu.memref_slice %arg11[%rem3A_1228, %dma_start3A_1231] : memref<16x128xi32, #tpu.memory_space<vmem>> -> memref<1x128xi32, #tpu.memory_space<vmem>>
        %dma_start3A_1233 = tpu.memref_squeeze %dma_start3A_1232 : memref<1x128xi32, #tpu.memory_space<vmem>> -> memref<128xi32, #tpu.memory_space<vmem>>
        %dma_start3A_1234 = arith.constant 0 : i32
        %dma_start3A_1235 = arith.constant 0 : i32
        %dma_start3A_1236 = tpu.memref_slice %arg9[%dma_start3A_1234, %dma_start3A_1235] : memref<50176x32xf32, #tpu.memory_space<vmem_shared>> -> memref<50176x32xf32, #tpu.memory_space<vmem_shared>>
        tpu.enqueue_indirect_dma source(%dma_start3A_1230 : memref<128x32xf32, #tpu.memory_space<vmem>>) target(%dma_start3A_1236 : memref<50176x32xf32, #tpu.memory_space<vmem_shared>>) offsets(%dma_start3A_1233 : memref<128xi32, #tpu.memory_space<vmem>>) semaphore(%arg19 : memref<!tpu.dma_semaphore, #tpu.memory_space<semaphore_mem>>) {add = true}
      } else {
      }
      %scan3A_1211 = arith.constant 0 : i32
      scf.yield %scan3A_1211 : i32
    }
    %scan3A_1096 = arith.constant 394 : i32
    %barrier3A_1097 = arith.constant 0 : index
    tpu.barrier barrier_id(%barrier3A_1097)
    %rem3A_1098 = arith.constant 0 : i32
    %rem3A_1099 = arith.constant 2 : i32
    %rem3A_1100 = arith.remsi %rem3A_1098, %rem3A_1099 : i32
    %add3A_1101 = arith.constant 0 : i32
    %add3A_1102 = arith.addi %mul3A_0, %add3A_1101 : i32
    %mul3A_1103 = arith.constant 56 : i32
    %mul3A_1104 = arith.muli %rem3A_1100, %mul3A_1103 : i32
    %dma_start3A_1105 = arith.constant 0 : i32
    %dma_start3A_1106 = tpu.memref_slice %arg14[%mul3A_1104, %dma_start3A_1105] : memref<112x32xf32, #tpu.memory_space<vmem>> -> memref<56x32xf32, #tpu.memory_space<vmem>>
    %dma_start3A_1107 = arith.constant 0 : i32
    %dma_start3A_1108 = tpu.memref_slice %arg9[%add3A_1102, %dma_start3A_1107] : memref<50176x32xf32, #tpu.memory_space<vmem_shared>> -> memref<56x32xf32, #tpu.memory_space<vmem_shared>>
    %dma_start3A_1109 = arith.constant 0 : i32
    %dma_start3A_1110 = tpu.memref_slice %arg14[%mul3A_1104, %dma_start3A_1109] : memref<112x32xf32, #tpu.memory_space<vmem>> -> memref<56x32xf32, #tpu.memory_space<vmem>>
    %dma_start3A_1111 = arith.constant 0 : i32
    %dma_start3A_1112 = tpu.memref_slice %arg9[%add3A_1102, %dma_start3A_1111] : memref<50176x32xf32, #tpu.memory_space<vmem_shared>> -> memref<56x32xf32, #tpu.memory_space<vmem_shared>>
    tpu.enqueue_dma source(%dma_start3A_1112 : memref<56x32xf32, #tpu.memory_space<vmem_shared>>) target(%dma_start3A_1110 : memref<56x32xf32, #tpu.memory_space<vmem>>) target_semaphore(%arg20 : memref<!tpu.dma_semaphore, #tpu.memory_space<semaphore_mem>>)
    %rem3A_1113 = arith.constant 0 : i32
    %rem3A_1114 = arith.constant 2 : i32
    %rem3A_1115 = arith.remsi %rem3A_1113, %rem3A_1114 : i32
    %add3A_1116 = arith.addi %mul3A_4, %mul3A_0 : i32
    %add3A_1117 = arith.constant 0 : i32
    %add3A_1118 = arith.addi %add3A_1116, %add3A_1117 : i32
    %mul3A_1119 = arith.constant 56 : i32
    %mul3A_1120 = arith.muli %rem3A_1115, %mul3A_1119 : i32
    %dma_start3A_1121 = arith.constant 0 : i32
    %dma_start3A_1122 = tpu.memref_slice %arg15[%mul3A_1120, %dma_start3A_1121] : memref<112x32xf32, #tpu.memory_space<vmem>> -> memref<56x32xf32, #tpu.memory_space<vmem>>
    %dma_start3A_1123 = arith.constant 0 : i32
    %dma_start3A_1124 = tpu.memref_slice %arg2[%add3A_1118, %dma_start3A_1123] : memref<100352x32xf32, #tpu.memory_space<hbm>> -> memref<56x32xf32, #tpu.memory_space<hbm>>
    %dma_start3A_1125 = arith.constant 0 : i32
    %dma_start3A_1126 = tpu.memref_slice %arg15[%mul3A_1120, %dma_start3A_1125] : memref<112x32xf32, #tpu.memory_space<vmem>> -> memref<56x32xf32, #tpu.memory_space<vmem>>
    %dma_start3A_1127 = arith.constant 0 : i32
    %dma_start3A_1128 = tpu.memref_slice %arg2[%add3A_1118, %dma_start3A_1127] : memref<100352x32xf32, #tpu.memory_space<hbm>> -> memref<56x32xf32, #tpu.memory_space<hbm>>
    tpu.enqueue_dma source(%dma_start3A_1128 : memref<56x32xf32, #tpu.memory_space<hbm>>) target(%dma_start3A_1126 : memref<56x32xf32, #tpu.memory_space<vmem>>) target_semaphore(%arg21 : memref<!tpu.dma_semaphore, #tpu.memory_space<semaphore_mem>>)
    %scan3A_1129 = arith.constant 0 : i32
    %scan3A_1130 = arith.constant 0 : i32
    %scan3A_1131 = arith.constant 57 : i32
    %scan3A_1132 = arith.addi %scan3A_1130, %scan3A_1131 : i32
    %scan3A_1133 = arith.constant 1 : i32
    %scan3A_1134 = scf.for %scan3A_1137 = %scan3A_1130 to %scan3A_1132 step %scan3A_1133 iter_args(%scan3A_1138 = %scan3A_1129) -> (i32)  : i32 {
      %lt3A = arith.constant 56 : i32
      %lt3A_1139 = arith.cmpi slt, %scan3A_1137, %lt3A : i32
      %convert_element_type3A = arith.extui %lt3A_1139 : i1 to i32
      %cond3A = arith.constant 0 : i32
      %cond3A_1140 = arith.cmpi ne, %convert_element_type3A, %cond3A : i32
      scf.if %cond3A_1140 {
        %rem3A_1158 = arith.constant 2 : i32
        %rem3A_1159 = arith.remsi %scan3A_1137, %rem3A_1158 : i32
        %mul3A_1160 = arith.constant 56 : i32
        %mul3A_1161 = arith.muli %scan3A_1137, %mul3A_1160 : i32
        %add3A_1162 = arith.addi %mul3A_0, %mul3A_1161 : i32
        %mul3A_1163 = arith.constant 56 : i32
        %mul3A_1164 = arith.muli %rem3A_1159, %mul3A_1163 : i32
        %dma_wait3A_1165 = arith.constant 0 : i32
        %dma_wait3A_1166 = tpu.memref_slice %arg14[%mul3A_1164, %dma_wait3A_1165] : memref<112x32xf32, #tpu.memory_space<vmem>> -> memref<56x32xf32, #tpu.memory_space<vmem>>
        %dma_wait3A_1167 = arith.constant 0 : i32
        %dma_wait3A_1168 = tpu.memref_slice %arg9[%add3A_1162, %dma_wait3A_1167] : memref<50176x32xf32, #tpu.memory_space<vmem_shared>> -> memref<56x32xf32, #tpu.memory_space<vmem_shared>>
        %dma_wait3A_1169 = arith.constant 0 : i32
        %dma_wait3A_1170 = tpu.memref_slice %arg14[%mul3A_1164, %dma_wait3A_1169] : memref<112x32xf32, #tpu.memory_space<vmem>> -> memref<56x32xf32, #tpu.memory_space<vmem>>
        %dma_wait3A_1171 = arith.constant 0 : i32
        %dma_wait3A_1172 = tpu.memref_slice %arg9[%add3A_1162, %dma_wait3A_1171] : memref<50176x32xf32, #tpu.memory_space<vmem_shared>> -> memref<56x32xf32, #tpu.memory_space<vmem_shared>>
        tpu.wait_dma2 semaphore(%arg20 : memref<!tpu.dma_semaphore, #tpu.memory_space<semaphore_mem>>) src(%dma_wait3A_1172 : memref<56x32xf32, #tpu.memory_space<vmem_shared>>) dst(%dma_wait3A_1170 : memref<56x32xf32, #tpu.memory_space<vmem>>)
        %rem3A_1173 = arith.constant 2 : i32
        %rem3A_1174 = arith.remsi %scan3A_1137, %rem3A_1173 : i32
        %add3A_1175 = arith.addi %mul3A_4, %mul3A_0 : i32
        %mul3A_1176 = arith.constant 56 : i32
        %mul3A_1177 = arith.muli %scan3A_1137, %mul3A_1176 : i32
        %add3A_1178 = arith.addi %add3A_1175, %mul3A_1177 : i32
        %mul3A_1179 = arith.constant 56 : i32
        %mul3A_1180 = arith.muli %rem3A_1174, %mul3A_1179 : i32
        %dma_wait3A_1181 = arith.constant 0 : i32
        %dma_wait3A_1182 = tpu.memref_slice %arg15[%mul3A_1180, %dma_wait3A_1181] : memref<112x32xf32, #tpu.memory_space<vmem>> -> memref<56x32xf32, #tpu.memory_space<vmem>>
        %dma_wait3A_1183 = arith.constant 0 : i32
        %dma_wait3A_1184 = tpu.memref_slice %arg2[%add3A_1178, %dma_wait3A_1183] : memref<100352x32xf32, #tpu.memory_space<hbm>> -> memref<56x32xf32, #tpu.memory_space<hbm>>
        %dma_wait3A_1185 = arith.constant 0 : i32
        %dma_wait3A_1186 = tpu.memref_slice %arg15[%mul3A_1180, %dma_wait3A_1185] : memref<112x32xf32, #tpu.memory_space<vmem>> -> memref<56x32xf32, #tpu.memory_space<vmem>>
        %dma_wait3A_1187 = arith.constant 0 : i32
        %dma_wait3A_1188 = tpu.memref_slice %arg2[%add3A_1178, %dma_wait3A_1187] : memref<100352x32xf32, #tpu.memory_space<hbm>> -> memref<56x32xf32, #tpu.memory_space<hbm>>
        tpu.wait_dma2 semaphore(%arg21 : memref<!tpu.dma_semaphore, #tpu.memory_space<semaphore_mem>>) src(%dma_wait3A_1188 : memref<56x32xf32, #tpu.memory_space<hbm>>) dst(%dma_wait3A_1186 : memref<56x32xf32, #tpu.memory_space<vmem>>)
      } else {
      }
      %ge3A = arith.constant 1 : i32
      %ge3A_1141 = arith.cmpi sge, %scan3A_1137, %ge3A : i32
      %convert_element_type3A_1142 = arith.extui %ge3A_1141 : i1 to i32
      %cond3A_1143 = arith.constant 0 : i32
      %cond3A_1144 = arith.cmpi ne, %convert_element_type3A_1142, %cond3A_1143 : i32
      scf.if %cond3A_1144 {
        %sub3A = arith.constant 1 : i32
        %sub3A_1158 = arith.subi %scan3A_1137, %sub3A : i32
        %rem3A_1159 = arith.constant 2 : i32
        %rem3A_1160 = arith.remsi %sub3A_1158, %rem3A_1159 : i32
        %mul3A_1161 = arith.constant 56 : i32
        %mul3A_1162 = arith.muli %rem3A_1160, %mul3A_1161 : i32
        %add3A_1163 = arith.addi %mul3A_4, %mul3A_0 : i32
        %mul3A_1164 = arith.constant 56 : i32
        %mul3A_1165 = arith.muli %sub3A_1158, %mul3A_1164 : i32
        %add3A_1166 = arith.addi %add3A_1163, %mul3A_1165 : i32
        %dma_wait3A_1167 = arith.constant 0 : i32
        %dma_wait3A_1168 = tpu.memref_slice %arg15[%mul3A_1162, %dma_wait3A_1167] : memref<112x32xf32, #tpu.memory_space<vmem>> -> memref<56x32xf32, #tpu.memory_space<vmem>>
        %dma_wait3A_1169 = arith.constant 0 : i32
        %dma_wait3A_1170 = tpu.memref_slice %arg7[%add3A_1166, %dma_wait3A_1169] : memref<100352x32xf32, #tpu.memory_space<hbm>> -> memref<56x32xf32, #tpu.memory_space<hbm>>
        %dma_wait3A_1171 = arith.constant 0 : i32
        %dma_wait3A_1172 = tpu.memref_slice %arg7[%add3A_1166, %dma_wait3A_1171] : memref<100352x32xf32, #tpu.memory_space<hbm>> -> memref<56x32xf32, #tpu.memory_space<hbm>>
        %dma_wait3A_1173 = arith.constant 0 : i32
        %dma_wait3A_1174 = tpu.memref_slice %arg15[%mul3A_1162, %dma_wait3A_1173] : memref<112x32xf32, #tpu.memory_space<vmem>> -> memref<56x32xf32, #tpu.memory_space<vmem>>
        tpu.wait_dma2 semaphore(%arg22 : memref<!tpu.dma_semaphore, #tpu.memory_space<semaphore_mem>>) src(%dma_wait3A_1174 : memref<56x32xf32, #tpu.memory_space<vmem>>) dst(%dma_wait3A_1172 : memref<56x32xf32, #tpu.memory_space<hbm>>)
      } else {
      }
      %add3A_1145 = arith.constant 1 : i32
      %add3A_1146 = arith.addi %scan3A_1137, %add3A_1145 : i32
      %lt3A_1147 = arith.constant 56 : i32
      %lt3A_1148 = arith.cmpi slt, %add3A_1146, %lt3A_1147 : i32
      %convert_element_type3A_1149 = arith.extui %lt3A_1148 : i1 to i32
      %cond3A_1150 = arith.constant 0 : i32
      %cond3A_1151 = arith.cmpi ne, %convert_element_type3A_1149, %cond3A_1150 : i32
      scf.if %cond3A_1151 {
        %add3A_1158 = arith.constant 1 : i32
        %add3A_1159 = arith.addi %scan3A_1137, %add3A_1158 : i32
        %rem3A_1160 = arith.constant 2 : i32
        %rem3A_1161 = arith.remsi %add3A_1159, %rem3A_1160 : i32
        %mul3A_1162 = arith.constant 56 : i32
        %mul3A_1163 = arith.muli %add3A_1159, %mul3A_1162 : i32
        %add3A_1164 = arith.addi %mul3A_0, %mul3A_1163 : i32
        %mul3A_1165 = arith.constant 56 : i32
        %mul3A_1166 = arith.muli %rem3A_1161, %mul3A_1165 : i32
        %dma_start3A_1167 = arith.constant 0 : i32
        %dma_start3A_1168 = tpu.memref_slice %arg14[%mul3A_1166, %dma_start3A_1167] : memref<112x32xf32, #tpu.memory_space<vmem>> -> memref<56x32xf32, #tpu.memory_space<vmem>>
        %dma_start3A_1169 = arith.constant 0 : i32
        %dma_start3A_1170 = tpu.memref_slice %arg9[%add3A_1164, %dma_start3A_1169] : memref<50176x32xf32, #tpu.memory_space<vmem_shared>> -> memref<56x32xf32, #tpu.memory_space<vmem_shared>>
        %dma_start3A_1171 = arith.constant 0 : i32
        %dma_start3A_1172 = tpu.memref_slice %arg14[%mul3A_1166, %dma_start3A_1171] : memref<112x32xf32, #tpu.memory_space<vmem>> -> memref<56x32xf32, #tpu.memory_space<vmem>>
        %dma_start3A_1173 = arith.constant 0 : i32
        %dma_start3A_1174 = tpu.memref_slice %arg9[%add3A_1164, %dma_start3A_1173] : memref<50176x32xf32, #tpu.memory_space<vmem_shared>> -> memref<56x32xf32, #tpu.memory_space<vmem_shared>>
        tpu.enqueue_dma source(%dma_start3A_1174 : memref<56x32xf32, #tpu.memory_space<vmem_shared>>) target(%dma_start3A_1172 : memref<56x32xf32, #tpu.memory_space<vmem>>) target_semaphore(%arg20 : memref<!tpu.dma_semaphore, #tpu.memory_space<semaphore_mem>>)
        %add3A_1175 = arith.constant 1 : i32
        %add3A_1176 = arith.addi %scan3A_1137, %add3A_1175 : i32
        %rem3A_1177 = arith.constant 2 : i32
        %rem3A_1178 = arith.remsi %add3A_1176, %rem3A_1177 : i32
        %add3A_1179 = arith.addi %mul3A_4, %mul3A_0 : i32
        %mul3A_1180 = arith.constant 56 : i32
        %mul3A_1181 = arith.muli %add3A_1176, %mul3A_1180 : i32
        %add3A_1182 = arith.addi %add3A_1179, %mul3A_1181 : i32
        %mul3A_1183 = arith.constant 56 : i32
        %mul3A_1184 = arith.muli %rem3A_1178, %mul3A_1183 : i32
        %dma_start3A_1185 = arith.constant 0 : i32
        %dma_start3A_1186 = tpu.memref_slice %arg15[%mul3A_1184, %dma_start3A_1185] : memref<112x32xf32, #tpu.memory_space<vmem>> -> memref<56x32xf32, #tpu.memory_space<vmem>>
        %dma_start3A_1187 = arith.constant 0 : i32
        %dma_start3A_1188 = tpu.memref_slice %arg2[%add3A_1182, %dma_start3A_1187] : memref<100352x32xf32, #tpu.memory_space<hbm>> -> memref<56x32xf32, #tpu.memory_space<hbm>>
        %dma_start3A_1189 = arith.constant 0 : i32
        %dma_start3A_1190 = tpu.memref_slice %arg15[%mul3A_1184, %dma_start3A_1189] : memref<112x32xf32, #tpu.memory_space<vmem>> -> memref<56x32xf32, #tpu.memory_space<vmem>>
        %dma_start3A_1191 = arith.constant 0 : i32
        %dma_start3A_1192 = tpu.memref_slice %arg2[%add3A_1182, %dma_start3A_1191] : memref<100352x32xf32, #tpu.memory_space<hbm>> -> memref<56x32xf32, #tpu.memory_space<hbm>>
        tpu.enqueue_dma source(%dma_start3A_1192 : memref<56x32xf32, #tpu.memory_space<hbm>>) target(%dma_start3A_1190 : memref<56x32xf32, #tpu.memory_space<vmem>>) target_semaphore(%arg21 : memref<!tpu.dma_semaphore, #tpu.memory_space<semaphore_mem>>)
      } else {
      }
      %lt3A_1152 = arith.constant 56 : i32
      %lt3A_1153 = arith.cmpi slt, %scan3A_1137, %lt3A_1152 : i32
      %convert_element_type3A_1154 = arith.extui %lt3A_1153 : i1 to i32
      %cond3A_1155 = arith.constant 0 : i32
      %cond3A_1156 = arith.cmpi ne, %convert_element_type3A_1154, %cond3A_1155 : i32
      scf.if %cond3A_1156 {
        %rem3A_1158 = arith.constant 2 : i32
        %rem3A_1159 = arith.remsi %scan3A_1137, %rem3A_1158 : i32
        %scan3A_1160 = arith.constant 0 : i32
        %scan3A_1161 = arith.constant 0 : i32
        %scan3A_1162 = arith.constant 14 : i32
        %scan3A_1163 = arith.addi %scan3A_1161, %scan3A_1162 : i32
        %scan3A_1164 = arith.constant 1 : i32
        %scan3A_1165 = scf.for %scan3A_1183 = %scan3A_1161 to %scan3A_1163 step %scan3A_1164 iter_args(%scan3A_1184 = %scan3A_1160) -> (i32)  : i32 {
          %mul3A_1185 = arith.constant 56 : i32
          %mul3A_1186 = arith.muli %rem3A_1159, %mul3A_1185 : i32
          %mul3A_1187 = arith.constant 4 : i32
          %mul3A_1188 = arith.muli %scan3A_1183, %mul3A_1187 : i32
          %add3A_1189 = arith.addi %mul3A_1186, %mul3A_1188 : i32
          %add3A_1190 = arith.constant 0 : i32
          %add3A_1191 = arith.addi %add3A_1189, %add3A_1190 : i32
          %get3A = arith.index_cast %add3A_1191 : i32 to index
          %get3A_1192 = arith.constant 0 : index
          %get3A_1193 = tpu.vector_load %arg14[%get3A, %get3A_1192] {strides = array<i32>} : memref<112x32xf32, #tpu.memory_space<vmem>>, vector<1x16xf32>,
          %get3A_1194 = vector.shape_cast %get3A_1193 : vector<1x16xf32> to vector<16xf32>
          %get3A_1195 = arith.index_cast %add3A_1191 : i32 to index
          %get3A_1196 = arith.constant 0 : index
          %get3A_1197 = tpu.vector_load %arg15[%get3A_1195, %get3A_1196] {strides = array<i32>} : memref<112x32xf32, #tpu.memory_space<vmem>>, vector<1x16xf32>,
          %get3A_1198 = vector.shape_cast %get3A_1197 : vector<1x16xf32> to vector<16xf32>
          %add3A_1199 = arith.addf %get3A_1194, %get3A_1198 : vector<16xf32>
          %mul3A_1200 = arith.constant 2.500000e-01 : f32
          %mul3A_1201 = vector.broadcast %mul3A_1200 : f32 to vector<16xf32>
          %mul3A_1202 = arith.mulf %add3A_1199, %mul3A_1201 : vector<16xf32>
          %swap3A = arith.index_cast %add3A_1191 : i32 to index
          %swap3A_1203 = arith.constant 0 : index
          %swap3A_1204 = tpu.vector_load %arg15[%swap3A, %swap3A_1203] {strides = array<i32>} : memref<112x32xf32, #tpu.memory_space<vmem>>, vector<1x16xf32>,
          %swap3A_1205 = vector.shape_cast %swap3A_1204 : vector<1x16xf32> to vector<16xf32>
          %swap3A_1206 = vector.shape_cast %mul3A_1202 : vector<16xf32> to vector<1x16xf32>
          tpu.vector_store %arg15[%swap3A, %swap3A_1203], %swap3A_1206 {strides = array<i32>} : memref<112x32xf32, #tpu.memory_space<vmem>>, vector<1x16xf32>,
          %get3A_1207 = arith.index_cast %add3A_1191 : i32 to index
          %get3A_1208 = arith.constant 16 : index
          %get3A_1209 = tpu.vector_load %arg14[%get3A_1207, %get3A_1208] {strides = array<i32>} : memref<112x32xf32, #tpu.memory_space<vmem>>, vector<1x16xf32>,
          %get3A_1210 = vector.shape_cast %get3A_1209 : vector<1x16xf32> to vector<16xf32>
          %get3A_1211 = arith.index_cast %add3A_1191 : i32 to index
          %get3A_1212 = arith.constant 16 : index
          %get3A_1213 = tpu.vector_load %arg15[%get3A_1211, %get3A_1212] {strides = array<i32>} : memref<112x32xf32, #tpu.memory_space<vmem>>, vector<1x16xf32>,
          %get3A_1214 = vector.shape_cast %get3A_1213 : vector<1x16xf32> to vector<16xf32>
          %add3A_1215 = arith.addf %get3A_1210, %get3A_1214 : vector<16xf32>
          %mul3A_1216 = arith.constant 2.500000e-01 : f32
          %mul3A_1217 = vector.broadcast %mul3A_1216 : f32 to vector<16xf32>
          %mul3A_1218 = arith.mulf %add3A_1215, %mul3A_1217 : vector<16xf32>
          %swap3A_1219 = arith.index_cast %add3A_1191 : i32 to index
          %swap3A_1220 = arith.constant 16 : index
          %swap3A_1221 = tpu.vector_load %arg15[%swap3A_1219, %swap3A_1220] {strides = array<i32>} : memref<112x32xf32, #tpu.memory_space<vmem>>, vector<1x16xf32>,
          %swap3A_1222 = vector.shape_cast %swap3A_1221 : vector<1x16xf32> to vector<16xf32>
          %swap3A_1223 = vector.shape_cast %mul3A_1218 : vector<16xf32> to vector<1x16xf32>
          tpu.vector_store %arg15[%swap3A_1219, %swap3A_1220], %swap3A_1223 {strides = array<i32>} : memref<112x32xf32, #tpu.memory_space<vmem>>, vector<1x16xf32>,
          %mul3A_1224 = arith.constant 56 : i32
          %mul3A_1225 = arith.muli %rem3A_1159, %mul3A_1224 : i32
          %mul3A_1226 = arith.constant 4 : i32
          %mul3A_1227 = arith.muli %scan3A_1183, %mul3A_1226 : i32
          %add3A_1228 = arith.addi %mul3A_1225, %mul3A_1227 : i32
          %add3A_1229 = arith.constant 1 : i32
          %add3A_1230 = arith.addi %add3A_1228, %add3A_1229 : i32
          %get3A_1231 = arith.index_cast %add3A_1230 : i32 to index
          %get3A_1232 = arith.constant 0 : index
          %get3A_1233 = tpu.vector_load %arg14[%get3A_1231, %get3A_1232] {strides = array<i32>} : memref<112x32xf32, #tpu.memory_space<vmem>>, vector<1x16xf32>,
          %get3A_1234 = vector.shape_cast %get3A_1233 : vector<1x16xf32> to vector<16xf32>
          %get3A_1235 = arith.index_cast %add3A_1230 : i32 to index
          %get3A_1236 = arith.constant 0 : index
          %get3A_1237 = tpu.vector_load %arg15[%get3A_1235, %get3A_1236] {strides = array<i32>} : memref<112x32xf32, #tpu.memory_space<vmem>>, vector<1x16xf32>,
          %get3A_1238 = vector.shape_cast %get3A_1237 : vector<1x16xf32> to vector<16xf32>
          %add3A_1239 = arith.addf %get3A_1234, %get3A_1238 : vector<16xf32>
          %mul3A_1240 = arith.constant 2.500000e-01 : f32
          %mul3A_1241 = vector.broadcast %mul3A_1240 : f32 to vector<16xf32>
          %mul3A_1242 = arith.mulf %add3A_1239, %mul3A_1241 : vector<16xf32>
          %swap3A_1243 = arith.index_cast %add3A_1230 : i32 to index
          %swap3A_1244 = arith.constant 0 : index
          %swap3A_1245 = tpu.vector_load %arg15[%swap3A_1243, %swap3A_1244] {strides = array<i32>} : memref<112x32xf32, #tpu.memory_space<vmem>>, vector<1x16xf32>,
          %swap3A_1246 = vector.shape_cast %swap3A_1245 : vector<1x16xf32> to vector<16xf32>
          %swap3A_1247 = vector.shape_cast %mul3A_1242 : vector<16xf32> to vector<1x16xf32>
          tpu.vector_store %arg15[%swap3A_1243, %swap3A_1244], %swap3A_1247 {strides = array<i32>} : memref<112x32xf32, #tpu.memory_space<vmem>>, vector<1x16xf32>,
          %get3A_1248 = arith.index_cast %add3A_1230 : i32 to index
          %get3A_1249 = arith.constant 16 : index
          %get3A_1250 = tpu.vector_load %arg14[%get3A_1248, %get3A_1249] {strides = array<i32>} : memref<112x32xf32, #tpu.memory_space<vmem>>, vector<1x16xf32>,
          %get3A_1251 = vector.shape_cast %get3A_1250 : vector<1x16xf32> to vector<16xf32>
          %get3A_1252 = arith.index_cast %add3A_1230 : i32 to index
          %get3A_1253 = arith.constant 16 : index
          %get3A_1254 = tpu.vector_load %arg15[%get3A_1252, %get3A_1253] {strides = array<i32>} : memref<112x32xf32, #tpu.memory_space<vmem>>, vector<1x16xf32>,
          %get3A_1255 = vector.shape_cast %get3A_1254 : vector<1x16xf32> to vector<16xf32>
          %add3A_1256 = arith.addf %get3A_1251, %get3A_1255 : vector<16xf32>
          %mul3A_1257 = arith.constant 2.500000e-01 : f32
          %mul3A_1258 = vector.broadcast %mul3A_1257 : f32 to vector<16xf32>
          %mul3A_1259 = arith.mulf %add3A_1256, %mul3A_1258 : vector<16xf32>
          %swap3A_1260 = arith.index_cast %add3A_1230 : i32 to index
          %swap3A_1261 = arith.constant 16 : index
          %swap3A_1262 = tpu.vector_load %arg15[%swap3A_1260, %swap3A_1261] {strides = array<i32>} : memref<112x32xf32, #tpu.memory_space<vmem>>, vector<1x16xf32>,
          %swap3A_1263 = vector.shape_cast %swap3A_1262 : vector<1x16xf32> to vector<16xf32>
          %swap3A_1264 = vector.shape_cast %mul3A_1259 : vector<16xf32> to vector<1x16xf32>
          tpu.vector_store %arg15[%swap3A_1260, %swap3A_1261], %swap3A_1264 {strides = array<i32>} : memref<112x32xf32, #tpu.memory_space<vmem>>, vector<1x16xf32>,
          %mul3A_1265 = arith.constant 56 : i32
          %mul3A_1266 = arith.muli %rem3A_1159, %mul3A_1265 : i32
          %mul3A_1267 = arith.constant 4 : i32
          %mul3A_1268 = arith.muli %scan3A_1183, %mul3A_1267 : i32
          %add3A_1269 = arith.addi %mul3A_1266, %mul3A_1268 : i32
          %add3A_1270 = arith.constant 2 : i32
          %add3A_1271 = arith.addi %add3A_1269, %add3A_1270 : i32
          %get3A_1272 = arith.index_cast %add3A_1271 : i32 to index
          %get3A_1273 = arith.constant 0 : index
          %get3A_1274 = tpu.vector_load %arg14[%get3A_1272, %get3A_1273] {strides = array<i32>} : memref<112x32xf32, #tpu.memory_space<vmem>>, vector<1x16xf32>,
          %get3A_1275 = vector.shape_cast %get3A_1274 : vector<1x16xf32> to vector<16xf32>
          %get3A_1276 = arith.index_cast %add3A_1271 : i32 to index
          %get3A_1277 = arith.constant 0 : index
          %get3A_1278 = tpu.vector_load %arg15[%get3A_1276, %get3A_1277] {strides = array<i32>} : memref<112x32xf32, #tpu.memory_space<vmem>>, vector<1x16xf32>,
          %get3A_1279 = vector.shape_cast %get3A_1278 : vector<1x16xf32> to vector<16xf32>
          %add3A_1280 = arith.addf %get3A_1275, %get3A_1279 : vector<16xf32>
          %mul3A_1281 = arith.constant 2.500000e-01 : f32
          %mul3A_1282 = vector.broadcast %mul3A_1281 : f32 to vector<16xf32>
          %mul3A_1283 = arith.mulf %add3A_1280, %mul3A_1282 : vector<16xf32>
          %swap3A_1284 = arith.index_cast %add3A_1271 : i32 to index
          %swap3A_1285 = arith.constant 0 : index
          %swap3A_1286 = tpu.vector_load %arg15[%swap3A_1284, %swap3A_1285] {strides = array<i32>} : memref<112x32xf32, #tpu.memory_space<vmem>>, vector<1x16xf32>,
          %swap3A_1287 = vector.shape_cast %swap3A_1286 : vector<1x16xf32> to vector<16xf32>
          %swap3A_1288 = vector.shape_cast %mul3A_1283 : vector<16xf32> to vector<1x16xf32>
          tpu.vector_store %arg15[%swap3A_1284, %swap3A_1285], %swap3A_1288 {strides = array<i32>} : memref<112x32xf32, #tpu.memory_space<vmem>>, vector<1x16xf32>,
          %get3A_1289 = arith.index_cast %add3A_1271 : i32 to index
          %get3A_1290 = arith.constant 16 : index
          %get3A_1291 = tpu.vector_load %arg14[%get3A_1289, %get3A_1290] {strides = array<i32>} : memref<112x32xf32, #tpu.memory_space<vmem>>, vector<1x16xf32>,
          %get3A_1292 = vector.shape_cast %get3A_1291 : vector<1x16xf32> to vector<16xf32>
          %get3A_1293 = arith.index_cast %add3A_1271 : i32 to index
          %get3A_1294 = arith.constant 16 : index
          %get3A_1295 = tpu.vector_load %arg15[%get3A_1293, %get3A_1294] {strides = array<i32>} : memref<112x32xf32, #tpu.memory_space<vmem>>, vector<1x16xf32>,
          %get3A_1296 = vector.shape_cast %get3A_1295 : vector<1x16xf32> to vector<16xf32>
          %add3A_1297 = arith.addf %get3A_1292, %get3A_1296 : vector<16xf32>
          %mul3A_1298 = arith.constant 2.500000e-01 : f32
          %mul3A_1299 = vector.broadcast %mul3A_1298 : f32 to vector<16xf32>
          %mul3A_1300 = arith.mulf %add3A_1297, %mul3A_1299 : vector<16xf32>
          %swap3A_1301 = arith.index_cast %add3A_1271 : i32 to index
          %swap3A_1302 = arith.constant 16 : index
          %swap3A_1303 = tpu.vector_load %arg15[%swap3A_1301, %swap3A_1302] {strides = array<i32>} : memref<112x32xf32, #tpu.memory_space<vmem>>, vector<1x16xf32>,
          %swap3A_1304 = vector.shape_cast %swap3A_1303 : vector<1x16xf32> to vector<16xf32>
          %swap3A_1305 = vector.shape_cast %mul3A_1300 : vector<16xf32> to vector<1x16xf32>
          tpu.vector_store %arg15[%swap3A_1301, %swap3A_1302], %swap3A_1305 {strides = array<i32>} : memref<112x32xf32, #tpu.memory_space<vmem>>, vector<1x16xf32>,
          %mul3A_1306 = arith.constant 56 : i32
          %mul3A_1307 = arith.muli %rem3A_1159, %mul3A_1306 : i32
          %mul3A_1308 = arith.constant 4 : i32
          %mul3A_1309 = arith.muli %scan3A_1183, %mul3A_1308 : i32
          %add3A_1310 = arith.addi %mul3A_1307, %mul3A_1309 : i32
          %add3A_1311 = arith.constant 3 : i32
          %add3A_1312 = arith.addi %add3A_1310, %add3A_1311 : i32
          %get3A_1313 = arith.index_cast %add3A_1312 : i32 to index
          %get3A_1314 = arith.constant 0 : index
          %get3A_1315 = tpu.vector_load %arg14[%get3A_1313, %get3A_1314] {strides = array<i32>} : memref<112x32xf32, #tpu.memory_space<vmem>>, vector<1x16xf32>,
          %get3A_1316 = vector.shape_cast %get3A_1315 : vector<1x16xf32> to vector<16xf32>
          %get3A_1317 = arith.index_cast %add3A_1312 : i32 to index
          %get3A_1318 = arith.constant 0 : index
          %get3A_1319 = tpu.vector_load %arg15[%get3A_1317, %get3A_1318] {strides = array<i32>} : memref<112x32xf32, #tpu.memory_space<vmem>>, vector<1x16xf32>,
          %get3A_1320 = vector.shape_cast %get3A_1319 : vector<1x16xf32> to vector<16xf32>
          %add3A_1321 = arith.addf %get3A_1316, %get3A_1320 : vector<16xf32>
          %mul3A_1322 = arith.constant 2.500000e-01 : f32
          %mul3A_1323 = vector.broadcast %mul3A_1322 : f32 to vector<16xf32>
          %mul3A_1324 = arith.mulf %add3A_1321, %mul3A_1323 : vector<16xf32>
          %swap3A_1325 = arith.index_cast %add3A_1312 : i32 to index
          %swap3A_1326 = arith.constant 0 : index
          %swap3A_1327 = tpu.vector_load %arg15[%swap3A_1325, %swap3A_1326] {strides = array<i32>} : memref<112x32xf32, #tpu.memory_space<vmem>>, vector<1x16xf32>,
          %swap3A_1328 = vector.shape_cast %swap3A_1327 : vector<1x16xf32> to vector<16xf32>
          %swap3A_1329 = vector.shape_cast %mul3A_1324 : vector<16xf32> to vector<1x16xf32>
          tpu.vector_store %arg15[%swap3A_1325, %swap3A_1326], %swap3A_1329 {strides = array<i32>} : memref<112x32xf32, #tpu.memory_space<vmem>>, vector<1x16xf32>,
          %get3A_1330 = arith.index_cast %add3A_1312 : i32 to index
          %get3A_1331 = arith.constant 16 : index
          %get3A_1332 = tpu.vector_load %arg14[%get3A_1330, %get3A_1331] {strides = array<i32>} : memref<112x32xf32, #tpu.memory_space<vmem>>, vector<1x16xf32>,
          %get3A_1333 = vector.shape_cast %get3A_1332 : vector<1x16xf32> to vector<16xf32>
          %get3A_1334 = arith.index_cast %add3A_1312 : i32 to index
          %get3A_1335 = arith.constant 16 : index
          %get3A_1336 = tpu.vector_load %arg15[%get3A_1334, %get3A_1335] {strides = array<i32>} : memref<112x32xf32, #tpu.memory_space<vmem>>, vector<1x16xf32>,
          %get3A_1337 = vector.shape_cast %get3A_1336 : vector<1x16xf32> to vector<16xf32>
          %add3A_1338 = arith.addf %get3A_1333, %get3A_1337 : vector<16xf32>
          %mul3A_1339 = arith.constant 2.500000e-01 : f32
          %mul3A_1340 = vector.broadcast %mul3A_1339 : f32 to vector<16xf32>
          %mul3A_1341 = arith.mulf %add3A_1338, %mul3A_1340 : vector<16xf32>
          %swap3A_1342 = arith.index_cast %add3A_1312 : i32 to index
          %swap3A_1343 = arith.constant 16 : index
          %swap3A_1344 = tpu.vector_load %arg15[%swap3A_1342, %swap3A_1343] {strides = array<i32>} : memref<112x32xf32, #tpu.memory_space<vmem>>, vector<1x16xf32>,
          %swap3A_1345 = vector.shape_cast %swap3A_1344 : vector<1x16xf32> to vector<16xf32>
          %swap3A_1346 = vector.shape_cast %mul3A_1341 : vector<16xf32> to vector<1x16xf32>
          tpu.vector_store %arg15[%swap3A_1342, %swap3A_1343], %swap3A_1346 {strides = array<i32>} : memref<112x32xf32, #tpu.memory_space<vmem>>, vector<1x16xf32>,
          %scan3A_1347 = arith.constant 0 : i32
          scf.yield %scan3A_1347 : i32
        }
        %scan3A_1166 = arith.constant 14 : i32
        %rem3A_1167 = arith.constant 2 : i32
        %rem3A_1168 = arith.remsi %scan3A_1137, %rem3A_1167 : i32
        %mul3A_1169 = arith.constant 56 : i32
        %mul3A_1170 = arith.muli %rem3A_1168, %mul3A_1169 : i32
        %add3A_1171 = arith.addi %mul3A_4, %mul3A_0 : i32
        %mul3A_1172 = arith.constant 56 : i32
        %mul3A_1173 = arith.muli %scan3A_1137, %mul3A_1172 : i32
        %add3A_1174 = arith.addi %add3A_1171, %mul3A_1173 : i32
        %dma_start3A_1175 = arith.constant 0 : i32
        %dma_start3A_1176 = tpu.memref_slice %arg15[%mul3A_1170, %dma_start3A_1175] : memref<112x32xf32, #tpu.memory_space<vmem>> -> memref<56x32xf32, #tpu.memory_space<vmem>>
        %dma_start3A_1177 = arith.constant 0 : i32
        %dma_start3A_1178 = tpu.memref_slice %arg7[%add3A_1174, %dma_start3A_1177] : memref<100352x32xf32, #tpu.memory_space<hbm>> -> memref<56x32xf32, #tpu.memory_space<hbm>>
        %dma_start3A_1179 = arith.constant 0 : i32
        %dma_start3A_1180 = tpu.memref_slice %arg7[%add3A_1174, %dma_start3A_1179] : memref<100352x32xf32, #tpu.memory_space<hbm>> -> memref<56x32xf32, #tpu.memory_space<hbm>>
        %dma_start3A_1181 = arith.constant 0 : i32
        %dma_start3A_1182 = tpu.memref_slice %arg15[%mul3A_1170, %dma_start3A_1181] : memref<112x32xf32, #tpu.memory_space<vmem>> -> memref<56x32xf32, #tpu.memory_space<vmem>>
        tpu.enqueue_dma source(%dma_start3A_1182 : memref<56x32xf32, #tpu.memory_space<vmem>>) target(%dma_start3A_1180 : memref<56x32xf32, #tpu.memory_space<hbm>>) target_semaphore(%arg22 : memref<!tpu.dma_semaphore, #tpu.memory_space<semaphore_mem>>)
      } else {
      }
      %scan3A_1157 = arith.constant 0 : i32
      scf.yield %scan3A_1157 : i32
    }
    %scan3A_1135 = arith.constant 57 : i32
    %barrier3A_1136 = arith.constant 0 : index
    tpu.barrier barrier_id(%barrier3A_1136)
    return
  }
}

</mosaic_0001>

<sc_bundles>
// kernel: _lightgcn_sc.3.cloned.1.call-start
scs
__scs_entry_jumppad:
0x0: {  	(pc) =	sbr.rel $0x88, $3  }
0x1: {  	(tag) =	ssettag $0x0;
	lr =	simm.s32 $0x1  }
0x2: {  	[smem:$0x3F9C] =	sst lr;
	_ =	strace $0xD0000000  }
0x3: {  	_ = 	snop  }
0x4: {  	_ = 	snop  }
0x5: {  	_ = 	snop  }
0x6: {  	_ = 	snop  }
0x7: {  	_ = 	snop  }
__scs_overlays_trampoline_lowered:
0x8: {  	[smem:$0x3FAB] =	sst s0  }
0x9: {  	[smem:$0x3FAC] =	sst s1  }
0xa: {  	[smem:$0x3FAD] =	sst s2  }
0xb: {  	[smem:$0x3FAE] =	sst s3  }
0xc: {  	[smem:$0x3FAF] =	sst s4  }
0xd: {  	[smem:$0x3FB0] =	sst s5  }
0xe: {  	[smem:$0x3FB1] =	sst s6  }
0xf: {  	[smem:$0x3FB2] =	sst s7  }
0x10: {  	[smem:$0x3FB3] =	sst s8  }
0x11: {  	[smem:$0x3FB4] =	sst s9;
	s0 =	simm.s32 @!p0 $0x0  }
0x12: {  	s1 =	sld [smem:$0x3F9A];
	s0 =	simm.s32 @p0 $0x1  }
0x13: {  	[smem:$0x3FB5] =	sst s0;
	s0 =	simm.s32 @!p1 $0x0  }
0x14: {  	s2 =	sld [smem:$0x3F99];
	s0 =	simm.s32 @p1 $0x1  }
0x15: {  	[smem:$0x3FB6] =	sst s0;
	s0 =	simm.s32 @!p2 $0x0  }
0x16: {  	s3 =	sld [smem:$0x3FDB];
	s0 =	simm.s32 @p2 $0x1  }
0x17: {  	s4 =	simm.s32 $0x1BF5;
	[smem:$0x3FB8] =	sst s0  }
0x18: {  	s0 =	sld [smem:$0x3F9B];
	_ =	swait.ge [sflag:s4], $0x0  }
0x19: {  	s7 =	sld [smem:$0x3F9C]  }
0x1a: {  	s8 =	sadd.s32 $0xFFFFE003, lr  }
0x1b: {  	s9 =	sadd.s32 $0xFFFFFEF7, lr;
	s5 =	simm.s32 $0xFFFFFFFF;
	p2 =	slt.u32 s8, $0xFFFFF086  }
0x1c: {  	p1 =	slt.u32 s9, $0xF7A;
	s5 =	simm.s32 @!p2 $0x0  }
0x1d: {  	s5 =	simm.s32 @p1 $0x1;
	p0 =	seq.s32 s7, s2  }
0x1e: {  	s7 =	smul.u32 @!p0 $0xF7A, s2;
	p2 =	seq.s32 @!p0 s5, $0x0  }
0x1f: {  	s9 =	smul.u32 $0xF7A, s1;
	s8 =	simm.s32 @!p0 $0x1BF5;
	p2 =	por !p2, p0  }
0x20: {  	[sflag:s8] =	ssyncset.s32 @!p0 $0xFFFFF086;
	s6 =	sadd.s32 @!p0 s3, s7;
	s7 =	simm.s32 @!p0 $0x108  }
0x21: {  	s3 =	sadd.s32 s3, s9;
	s6 =	sadd.s32 @!p0 $0x88, s6;
	s7 =	simm.s32 @p2 $0x1082  }
0x22: {  	[simem:s7], [sflag:s8] =	dma.local @!p0 [hbm:s6], $0xF7A  }
0x23: {  	s9 =	sor.u32 $0xD0000000, s2;
	s6 =	simm.s32 $0x108;
	_ =	swait.ge @!p0 [sflag:s8], $0x0  }
0x24: {  	s3 =	sadd.s32 $0x88, s3;
	s6 =	simm.s32 @!p1 $0x1082;
	[sflag:s4] =	ssyncset.s32 $0xFFFFF086  }
0x25: {  	[simem:s6], [sflag:s4] =	dma.local [hbm:s3], $0xF7A  }
0x26: {  	[smem:$0x3F9C] =	sst s1;
	(tag) =	ssettag s2;
	_ =	strace s9  }
0x27: {  	s1 =	sld [smem:$0x3FAC]  }
0x28: {  	s2 =	sld [smem:$0x3FAD]  }
0x29: {  	s4 =	sld [smem:$0x3FAF]  }
0x2a: {  	p0 =	seq.s32 s5, $0x0;
	s5 =	sld [smem:$0x3FB0]  }
0x2b: {  	s6 =	sld [smem:$0x3FB1]  }
0x2c: {  	s7 =	sld [smem:$0x3FB2]  }
0x2d: {  	s3 =	simm.s32 $0x108;
	s8 =	sld [smem:$0x3FB3]  }
0x2e: {  	s3 =	simm.s32 @!p0 $0x1082;
	s9 =	sld [smem:$0x3FB4]  }
0x2f: {  	lr =	sadd.s32 s0, s3;
	s0 =	sld [smem:$0x3FAB]  }
0x30: {  	s3 =	sld [smem:$0x3FAE]  }
0x31: {  	[smem:$0x3FB7] =	sst s10  }
0x32: {  	s10 =	sld [smem:$0x3FB5];
	_ =	sdelay $0x3  }
0x33: {  	p0 =	seq.s32 s10, $0x1;
	s10 =	sld [smem:$0x3FB7];
	_ =	sdelay $0x3  }
0x34: {  	[smem:$0x3FB7] =	sst s10  }
0x35: {  	s10 =	sld [smem:$0x3FB6];
	_ =	sdelay $0x3  }
0x36: {  	p1 =	seq.s32 s10, $0x1;
	s10 =	sld [smem:$0x3FB7];
	_ =	sdelay $0x3  }
0x37: {  	[smem:$0x3FB7] =	sst s10  }
0x38: {  	s10 =	sld [smem:$0x3FB8]  }
0x39: {  	_ = 	snop;
	(pc) =	sbr.ind lr, $3  }
0x3a: {  	_ = 	snop  }
0x3b: {  	_ = 	snop  }
0x3c: {  	p2 =	seq.s32 s10, $0x1;
	s10 =	sld [smem:$0x3FB7]  }
0x3d: {  	_ =	shalt  }
0x3e: {  	_ =	shalt  }
0x3f: {  	_ =	shalt  }
0x40: {  	_ =	shalt  }
0x41: {  	_ =	shalt  }
0x42: {  	_ =	shalt  }
0x43: {  	_ =	shalt  }
0x44: {  	_ =	shalt  }
0x45: {  	_ =	shalt  }
0x46: {  	_ =	shalt  }
0x47: {  	_ =	shalt  }
0x48: {  	_ =	shalt  }
0x49: {  	_ =	shalt  }
0x4a: {  	_ =	shalt  }
0x4b: {  	_ =	shalt  }
0x4c: {  	_ =	shalt  }
0x4d: {  	_ =	shalt  }
0x4e: {  	_ =	shalt  }
0x4f: {  	_ =	shalt  }
0x50: {  	_ =	shalt  }
0x51: {  	_ =	shalt  }
0x52: {  	_ =	shalt  }
0x53: {  	_ =	shalt  }
0x54: {  	_ =	shalt  }
0x55: {  	_ =	shalt  }
0x56: {  	_ =	shalt  }
0x57: {  	_ =	shalt  }
0x58: {  	_ =	shalt  }
0x59: {  	_ =	shalt  }
0x5a: {  	_ =	shalt  }
0x5b: {  	_ =	shalt  }
0x5c: {  	_ =	shalt  }
0x5d: {  	_ =	shalt  }
0x5e: {  	_ =	shalt  }
0x5f: {  	_ =	shalt  }
0x60: {  	_ =	shalt  }
0x61: {  	_ =	shalt  }
0x62: {  	_ =	shalt  }
0x63: {  	_ =	shalt  }
0x64: {  	_ =	shalt  }
0x65: {  	_ =	shalt  }
0x66: {  	_ =	shalt  }
0x67: {  	_ =	shalt  }
0x68: {  	_ =	shalt  }
0x69: {  	_ =	shalt  }
0x6a: {  	_ =	shalt  }
0x6b: {  	_ =	shalt  }
0x6c: {  	_ =	shalt  }
0x6d: {  	_ =	shalt  }
0x6e: {  	_ =	shalt  }
0x6f: {  	_ =	shalt  }
0x70: {  	_ =	shalt  }
0x71: {  	_ =	shalt  }
0x72: {  	_ =	shalt  }
0x73: {  	_ =	shalt  }
0x74: {  	_ =	shalt  }
0x75: {  	_ =	shalt  }
0x76: {  	_ =	shalt  }
0x77: {  	_ =	shalt  }
0x78: {  	_ =	shalt  }
0x79: {  	_ =	shalt  }
0x7a: {  	_ =	shalt  }
0x7b: {  	_ =	shalt  }
0x7c: {  	_ =	shalt  }
0x7d: {  	_ =	shalt  }
0x7e: {  	_ =	shalt  }
0x7f: {  	_ =	shalt  }
0x80: {  	_ =	shalt  }
0x81: {  	_ =	shalt  }
0x82: {  	_ =	shalt  }
0x83: {  	_ =	shalt  }
0x84: {  	_ =	shalt  }
0x85: {  	_ =	shalt  }
0x86: {  	_ =	shalt  }
0x87: {  	_ =	shalt  }
.Lfunc_end0:
.L_simem_size_0:
called_computation_lowered:
.L_overlay_start_0:
0x88: {  	s2 =	sld [smem:$0x3FD9]  }
0x89: {  	s3 =	sld [smem:$0x3FFE];
	_ =	sdelay $0x1  }
0x8a: {  	s1 =	srdreg.scid  }
0x8b: {  	s0 =	sand.u32 $0x1, s1  }
0x8c: {  	s18 =	sshll.u32 s0, $0xA;
	s2 =	sadd.s32 s3, s2  }
0x8d: {  	s3 =	sadd.s32 s2, s18  }
0x8e: {  	[smem:$0x3FC3] =	sst s3  }
0x8f: {  	_ = 	snop  }
0x90: {  	s3 =	sld [smem:$0x3FC8]  }
0x91: {  	s4 =	sld [smem:$0x3FC7]  }
0x92: {  	s5 =	sld [smem:$0x3FC6]  }
0x93: {  	s6 =	sld [smem:$0x3FD0];
	(tm) =	ssettm $0x1  }
0x94: {  	s7 =	sld [smem:$0x3FFB];
	_ =	sdelay $0x3  }
0x95: {  	_ =	strace s7  }
0x96: {  	s7 =	sld [smem:$0x3FFC];
	_ =	sdelay $0x3  }
0x97: {  	_ =	strace s7  }
0x98: {  	s7 =	sld [smem:$0x3FFD];
	_ =	sdelay $0x3  }
0x99: {  	_ =	strace s7  }
0x9a: {  	_ =	strace $0x8FFFFFFF  }
0x9b: {  	s19 =	sld [smem:$0x3FDB];
	_ =	sdelay $0x1  }
0x9c: {  	s8 =	simm.s32 $_scs_section_size  }
0x9d: {  	s9 =	simm.s32 $_size__tile_overlayer_lowered;
	s10 =	simm.s32 $_tile_overlayer_lowered  }
0x9e: {  	s22 =	simm.s32 $0x1BFF;
	s21 =	sshll.u32 s10, $0x1;
	s7 =	sadd.s32 s8, s19  }
0x9f: {  	s11 =	simm.s32 $0x0;
	s20 =	sshll.u32 s9, $0x1;
	s9 =	sadd.s32 s21, s7  }
0xa0: {  	[timem:s11], [sflag:s22] =	dma.local [hbm:s9], s20  }
0xa1: {  	_ =	swait.ge [sflag:s22], s20  }
0xa2: {  	s8 =	ssub.s32 $0x0, s20;
	[sflag:s22] =	ssyncset.done $0x0  }
0xa3: {  	[sflag:s22] =	ssyncadd.s32 s8;
	_ =	sdelay $0x1  }
0xa4: {  	s23 =	simm.s32 $0x1B8B  }
0xa5: {  	_ =	swait.ge [sflag:s23], $0x1  }
0xa6: {  	[sflag:s23] =	ssyncset.done $0x0  }
0xa7: {  	s25 =	simm.s32 $0x1B8E;
	s24 =	sld [smem:$0x3FFE];
	[sflag:s23] =	ssyncadd.s32 $0xFFFFFFFF  }
0xa8: {  	s26 =	simm.s32 $execute0_lowered;
	[smem:$0x3FD2] =	sst s25  }
0xa9: {  	s9 =	sshll.u32 s26, $0x1;
	_ =	strace $0x80000046;
	[dreg:$0x1] =	wrdreg $0xFFFFFFFF  }
0xaa: {  	s28 =	simm.s32 $_size_execute0_lowered;
	s7 =	sadd.s32 s7, s9;
	[dreg:$0x0] =	wrdreg $0x0  }
0xab: {  	s9 =	sshll.u32 s28, $0x1;
	[dreg:$0x2] =	wrdreg s7  }
0xac: {  	[dreg:$0x3] =	wrdreg s9  }
0xad: {  	[dreg:$0x4] =	wrdreg $0xC0  }
0xae: {  	_ =	task [dreg:s11], $0x5FFFF  }
0xaf: {  	[dreg:$0x1] =	wrdreg $0xFFFFFFFF  }
0xb0: {  	[dreg:$0x0] =	wrdreg $0x60  }
0xb1: {  	[dreg:$0x2] =	wrdreg s6  }
0xb2: {  	[dreg:$0x3] =	wrdreg s3  }
0xb3: {  	[dreg:$0x4] =	wrdreg s4  }
0xb4: {  	[dreg:$0x5] =	wrdreg s5  }
0xb5: {  	[dreg:$0x6] =	wrdreg s24  }
0xb6: {  	s2 =	sadd.s32 $0x800, s2;
	[dreg:$0x7] =	wrdreg $0x0  }
0xb7: {  	[dreg:$0x8] =	wrdreg s2  }
0xb8: {  	[dreg:$0x9] =	wrdreg $0x9  }
0xb9: {  	_ =	task.clear_ibuf [dreg:s11], $0xAFFFF;
	_ =	strace $0x90000046  }
0xba: {  	s29 =	simm.s32 $0x9;
	_ =	strace $0x80000048  }
0xbb: {  	_ =	swait.ge [sflag:s29], $0x1  }
0xbc: {  	[sflag:s29] =	ssyncadd.s32 $0xFFFFFFFF  }
0xbd: {  	_ =	strace $0x90000048  }
0xbe: {  	_ =	sfence  }
0xbf: {  	s30 =	sld [smem:$0x0];
	_ =	sdelay $0x2  }
0xc0: {  	s31 =	sshll.u32 s1, $0xD;
	s1 =	sshrl.u32 s1, $0x2  }
0xc1: {  	s3 =	sand.u32 $0x4000, s31;
	s1 =	sadd.s32 s1, s30  }
0xc2: {  	s0 =	sor.u32 s3, s0;
	s1 =	sshll.u32 s1, $0x11  }
0xc3: {  	s0 =	sor.u32 s1, s0  }
0xc4: {  	s0 =	sadd.s32 $0x8F2B, s0  }
0xc5: {  	[sflag:s0] =	ssyncadd.remote.s32 $0x1  }
0xc6: {  	_ =	sfence.sel $0xFFFF  }
0xc7: {  	[dreg:$0x0] =	wrdreg $0xFFFFFFFF;
	(pc) =	sbr.abs _section_cstart, $3  }
0xc8: {  	[dreg:$0x1] =	wrdreg $0xFFFFFFFF  }
0xc9: {  	_ =	task.clear_ibuf [dreg:s11], $0x2FFFF;
	_ =	strace $0x9FFFFFFF  }
0xca: {  	(tm) =	ssettm $0x7FFFFFFF  }
0xcb: {  	_ =	shalt  }
tec
execute0_lowered:
.L_overlay_start_1:
0x0: {  	(tag) =	ssettag $0x1  }
0x1: {  	s0 =	rddreg [dreg:$0x0]  }
0x2: {  	s2 =	rddreg [dreg:$0x1]  }
0x3: {  	s3 =	rddreg [dreg:$0x2]  }
0x4: {  	s4 =	rddreg [dreg:$0x3]  }
0x5: {  	s1 =	rddreg [dreg:$0x4]  }
0x6: {  	s5 =	rddreg [dreg:$0x5]  }
0x7: {  	s7 =	rddreg [dreg:$0x6];
	s8 =	simm.s32 $0x0;
	s19 =	stileid.u32  }
0x8: {  	s6 =	srdreg.scid;
	s31 =	simm.s32 $0x4;
	s9 =	smul.u32 $0xC40, s19  }
0x9: {  	[smem:$0x7FF] =	sst s8;
	s10 =	sadd.s32 $0x600, s1;
	s12 =	smul.u32 $0x62000, s19  }
0xa: {  	s6 =	sand.u32 $0x1, s6;
	s11 =	sadd.s32 $0x800, s1;
	s29 =	smul.u32 $0x1880, s19  }
0xb: {  	_ =	strace $0x80000047;
	s28 =	ssub.s32 $0x2, s6;
	s13 =	smul.u32 $0xC400, s6  }
0xc: {  	s14 =	sshrl.u32 s28, $0x1;
	s15 =	sshrl.u32 s12, $0x2;
	s21 =	sadd.s32 s2, s29  }
0xd: {  	s30 =	sadd.s32 s3, s29;
	s1 =	ssub.s32 s28, s14;
	[dreg:$0x9] =	wrdreg s21  }
0xe: {  	s20 =	sadd.s32 s15, s5;
	[dreg:$0xa] =	wrdreg s30;
	s14 =	sadd.s32 s4, s29  }
0xf: {  	s12 =	smul.u32 $0xC400, s19;
	s15 =	sadd.s32 $0x700, s20;
	[dreg:$0xb] =	wrdreg s14  }
0x10: {  	s16 =	sadd.s32 $0xE00, s20;
	s1 =	smax.u32 s1, $0x1;
	[dreg:$0x8] =	wrdreg s20  }
0x11: {  	s17 =	sshrl.u32 s12, $0x3;
	[dreg:$0x10] =	wrdreg s1;
	s24 =	sshrl.u32 s15, $0x3  }
0x12: {  	s18 =	sadd.s32 $0x1500, s20;
	s25 =	sshrl.u32 s16, $0x3;
	[dreg:$0x11] =	wrdreg s24  }
0x13: {  	s28 =	sadd.s32 $0x1C00, s20;
	s26 =	sshrl.u32 s18, $0x3;
	[dreg:$0x12] =	wrdreg s25  }
0x14: {  	s30 =	sadd.s32 $0x2A00, s20;
	s1 =	sshrl.u32 s28, $0x3;
	[dreg:$0x13] =	wrdreg s26  }
0x15: {  	s14 =	smul.u32 $0x31000, s6;
	s6 =	sshrl.u32 s30, $0x3;
	[dreg:$0x14] =	wrdreg s1  }
0x16: {  	s29 =	sadd.s32 $0x2300, s20;
	s17 =	sadd.s32 $0x80, s17;
	[dreg:$0x16] =	wrdreg s6  }
0x17: {  	s15 =	sadd.s32 $0x3800, s20;
	s21 =	sadd.s32 s2, s17;
	[dreg:$0xf] =	wrdreg s14  }
0x18: {  	s16 =	sadd.s32 $0x3F00, s20;
	s22 =	sadd.s32 s3, s17;
	[dreg:$0xc] =	wrdreg s21  }
0x19: {  	s18 =	sadd.s32 $0x4600, s20;
	s23 =	sadd.s32 s4, s17;
	[dreg:$0xd] =	wrdreg s22  }
0x1a: {  	s28 =	sadd.s32 $0x6900, s20;
	s1 =	sshrl.u32 s29, $0x3;
	[dreg:$0xe] =	wrdreg s23  }
0x1b: {  	s17 =	sshrl.u32 s16, $0x3;
	s29 =	sshrl.u32 s28, $0x3;
	[dreg:$0x15] =	wrdreg s1  }
0x1c: {  	s21 =	sadd.s32 s9, s13;
	s13 =	sadd.s32 $0x3100, s20;
	[dreg:$0x19] =	wrdreg s17  }
0x1d: {  	s23 =	sadd.s32 $0x5400, s20;
	[dreg:$0x1f] =	wrdreg s29;
	s1 =	sshrl.u32 s13, $0x3  }
0x1e: {  	s30 =	sadd.s32 $0x7000, s20;
	s24 =	sshrl.u32 s23, $0x3;
	[dreg:$0x17] =	wrdreg s1  }
0x1f: {  	s13 =	sadd.s32 $0x7E00, s20;
	s1 =	sshrl.u32 s15, $0x3;
	[dreg:$0x1c] =	wrdreg s24  }
0x20: {  	s25 =	sadd.s32 $0x5B00, s20;
	s15 =	sshrl.u32 s13, $0x3;
	[dreg:$0x18] =	wrdreg s1  }
0x21: {  	s22 =	sadd.s32 $0x4D00, s20;
	s1 =	sshrl.u32 s18, $0x3;
	[smem:$0x7D5] =	sst s15  }
0x22: {  	s18 =	sadd.s32 $0x9300, s20;
	[dreg:$0x1a] =	wrdreg s1;
	s1 =	sshrl.u32 s22, $0x3  }
0x23: {  	s26 =	sadd.s32 $0x6200, s20;
	s22 =	sshrl.u32 s18, $0x3;
	[dreg:$0x1b] =	wrdreg s1  }
0x24: {  	s6 =	sadd.s32 $0x7700, s20;
	s1 =	sshrl.u32 s25, $0x3;
	[smem:$0x7D8] =	sst s22  }
0x25: {  	s25 =	sadd.s32 $0xA800, s20;
	[dreg:$0x1d] =	wrdreg s1;
	s1 =	sshrl.u32 s26, $0x3  }
0x26: {  	s16 =	sadd.s32 $0x8500, s20;
	s26 =	sshrl.u32 s25, $0x3;
	[dreg:$0x1e] =	wrdreg s1  }
0x27: {  	s28 =	sadd.s32 $0xAF00, s20;
	s1 =	sshrl.u32 s30, $0x3;
	[smem:$0x7DB] =	sst s26  }
0x28: {  	s30 =	sadd.s32 $0xBD00, s20;
	[smem:$0x7D3] =	sst s1;
	s1 =	sshrl.u32 s6, $0x3  }
0x29: {  	s17 =	sadd.s32 $0x8C00, s20;
	s6 =	sshrl.u32 s30, $0x3;
	[smem:$0x7D4] =	sst s1  }
0x2a: {  	s29 =	sadd.s32 $0xB600, s20;
	s1 =	sshrl.u32 s16, $0x3;
	[smem:$0x7DE] =	sst s6  }
0x2b: {  	s16 =	sadd.s32 $0xD200, s20;
	[smem:$0x7D6] =	sst s1;
	s1 =	sshrl.u32 s17, $0x3  }
0x2c: {  	s23 =	sadd.s32 $0x9A00, s20;
	s17 =	sshrl.u32 s16, $0x3;
	[smem:$0x7D7] =	sst s1  }
0x2d: {  	s24 =	sadd.s32 $0xA100, s20;
	s1 =	sshrl.u32 s23, $0x3;
	[smem:$0x7E1] =	sst s17  }
0x2e: {  	s23 =	sadd.s32 $0xE700, s20;
	[smem:$0x7D9] =	sst s1;
	s1 =	sshrl.u32 s24, $0x3  }
0x2f: {  	s13 =	sadd.s32 $0xC400, s20;
	s24 =	sshrl.u32 s23, $0x3;
	[smem:$0x7DA] =	sst s1  }
0x30: {  	s15 =	sadd.s32 $0xCB00, s20;
	s1 =	sshrl.u32 s28, $0x3;
	[smem:$0x7E4] =	sst s24  }
0x31: {  	s28 =	sadd.s32 $0xFC00, s20;
	[smem:$0x7DC] =	sst s1;
	s1 =	sshrl.u32 s29, $0x3  }
0x32: {  	s18 =	sadd.s32 $0xD900, s20;
	s29 =	sshrl.u32 s28, $0x3;
	[smem:$0x7DD] =	sst s1  }
0x33: {  	s22 =	sadd.s32 $0xE000, s20;
	s1 =	sshrl.u32 s13, $0x3;
	[smem:$0x7E7] =	sst s29  }
0x34: {  	s13 =	sadd.s32 $0x11100, s20;
	[smem:$0x7DF] =	sst s1;
	s1 =	sshrl.u32 s15, $0x3  }
0x35: {  	s25 =	sadd.s32 $0xEE00, s20;
	s15 =	sshrl.u32 s13, $0x3;
	[smem:$0x7E0] =	sst s1  }
0x36: {  	s26 =	sadd.s32 $0xF500, s20;
	s1 =	sshrl.u32 s18, $0x3;
	[smem:$0x7EA] =	sst s15  }
0x37: {  	s18 =	sadd.s32 $0x12600, s20;
	[smem:$0x7E2] =	sst s1;
	s1 =	sshrl.u32 s22, $0x3  }
0x38: {  	s30 =	sadd.s32 $0x10300, s20;
	s22 =	sshrl.u32 s18, $0x3;
	[smem:$0x7E3] =	sst s1  }
0x39: {  	s6 =	sadd.s32 $0x10A00, s20;
	s1 =	sshrl.u32 s25, $0x3;
	[smem:$0x7ED] =	sst s22  }
0x3a: {  	s25 =	sadd.s32 $0x13B00, s20;
	[smem:$0x7E5] =	sst s1;
	s1 =	sshrl.u32 s26, $0x3  }
0x3b: {  	s16 =	sadd.s32 $0x11800, s20;
	s26 =	sshrl.u32 s25, $0x3;
	[smem:$0x7E6] =	sst s1  }
0x3c: {  	s17 =	sadd.s32 $0x11F00, s20;
	s1 =	sshrl.u32 s30, $0x3;
	[smem:$0x7F0] =	sst s26  }
0x3d: {  	s30 =	sadd.s32 $0x15000, s20;
	[smem:$0x7E8] =	sst s1;
	s1 =	sshrl.u32 s6, $0x3  }
0x3e: {  	s23 =	sadd.s32 $0x12D00, s20;
	s13 =	sshrl.u32 s30, $0x3;
	[smem:$0x7E9] =	sst s1  }
0x3f: {  	s24 =	sadd.s32 $0x13400, s20;
	s1 =	sshrl.u32 s16, $0x3;
	[smem:$0x7F3] =	sst s13  }
0x40: {  	s28 =	sadd.s32 $0x14200, s20;
	[smem:$0x7EB] =	sst s1;
	s1 =	sshrl.u32 s17, $0x3  }
0x41: {  	s17 =	sadd.s32 $0x16500, s20;
	[smem:$0x7EC] =	sst s1;
	s1 =	sshrl.u32 s23, $0x3  }
0x42: {  	s29 =	sadd.s32 $0x14900, s20;
	s18 =	sshrl.u32 s17, $0x3;
	[smem:$0x7EE] =	sst s1  }
0x43: {  	s15 =	sadd.s32 $0x15700, s20;
	s1 =	sshrl.u32 s24, $0x3;
	[smem:$0x7F6] =	sst s18  }
0x44: {  	s24 =	sadd.s32 $0x17A00, s20;
	[smem:$0x7EF] =	sst s1;
	s1 =	sshrl.u32 s28, $0x3  }
0x45: {  	s22 =	sadd.s32 $0x16C00, s20;
	s25 =	sshrl.u32 s24, $0x3;
	[smem:$0x7F1] =	sst s1  }
0x46: {  	s26 =	sadd.s32 $0x18100, s20;
	s28 =	sshll.u32 s19, $0x6;
	[smem:$0x7F9] =	sst s25  }
0x47: {  	s6 =	simm.s32 $0x80;
	s1 =	sshrl.u32 s29, $0x3;
	[smem:$0x7FB] =	sst s28  }
0x48: {  	s16 =	sadd.s32 $0x15E00, s20;
	s29 =	sshll.u32 s21, $0x2;
	[smem:$0x7F2] =	sst s1  }
0x49: {  	s23 =	sadd.s32 $0x17300, s20;
	s1 =	sshrl.u32 s15, $0x3;
	[smem:$0x7FC] =	sst s29  }
0x4a: {  	s24 =	sadd.s32 s0, s14;
	s30 =	sadd.s32 s0, s29;
	[smem:$0x7F4] =	sst s1  }
.Ltmp0:
0x4b: {  	s1 =	sshrl.u32 s16, $0x3;
	[smem:$0x7FD] =	sst s30;
	(pc) =	sbr.rel .LBB2_1-.Ltmp0, $4  }
0x4c: {  	s25 =	simm.s32 $0x1;
	[smem:$0x7F5] =	sst s1;
	s1 =	sshrl.u32 s22, $0x3  }
0x4d: {  	s22 =	simm.s32 $0x0;
	[smem:$0x7F7] =	sst s1;
	s1 =	sshrl.u32 s23, $0x3  }
0x4e: {  	s23 =	sor.u32 $0x1C08, s28;
	[smem:$0x7F8] =	sst s1;
	s1 =	sshrl.u32 s26, $0x3  }
0x4f: {  	s26 =	simm.s32 $0x8;
	[smem:$0x7FA] =	sst s1;
	s1 =	simm.s32 $0x3  }
.LBB2_51:
0x50: {  	s22 =	sadd.s32 $0x1, s22;
	s13 =	rddreg [dreg:$0x10]  }
0x51: {  	p0 =	sne.s32 s22, s13  }
.Ltmp1:
0x52: {  	_ = 	snop;
	(pc) =	sbr.rel @!p0 .LBB2_52-.Ltmp1, $2  }
0x53: {  	_ =	sdelay $0x1  }
0x54: {  	[bflag:$0x0] =	sbarrier.arrive $0xFFFF;
	_ =	sdelay $0x1  }
.LBB2_1:
0x55: {  	s13 =	rddreg [dreg:$0x8]  }
0x56: {  	s29 =	sshrl.u32 s13, $0x3  }
0x57: {  	[spmem:s29], [sflag:s23] =	dma.local [hbm:s10], $0xE0  }
0x58: {  	s15 =	rddreg [dreg:$0x11]  }
0x59: {  	[spmem:s15], [sflag:s23] =	dma.local [hbm:s10], $0xE0  }
0x5a: {  	s13 =	rddreg [dreg:$0x12]  }
0x5b: {  	[spmem:s13], [sflag:s23] =	dma.local [hbm:s10], $0xE0  }
0x5c: {  	s13 =	rddreg [dreg:$0x13]  }
0x5d: {  	[spmem:s13], [sflag:s23] =	dma.local [hbm:s10], $0xE0  }
0x5e: {  	s13 =	rddreg [dreg:$0x14]  }
0x5f: {  	[spmem:s13], [sflag:s23] =	dma.local [hbm:s10], $0xE0  }
0x60: {  	s13 =	rddreg [dreg:$0x15]  }
0x61: {  	[spmem:s13], [sflag:s23] =	dma.local [hbm:s10], $0xE0  }
0x62: {  	s13 =	rddreg [dreg:$0x16]  }
0x63: {  	[spmem:s13], [sflag:s23] =	dma.local [hbm:s10], $0xE0  }
0x64: {  	s13 =	rddreg [dreg:$0x17]  }
0x65: {  	[spmem:s13], [sflag:s23] =	dma.local [hbm:s10], $0xE0  }
0x66: {  	s13 =	rddreg [dreg:$0x18]  }
0x67: {  	[spmem:s13], [sflag:s23] =	dma.local [hbm:s10], $0xE0  }
0x68: {  	s13 =	rddreg [dreg:$0x19]  }
0x69: {  	[spmem:s13], [sflag:s23] =	dma.local [hbm:s10], $0xE0  }
0x6a: {  	s13 =	rddreg [dreg:$0x1a]  }
0x6b: {  	[spmem:s13], [sflag:s23] =	dma.local [hbm:s10], $0xE0  }
0x6c: {  	s13 =	rddreg [dreg:$0x1b]  }
0x6d: {  	[spmem:s13], [sflag:s23] =	dma.local [hbm:s10], $0xE0  }
0x6e: {  	s13 =	rddreg [dreg:$0x1c]  }
0x6f: {  	[spmem:s13], [sflag:s23] =	dma.local [hbm:s10], $0xE0  }
0x70: {  	s13 =	rddreg [dreg:$0x1d]  }
0x71: {  	[spmem:s13], [sflag:s23] =	dma.local [hbm:s10], $0xE0  }
0x72: {  	s13 =	rddreg [dreg:$0x1e]  }
0x73: {  	[spmem:s13], [sflag:s23] =	dma.local [hbm:s10], $0xE0  }
0x74: {  	s13 =	rddreg [dreg:$0x1f]  }
0x75: {  	[spmem:s13], [sflag:s23] =	dma.local [hbm:s10], $0xE0  }
0x76: {  	s13 =	sld [smem:$0x7D3];
	_ =	sdelay $0x2  }
0x77: {  	[spmem:s13], [sflag:s23] =	dma.local [hbm:s10], $0xE0  }
0x78: {  	s13 =	sld [smem:$0x7D4];
	_ =	sdelay $0x2  }
0x79: {  	[spmem:s13], [sflag:s23] =	dma.local [hbm:s10], $0xE0  }
0x7a: {  	s13 =	sld [smem:$0x7D5];
	_ =	sdelay $0x2  }
0x7b: {  	[spmem:s13], [sflag:s23] =	dma.local [hbm:s10], $0xE0  }
0x7c: {  	s13 =	sld [smem:$0x7D6];
	_ =	sdelay $0x2  }
0x7d: {  	[spmem:s13], [sflag:s23] =	dma.local [hbm:s10], $0xE0  }
0x7e: {  	s13 =	sld [smem:$0x7D7];
	_ =	sdelay $0x2  }
0x7f: {  	[spmem:s13], [sflag:s23] =	dma.local [hbm:s10], $0xE0  }
0x80: {  	s13 =	sld [smem:$0x7D8];
	_ =	sdelay $0x2  }
0x81: {  	[spmem:s13], [sflag:s23] =	dma.local [hbm:s10], $0xE0  }
0x82: {  	s13 =	sld [smem:$0x7D9];
	_ =	sdelay $0x2  }
0x83: {  	[spmem:s13], [sflag:s23] =	dma.local [hbm:s10], $0xE0  }
0x84: {  	s13 =	sld [smem:$0x7DA];
	_ =	sdelay $0x2  }
0x85: {  	[spmem:s13], [sflag:s23] =	dma.local [hbm:s10], $0xE0  }
0x86: {  	s13 =	sld [smem:$0x7DB];
	_ =	sdelay $0x2  }
0x87: {  	[spmem:s13], [sflag:s23] =	dma.local [hbm:s10], $0xE0  }
0x88: {  	s13 =	sld [smem:$0x7DC];
	_ =	sdelay $0x2  }
0x89: {  	[spmem:s13], [sflag:s23] =	dma.local [hbm:s10], $0xE0  }
0x8a: {  	s13 =	sld [smem:$0x7DD];
	_ =	sdelay $0x2  }
0x8b: {  	[spmem:s13], [sflag:s23] =	dma.local [hbm:s10], $0xE0  }
0x8c: {  	s13 =	sld [smem:$0x7DE];
	_ =	sdelay $0x2  }
0x8d: {  	[spmem:s13], [sflag:s23] =	dma.local [hbm:s10], $0xE0  }
0x8e: {  	s13 =	sld [smem:$0x7DF];
	_ =	sdelay $0x2  }
0x8f: {  	[spmem:s13], [sflag:s23] =	dma.local [hbm:s10], $0xE0  }
0x90: {  	s13 =	sld [smem:$0x7E0];
	_ =	sdelay $0x2  }
0x91: {  	[spmem:s13], [sflag:s23] =	dma.local [hbm:s10], $0xE0  }
0x92: {  	s13 =	sld [smem:$0x7E1];
	_ =	sdelay $0x2  }
0x93: {  	[spmem:s13], [sflag:s23] =	dma.local [hbm:s10], $0xE0  }
0x94: {  	s13 =	sld [smem:$0x7E2];
	_ =	sdelay $0x2  }
0x95: {  	[spmem:s13], [sflag:s23] =	dma.local [hbm:s10], $0xE0  }
0x96: {  	s13 =	sld [smem:$0x7E3];
	_ =	sdelay $0x2  }
0x97: {  	[spmem:s13], [sflag:s23] =	dma.local [hbm:s10], $0xE0  }
0x98: {  	s13 =	sld [smem:$0x7E4];
	_ =	sdelay $0x2  }
0x99: {  	[spmem:s13], [sflag:s23] =	dma.local [hbm:s10], $0xE0  }
0x9a: {  	s13 =	sld [smem:$0x7E5];
	_ =	sdelay $0x2  }
0x9b: {  	[spmem:s13], [sflag:s23] =	dma.local [hbm:s10], $0xE0  }
0x9c: {  	s13 =	sld [smem:$0x7E6];
	_ =	sdelay $0x2  }
0x9d: {  	[spmem:s13], [sflag:s23] =	dma.local [hbm:s10], $0xE0  }
0x9e: {  	s13 =	sld [smem:$0x7E7];
	_ =	sdelay $0x2  }
0x9f: {  	[spmem:s13], [sflag:s23] =	dma.local [hbm:s10], $0xE0  }
0xa0: {  	s13 =	sld [smem:$0x7E8];
	_ =	sdelay $0x2  }
0xa1: {  	[spmem:s13], [sflag:s23] =	dma.local [hbm:s10], $0xE0  }
0xa2: {  	s13 =	sld [smem:$0x7E9];
	_ =	sdelay $0x2  }
0xa3: {  	[spmem:s13], [sflag:s23] =	dma.local [hbm:s10], $0xE0  }
0xa4: {  	s13 =	sld [smem:$0x7EA];
	_ =	sdelay $0x2  }
0xa5: {  	[spmem:s13], [sflag:s23] =	dma.local [hbm:s10], $0xE0  }
0xa6: {  	s13 =	sld [smem:$0x7EB];
	_ =	sdelay $0x2  }
0xa7: {  	[spmem:s13], [sflag:s23] =	dma.local [hbm:s10], $0xE0  }
0xa8: {  	s13 =	sld [smem:$0x7EC];
	_ =	sdelay $0x2  }
0xa9: {  	[spmem:s13], [sflag:s23] =	dma.local [hbm:s10], $0xE0  }
0xaa: {  	s13 =	sld [smem:$0x7ED];
	_ =	sdelay $0x2  }
0xab: {  	[spmem:s13], [sflag:s23] =	dma.local [hbm:s10], $0xE0  }
0xac: {  	s13 =	sld [smem:$0x7EE];
	_ =	sdelay $0x2  }
0xad: {  	[spmem:s13], [sflag:s23] =	dma.local [hbm:s10], $0xE0  }
0xae: {  	s13 =	sld [smem:$0x7EF];
	_ =	sdelay $0x2  }
0xaf: {  	[spmem:s13], [sflag:s23] =	dma.local [hbm:s10], $0xE0  }
0xb0: {  	s13 =	sld [smem:$0x7F0];
	_ =	sdelay $0x2  }
0xb1: {  	[spmem:s13], [sflag:s23] =	dma.local [hbm:s10], $0xE0  }
0xb2: {  	s13 =	sld [smem:$0x7F1];
	_ =	sdelay $0x2  }
0xb3: {  	[spmem:s13], [sflag:s23] =	dma.local [hbm:s10], $0xE0  }
0xb4: {  	s13 =	sld [smem:$0x7F2];
	_ =	sdelay $0x2  }
0xb5: {  	[spmem:s13], [sflag:s23] =	dma.local [hbm:s10], $0xE0  }
0xb6: {  	s13 =	sld [smem:$0x7F3];
	_ =	sdelay $0x2  }
0xb7: {  	[spmem:s13], [sflag:s23] =	dma.local [hbm:s10], $0xE0  }
0xb8: {  	s13 =	sld [smem:$0x7F4];
	_ =	sdelay $0x2  }
0xb9: {  	[spmem:s13], [sflag:s23] =	dma.local [hbm:s10], $0xE0  }
0xba: {  	s13 =	sld [smem:$0x7F5];
	_ =	sdelay $0x2  }
0xbb: {  	[spmem:s13], [sflag:s23] =	dma.local [hbm:s10], $0xE0  }
0xbc: {  	s13 =	sld [smem:$0x7F6];
	_ =	sdelay $0x2  }
0xbd: {  	[spmem:s13], [sflag:s23] =	dma.local [hbm:s10], $0xE0  }
0xbe: {  	s13 =	sld [smem:$0x7F7];
	_ =	sdelay $0x2  }
0xbf: {  	[spmem:s13], [sflag:s23] =	dma.local [hbm:s10], $0xE0  }
0xc0: {  	s13 =	sld [smem:$0x7F8];
	_ =	sdelay $0x2  }
0xc1: {  	[spmem:s13], [sflag:s23] =	dma.local [hbm:s10], $0xE0  }
0xc2: {  	s13 =	sld [smem:$0x7F9];
	_ =	sdelay $0x2  }
0xc3: {  	[spmem:s13], [sflag:s23] =	dma.local [hbm:s10], $0xE0  }
0xc4: {  	s13 =	sld [smem:$0x7FA];
	_ =	sdelay $0x2  }
0xc5: {  	[spmem:s13], [sflag:s23] =	dma.local [hbm:s10], $0xE0  }
0xc6: {  	_ =	swait.ge [sflag:s26], $0xE0  }
0xc7: {  	[sflag:s26] =	ssyncset.done $0x0  }
0xc8: {  	[sflag:s26] =	ssyncadd.s32 $0xFFFFFF20  }
0xc9: {  	_ =	swait.ge [sflag:s26], $0xE0  }
0xca: {  	[sflag:s26] =	ssyncset.done $0x0  }
0xcb: {  	[sflag:s26] =	ssyncadd.s32 $0xFFFFFF20  }
0xcc: {  	_ =	swait.ge [sflag:s26], $0xE0  }
0xcd: {  	[sflag:s26] =	ssyncset.done $0x0  }
0xce: {  	[sflag:s26] =	ssyncadd.s32 $0xFFFFFF20  }
0xcf: {  	_ =	swait.ge [sflag:s26], $0xE0  }
0xd0: {  	[sflag:s26] =	ssyncset.done $0x0  }
0xd1: {  	[sflag:s26] =	ssyncadd.s32 $0xFFFFFF20  }
0xd2: {  	_ =	swait.ge [sflag:s26], $0xE0  }
0xd3: {  	[sflag:s26] =	ssyncset.done $0x0  }
0xd4: {  	[sflag:s26] =	ssyncadd.s32 $0xFFFFFF20  }
0xd5: {  	_ =	swait.ge [sflag:s26], $0xE0  }
0xd6: {  	[sflag:s26] =	ssyncset.done $0x0  }
0xd7: {  	[sflag:s26] =	ssyncadd.s32 $0xFFFFFF20  }
0xd8: {  	_ =	swait.ge [sflag:s26], $0xE0  }
0xd9: {  	[sflag:s26] =	ssyncset.done $0x0  }
0xda: {  	[sflag:s26] =	ssyncadd.s32 $0xFFFFFF20  }
0xdb: {  	_ =	swait.ge [sflag:s26], $0xE0  }
0xdc: {  	[sflag:s26] =	ssyncset.done $0x0  }
0xdd: {  	[sflag:s26] =	ssyncadd.s32 $0xFFFFFF20  }
0xde: {  	_ =	swait.ge [sflag:s26], $0xE0  }
0xdf: {  	[sflag:s26] =	ssyncset.done $0x0  }
0xe0: {  	[sflag:s26] =	ssyncadd.s32 $0xFFFFFF20  }
0xe1: {  	_ =	swait.ge [sflag:s26], $0xE0  }
0xe2: {  	[sflag:s26] =	ssyncset.done $0x0  }
0xe3: {  	[sflag:s26] =	ssyncadd.s32 $0xFFFFFF20  }
0xe4: {  	_ =	swait.ge [sflag:s26], $0xE0  }
0xe5: {  	[sflag:s26] =	ssyncset.done $0x0  }
0xe6: {  	[sflag:s26] =	ssyncadd.s32 $0xFFFFFF20  }
0xe7: {  	_ =	swait.ge [sflag:s26], $0xE0  }
0xe8: {  	[sflag:s26] =	ssyncset.done $0x0  }
0xe9: {  	[sflag:s26] =	ssyncadd.s32 $0xFFFFFF20  }
0xea: {  	_ =	swait.ge [sflag:s26], $0xE0  }
0xeb: {  	[sflag:s26] =	ssyncset.done $0x0  }
0xec: {  	[sflag:s26] =	ssyncadd.s32 $0xFFFFFF20  }
0xed: {  	_ =	swait.ge [sflag:s26], $0xE0  }
0xee: {  	[sflag:s26] =	ssyncset.done $0x0  }
0xef: {  	[sflag:s26] =	ssyncadd.s32 $0xFFFFFF20  }
0xf0: {  	_ =	swait.ge [sflag:s26], $0xE0  }
0xf1: {  	[sflag:s26] =	ssyncset.done $0x0  }
0xf2: {  	[sflag:s26] =	ssyncadd.s32 $0xFFFFFF20  }
0xf3: {  	_ =	swait.ge [sflag:s26], $0xE0  }
0xf4: {  	[sflag:s26] =	ssyncset.done $0x0  }
0xf5: {  	[sflag:s26] =	ssyncadd.s32 $0xFFFFFF20  }
0xf6: {  	_ =	swait.ge [sflag:s26], $0xE0  }
0xf7: {  	[sflag:s26] =	ssyncset.done $0x0  }
0xf8: {  	[sflag:s26] =	ssyncadd.s32 $0xFFFFFF20  }
0xf9: {  	_ =	swait.ge [sflag:s26], $0xE0  }
0xfa: {  	[sflag:s26] =	ssyncset.done $0x0  }
0xfb: {  	[sflag:s26] =	ssyncadd.s32 $0xFFFFFF20  }
0xfc: {  	_ =	swait.ge [sflag:s26], $0xE0  }
0xfd: {  	[sflag:s26] =	ssyncset.done $0x0  }
0xfe: {  	[sflag:s26] =	ssyncadd.s32 $0xFFFFFF20  }
0xff: {  	_ =	swait.ge [sflag:s26], $0xE0  }
0x100: {  	[sflag:s26] =	ssyncset.done $0x0  }
0x101: {  	[sflag:s26] =	ssyncadd.s32 $0xFFFFFF20  }
0x102: {  	_ =	swait.ge [sflag:s26], $0xE0  }
0x103: {  	[sflag:s26] =	ssyncset.done $0x0  }
0x104: {  	[sflag:s26] =	ssyncadd.s32 $0xFFFFFF20  }
0x105: {  	_ =	swait.ge [sflag:s26], $0xE0  }
0x106: {  	[sflag:s26] =	ssyncset.done $0x0  }
0x107: {  	[sflag:s26] =	ssyncadd.s32 $0xFFFFFF20  }
0x108: {  	_ =	swait.ge [sflag:s26], $0xE0  }
0x109: {  	[sflag:s26] =	ssyncset.done $0x0  }
0x10a: {  	[sflag:s26] =	ssyncadd.s32 $0xFFFFFF20  }
0x10b: {  	_ =	swait.ge [sflag:s26], $0xE0  }
0x10c: {  	[sflag:s26] =	ssyncset.done $0x0  }
0x10d: {  	[sflag:s26] =	ssyncadd.s32 $0xFFFFFF20  }
0x10e: {  	_ =	swait.ge [sflag:s26], $0xE0  }
0x10f: {  	[sflag:s26] =	ssyncset.done $0x0  }
0x110: {  	[sflag:s26] =	ssyncadd.s32 $0xFFFFFF20  }
0x111: {  	_ =	swait.ge [sflag:s26], $0xE0  }
0x112: {  	[sflag:s26] =	ssyncset.done $0x0  }
0x113: {  	[sflag:s26] =	ssyncadd.s32 $0xFFFFFF20  }
0x114: {  	_ =	swait.ge [sflag:s26], $0xE0  }
0x115: {  	[sflag:s26] =	ssyncset.done $0x0  }
0x116: {  	[sflag:s26] =	ssyncadd.s32 $0xFFFFFF20  }
0x117: {  	_ =	swait.ge [sflag:s26], $0xE0  }
0x118: {  	[sflag:s26] =	ssyncset.done $0x0  }
0x119: {  	[sflag:s26] =	ssyncadd.s32 $0xFFFFFF20  }
0x11a: {  	_ =	swait.ge [sflag:s26], $0xE0  }
0x11b: {  	[sflag:s26] =	ssyncset.done $0x0  }
0x11c: {  	[sflag:s26] =	ssyncadd.s32 $0xFFFFFF20  }
0x11d: {  	_ =	swait.ge [sflag:s26], $0xE0  }
0x11e: {  	[sflag:s26] =	ssyncset.done $0x0  }
0x11f: {  	[sflag:s26] =	ssyncadd.s32 $0xFFFFFF20  }
0x120: {  	_ =	swait.ge [sflag:s26], $0xE0  }
0x121: {  	[sflag:s26] =	ssyncset.done $0x0  }
0x122: {  	[sflag:s26] =	ssyncadd.s32 $0xFFFFFF20  }
0x123: {  	_ =	swait.ge [sflag:s26], $0xE0  }
0x124: {  	[sflag:s26] =	ssyncset.done $0x0  }
0x125: {  	[sflag:s26] =	ssyncadd.s32 $0xFFFFFF20  }
0x126: {  	_ =	swait.ge [sflag:s26], $0xE0  }
0x127: {  	[sflag:s26] =	ssyncset.done $0x0  }
0x128: {  	[sflag:s26] =	ssyncadd.s32 $0xFFFFFF20  }
0x129: {  	_ =	swait.ge [sflag:s26], $0xE0  }
0x12a: {  	[sflag:s26] =	ssyncset.done $0x0  }
0x12b: {  	[sflag:s26] =	ssyncadd.s32 $0xFFFFFF20  }
0x12c: {  	_ =	swait.ge [sflag:s26], $0xE0  }
0x12d: {  	[sflag:s26] =	ssyncset.done $0x0  }
0x12e: {  	[sflag:s26] =	ssyncadd.s32 $0xFFFFFF20  }
0x12f: {  	_ =	swait.ge [sflag:s26], $0xE0  }
0x130: {  	[sflag:s26] =	ssyncset.done $0x0  }
0x131: {  	[sflag:s26] =	ssyncadd.s32 $0xFFFFFF20  }
0x132: {  	_ =	swait.ge [sflag:s26], $0xE0  }
0x133: {  	[sflag:s26] =	ssyncset.done $0x0  }
0x134: {  	[sflag:s26] =	ssyncadd.s32 $0xFFFFFF20  }
0x135: {  	_ =	swait.ge [sflag:s26], $0xE0  }
0x136: {  	[sflag:s26] =	ssyncset.done $0x0  }
0x137: {  	[sflag:s26] =	ssyncadd.s32 $0xFFFFFF20  }
0x138: {  	_ =	swait.ge [sflag:s26], $0xE0  }
0x139: {  	[sflag:s26] =	ssyncset.done $0x0  }
0x13a: {  	[sflag:s26] =	ssyncadd.s32 $0xFFFFFF20  }
0x13b: {  	_ =	swait.ge [sflag:s26], $0xE0  }
0x13c: {  	[sflag:s26] =	ssyncset.done $0x0  }
0x13d: {  	[sflag:s26] =	ssyncadd.s32 $0xFFFFFF20  }
0x13e: {  	_ =	swait.ge [sflag:s26], $0xE0  }
0x13f: {  	[sflag:s26] =	ssyncset.done $0x0  }
0x140: {  	[sflag:s26] =	ssyncadd.s32 $0xFFFFFF20  }
0x141: {  	_ =	swait.ge [sflag:s26], $0xE0  }
0x142: {  	[sflag:s26] =	ssyncset.done $0x0  }
0x143: {  	[sflag:s26] =	ssyncadd.s32 $0xFFFFFF20  }
0x144: {  	_ =	swait.ge [sflag:s26], $0xE0  }
0x145: {  	[sflag:s26] =	ssyncset.done $0x0  }
0x146: {  	[sflag:s26] =	ssyncadd.s32 $0xFFFFFF20  }
0x147: {  	_ =	swait.ge [sflag:s26], $0xE0  }
0x148: {  	[sflag:s26] =	ssyncset.done $0x0  }
0x149: {  	[sflag:s26] =	ssyncadd.s32 $0xFFFFFF20  }
0x14a: {  	_ =	swait.ge [sflag:s26], $0xE0  }
0x14b: {  	[sflag:s26] =	ssyncset.done $0x0  }
0x14c: {  	[sflag:s26] =	ssyncadd.s32 $0xFFFFFF20  }
0x14d: {  	_ =	swait.ge [sflag:s26], $0xE0  }
0x14e: {  	[sflag:s26] =	ssyncset.done $0x0  }
0x14f: {  	[sflag:s26] =	ssyncadd.s32 $0xFFFFFF20  }
0x150: {  	_ =	swait.ge [sflag:s26], $0xE0  }
0x151: {  	[sflag:s26] =	ssyncset.done $0x0  }
0x152: {  	[sflag:s26] =	ssyncadd.s32 $0xFFFFFF20  }
0x153: {  	_ =	swait.ge [sflag:s26], $0xE0  }
0x154: {  	[sflag:s26] =	ssyncset.done $0x0  }
0x155: {  	[sflag:s26] =	ssyncadd.s32 $0xFFFFFF20  }
0x156: {  	_ =	swait.ge [sflag:s26], $0xE0  }
0x157: {  	[sflag:s26] =	ssyncset.done $0x0  }
0x158: {  	[sflag:s26] =	ssyncadd.s32 $0xFFFFFF20  }
0x159: {  	_ =	swait.ge [sflag:s26], $0xE0  }
0x15a: {  	[sflag:s26] =	ssyncset.done $0x0  }
0x15b: {  	[sflag:s26] =	ssyncadd.s32 $0xFFFFFF20  }
0x15c: {  	_ =	swait.ge [sflag:s26], $0xE0  }
0x15d: {  	[sflag:s26] =	ssyncset.done $0x0  }
0x15e: {  	[sflag:s26] =	ssyncadd.s32 $0xFFFFFF20  }
0x15f: {  	_ =	swait.ge [sflag:s26], $0xE0  }
0x160: {  	[sflag:s26] =	ssyncset.done $0x0  }
0x161: {  	[sflag:s26] =	ssyncadd.s32 $0xFFFFFF20  }
0x162: {  	_ =	swait.ge [sflag:s26], $0xE0  }
0x163: {  	[sflag:s26] =	ssyncset.done $0x0  }
0x164: {  	[sflag:s26] =	ssyncadd.s32 $0xFFFFFF20  }
0x165: {  	_ =	swait.ge [sflag:s26], $0xE0  }
0x166: {  	[sflag:s26] =	ssyncset.done $0x0  }
0x167: {  	[sflag:s26] =	ssyncadd.s32 $0xFFFFFF20  }
0x168: {  	_ =	swait.ge [sflag:s26], $0xE0  }
0x169: {  	[sflag:s26] =	ssyncset.done $0x0  }
0x16a: {  	[sflag:s26] =	ssyncadd.s32 $0xFFFFFF20  }
0x16b: {  	_ =	swait.ge [sflag:s26], $0xE0  }
0x16c: {  	[sflag:s26] =	ssyncset.done $0x0  }
0x16d: {  	[sflag:s26] =	ssyncadd.s32 $0xFFFFFF20  }
0x16e: {  	[bflag:$0x0] =	sbarrier.arrive $0xFFFF  }
0x16f: {  	s14 =	simm.s32 $0x18800;
	s16 =	rddreg [dreg:$0x9]  }
0x170: {  	[tilespmem:s14], [sflag:$0x1] =	stream.linear.gather [hbm4b:s16+s8], $0x400, $0x38;
	[tilespmem:$0x1FC00] =	vst v63  }
0x171: {  	s15 =	simm.s32 $0x19000;
	s17 =	rddreg [dreg:$0xa]  }
0x172: {  	[tilespmem:s15], [sflag:$0x1] =	stream.linear.gather [hbm4b:s17+s8], $0x400, $0x38;
	[tilespmem:$0x1FC00] =	vst v63  }
0x173: {  	s19 =	simm.s32 $0x19800;
	s18 =	rddreg [dreg:$0xb]  }
0x174: {  	[tilespmem:s19], [sflag:$0x1] =	stream.linear.gather [hbm4b:s18+s8], $0x400, $0x38;
	[tilespmem:$0x1FC00] =	vst v63  }
0x175: {  	s28 =	simm.s32 $0x18C00;
	s20 =	rddreg [dreg:$0xc]  }
0x176: {  	[tilespmem:s28], [sflag:$0x1] =	stream.linear.gather [hbm4b:s20+s8], $0x400, $0x38;
	[tilespmem:$0x1FC00] =	vst v63  }
0x177: {  	s16 =	simm.s32 $0x19400;
	s15 =	rddreg [dreg:$0xd]  }
0x178: {  	[tilespmem:s16], [sflag:$0x1] =	stream.linear.gather [hbm4b:s15+s8], $0x400, $0x38;
	[tilespmem:$0x1FC00] =	vst v63  }
0x179: {  	s17 =	rddreg [dreg:$0xe];
	s18 =	simm.s32 $0x19C00  }
0x17a: {  	[tilespmem:s18], [sflag:$0x1] =	stream.linear.gather [hbm4b:s17+s8], $0x400, $0x38;
	[tilespmem:$0x1FC00] =	vst v63  }
0x17b: {  	_ =	swait.ge [sflag:s25], $0x400  }
0x17c: {  	[sflag:s25] =	ssyncset.done $0x0  }
0x17d: {  	[sflag:s25] =	ssyncadd.s32 $0xFFFFFC00  }
0x17e: {  	_ =	swait.ge [sflag:s25], $0x400  }
0x17f: {  	[sflag:s25] =	ssyncset.done $0x0  }
0x180: {  	[sflag:s25] =	ssyncadd.s32 $0xFFFFFC00  }
0x181: {  	_ =	swait.ge [sflag:s25], $0x400  }
0x182: {  	[sflag:s25] =	ssyncset.done $0x0  }
0x183: {  	[sflag:s25] =	ssyncadd.s32 $0xFFFFFC00  }
0x184: {  	_ =	swait.ge [sflag:s25], $0x400  }
0x185: {  	[sflag:s25] =	ssyncset.done $0x0  }
0x186: {  	[sflag:s25] =	ssyncadd.s32 $0xFFFFFC00  }
0x187: {  	_ =	swait.ge [sflag:s25], $0x400  }
0x188: {  	[sflag:s25] =	ssyncset.done $0x0  }
0x189: {  	[sflag:s25] =	ssyncadd.s32 $0xFFFFFC00  }
0x18a: {  	_ =	swait.ge [sflag:s25], $0x400  }
0x18b: {  	[sflag:s25] =	ssyncset.done $0x0  }
.Ltmp2:
0x18c: {  	s19 =	simm.s32 $0x1A000;
	[sflag:s25] =	ssyncadd.s32 $0xFFFFFC00;
	(pc) =	sbr.rel .LBB2_2-.Ltmp2, $4  }
0x18d: {  	[tilespmem:s19], [sflag:$0x2] =	stream.indirect.gather [hbm4b:s24+s6], $0x20, s14, s6, $0xb8;
	[tilespmem:$0x1FC00] =	vst v63  }
0x18e: {  	s20 =	simm.s32 $0x18880;
	s28 =	simm.s32 $0x1B000  }
0x18f: {  	[tilespmem:s28], [sflag:$0x3] =	stream.indirect.gather [hbm4b:s24+s6], $0x20, s20, s6, $0xb8;
	[tilespmem:$0x1FC00] =	vst v63  }
0x190: {  	s30 =	simm.s32 $0x0;
	s14 =	simm.s32 $0x0;
	s20 =	simm.s32 $0x0  }
.LBB2_12:
0x191: {  	s14 =	sadd.s32 $0x1, s14  }
0x192: {  	p0 =	sne.s32 s14, $0x18A  }
.Ltmp3:
0x193: {  	_ = 	snop;
	(pc) =	sbr.rel @!p0 .LBB2_13-.Ltmp3, $2  }
0x194: {  	_ =	sdelay $0x2  }
0x195: {  	s30 =	sadd.s32 $0x1, s30;
	s20 =	sadd.s32 $0x1, s20  }
.LBB2_2:
0x196: {  	p0 =	slt.u32 s14, $0x2  }
.Ltmp4:
0x197: {  	_ = 	snop;
	(pc) =	sbr.rel @p0 .LBB2_6-.Ltmp4, $1  }
0x198: {  	_ =	sdelay $0x3  }
0x199: {  	s13 =	sand.u32 $0x7, s14  }
0x19a: {  	s15 =	sadd.s32 $0xFFFFFFF8, s14;
	p0 =	sne.s32 s13, $0x1  }
0x19b: {  	p1 =	sgt.u32 @!p0 s15, $0x177  }
0x19c: {  	p0 =	por p0, p1  }
.Ltmp5:
0x19d: {  	_ = 	snop;
	(pc) =	sbr.rel @p0 .LBB2_5-.Ltmp5, $4  }
0x19e: {  	_ = 	snop  }
0x19f: {  	_ =	swait.ge [sflag:s31], $0x1000  }
0x1a0: {  	[sflag:s31] =	ssyncset.done $0x0  }
0x1a1: {  	[sflag:s31] =	ssyncadd.s32 $0xFFFFF000  }
0x1a2: {  	s13 =	sshll.u32 s14, $0x7  }
0x1a3: {  	s13 =	sand.u32 $0xFC00, s13  }
0x1a4: {  	s13 =	sadd.s32 $0x400, s13  }
0x1a5: {  	s15 =	sadd.s32 s12, s13  }
0x1a6: {  	s13 =	sand.u32 $0x400, s13;
	s15 =	sshrl.u32 s15, $0x3  }
0x1a7: {  	s16 =	sor.u32 $0x18800, s13;
	s17 =	sadd.s32 s2, s15  }
0x1a8: {  	[tilespmem:s16], [sflag:$0x1] =	stream.linear.gather [hbm4b:s17+s8], $0x400, $0x38;
	[tilespmem:$0x1FC00] =	vst v63  }
.Ltmp6:
0x1a9: {  	_ = 	snop;
	(pc) =	sbr.rel .LBB2_6-.Ltmp6, $4  }
0x1aa: {  	s19 =	sor.u32 $0x19000, s13;
	s28 =	sadd.s32 s3, s15  }
0x1ab: {  	[tilespmem:s19], [sflag:$0x1] =	stream.linear.gather [hbm4b:s28+s8], $0x400, $0x38;
	[tilespmem:$0x1FC00] =	vst v63  }
0x1ac: {  	s13 =	sor.u32 $0x19800, s13;
	s15 =	sadd.s32 s4, s15  }
0x1ad: {  	[tilespmem:s13], [sflag:$0x1] =	stream.linear.gather [hbm4b:s15+s8], $0x400, $0x38;
	[tilespmem:$0x1FC00] =	vst v63  }
.LBB2_5:
0x1ae: {  	p0 =	sne.s32 s13, $0x5  }
0x1af: {  	p1 =	sgt.u32 @!p0 s15, $0x177  }
0x1b0: {  	p0 =	por p1, p0  }
0x1b1: {  	s13 =	simm.s32 @!p0 $0x1  }
0x1b2: {  	_ =	swait.ge @!p0 [sflag:s13], $0x400  }
0x1b3: {  	[sflag:s13] =	ssyncset.done @!p0 $0x0  }
0x1b4: {  	[sflag:s13] =	ssyncadd.s32 @!p0 $0xFFFFFC00  }
0x1b5: {  	_ =	swait.ge @!p0 [sflag:s13], $0x400  }
0x1b6: {  	[sflag:s13] =	ssyncset.done @!p0 $0x0  }
0x1b7: {  	[sflag:s13] =	ssyncadd.s32 @!p0 $0xFFFFFC00  }
0x1b8: {  	_ =	swait.ge @!p0 [sflag:s13], $0x400  }
0x1b9: {  	[sflag:s13] =	ssyncset.done @!p0 $0x0  }
0x1ba: {  	[sflag:s13] =	ssyncadd.s32 @!p0 $0xFFFFFC00  }
.LBB2_6:
0x1bb: {  	p1 =	sgt.u32 s14, $0x185;
	s13 =	sand.u32 $0x1, s14  }
0x1bc: {  	p0 =	sne.s32 @!p1 s13, $0x0  }
0x1bd: {  	s15 =	sadd.s32 $0x2, s14;
	p0 =	por p0, p1  }
0x1be: {  	p6 =	seq.s32 s13, $0x1;
	s16 =	sshll.u32 @!p0 s15, $0xC;
	s17 =	sshll.u32 @!p0 s15, $0x7  }
0x1bf: {  	p1 =	por !p6, p1;
	s16 =	sand.u32 @!p0 $0x2000, s16;
	s17 =	sand.u32 @!p0 $0x700, s17  }
0x1c0: {  	s18 =	simm.s32 @!p0 $0x80;
	s16 =	sadd.s32 @!p0 $0x1A000, s16;
	s17 =	sor.u32 @!p0 $0x18800, s17  }
0x1c1: {  	[tilespmem:s16], [sflag:$0x2] =	stream.indirect.gather @!p0 [hbm4b:s24+s18], $0x20, s17, s18, $0xb8;
	[tilespmem:$0x1FC00] =	vst v63  }
0x1c2: {  	s16 =	sshll.u32 @!p1 s15, $0xC;
	s15 =	sshll.u32 @!p1 s15, $0x7  }
0x1c3: {  	s16 =	sand.u32 @!p1 $0x3000, s16;
	s15 =	sand.u32 @!p1 $0x780, s15  }
0x1c4: {  	s17 =	simm.s32 @!p1 $0x80;
	s16 =	sadd.s32 @!p1 $0x1A000, s16;
	s15 =	sor.u32 @!p1 $0x18800, s15  }
0x1c5: {  	[tilespmem:s16], [sflag:$0x3] =	stream.indirect.gather @!p1 [hbm4b:s24+s17], $0x20, s15, s17, $0xb8;
	[tilespmem:$0x1FC00] =	vst v63  }
0x1c6: {  	p0 =	por !p6, !p6;
	p1 =	sgt.u32 s14, $0x187  }
0x1c7: {  	p2 =	sne.s32 @!p1 s13, $0x0;
	p0 =	por p1, p0  }
.Ltmp7:
0x1c8: {  	p2 =	por p2, p1;
	(pc) =	sbr.rel @p0 .LBB2_8-.Ltmp7, $4  }
0x1c9: {  	s13 =	simm.s32 @!p2 $0x2  }
0x1ca: {  	_ =	swait.ge @!p2 [sflag:s13], $0x1000  }
0x1cb: {  	[sflag:s13] =	ssyncset.done @!p2 $0x0  }
0x1cc: {  	[sflag:s13] =	ssyncadd.s32 @!p2 $0xFFFFF000  }
.Ltmp8:
0x1cd: {  	(pc) =	sbr.rel .LBB2_9-.Ltmp8, $4  }
0x1ce: {  	_ = 	snop  }
0x1cf: {  	_ =	swait.ge [sflag:s1], $0x1000  }
0x1d0: {  	[sflag:s1] =	ssyncset.done $0x0  }
0x1d1: {  	[sflag:s1] =	ssyncadd.s32 $0xFFFFF000  }
.LBB2_8:
.Ltmp9:
0x1d2: {  	(pc) =	sbr.rel @p1 .LBB2_12-.Ltmp9, $1  }
0x1d3: {  	_ =	sdelay $0x3  }
.LBB2_9:
0x1d4: {  	s13 =	sand.u32 $0x3, s20  }
0x1d5: {  	s13 =	sshll.u32 s13, $0xC  }
0x1d6: {  	s15 =	sadd.s32 $0x1A100, s13  }
0x1d7: {  	v6 =	vld [tilespmem:s15+$0xFFFFFFA0]  }
0x1d8: {  	s18 =	sand.u32 $0xF, s30;
	v3 =	vld [tilespmem:s15+$0xFFFFFFF0]  }
0x1d9: {  	s13 =	sshll.u32 s18, $0x7;
	v0 =	vld [tilespmem:s15+$0xFFFFFF60]  }
0x1da: {  	s13 =	sor.u32 $0x19800, s13;
	v7 =	vld [tilespmem:s15+$0xFFFFFFD0]  }
0x1db: {  	v8 =	vld [tilespmem:s15+$0x80];
	v4 =	vmov s13  }
0x1dc: {  	v11 =	vld [tilespmem:s15+$0xFFFFFF10]  }
0x1dd: {  	v15 =	vld [tilespmem:s15+$0xE0]  }
0x1de: {  	v10 =	vld [tilespmem:s15+$0xFFFFFF40]  }
0x1df: {  	s19 =	simm.s32 $0x0;
	v2 =	vld [tilespmem:s15+$0xFFFFFF90]  }
0x1e0: {  	v1 =	vld.idx.msk [tilespmem:v4+s19+$0x0 ss:$0x1], $0xffff  }
0x1e1: {  	v9 =	vld [tilespmem:s15+$0xFFFFFFC0]  }
0x1e2: {  	v13 =	vld [tilespmem:s15+$0xFFFFFF00]  }
0x1e3: {  	v12 =	vld [tilespmem:s15+$0xD0]  }
0x1e4: {  	v22 =	vld [tilespmem:s15+$0xC0]  }
0x1e5: {  	v20 =	vld [tilespmem:s15+$0x90];
	v18 =	vbroadcast v1, $0x0;
	v5 =	vbroadcast v1, $0xF  }
0x1e6: {  	s28 =	sshll.u32 s14, $0xC;
	s16 =	sshll.u32 s14, $0x9;
	v21 =	vld [tilespmem:s15+$0xFFFFFF50];
	v19 =	vbroadcast v1, $0x2;
	v16 =	vbroadcast v1, $0xE  }
0x1e7: {  	s17 =	sand.u32 $0x1E00, s16;
	v17 =	vld [tilespmem:s15+$0xB0];
	s13 =	sand.u32 $0x3000, s28;
	v14 =	vbroadcast v1, $0xC;
	v24 =	vmul.f32 v18, v13  }
0x1e8: {  	s18 =	simm.s32 $0x40;
	s16 =	sadd.s32 $0x1A000, s13;
	s19 =	smov.u32 s15;
	v13 =	vbroadcast v1, $0xD;
	v23 =	vmul.f32 v10, v19;
	v10 =	vld [tilespmem:s15+$0x60]  }
.LBB2_10:
0x1e9: {  	p0 =	sne.s32 s18, $0x1C0  }
0x1ea: {  	[tilespmem:s15+$0xFFFFFF00] =	vst v24;
	v24 =	vld [tilespmem:s15+$0xFFFFFFB0];
	v22 =	vmul.f32 v22, v16;
	v15 =	vmul.f32 v15, v5;
	s19 =	sadd.s32 $0x200, s19;
	s28 =	smov.u32 s18;
	s18 =	sadd.s32 $0x40, s18  }
0x1eb: {  	[tilespmem:s15+$0xFFFFFF40] =	vst v23;
	v23 =	vbroadcast v1, $0xA;
	v20 =	vmul.f32 v20, v14;
	v25 =	vld [tilespmem:s15+$0xA0]  }
0x1ec: {  	v11 =	vmul.f32 v11, v18;
	v18 =	vmul.f32 v21, v19;
	v19 =	vld [tilespmem:s15+$0x70];
	[tilespmem:s15+$0xE0] =	vst v15  }
0x1ed: {  	v15 =	vbroadcast v1, $0x5;
	v21 =	vld [tilespmem:s15+$0xFFFFFFE0];
	v17 =	vmul.f32 v17, v13;
	[tilespmem:s15+$0xC0] =	vst v22  }
0x1ee: {  	v12 =	vmul.f32 v12, v16;
	[tilespmem:s15+$0xFFFFFF10] =	vst v11;
	v11 =	vbroadcast v1, $0x6;
	v22 =	vld [tilespmem:s15+$0x40]  }
0x1ef: {  	v26 =	vbroadcast v1, $0xB;
	v6 =	vmul.f32 v6, v15;
	v16 =	vld [tilespmem:s15+$0xFFFFFF20];
	[tilespmem:s15+$0x90] =	vst v20  }
0x1f0: {  	v20 =	vbroadcast v1, $0x9;
	[tilespmem:s15+$0xFFFFFF50] =	vst v18;
	v18 =	vld [tilespmem:s15+$0x20];
	v13 =	vmul.f32 v25, v13  }
0x1f1: {  	v15 =	vmul.f32 v24, v15;
	v24 =	vld [tilespmem:s15+$0x50];
	v19 =	vmul.f32 v19, v26;
	[tilespmem:s15+$0xD0] =	vst v12  }
0x1f2: {  	v8 =	vmul.f32 v8, v14;
	v12 =	vbroadcast v1, $0x7;
	v25 =	vld [tilespmem:s15+$0x30];
	[tilespmem:s15+$0xA0] =	vst v13  }
0x1f3: {  	v9 =	vmul.f32 v9, v11;
	v13 =	vbroadcast v1, $0x3;
	v14 =	vld [tilespmem:s15+$0x0];
	[tilespmem:s15+$0x70] =	vst v19  }
0x1f4: {  	v10 =	vmul.f32 v10, v26;
	v7 =	vmul.f32 v7, v11;
	v11 =	vld [tilespmem:s15+$0x10];
	[tilespmem:s15+$0x80] =	vst v8  }
0x1f5: {  	v19 =	vbroadcast v1, $0x8;
	v22 =	vmul.f32 v22, v23;
	v8 =	vld [tilespmem:s15+$0xFFFFFF30];
	[tilespmem:s15+$0xB0] =	vst v17  }
0x1f6: {  	v17 =	vbroadcast v1, $0x1;
	v26 =	vld [tilespmem:s15+$0xFFFFFF70];
	[tilespmem:s15+$0xFFFFFFD0] =	vst v7;
	v23 =	vmul.f32 v24, v23  }
0x1f7: {  	v3 =	vmul.f32 v3, v12;
	v7 =	vmul.f32 v21, v12;
	[tilespmem:s15+$0xFFFFFFC0] =	vst v9;
	v9 =	vld [tilespmem:s15+$0xF0]  }
0x1f8: {  	v21 =	vmul.f32 v25, v20;
	v12 =	vld [tilespmem:s15+$0xFFFFFF80];
	[tilespmem:s15+$0xFFFFFFA0] =	vst v6;
	v14 =	vmul.f32 v14, v19  }
0x1f9: {  	v6 =	vld [tilespmem:s19+$0xFFFFFFA0];
	[tilespmem:s15+$0xFFFFFFF0] =	vst v3;
	v19 =	vmul.f32 v11, v19;
	v11 =	vmul.f32 v18, v20  }
0x1fa: {  	v3 =	vmul.f32 v16, v17;
	v16 =	vmul.f32 v8, v17;
	[tilespmem:s15+$0x60] =	vst v10  }
0x1fb: {  	v0 =	vmul.f32 v0, v13;
	v8 =	vmul.f32 v26, v13;
	[tilespmem:s15+$0xFFFFFFB0] =	vst v15  }
0x1fc: {  	v1 =	vbroadcast v1, $0x4;
	[tilespmem:s15+$0xFFFFFF20] =	vst v3;
	v3 =	vmul.f32 v9, v5  }
0x1fd: {  	[tilespmem:s15+$0xFFFFFF60] =	vst v0  }
0x1fe: {  	v5 =	vmul.f32 v12, v1;
	v0 =	vmul.f32 v2, v1;
	[tilespmem:s15+$0x40] =	vst v22  }
0x1ff: {  	[tilespmem:s15+$0xFFFFFFE0] =	vst v7  }
0x200: {  	[tilespmem:s15+$0xF0] =	vst v3  }
0x201: {  	[tilespmem:s15+$0xFFFFFF90] =	vst v0  }
0x202: {  	[tilespmem:s15+$0xFFFFFF70] =	vst v8  }
0x203: {  	v3 =	vld [tilespmem:s19+$0xFFFFFFF0];
	[tilespmem:s15+$0x20] =	vst v11  }
0x204: {  	v0 =	vld [tilespmem:s19+$0xFFFFFF60];
	[tilespmem:s15+$0x30] =	vst v21  }
0x205: {  	v7 =	vld [tilespmem:s19+$0xFFFFFFD0];
	[tilespmem:s15+$0xFFFFFF80] =	vst v5  }
0x206: {  	v8 =	vld [tilespmem:s19+$0x80];
	[tilespmem:s15+$0x50] =	vst v23  }
0x207: {  	v11 =	vld [tilespmem:s19+$0xFFFFFF10];
	[tilespmem:s15+$0x0] =	vst v14  }
0x208: {  	v15 =	vld [tilespmem:s19+$0xE0];
	[tilespmem:s15+$0xFFFFFF30] =	vst v16  }
0x209: {  	s13 =	sshra.s32 s28, $0x2;
	v10 =	vld [tilespmem:s19+$0xFFFFFF40];
	[tilespmem:s15+$0x10] =	vst v19;
	s15 =	smov.u32 s19  }
0x20a: {  	v1 =	vld.idx.msk [tilespmem:v4+s13+$0x0 ss:$0x1], $0xffff  }
0x20b: {  	v2 =	vld [tilespmem:s19+$0xFFFFFF90]  }
0x20c: {  	v9 =	vld [tilespmem:s19+$0xFFFFFFC0]  }
0x20d: {  	v13 =	vld [tilespmem:s19+$0xFFFFFF00]  }
0x20e: {  	v12 =	vld [tilespmem:s19+$0xD0]  }
.Ltmp10:
0x20f: {  	v22 =	vld [tilespmem:s19+$0xC0];
	(pc) =	sbr.rel @p0 .LBB2_10-.Ltmp10, $4  }
0x210: {  	v18 =	vbroadcast v1, $0x0;
	v5 =	vbroadcast v1, $0xF;
	v20 =	vld [tilespmem:s19+$0x90]  }
0x211: {  	v19 =	vbroadcast v1, $0x2;
	v16 =	vbroadcast v1, $0xE;
	v21 =	vld [tilespmem:s19+$0xFFFFFF50]  }
0x212: {  	v24 =	vmul.f32 v18, v13;
	v13 =	vbroadcast v1, $0xD;
	v17 =	vld [tilespmem:s19+$0xB0]  }
0x213: {  	v14 =	vbroadcast v1, $0xC;
	v23 =	vmul.f32 v10, v19;
	v10 =	vld [tilespmem:s19+$0x60]  }
0x214: {  	[tilespmem:s15+$0xFFFFFF00] =	vst v24;
	v4 =	vmul.f32 v15, v5  }
0x215: {  	v63 =	vmul.f32 v22, v16;
	[tilespmem:s15+$0xFFFFFF40] =	vst v23  }
0x216: {  	v11 =	vmul.f32 v11, v18;
	[tilespmem:s15+$0xE0] =	vst v4  }
0x217: {  	v28 =	vmul.f32 v12, v16;
	[tilespmem:s15+$0xC0] =	vst v63  }
0x218: {  	v26 =	vmul.f32 v20, v14;
	[tilespmem:s15+$0xFFFFFF10] =	vst v11  }
0x219: {  	v34 =	vbroadcast v1, $0x6;
	v8 =	vmul.f32 v8, v14;
	[tilespmem:s15+$0xD0] =	vst v28  }
0x21a: {  	v19 =	vmul.f32 v21, v19;
	[tilespmem:s15+$0x90] =	vst v26  }
0x21b: {  	v38 =	vbroadcast v1, $0x5;
	v7 =	vmul.f32 v7, v34;
	[tilespmem:s15+$0x80] =	vst v8  }
0x21c: {  	v40 =	vbroadcast v1, $0x7;
	v9 =	vmul.f32 v9, v34;
	[tilespmem:s15+$0xFFFFFF50] =	vst v19  }
0x21d: {  	v47 =	vbroadcast v1, $0x3;
	v6 =	vmul.f32 v6, v38;
	[tilespmem:s15+$0xFFFFFFD0] =	vst v7  }
0x21e: {  	v24 =	vld [tilespmem:s15+$0xA0];
	v52 =	vbroadcast v1, $0x4;
	v3 =	vmul.f32 v3, v40;
	[tilespmem:s15+$0xFFFFFFC0] =	vst v9  }
0x21f: {  	v25 =	vld [tilespmem:s15+$0x70];
	v0 =	vmul.f32 v0, v47;
	[tilespmem:s15+$0xFFFFFFA0] =	vst v6  }
0x220: {  	v27 =	vld [tilespmem:s15+$0xFFFFFFB0];
	v30 =	vbroadcast v1, $0xB;
	v2 =	vmul.f32 v2, v52;
	[tilespmem:s15+$0xFFFFFFF0] =	vst v3  }
0x221: {  	v29 =	vld [tilespmem:s15+$0xFFFFFF20];
	v36 =	vmul.f32 v17, v13;
	[tilespmem:s15+$0xFFFFFF60] =	vst v0  }
0x222: {  	v33 =	vld [tilespmem:s15+$0x40];
	v10 =	vmul.f32 v10, v30;
	[tilespmem:s15+$0xFFFFFF90] =	vst v2  }
0x223: {  	v31 =	vld [tilespmem:s15+$0xFFFFFFE0];
	v32 =	vmul.f32 v24, v13;
	[tilespmem:s15+$0xB0] =	vst v36  }
0x224: {  	v45 =	vbroadcast v1, $0x1;
	v48 =	vld [tilespmem:s15+$0xF0];
	v18 =	vmul.f32 v25, v30;
	[tilespmem:s15+$0x60] =	vst v10  }
0x225: {  	v42 =	vld [tilespmem:s15+$0xFFFFFF70];
	v49 =	vbroadcast v1, $0xA;
	v46 =	vmul.f32 v27, v38;
	[tilespmem:s15+$0xA0] =	vst v32  }
0x226: {  	v37 =	vld [tilespmem:s15+$0x20];
	v12 =	vmul.f32 v29, v45;
	[tilespmem:s15+$0x70] =	vst v18  }
0x227: {  	v39 =	vld [tilespmem:s15+$0x30];
	v51 =	vmul.f32 v33, v49;
	[tilespmem:s15+$0xFFFFFFB0] =	vst v46  }
0x228: {  	v43 =	vld [tilespmem:s15+$0xFFFFFF80];
	v4 =	vmul.f32 v31, v40;
	[tilespmem:s15+$0xFFFFFF20] =	vst v12  }
0x229: {  	v35 =	vld [tilespmem:s15+$0x50];
	v54 =	vbroadcast v1, $0x9;
	v53 =	vmul.f32 v48, v5;
	[tilespmem:s15+$0x40] =	vst v51  }
0x22a: {  	v41 =	vld [tilespmem:s15+$0x0];
	v55 =	vmul.f32 v42, v47;
	[tilespmem:s15+$0xFFFFFFE0] =	vst v4  }
0x22b: {  	v50 =	vld [tilespmem:s15+$0xFFFFFF30];
	v56 =	vmul.f32 v37, v54;
	[tilespmem:s15+$0xF0] =	vst v53  }
0x22c: {  	v44 =	vld [tilespmem:s15+$0x10];
	v57 =	vmul.f32 v39, v54;
	[tilespmem:s15+$0xFFFFFF70] =	vst v55  }
0x22d: {  	v58 =	vbroadcast v1, $0x8;
	v59 =	vmul.f32 v43, v52;
	[tilespmem:s15+$0x20] =	vst v56  }
0x22e: {  	v60 =	vmul.f32 v35, v49;
	[tilespmem:s15+$0x30] =	vst v57  }
0x22f: {  	v61 =	vmul.f32 v41, v58;
	[tilespmem:s15+$0xFFFFFF80] =	vst v59  }
.Ltmp11:
0x230: {  	v62 =	vmul.f32 v50, v45;
	[tilespmem:s15+$0x50] =	vst v60;
	(pc) =	sbr.rel .LBB2_12-.Ltmp11, $4  }
0x231: {  	v63 =	vmul.f32 v44, v58;
	[tilespmem:s15+$0x0] =	vst v61  }
0x232: {  	s13 =	sshrl.u32 s17, $0x2;
	[tilespmem:s15+$0xFFFFFF30] =	vst v62  }
0x233: {  	s13 =	sor.u32 $0x19000, s13;
	[tilespmem:s15+$0x10] =	vst v63  }
0x234: {  	[spmem:s5] =	stream.indirect.scatter.add.f32 [tilespmem:s16], [sflag:$0x4], $0x20, s13, s6, $0xb8;
	[tilespmem:$0x1FC00] =	vst v63  }
.LBB2_13:
0x235: {  	[bflag:$0x0] =	sbarrier.arrive $0xFFFF  }
0x236: {  	s13 =	sld [smem:$0x7FC]  }
0x237: {  	s17 =	sld [smem:$0x7FB];
	_ =	sdelay $0x2  }
0x238: {  	s18 =	simm.s32 $0x7;
	s30 =	sadd.s32 s13, s7;
	s13 =	sor.u32 $0x1C07, s17  }
0x239: {  	[hbm:s30], [sflag:s13] =	dma.local [spmem:s29], $0x3100  }
0x23a: {  	_ =	swait.ge [sflag:s18], $0x3100  }
0x23b: {  	[sflag:s18] =	ssyncset.done $0x0  }
0x23c: {  	[sflag:s18] =	ssyncadd.s32 $0xFFFFCF00  }
0x23d: {  	[bflag:$0x0] =	sbarrier.arrive $0xFFFF  }
0x23e: {  	s20 =	simm.s32 $0x0;
	s14 =	simm.s32 $0x18800;
	s19 =	rddreg [dreg:$0x9]  }
0x23f: {  	[tilespmem:s14], [sflag:$0x1] =	stream.linear.gather [hbm4b:s19+s20], $0x400, $0x38;
	[tilespmem:$0x1FC00] =	vst v63  }
0x240: {  	s15 =	simm.s32 $0x19000;
	s28 =	rddreg [dreg:$0xa]  }
0x241: {  	[tilespmem:s15], [sflag:$0x1] =	stream.linear.gather [hbm4b:s28+s20], $0x400, $0x38;
	[tilespmem:$0x1FC00] =	vst v63  }
0x242: {  	s16 =	simm.s32 $0x19800;
	s15 =	rddreg [dreg:$0xb]  }
0x243: {  	[tilespmem:s16], [sflag:$0x1] =	stream.linear.gather [hbm4b:s15+s20], $0x400, $0x38;
	[tilespmem:$0x1FC00] =	vst v63  }
0x244: {  	s18 =	simm.s32 $0x18C00;
	s17 =	rddreg [dreg:$0xc]  }
0x245: {  	[tilespmem:s18], [sflag:$0x1] =	stream.linear.gather [hbm4b:s17+s20], $0x400, $0x38;
	[tilespmem:$0x1FC00] =	vst v63  }
0x246: {  	s19 =	rddreg [dreg:$0xd];
	s28 =	simm.s32 $0x19400  }
0x247: {  	[tilespmem:s28], [sflag:$0x1] =	stream.linear.gather [hbm4b:s19+s20], $0x400, $0x38;
	[tilespmem:$0x1FC00] =	vst v63  }
0x248: {  	s15 =	rddreg [dreg:$0xe];
	s16 =	simm.s32 $0x19C00  }
0x249: {  	[tilespmem:s16], [sflag:$0x1] =	stream.linear.gather [hbm4b:s15+s20], $0x400, $0x38;
	[tilespmem:$0x1FC00] =	vst v63  }
0x24a: {  	_ =	swait.ge [sflag:s25], $0x400  }
0x24b: {  	[sflag:s25] =	ssyncset.done $0x0  }
0x24c: {  	[sflag:s25] =	ssyncadd.s32 $0xFFFFFC00  }
0x24d: {  	_ =	swait.ge [sflag:s25], $0x400  }
0x24e: {  	[sflag:s25] =	ssyncset.done $0x0  }
0x24f: {  	[sflag:s25] =	ssyncadd.s32 $0xFFFFFC00  }
0x250: {  	_ =	swait.ge [sflag:s25], $0x400  }
0x251: {  	[sflag:s25] =	ssyncset.done $0x0  }
0x252: {  	[sflag:s25] =	ssyncadd.s32 $0xFFFFFC00  }
0x253: {  	_ =	swait.ge [sflag:s25], $0x400  }
0x254: {  	[sflag:s25] =	ssyncset.done $0x0  }
0x255: {  	[sflag:s25] =	ssyncadd.s32 $0xFFFFFC00  }
0x256: {  	_ =	swait.ge [sflag:s25], $0x400  }
0x257: {  	[sflag:s25] =	ssyncset.done $0x0  }
0x258: {  	[sflag:s25] =	ssyncadd.s32 $0xFFFFFC00  }
0x259: {  	s18 =	simm.s32 $0x1A000;
	_ =	swait.ge [sflag:s25], $0x400  }
.Ltmp12:
0x25a: {  	[sflag:s25] =	ssyncset.done $0x0;
	s17 =	rddreg [dreg:$0xf];
	(pc) =	sbr.rel .LBB2_14-.Ltmp12, $4  }
0x25b: {  	s19 =	simm.s32 $0x18880;
	[sflag:s25] =	ssyncadd.s32 $0xFFFFFC00;
	s29 =	sadd.s32 s17, s7  }
0x25c: {  	[tilespmem:s18], [sflag:$0x2] =	stream.indirect.gather [hbm4b:s29+s6], $0x20, s14, s6, $0xb8;
	[tilespmem:$0x1FC00] =	vst v63  }
0x25d: {  	s28 =	simm.s32 $0x1B000;
	s15 =	simm.s32 $0x0;
	s14 =	simm.s32 $0x0  }
0x25e: {  	[tilespmem:s28], [sflag:$0x3] =	stream.indirect.gather [hbm4b:s29+s6], $0x20, s19, s6, $0xb8;
	[tilespmem:$0x1FC00] =	vst v63  }
.LBB2_24:
0x25f: {  	s15 =	sadd.s32 $0x1, s15  }
0x260: {  	p0 =	sne.s32 s15, $0x18A  }
.Ltmp13:
0x261: {  	_ = 	snop;
	(pc) =	sbr.rel @!p0 .LBB2_25-.Ltmp13, $2  }
0x262: {  	_ =	sdelay $0x2  }
0x263: {  	s14 =	sadd.s32 $0x1, s14;
	s20 =	sadd.s32 $0x1, s20  }
.LBB2_14:
0x264: {  	p0 =	slt.u32 s15, $0x2  }
.Ltmp14:
0x265: {  	_ = 	snop;
	(pc) =	sbr.rel @p0 .LBB2_18-.Ltmp14, $1  }
0x266: {  	_ =	sdelay $0x3  }
0x267: {  	s13 =	sand.u32 $0x7, s15  }
0x268: {  	s16 =	sadd.s32 $0xFFFFFFF8, s15;
	p0 =	sne.s32 s13, $0x1  }
0x269: {  	p1 =	sgt.u32 @!p0 s16, $0x177  }
0x26a: {  	p0 =	por p0, p1  }
.Ltmp15:
0x26b: {  	_ = 	snop;
	(pc) =	sbr.rel @p0 .LBB2_17-.Ltmp15, $4  }
0x26c: {  	_ = 	snop  }
0x26d: {  	_ =	swait.ge [sflag:s31], $0x1000  }
0x26e: {  	[sflag:s31] =	ssyncset.done $0x0  }
0x26f: {  	[sflag:s31] =	ssyncadd.s32 $0xFFFFF000  }
0x270: {  	s13 =	sshll.u32 s15, $0x7  }
0x271: {  	s13 =	sand.u32 $0xFC00, s13  }
0x272: {  	s13 =	sadd.s32 $0x400, s13  }
0x273: {  	s16 =	sadd.s32 s12, s13  }
0x274: {  	s13 =	sand.u32 $0x400, s13;
	s16 =	sshrl.u32 s16, $0x3  }
0x275: {  	s17 =	sor.u32 $0x18800, s13;
	s18 =	sadd.s32 s2, s16  }
0x276: {  	[tilespmem:s17], [sflag:$0x1] =	stream.linear.gather [hbm4b:s18+s8], $0x400, $0x38;
	[tilespmem:$0x1FC00] =	vst v63  }
.Ltmp16:
0x277: {  	_ = 	snop;
	(pc) =	sbr.rel .LBB2_18-.Ltmp16, $4  }
0x278: {  	s19 =	sor.u32 $0x19000, s13;
	s28 =	sadd.s32 s3, s16  }
0x279: {  	[tilespmem:s19], [sflag:$0x1] =	stream.linear.gather [hbm4b:s28+s8], $0x400, $0x38;
	[tilespmem:$0x1FC00] =	vst v63  }
0x27a: {  	s13 =	sor.u32 $0x19800, s13;
	s16 =	sadd.s32 s4, s16  }
0x27b: {  	[tilespmem:s13], [sflag:$0x1] =	stream.linear.gather [hbm4b:s16+s8], $0x400, $0x38;
	[tilespmem:$0x1FC00] =	vst v63  }
.LBB2_17:
0x27c: {  	p0 =	sne.s32 s13, $0x5  }
0x27d: {  	p1 =	sgt.u32 @!p0 s16, $0x177  }
0x27e: {  	p0 =	por p1, p0  }
0x27f: {  	s13 =	simm.s32 @!p0 $0x1  }
0x280: {  	_ =	swait.ge @!p0 [sflag:s13], $0x400  }
0x281: {  	[sflag:s13] =	ssyncset.done @!p0 $0x0  }
0x282: {  	[sflag:s13] =	ssyncadd.s32 @!p0 $0xFFFFFC00  }
0x283: {  	_ =	swait.ge @!p0 [sflag:s13], $0x400  }
0x284: {  	[sflag:s13] =	ssyncset.done @!p0 $0x0  }
0x285: {  	[sflag:s13] =	ssyncadd.s32 @!p0 $0xFFFFFC00  }
0x286: {  	_ =	swait.ge @!p0 [sflag:s13], $0x400  }
0x287: {  	[sflag:s13] =	ssyncset.done @!p0 $0x0  }
0x288: {  	[sflag:s13] =	ssyncadd.s32 @!p0 $0xFFFFFC00  }
.LBB2_18:
0x289: {  	p1 =	sgt.u32 s15, $0x185;
	s13 =	sand.u32 $0x1, s15  }
0x28a: {  	p0 =	sne.s32 @!p1 s13, $0x0  }
0x28b: {  	s16 =	sadd.s32 $0x2, s15;
	p0 =	por p0, p1  }
0x28c: {  	p6 =	seq.s32 s13, $0x1;
	s17 =	sshll.u32 @!p0 s16, $0xC;
	s18 =	sshll.u32 @!p0 s16, $0x7  }
0x28d: {  	p1 =	por !p6, p1;
	s17 =	sand.u32 @!p0 $0x2000, s17;
	s18 =	sand.u32 @!p0 $0x700, s18  }
0x28e: {  	s19 =	simm.s32 @!p0 $0x80;
	s17 =	sadd.s32 @!p0 $0x1A000, s17;
	s18 =	sor.u32 @!p0 $0x18800, s18  }
0x28f: {  	[tilespmem:s17], [sflag:$0x2] =	stream.indirect.gather @!p0 [hbm4b:s29+s19], $0x20, s18, s19, $0xb8;
	[tilespmem:$0x1FC00] =	vst v63  }
0x290: {  	s17 =	sshll.u32 @!p1 s16, $0xC;
	s16 =	sshll.u32 @!p1 s16, $0x7  }
0x291: {  	s17 =	sand.u32 @!p1 $0x3000, s17;
	s16 =	sand.u32 @!p1 $0x780, s16  }
0x292: {  	s18 =	simm.s32 @!p1 $0x80;
	s17 =	sadd.s32 @!p1 $0x1A000, s17;
	s16 =	sor.u32 @!p1 $0x18800, s16  }
0x293: {  	[tilespmem:s17], [sflag:$0x3] =	stream.indirect.gather @!p1 [hbm4b:s29+s18], $0x20, s16, s18, $0xb8;
	[tilespmem:$0x1FC00] =	vst v63  }
0x294: {  	p0 =	por !p6, !p6;
	p1 =	sgt.u32 s15, $0x187  }
0x295: {  	p2 =	sne.s32 @!p1 s13, $0x0;
	p0 =	por p1, p0  }
.Ltmp17:
0x296: {  	p2 =	por p2, p1;
	(pc) =	sbr.rel @p0 .LBB2_20-.Ltmp17, $4  }
0x297: {  	s13 =	simm.s32 @!p2 $0x2  }
0x298: {  	_ =	swait.ge @!p2 [sflag:s13], $0x1000  }
0x299: {  	[sflag:s13] =	ssyncset.done @!p2 $0x0  }
0x29a: {  	[sflag:s13] =	ssyncadd.s32 @!p2 $0xFFFFF000  }
.Ltmp18:
0x29b: {  	(pc) =	sbr.rel .LBB2_21-.Ltmp18, $4  }
0x29c: {  	_ = 	snop  }
0x29d: {  	_ =	swait.ge [sflag:s1], $0x1000  }
0x29e: {  	[sflag:s1] =	ssyncset.done $0x0  }
0x29f: {  	[sflag:s1] =	ssyncadd.s32 $0xFFFFF000  }
.LBB2_20:
.Ltmp19:
0x2a0: {  	(pc) =	sbr.rel @p1 .LBB2_24-.Ltmp19, $1  }
0x2a1: {  	_ =	sdelay $0x3  }
.LBB2_21:
0x2a2: {  	s13 =	sand.u32 $0x3, s20  }
0x2a3: {  	s13 =	sshll.u32 s13, $0xC  }
0x2a4: {  	s16 =	sadd.s32 $0x1A100, s13  }
0x2a5: {  	v6 =	vld [tilespmem:s16+$0xFFFFFFA0]  }
0x2a6: {  	s17 =	sand.u32 $0xF, s14;
	v3 =	vld [tilespmem:s16+$0xFFFFFFF0]  }
0x2a7: {  	s13 =	sshll.u32 s17, $0x7;
	v0 =	vld [tilespmem:s16+$0xFFFFFF60]  }
0x2a8: {  	s13 =	sor.u32 $0x19800, s13;
	v7 =	vld [tilespmem:s16+$0xFFFFFFD0]  }
0x2a9: {  	v8 =	vld [tilespmem:s16+$0x80];
	v4 =	vmov s13  }
0x2aa: {  	v11 =	vld [tilespmem:s16+$0xFFFFFF10]  }
0x2ab: {  	v15 =	vld [tilespmem:s16+$0xE0]  }
0x2ac: {  	v10 =	vld [tilespmem:s16+$0xFFFFFF40]  }
0x2ad: {  	s18 =	simm.s32 $0x0;
	v2 =	vld [tilespmem:s16+$0xFFFFFF90]  }
0x2ae: {  	v1 =	vld.idx.msk [tilespmem:v4+s18+$0x0 ss:$0x1], $0xffff  }
0x2af: {  	v9 =	vld [tilespmem:s16+$0xFFFFFFC0]  }
0x2b0: {  	v13 =	vld [tilespmem:s16+$0xFFFFFF00]  }
0x2b1: {  	v12 =	vld [tilespmem:s16+$0xD0]  }
0x2b2: {  	v22 =	vld [tilespmem:s16+$0xC0]  }
0x2b3: {  	v20 =	vld [tilespmem:s16+$0x90];
	v18 =	vbroadcast v1, $0x0;
	v5 =	vbroadcast v1, $0xF  }
0x2b4: {  	s19 =	sshll.u32 s15, $0xC;
	v21 =	vld [tilespmem:s16+$0xFFFFFF50];
	v19 =	vbroadcast v1, $0x2;
	v16 =	vbroadcast v1, $0xE  }
0x2b5: {  	s17 =	sshll.u32 s15, $0x9;
	v17 =	vld [tilespmem:s16+$0xB0];
	s28 =	smov.u32 s16;
	s13 =	sand.u32 $0x3000, s19;
	v14 =	vbroadcast v1, $0xC;
	v24 =	vmul.f32 v18, v13  }
0x2b6: {  	s19 =	simm.s32 $0x40;
	s18 =	sand.u32 $0x1E00, s17;
	s17 =	sadd.s32 $0x1A000, s13;
	v13 =	vbroadcast v1, $0xD;
	v23 =	vmul.f32 v10, v19;
	v10 =	vld [tilespmem:s16+$0x60]  }
.LBB2_22:
0x2b7: {  	p0 =	sne.s32 s19, $0x1C0  }
0x2b8: {  	[tilespmem:s16+$0xFFFFFF00] =	vst v24;
	v24 =	vld [tilespmem:s16+$0xFFFFFFB0];
	v22 =	vmul.f32 v22, v16;
	v15 =	vmul.f32 v15, v5;
	s28 =	sadd.s32 $0x200, s28;
	s13 =	smov.u32 s19;
	s19 =	sadd.s32 $0x40, s19  }
0x2b9: {  	[tilespmem:s16+$0xFFFFFF40] =	vst v23;
	v23 =	vbroadcast v1, $0xA;
	v20 =	vmul.f32 v20, v14;
	v25 =	vld [tilespmem:s16+$0xA0]  }
0x2ba: {  	v11 =	vmul.f32 v11, v18;
	v18 =	vmul.f32 v21, v19;
	v19 =	vld [tilespmem:s16+$0x70];
	[tilespmem:s16+$0xE0] =	vst v15  }
0x2bb: {  	v15 =	vbroadcast v1, $0x5;
	v21 =	vld [tilespmem:s16+$0xFFFFFFE0];
	v17 =	vmul.f32 v17, v13;
	[tilespmem:s16+$0xC0] =	vst v22  }
0x2bc: {  	v12 =	vmul.f32 v12, v16;
	[tilespmem:s16+$0xFFFFFF10] =	vst v11;
	v11 =	vbroadcast v1, $0x6;
	v22 =	vld [tilespmem:s16+$0x40]  }
0x2bd: {  	v26 =	vbroadcast v1, $0xB;
	v6 =	vmul.f32 v6, v15;
	v16 =	vld [tilespmem:s16+$0xFFFFFF20];
	[tilespmem:s16+$0x90] =	vst v20  }
0x2be: {  	v20 =	vbroadcast v1, $0x9;
	[tilespmem:s16+$0xFFFFFF50] =	vst v18;
	v18 =	vld [tilespmem:s16+$0x20];
	v13 =	vmul.f32 v25, v13  }
0x2bf: {  	v15 =	vmul.f32 v24, v15;
	v24 =	vld [tilespmem:s16+$0x50];
	v19 =	vmul.f32 v19, v26;
	[tilespmem:s16+$0xD0] =	vst v12  }
0x2c0: {  	v8 =	vmul.f32 v8, v14;
	v12 =	vbroadcast v1, $0x7;
	v25 =	vld [tilespmem:s16+$0x30];
	[tilespmem:s16+$0xA0] =	vst v13  }
0x2c1: {  	v9 =	vmul.f32 v9, v11;
	v13 =	vbroadcast v1, $0x3;
	v14 =	vld [tilespmem:s16+$0x0];
	[tilespmem:s16+$0x70] =	vst v19  }
0x2c2: {  	v10 =	vmul.f32 v10, v26;
	v7 =	vmul.f32 v7, v11;
	v11 =	vld [tilespmem:s16+$0x10];
	[tilespmem:s16+$0x80] =	vst v8  }
0x2c3: {  	v19 =	vbroadcast v1, $0x8;
	v22 =	vmul.f32 v22, v23;
	v8 =	vld [tilespmem:s16+$0xFFFFFF30];
	[tilespmem:s16+$0xB0] =	vst v17  }
0x2c4: {  	v17 =	vbroadcast v1, $0x1;
	v26 =	vld [tilespmem:s16+$0xFFFFFF70];
	[tilespmem:s16+$0xFFFFFFD0] =	vst v7;
	v23 =	vmul.f32 v24, v23  }
0x2c5: {  	v3 =	vmul.f32 v3, v12;
	v7 =	vmul.f32 v21, v12;
	[tilespmem:s16+$0xFFFFFFC0] =	vst v9;
	v9 =	vld [tilespmem:s16+$0xF0]  }
0x2c6: {  	v21 =	vmul.f32 v25, v20;
	v12 =	vld [tilespmem:s16+$0xFFFFFF80];
	[tilespmem:s16+$0xFFFFFFA0] =	vst v6;
	v14 =	vmul.f32 v14, v19  }
0x2c7: {  	v6 =	vld [tilespmem:s28+$0xFFFFFFA0];
	[tilespmem:s16+$0xFFFFFFF0] =	vst v3;
	v19 =	vmul.f32 v11, v19;
	v11 =	vmul.f32 v18, v20  }
0x2c8: {  	v3 =	vmul.f32 v16, v17;
	v16 =	vmul.f32 v8, v17;
	[tilespmem:s16+$0x60] =	vst v10  }
0x2c9: {  	v0 =	vmul.f32 v0, v13;
	v8 =	vmul.f32 v26, v13;
	[tilespmem:s16+$0xFFFFFFB0] =	vst v15  }
0x2ca: {  	v1 =	vbroadcast v1, $0x4;
	[tilespmem:s16+$0xFFFFFF20] =	vst v3;
	v3 =	vmul.f32 v9, v5  }
0x2cb: {  	[tilespmem:s16+$0xFFFFFF60] =	vst v0  }
0x2cc: {  	v5 =	vmul.f32 v12, v1;
	v0 =	vmul.f32 v2, v1;
	[tilespmem:s16+$0x40] =	vst v22  }
0x2cd: {  	[tilespmem:s16+$0xFFFFFFE0] =	vst v7  }
0x2ce: {  	[tilespmem:s16+$0xF0] =	vst v3  }
0x2cf: {  	[tilespmem:s16+$0xFFFFFF90] =	vst v0  }
0x2d0: {  	[tilespmem:s16+$0xFFFFFF70] =	vst v8  }
0x2d1: {  	v3 =	vld [tilespmem:s28+$0xFFFFFFF0];
	[tilespmem:s16+$0x20] =	vst v11  }
0x2d2: {  	v0 =	vld [tilespmem:s28+$0xFFFFFF60];
	[tilespmem:s16+$0x30] =	vst v21  }
0x2d3: {  	v7 =	vld [tilespmem:s28+$0xFFFFFFD0];
	[tilespmem:s16+$0xFFFFFF80] =	vst v5  }
0x2d4: {  	v8 =	vld [tilespmem:s28+$0x80];
	[tilespmem:s16+$0x50] =	vst v23  }
0x2d5: {  	v11 =	vld [tilespmem:s28+$0xFFFFFF10];
	[tilespmem:s16+$0x0] =	vst v14  }
0x2d6: {  	v15 =	vld [tilespmem:s28+$0xE0];
	[tilespmem:s16+$0xFFFFFF30] =	vst v16  }
0x2d7: {  	s13 =	sshra.s32 s13, $0x2;
	v10 =	vld [tilespmem:s28+$0xFFFFFF40];
	[tilespmem:s16+$0x10] =	vst v19;
	s16 =	smov.u32 s28  }
0x2d8: {  	v1 =	vld.idx.msk [tilespmem:v4+s13+$0x0 ss:$0x1], $0xffff  }
0x2d9: {  	v2 =	vld [tilespmem:s28+$0xFFFFFF90]  }
0x2da: {  	v9 =	vld [tilespmem:s28+$0xFFFFFFC0]  }
0x2db: {  	v13 =	vld [tilespmem:s28+$0xFFFFFF00]  }
0x2dc: {  	v12 =	vld [tilespmem:s28+$0xD0]  }
.Ltmp20:
0x2dd: {  	v22 =	vld [tilespmem:s28+$0xC0];
	(pc) =	sbr.rel @p0 .LBB2_22-.Ltmp20, $4  }
0x2de: {  	v18 =	vbroadcast v1, $0x0;
	v5 =	vbroadcast v1, $0xF;
	v20 =	vld [tilespmem:s28+$0x90]  }
0x2df: {  	v19 =	vbroadcast v1, $0x2;
	v16 =	vbroadcast v1, $0xE;
	v21 =	vld [tilespmem:s28+$0xFFFFFF50]  }
0x2e0: {  	v24 =	vmul.f32 v18, v13;
	v13 =	vbroadcast v1, $0xD;
	v17 =	vld [tilespmem:s28+$0xB0]  }
0x2e1: {  	v14 =	vbroadcast v1, $0xC;
	v23 =	vmul.f32 v10, v19;
	v10 =	vld [tilespmem:s28+$0x60]  }
0x2e2: {  	[tilespmem:s16+$0xFFFFFF00] =	vst v24;
	v4 =	vmul.f32 v15, v5  }
0x2e3: {  	v63 =	vmul.f32 v22, v16;
	[tilespmem:s16+$0xFFFFFF40] =	vst v23  }
0x2e4: {  	v11 =	vmul.f32 v11, v18;
	[tilespmem:s16+$0xE0] =	vst v4  }
0x2e5: {  	v28 =	vmul.f32 v12, v16;
	[tilespmem:s16+$0xC0] =	vst v63  }
0x2e6: {  	v26 =	vmul.f32 v20, v14;
	[tilespmem:s16+$0xFFFFFF10] =	vst v11  }
0x2e7: {  	v34 =	vbroadcast v1, $0x6;
	v8 =	vmul.f32 v8, v14;
	[tilespmem:s16+$0xD0] =	vst v28  }
0x2e8: {  	v19 =	vmul.f32 v21, v19;
	[tilespmem:s16+$0x90] =	vst v26  }
0x2e9: {  	v38 =	vbroadcast v1, $0x5;
	v7 =	vmul.f32 v7, v34;
	[tilespmem:s16+$0x80] =	vst v8  }
0x2ea: {  	v40 =	vbroadcast v1, $0x7;
	v9 =	vmul.f32 v9, v34;
	[tilespmem:s16+$0xFFFFFF50] =	vst v19  }
0x2eb: {  	v47 =	vbroadcast v1, $0x3;
	v6 =	vmul.f32 v6, v38;
	[tilespmem:s16+$0xFFFFFFD0] =	vst v7  }
0x2ec: {  	v24 =	vld [tilespmem:s16+$0xA0];
	v52 =	vbroadcast v1, $0x4;
	v3 =	vmul.f32 v3, v40;
	[tilespmem:s16+$0xFFFFFFC0] =	vst v9  }
0x2ed: {  	v25 =	vld [tilespmem:s16+$0x70];
	v0 =	vmul.f32 v0, v47;
	[tilespmem:s16+$0xFFFFFFA0] =	vst v6  }
0x2ee: {  	v27 =	vld [tilespmem:s16+$0xFFFFFFB0];
	v30 =	vbroadcast v1, $0xB;
	v2 =	vmul.f32 v2, v52;
	[tilespmem:s16+$0xFFFFFFF0] =	vst v3  }
0x2ef: {  	v29 =	vld [tilespmem:s16+$0xFFFFFF20];
	v36 =	vmul.f32 v17, v13;
	[tilespmem:s16+$0xFFFFFF60] =	vst v0  }
0x2f0: {  	v33 =	vld [tilespmem:s16+$0x40];
	v10 =	vmul.f32 v10, v30;
	[tilespmem:s16+$0xFFFFFF90] =	vst v2  }
0x2f1: {  	v31 =	vld [tilespmem:s16+$0xFFFFFFE0];
	v32 =	vmul.f32 v24, v13;
	[tilespmem:s16+$0xB0] =	vst v36  }
0x2f2: {  	v45 =	vbroadcast v1, $0x1;
	v48 =	vld [tilespmem:s16+$0xF0];
	v18 =	vmul.f32 v25, v30;
	[tilespmem:s16+$0x60] =	vst v10  }
0x2f3: {  	v42 =	vld [tilespmem:s16+$0xFFFFFF70];
	v49 =	vbroadcast v1, $0xA;
	v46 =	vmul.f32 v27, v38;
	[tilespmem:s16+$0xA0] =	vst v32  }
0x2f4: {  	v37 =	vld [tilespmem:s16+$0x20];
	v12 =	vmul.f32 v29, v45;
	[tilespmem:s16+$0x70] =	vst v18  }
0x2f5: {  	v39 =	vld [tilespmem:s16+$0x30];
	v51 =	vmul.f32 v33, v49;
	[tilespmem:s16+$0xFFFFFFB0] =	vst v46  }
0x2f6: {  	v43 =	vld [tilespmem:s16+$0xFFFFFF80];
	v4 =	vmul.f32 v31, v40;
	[tilespmem:s16+$0xFFFFFF20] =	vst v12  }
0x2f7: {  	v35 =	vld [tilespmem:s16+$0x50];
	v54 =	vbroadcast v1, $0x9;
	v53 =	vmul.f32 v48, v5;
	[tilespmem:s16+$0x40] =	vst v51  }
0x2f8: {  	v41 =	vld [tilespmem:s16+$0x0];
	v55 =	vmul.f32 v42, v47;
	[tilespmem:s16+$0xFFFFFFE0] =	vst v4  }
0x2f9: {  	v50 =	vld [tilespmem:s16+$0xFFFFFF30];
	v56 =	vmul.f32 v37, v54;
	[tilespmem:s16+$0xF0] =	vst v53  }
0x2fa: {  	v44 =	vld [tilespmem:s16+$0x10];
	v57 =	vmul.f32 v39, v54;
	[tilespmem:s16+$0xFFFFFF70] =	vst v55  }
0x2fb: {  	v58 =	vbroadcast v1, $0x8;
	v59 =	vmul.f32 v43, v52;
	[tilespmem:s16+$0x20] =	vst v56  }
0x2fc: {  	v60 =	vmul.f32 v35, v49;
	[tilespmem:s16+$0x30] =	vst v57  }
0x2fd: {  	v61 =	vmul.f32 v41, v58;
	[tilespmem:s16+$0xFFFFFF80] =	vst v59  }
.Ltmp21:
0x2fe: {  	v62 =	vmul.f32 v50, v45;
	[tilespmem:s16+$0x50] =	vst v60;
	(pc) =	sbr.rel .LBB2_24-.Ltmp21, $4  }
0x2ff: {  	v63 =	vmul.f32 v44, v58;
	[tilespmem:s16+$0x0] =	vst v61  }
0x300: {  	s13 =	sshrl.u32 s18, $0x2;
	[tilespmem:s16+$0xFFFFFF30] =	vst v62  }
0x301: {  	s13 =	sor.u32 $0x19000, s13;
	[tilespmem:s16+$0x10] =	vst v63  }
0x302: {  	[spmem:s5] =	stream.indirect.scatter.add.f32 [tilespmem:s17], [sflag:$0x4], $0x20, s13, s6, $0xb8;
	[tilespmem:$0x1FC00] =	vst v63  }
.LBB2_25:
0x303: {  	[bflag:$0x0] =	sbarrier.arrive $0xFFFF  }
0x304: {  	s14 =	simm.s32 $0x1E000;
	s13 =	rddreg [dreg:$0x8]  }
0x305: {  	[tilespmem:s14], [sflag:$0x5] =	stream.linear.gather [spmem:s13], $0x700, $0x38;
	[tilespmem:$0x1FC00] =	vst v63  }
0x306: {  	s28 =	simm.s32 $0x1EE00;
	s14 =	simm.s32 $0x0  }
0x307: {  	[tilespmem:s28], [sflag:$0x6] =	stream.linear.gather [hbm4b:s30+s14], $0x700, $0x38;
	[tilespmem:$0x1FC00] =	vst v63  }
0x308: {  	s30 =	simm.s32 $0x1EE00  }
.LBB2_26:
0x309: {  	p0 =	seq.s32 s14, $0x38  }
0x30a: {  	s13 =	simm.s32 @!p0 $0x5  }
0x30b: {  	p1 =	seq.s32 @!p0 s14, $0x0;
	_ =	swait.ge @!p0 [sflag:s13], $0x700  }
0x30c: {  	p1 =	por p0, !p1;
	[sflag:s13] =	ssyncset.done @!p0 $0x0  }
0x30d: {  	p2 =	sgt.u32 @p1 s14, $0x36;
	[sflag:s13] =	ssyncadd.s32 @!p0 $0xFFFFF900;
	s13 =	simm.s32 @!p0 $0x6  }
0x30e: {  	p2 =	por !p1, !p2;
	_ =	swait.ge @!p0 [sflag:s13], $0x700  }
.Ltmp22:
0x30f: {  	[sflag:s13] =	ssyncset.done @!p0 $0x0;
	(pc) =	sbr.rel @!p2 .LBB2_28-.Ltmp22, $4  }
0x310: {  	[sflag:s13] =	ssyncadd.s32 @!p0 $0xFFFFF900;
	s13 =	simm.s32 @p1 $0x7  }
0x311: {  	_ =	swait.ge @p1 [sflag:s13], $0x700  }
0x312: {  	[sflag:s13] =	ssyncset.done @p1 $0x0  }
0x313: {  	[sflag:s13] =	ssyncadd.s32 @p1 $0xFFFFF900  }
0x314: {  	s15 =	sadd.s32 @p1 $0x1, s14  }
0x315: {  	s15 =	simm.s32 @!p1 $0x1  }
0x316: {  	s13 =	smul.u32 $0x38, s15  }
0x317: {  	s17 =	sand.u32 $0x1, s15  }
0x318: {  	p0 =	seq.s32 s17, $0x1;
	s17 =	simm.s32 $0x700;
	s16 =	sadd.s32 s9, s13  }
0x319: {  	s17 =	simm.s32 @!p0 $0x0;
	s16 =	sshll.u32 s16, $0x5  }
.Ltmp23:
0x31a: {  	s13 =	sadd.s32 s21, s13;
	s16 =	sand.u32 $0x3FFFFFE0, s16;
	(pc) =	sbr.rel .LBB2_29-.Ltmp23, $4  }
0x31b: {  	s18 =	sor.u32 $0x1E000, s17;
	s13 =	sshll.u32 s13, $0x2;
	s16 =	sadd.s32 s16, s5  }
0x31c: {  	[tilespmem:s18], [sflag:$0x5] =	stream.linear.gather [spmem:s16], $0x700, $0x38;
	[tilespmem:$0x1FC00] =	vst v63  }
0x31d: {  	s28 =	sadd.s32 $0x1EE00, s17;
	s13 =	sadd.s32 s7, s13  }
0x31e: {  	[tilespmem:s28], [sflag:$0x6] =	stream.linear.gather [hbm4b:s13+s8], $0x700, $0x38;
	[tilespmem:$0x1FC00] =	vst v63  }
.LBB2_28:
.Ltmp24:
0x31f: {  	(pc) =	sbr.rel @p0 .LBB2_32-.Ltmp24, $2  }
0x320: {  	_ =	sdelay $0x2  }
0x321: {  	s15 =	simm.s32 $0x38  }
.LBB2_29:
0x322: {  	s13 =	sand.u32 $0x1, s14  }
0x323: {  	s13 =	smul.u32 $0x1C00, s13;
	_ =	sdelay $0x1  }
0x324: {  	s16 =	sshrl.u32 s13, $0x2  }
0x325: {  	s13 =	sor.u32 $0x1E000, s16  }
0x326: {  	s17 =	sadd.s32 $0x1EE40, s16;
	v1 =	vmov s13  }
0x327: {  	v0 =	vmov s17;
	_ =	sdelay $0x2  }
0x328: {  	s17 =	simm.s32 $0x0  }
0x329: {  	v2 =	vld.idx.msk [tilespmem:v1+s17+$0x0 ss:$0x1], $0xffff  }
0x32a: {  	v3 =	vld.idx.msk [tilespmem:v0+s17+$0xFFFFFFC0 ss:$0x1], $0xffff;
	_ =	sdelay $0x4  }
0x32b: {  	v2 =	vsub.f32 v2, v3;
	_ =	sdelay $0x1  }
0x32c: {  	[tilespmem:v0+s17+$0xFFFFFFC0 ss:$0x1] =	vst.idx.msk $0xffff, v2  }
0x32d: {  	v2 =	vld.idx.msk [tilespmem:v1+s17+$0x10 ss:$0x1], $0xffff  }
0x32e: {  	v3 =	vld.idx.msk [tilespmem:v0+s17+$0xFFFFFFD0 ss:$0x1], $0xffff;
	_ =	sdelay $0x4  }
0x32f: {  	v2 =	vsub.f32 v2, v3;
	_ =	sdelay $0x1  }
0x330: {  	[tilespmem:v0+s17+$0xFFFFFFD0 ss:$0x1] =	vst.idx.msk $0xffff, v2  }
0x331: {  	v2 =	vld.idx.msk [tilespmem:v1+s17+$0x20 ss:$0x1], $0xffff  }
0x332: {  	v3 =	vld.idx.msk [tilespmem:v0+s17+$0xFFFFFFE0 ss:$0x1], $0xffff;
	_ =	sdelay $0x4  }
0x333: {  	v2 =	vsub.f32 v2, v3;
	_ =	sdelay $0x1  }
0x334: {  	[tilespmem:v0+s17+$0xFFFFFFE0 ss:$0x1] =	vst.idx.msk $0xffff, v2  }
0x335: {  	v2 =	vld.idx.msk [tilespmem:v1+s17+$0x30 ss:$0x1], $0xffff  }
0x336: {  	v3 =	vld.idx.msk [tilespmem:v0+s17+$0xFFFFFFF0 ss:$0x1], $0xffff;
	_ =	sdelay $0x4  }
0x337: {  	v2 =	vsub.f32 v2, v3;
	_ =	sdelay $0x1  }
0x338: {  	[tilespmem:v0+s17+$0xFFFFFFF0 ss:$0x1] =	vst.idx.msk $0xffff, v2  }
0x339: {  	v2 =	vld.idx.msk [tilespmem:v1+s17+$0x40 ss:$0x1], $0xffff  }
0x33a: {  	v3 =	vld.idx.msk [tilespmem:v0+s17+$0x0 ss:$0x1], $0xffff;
	_ =	sdelay $0x4  }
0x33b: {  	v2 =	vsub.f32 v2, v3;
	_ =	sdelay $0x1  }
0x33c: {  	[tilespmem:v0+s17+$0x0 ss:$0x1] =	vst.idx.msk $0xffff, v2  }
0x33d: {  	v2 =	vld.idx.msk [tilespmem:v1+s17+$0x50 ss:$0x1], $0xffff  }
0x33e: {  	v3 =	vld.idx.msk [tilespmem:v0+s17+$0x10 ss:$0x1], $0xffff;
	_ =	sdelay $0x4  }
0x33f: {  	v2 =	vsub.f32 v2, v3;
	_ =	sdelay $0x1  }
0x340: {  	[tilespmem:v0+s17+$0x10 ss:$0x1] =	vst.idx.msk $0xffff, v2  }
0x341: {  	v2 =	vld.idx.msk [tilespmem:v1+s17+$0x60 ss:$0x1], $0xffff  }
0x342: {  	v3 =	vld.idx.msk [tilespmem:v0+s17+$0x20 ss:$0x1], $0xffff;
	_ =	sdelay $0x4  }
0x343: {  	v2 =	vsub.f32 v2, v3;
	_ =	sdelay $0x1  }
0x344: {  	[tilespmem:v0+s17+$0x20 ss:$0x1] =	vst.idx.msk $0xffff, v2  }
0x345: {  	s13 =	simm.s32 $0x200;
	v2 =	vld.idx.msk [tilespmem:v1+s17+$0x70 ss:$0x1], $0xffff  }
.LBB2_30:
0x346: {  	p0 =	sne.s32 s13, $0x1A00;
	v3 =	vld.idx.msk [tilespmem:v0+s17+$0x30 ss:$0x1], $0xffff;
	s18 =	smov.u32 s13;
	s13 =	sadd.s32 $0x200, s13  }
0x347: {  	_ =	sdelay $0x4  }
0x348: {  	v2 =	vsub.f32 v2, v3;
	_ =	sdelay $0x1  }
0x349: {  	[tilespmem:v0+s17+$0x30 ss:$0x1] =	vst.idx.msk $0xffff, v2;
	s17 =	sshra.s32 s18, $0x2  }
0x34a: {  	v2 =	vld.idx.msk [tilespmem:v1+s17+$0x0 ss:$0x1], $0xffff  }
0x34b: {  	v3 =	vld.idx.msk [tilespmem:v0+s17+$0xFFFFFFC0 ss:$0x1], $0xffff;
	_ =	sdelay $0x5  }
0x34c: {  	v2 =	vsub.f32 v2, v3;
	_ =	sdelay $0x1  }
0x34d: {  	[tilespmem:v0+s17+$0xFFFFFFC0 ss:$0x1] =	vst.idx.msk $0xffff, v2  }
0x34e: {  	v2 =	vld.idx.msk [tilespmem:v1+s17+$0x10 ss:$0x1], $0xffff  }
0x34f: {  	v3 =	vld.idx.msk [tilespmem:v0+s17+$0xFFFFFFD0 ss:$0x1], $0xffff;
	_ =	sdelay $0x5  }
0x350: {  	v2 =	vsub.f32 v2, v3;
	_ =	sdelay $0x1  }
0x351: {  	[tilespmem:v0+s17+$0xFFFFFFD0 ss:$0x1] =	vst.idx.msk $0xffff, v2  }
0x352: {  	v2 =	vld.idx.msk [tilespmem:v1+s17+$0x20 ss:$0x1], $0xffff  }
0x353: {  	v3 =	vld.idx.msk [tilespmem:v0+s17+$0xFFFFFFE0 ss:$0x1], $0xffff;
	_ =	sdelay $0x5  }
0x354: {  	v2 =	vsub.f32 v2, v3;
	_ =	sdelay $0x1  }
0x355: {  	[tilespmem:v0+s17+$0xFFFFFFE0 ss:$0x1] =	vst.idx.msk $0xffff, v2  }
0x356: {  	v2 =	vld.idx.msk [tilespmem:v1+s17+$0x30 ss:$0x1], $0xffff  }
0x357: {  	v3 =	vld.idx.msk [tilespmem:v0+s17+$0xFFFFFFF0 ss:$0x1], $0xffff;
	_ =	sdelay $0x5  }
0x358: {  	v2 =	vsub.f32 v2, v3;
	_ =	sdelay $0x1  }
0x359: {  	[tilespmem:v0+s17+$0xFFFFFFF0 ss:$0x1] =	vst.idx.msk $0xffff, v2  }
0x35a: {  	v2 =	vld.idx.msk [tilespmem:v1+s17+$0x40 ss:$0x1], $0xffff  }
0x35b: {  	v3 =	vld.idx.msk [tilespmem:v0+s17+$0x0 ss:$0x1], $0xffff;
	_ =	sdelay $0x5  }
0x35c: {  	v2 =	vsub.f32 v2, v3;
	_ =	sdelay $0x1  }
0x35d: {  	[tilespmem:v0+s17+$0x0 ss:$0x1] =	vst.idx.msk $0xffff, v2  }
0x35e: {  	v2 =	vld.idx.msk [tilespmem:v1+s17+$0x50 ss:$0x1], $0xffff  }
0x35f: {  	v3 =	vld.idx.msk [tilespmem:v0+s17+$0x10 ss:$0x1], $0xffff;
	_ =	sdelay $0x5  }
0x360: {  	v2 =	vsub.f32 v2, v3;
	_ =	sdelay $0x1  }
0x361: {  	[tilespmem:v0+s17+$0x10 ss:$0x1] =	vst.idx.msk $0xffff, v2  }
0x362: {  	v2 =	vld.idx.msk [tilespmem:v1+s17+$0x60 ss:$0x1], $0xffff  }
0x363: {  	v3 =	vld.idx.msk [tilespmem:v0+s17+$0x20 ss:$0x1], $0xffff;
	_ =	sdelay $0x4  }
.Ltmp25:
0x364: {  	(pc) =	sbr.rel @p0 .LBB2_30-.Ltmp25, $3  }
0x365: {  	v2 =	vsub.f32 v2, v3;
	_ =	sdelay $0x1  }
0x366: {  	[tilespmem:v0+s17+$0x20 ss:$0x1] =	vst.idx.msk $0xffff, v2  }
0x367: {  	v2 =	vld.idx.msk [tilespmem:v1+s17+$0x70 ss:$0x1], $0xffff  }
0x368: {  	_ =	sdelay $0x3  }
0x369: {  	v1 =	vld.idx.msk [tilespmem:v0+s17+$0x30 ss:$0x1], $0xffff;
	_ =	sdelay $0x2  }
0x36a: {  	s13 =	smul.u32 $0x38, s14  }
.Ltmp26:
0x36b: {  	_ = 	snop;
	(pc) =	sbr.rel .LBB2_26-.Ltmp26, $4  }
0x36c: {  	s13 =	sadd.s32 s21, s13;
	v1 =	vsub.f32 v2, v1  }
0x36d: {  	s13 =	sshll.u32 s13, $0x2  }
0x36e: {  	s28 =	sadd.s32 $0x1EE00, s16;
	s14 =	smov.u32 s15;
	s13 =	sadd.s32 s7, s13;
	[tilespmem:v0+s17+$0x30 ss:$0x1] =	vst.idx.msk $0xffff, v1  }
0x36f: {  	[hbm4b:s13+s8] =	stream.linear.scatter [tilespmem:s28], [sflag:$0x7], $0x700, $0x38;
	[tilespmem:$0x1FC00] =	vst v63  }
.LBB2_32:
0x370: {  	[bflag:$0x0] =	sbarrier.arrive $0xFFFF  }
0x371: {  	s20 =	simm.s32 $0x0;
	s14 =	simm.s32 $0x18800;
	s13 =	rddreg [dreg:$0x9]  }
0x372: {  	[tilespmem:s14], [sflag:$0x1] =	stream.linear.gather [hbm4b:s13+s20], $0x400, $0x38;
	[tilespmem:$0x1FC00] =	vst v63  }
0x373: {  	s15 =	simm.s32 $0x19000;
	s28 =	rddreg [dreg:$0xa]  }
0x374: {  	[tilespmem:s15], [sflag:$0x1] =	stream.linear.gather [hbm4b:s28+s20], $0x400, $0x38;
	[tilespmem:$0x1FC00] =	vst v63  }
0x375: {  	s16 =	simm.s32 $0x19800;
	s15 =	rddreg [dreg:$0xb]  }
0x376: {  	[tilespmem:s16], [sflag:$0x1] =	stream.linear.gather [hbm4b:s15+s20], $0x400, $0x38;
	[tilespmem:$0x1FC00] =	vst v63  }
0x377: {  	s18 =	simm.s32 $0x18C00;
	s17 =	rddreg [dreg:$0xc]  }
0x378: {  	[tilespmem:s18], [sflag:$0x1] =	stream.linear.gather [hbm4b:s17+s20], $0x400, $0x38;
	[tilespmem:$0x1FC00] =	vst v63  }
0x379: {  	s19 =	rddreg [dreg:$0xd];
	s28 =	simm.s32 $0x19400  }
0x37a: {  	[tilespmem:s28], [sflag:$0x1] =	stream.linear.gather [hbm4b:s19+s20], $0x400, $0x38;
	[tilespmem:$0x1FC00] =	vst v63  }
0x37b: {  	s16 =	rddreg [dreg:$0xe];
	s17 =	simm.s32 $0x19C00  }
0x37c: {  	[tilespmem:s17], [sflag:$0x1] =	stream.linear.gather [hbm4b:s16+s20], $0x400, $0x38;
	[tilespmem:$0x1FC00] =	vst v63  }
0x37d: {  	_ =	swait.ge [sflag:s25], $0x400  }
0x37e: {  	[sflag:s25] =	ssyncset.done $0x0  }
0x37f: {  	[sflag:s25] =	ssyncadd.s32 $0xFFFFFC00  }
0x380: {  	_ =	swait.ge [sflag:s25], $0x400  }
0x381: {  	[sflag:s25] =	ssyncset.done $0x0  }
0x382: {  	[sflag:s25] =	ssyncadd.s32 $0xFFFFFC00  }
0x383: {  	_ =	swait.ge [sflag:s25], $0x400  }
0x384: {  	[sflag:s25] =	ssyncset.done $0x0  }
0x385: {  	[sflag:s25] =	ssyncadd.s32 $0xFFFFFC00  }
0x386: {  	_ =	swait.ge [sflag:s25], $0x400  }
0x387: {  	[sflag:s25] =	ssyncset.done $0x0  }
0x388: {  	[sflag:s25] =	ssyncadd.s32 $0xFFFFFC00  }
0x389: {  	_ =	swait.ge [sflag:s25], $0x400  }
0x38a: {  	[sflag:s25] =	ssyncset.done $0x0  }
0x38b: {  	[sflag:s25] =	ssyncadd.s32 $0xFFFFFC00  }
0x38c: {  	_ =	swait.ge [sflag:s25], $0x400  }
.Ltmp27:
0x38d: {  	[sflag:s25] =	ssyncset.done $0x0;
	(pc) =	sbr.rel .LBB2_33-.Ltmp27, $4  }
0x38e: {  	s15 =	simm.s32 $0x0;
	s18 =	simm.s32 $0x1A000;
	[sflag:s25] =	ssyncadd.s32 $0xFFFFFC00  }
0x38f: {  	[tilespmem:s18], [sflag:$0x2] =	stream.indirect.gather [hbm4b:s29+s6], $0x20, s14, s6, $0xb8;
	[tilespmem:$0x1FC00] =	vst v63  }
0x390: {  	s19 =	simm.s32 $0x18880;
	s28 =	simm.s32 $0x1B000;
	s14 =	simm.s32 $0x0  }
0x391: {  	[tilespmem:s28], [sflag:$0x3] =	stream.indirect.gather [hbm4b:s29+s6], $0x20, s19, s6, $0xb8;
	[tilespmem:$0x1FC00] =	vst v63  }
.LBB2_43:
0x392: {  	s15 =	sadd.s32 $0x1, s15  }
0x393: {  	p0 =	sne.s32 s15, $0x18A  }
.Ltmp28:
0x394: {  	_ = 	snop;
	(pc) =	sbr.rel @!p0 .LBB2_44-.Ltmp28, $2  }
0x395: {  	_ =	sdelay $0x2  }
0x396: {  	s14 =	sadd.s32 $0x1, s14;
	s20 =	sadd.s32 $0x1, s20  }
.LBB2_33:
0x397: {  	p0 =	slt.u32 s15, $0x2  }
.Ltmp29:
0x398: {  	_ = 	snop;
	(pc) =	sbr.rel @p0 .LBB2_37-.Ltmp29, $1  }
0x399: {  	_ =	sdelay $0x3  }
0x39a: {  	s13 =	sand.u32 $0x7, s15  }
0x39b: {  	s16 =	sadd.s32 $0xFFFFFFF8, s15;
	p0 =	sne.s32 s13, $0x1  }
0x39c: {  	p1 =	sgt.u32 @!p0 s16, $0x177  }
0x39d: {  	p0 =	por p0, p1  }
.Ltmp30:
0x39e: {  	_ = 	snop;
	(pc) =	sbr.rel @p0 .LBB2_36-.Ltmp30, $4  }
0x39f: {  	_ = 	snop  }
0x3a0: {  	_ =	swait.ge [sflag:s31], $0x1000  }
0x3a1: {  	[sflag:s31] =	ssyncset.done $0x0  }
0x3a2: {  	[sflag:s31] =	ssyncadd.s32 $0xFFFFF000  }
0x3a3: {  	s13 =	sshll.u32 s15, $0x7  }
0x3a4: {  	s13 =	sand.u32 $0xFC00, s13  }
0x3a5: {  	s13 =	sadd.s32 $0x400, s13  }
0x3a6: {  	s16 =	sadd.s32 s12, s13  }
0x3a7: {  	s13 =	sand.u32 $0x400, s13;
	s16 =	sshrl.u32 s16, $0x3  }
0x3a8: {  	s17 =	sor.u32 $0x18800, s13;
	s18 =	sadd.s32 s2, s16  }
0x3a9: {  	[tilespmem:s17], [sflag:$0x1] =	stream.linear.gather [hbm4b:s18+s8], $0x400, $0x38;
	[tilespmem:$0x1FC00] =	vst v63  }
.Ltmp31:
0x3aa: {  	_ = 	snop;
	(pc) =	sbr.rel .LBB2_37-.Ltmp31, $4  }
0x3ab: {  	s19 =	sor.u32 $0x19000, s13;
	s28 =	sadd.s32 s3, s16  }
0x3ac: {  	[tilespmem:s19], [sflag:$0x1] =	stream.linear.gather [hbm4b:s28+s8], $0x400, $0x38;
	[tilespmem:$0x1FC00] =	vst v63  }
0x3ad: {  	s13 =	sor.u32 $0x19800, s13;
	s16 =	sadd.s32 s4, s16  }
0x3ae: {  	[tilespmem:s13], [sflag:$0x1] =	stream.linear.gather [hbm4b:s16+s8], $0x400, $0x38;
	[tilespmem:$0x1FC00] =	vst v63  }
.LBB2_36:
0x3af: {  	p0 =	sne.s32 s13, $0x5  }
0x3b0: {  	p1 =	sgt.u32 @!p0 s16, $0x177  }
0x3b1: {  	p0 =	por p1, p0  }
0x3b2: {  	s13 =	simm.s32 @!p0 $0x1  }
0x3b3: {  	_ =	swait.ge @!p0 [sflag:s13], $0x400  }
0x3b4: {  	[sflag:s13] =	ssyncset.done @!p0 $0x0  }
0x3b5: {  	[sflag:s13] =	ssyncadd.s32 @!p0 $0xFFFFFC00  }
0x3b6: {  	_ =	swait.ge @!p0 [sflag:s13], $0x400  }
0x3b7: {  	[sflag:s13] =	ssyncset.done @!p0 $0x0  }
0x3b8: {  	[sflag:s13] =	ssyncadd.s32 @!p0 $0xFFFFFC00  }
0x3b9: {  	_ =	swait.ge @!p0 [sflag:s13], $0x400  }
0x3ba: {  	[sflag:s13] =	ssyncset.done @!p0 $0x0  }
0x3bb: {  	[sflag:s13] =	ssyncadd.s32 @!p0 $0xFFFFFC00  }
.LBB2_37:
0x3bc: {  	p1 =	sgt.u32 s15, $0x185;
	s13 =	sand.u32 $0x1, s15  }
0x3bd: {  	p0 =	sne.s32 @!p1 s13, $0x0  }
0x3be: {  	s16 =	sadd.s32 $0x2, s15;
	p0 =	por p0, p1  }
0x3bf: {  	p6 =	seq.s32 s13, $0x1;
	s17 =	sshll.u32 @!p0 s16, $0xC;
	s18 =	sshll.u32 @!p0 s16, $0x7  }
0x3c0: {  	p1 =	por !p6, p1;
	s17 =	sand.u32 @!p0 $0x2000, s17;
	s18 =	sand.u32 @!p0 $0x700, s18  }
0x3c1: {  	s19 =	simm.s32 @!p0 $0x80;
	s17 =	sadd.s32 @!p0 $0x1A000, s17;
	s18 =	sor.u32 @!p0 $0x18800, s18  }
0x3c2: {  	[tilespmem:s17], [sflag:$0x2] =	stream.indirect.gather @!p0 [hbm4b:s29+s19], $0x20, s18, s19, $0xb8;
	[tilespmem:$0x1FC00] =	vst v63  }
0x3c3: {  	s17 =	sshll.u32 @!p1 s16, $0xC;
	s16 =	sshll.u32 @!p1 s16, $0x7  }
0x3c4: {  	s17 =	sand.u32 @!p1 $0x3000, s17;
	s16 =	sand.u32 @!p1 $0x780, s16  }
0x3c5: {  	s18 =	simm.s32 @!p1 $0x80;
	s17 =	sadd.s32 @!p1 $0x1A000, s17;
	s16 =	sor.u32 @!p1 $0x18800, s16  }
0x3c6: {  	[tilespmem:s17], [sflag:$0x3] =	stream.indirect.gather @!p1 [hbm4b:s29+s18], $0x20, s16, s18, $0xb8;
	[tilespmem:$0x1FC00] =	vst v63  }
0x3c7: {  	p0 =	por !p6, !p6;
	p1 =	sgt.u32 s15, $0x187  }
0x3c8: {  	p2 =	sne.s32 @!p1 s13, $0x0;
	p0 =	por p1, p0  }
.Ltmp32:
0x3c9: {  	p2 =	por p2, p1;
	(pc) =	sbr.rel @p0 .LBB2_39-.Ltmp32, $4  }
0x3ca: {  	s13 =	simm.s32 @!p2 $0x2  }
0x3cb: {  	_ =	swait.ge @!p2 [sflag:s13], $0x1000  }
0x3cc: {  	[sflag:s13] =	ssyncset.done @!p2 $0x0  }
0x3cd: {  	[sflag:s13] =	ssyncadd.s32 @!p2 $0xFFFFF000  }
.Ltmp33:
0x3ce: {  	(pc) =	sbr.rel .LBB2_40-.Ltmp33, $4  }
0x3cf: {  	_ = 	snop  }
0x3d0: {  	_ =	swait.ge [sflag:s1], $0x1000  }
0x3d1: {  	[sflag:s1] =	ssyncset.done $0x0  }
0x3d2: {  	[sflag:s1] =	ssyncadd.s32 $0xFFFFF000  }
.LBB2_39:
.Ltmp34:
0x3d3: {  	(pc) =	sbr.rel @p1 .LBB2_43-.Ltmp34, $1  }
0x3d4: {  	_ =	sdelay $0x3  }
.LBB2_40:
0x3d5: {  	s13 =	sand.u32 $0x3, s20  }
0x3d6: {  	s13 =	sshll.u32 s13, $0xC  }
0x3d7: {  	s16 =	sadd.s32 $0x1A100, s13  }
0x3d8: {  	v6 =	vld [tilespmem:s16+$0xFFFFFFA0]  }
0x3d9: {  	s17 =	sand.u32 $0xF, s14;
	v3 =	vld [tilespmem:s16+$0xFFFFFFF0]  }
0x3da: {  	s13 =	sshll.u32 s17, $0x7;
	v0 =	vld [tilespmem:s16+$0xFFFFFF60]  }
0x3db: {  	s13 =	sor.u32 $0x19800, s13;
	v7 =	vld [tilespmem:s16+$0xFFFFFFD0]  }
0x3dc: {  	v8 =	vld [tilespmem:s16+$0x80];
	v4 =	vmov s13  }
0x3dd: {  	v11 =	vld [tilespmem:s16+$0xFFFFFF10]  }
0x3de: {  	v15 =	vld [tilespmem:s16+$0xE0]  }
0x3df: {  	v10 =	vld [tilespmem:s16+$0xFFFFFF40]  }
0x3e0: {  	s18 =	simm.s32 $0x0;
	v2 =	vld [tilespmem:s16+$0xFFFFFF90]  }
0x3e1: {  	v1 =	vld.idx.msk [tilespmem:v4+s18+$0x0 ss:$0x1], $0xffff  }
0x3e2: {  	v9 =	vld [tilespmem:s16+$0xFFFFFFC0]  }
0x3e3: {  	v13 =	vld [tilespmem:s16+$0xFFFFFF00]  }
0x3e4: {  	v12 =	vld [tilespmem:s16+$0xD0]  }
0x3e5: {  	v22 =	vld [tilespmem:s16+$0xC0]  }
0x3e6: {  	v20 =	vld [tilespmem:s16+$0x90];
	v18 =	vbroadcast v1, $0x0;
	v5 =	vbroadcast v1, $0xF  }
0x3e7: {  	s19 =	sshll.u32 s15, $0xC;
	v21 =	vld [tilespmem:s16+$0xFFFFFF50];
	v19 =	vbroadcast v1, $0x2;
	v16 =	vbroadcast v1, $0xE  }
0x3e8: {  	s17 =	sshll.u32 s15, $0x9;
	v17 =	vld [tilespmem:s16+$0xB0];
	s28 =	smov.u32 s16;
	s13 =	sand.u32 $0x3000, s19;
	v14 =	vbroadcast v1, $0xC;
	v24 =	vmul.f32 v18, v13  }
0x3e9: {  	s19 =	simm.s32 $0x40;
	s18 =	sand.u32 $0x1E00, s17;
	s17 =	sadd.s32 $0x1A000, s13;
	v13 =	vbroadcast v1, $0xD;
	v23 =	vmul.f32 v10, v19;
	v10 =	vld [tilespmem:s16+$0x60]  }
.LBB2_41:
0x3ea: {  	p0 =	sne.s32 s19, $0x1C0  }
0x3eb: {  	[tilespmem:s16+$0xFFFFFF00] =	vst v24;
	v24 =	vld [tilespmem:s16+$0xFFFFFFB0];
	v22 =	vmul.f32 v22, v16;
	v15 =	vmul.f32 v15, v5;
	s28 =	sadd.s32 $0x200, s28;
	s13 =	smov.u32 s19;
	s19 =	sadd.s32 $0x40, s19  }
0x3ec: {  	[tilespmem:s16+$0xFFFFFF40] =	vst v23;
	v23 =	vbroadcast v1, $0xA;
	v20 =	vmul.f32 v20, v14;
	v25 =	vld [tilespmem:s16+$0xA0]  }
0x3ed: {  	v11 =	vmul.f32 v11, v18;
	v18 =	vmul.f32 v21, v19;
	v19 =	vld [tilespmem:s16+$0x70];
	[tilespmem:s16+$0xE0] =	vst v15  }
0x3ee: {  	v15 =	vbroadcast v1, $0x5;
	v21 =	vld [tilespmem:s16+$0xFFFFFFE0];
	v17 =	vmul.f32 v17, v13;
	[tilespmem:s16+$0xC0] =	vst v22  }
0x3ef: {  	v12 =	vmul.f32 v12, v16;
	[tilespmem:s16+$0xFFFFFF10] =	vst v11;
	v11 =	vbroadcast v1, $0x6;
	v22 =	vld [tilespmem:s16+$0x40]  }
0x3f0: {  	v26 =	vbroadcast v1, $0xB;
	v6 =	vmul.f32 v6, v15;
	v16 =	vld [tilespmem:s16+$0xFFFFFF20];
	[tilespmem:s16+$0x90] =	vst v20  }
0x3f1: {  	v20 =	vbroadcast v1, $0x9;
	[tilespmem:s16+$0xFFFFFF50] =	vst v18;
	v18 =	vld [tilespmem:s16+$0x20];
	v13 =	vmul.f32 v25, v13  }
0x3f2: {  	v15 =	vmul.f32 v24, v15;
	v24 =	vld [tilespmem:s16+$0x50];
	v19 =	vmul.f32 v19, v26;
	[tilespmem:s16+$0xD0] =	vst v12  }
0x3f3: {  	v8 =	vmul.f32 v8, v14;
	v12 =	vbroadcast v1, $0x7;
	v25 =	vld [tilespmem:s16+$0x30];
	[tilespmem:s16+$0xA0] =	vst v13  }
0x3f4: {  	v9 =	vmul.f32 v9, v11;
	v13 =	vbroadcast v1, $0x3;
	v14 =	vld [tilespmem:s16+$0x0];
	[tilespmem:s16+$0x70] =	vst v19  }
0x3f5: {  	v10 =	vmul.f32 v10, v26;
	v7 =	vmul.f32 v7, v11;
	v11 =	vld [tilespmem:s16+$0x10];
	[tilespmem:s16+$0x80] =	vst v8  }
0x3f6: {  	v19 =	vbroadcast v1, $0x8;
	v22 =	vmul.f32 v22, v23;
	v8 =	vld [tilespmem:s16+$0xFFFFFF30];
	[tilespmem:s16+$0xB0] =	vst v17  }
0x3f7: {  	v17 =	vbroadcast v1, $0x1;
	v26 =	vld [tilespmem:s16+$0xFFFFFF70];
	[tilespmem:s16+$0xFFFFFFD0] =	vst v7;
	v23 =	vmul.f32 v24, v23  }
0x3f8: {  	v3 =	vmul.f32 v3, v12;
	v7 =	vmul.f32 v21, v12;
	[tilespmem:s16+$0xFFFFFFC0] =	vst v9;
	v9 =	vld [tilespmem:s16+$0xF0]  }
0x3f9: {  	v21 =	vmul.f32 v25, v20;
	v12 =	vld [tilespmem:s16+$0xFFFFFF80];
	[tilespmem:s16+$0xFFFFFFA0] =	vst v6;
	v14 =	vmul.f32 v14, v19  }
0x3fa: {  	v6 =	vld [tilespmem:s28+$0xFFFFFFA0];
	[tilespmem:s16+$0xFFFFFFF0] =	vst v3;
	v19 =	vmul.f32 v11, v19;
	v11 =	vmul.f32 v18, v20  }
0x3fb: {  	v3 =	vmul.f32 v16, v17;
	v16 =	vmul.f32 v8, v17;
	[tilespmem:s16+$0x60] =	vst v10  }
0x3fc: {  	v0 =	vmul.f32 v0, v13;
	v8 =	vmul.f32 v26, v13;
	[tilespmem:s16+$0xFFFFFFB0] =	vst v15  }
0x3fd: {  	v1 =	vbroadcast v1, $0x4;
	[tilespmem:s16+$0xFFFFFF20] =	vst v3;
	v3 =	vmul.f32 v9, v5  }
0x3fe: {  	[tilespmem:s16+$0xFFFFFF60] =	vst v0  }
0x3ff: {  	v5 =	vmul.f32 v12, v1;
	v0 =	vmul.f32 v2, v1;
	[tilespmem:s16+$0x40] =	vst v22  }
0x400: {  	[tilespmem:s16+$0xFFFFFFE0] =	vst v7  }
0x401: {  	[tilespmem:s16+$0xF0] =	vst v3  }
0x402: {  	[tilespmem:s16+$0xFFFFFF90] =	vst v0  }
0x403: {  	[tilespmem:s16+$0xFFFFFF70] =	vst v8  }
0x404: {  	v3 =	vld [tilespmem:s28+$0xFFFFFFF0];
	[tilespmem:s16+$0x20] =	vst v11  }
0x405: {  	v0 =	vld [tilespmem:s28+$0xFFFFFF60];
	[tilespmem:s16+$0x30] =	vst v21  }
0x406: {  	v7 =	vld [tilespmem:s28+$0xFFFFFFD0];
	[tilespmem:s16+$0xFFFFFF80] =	vst v5  }
0x407: {  	v8 =	vld [tilespmem:s28+$0x80];
	[tilespmem:s16+$0x50] =	vst v23  }
0x408: {  	v11 =	vld [tilespmem:s28+$0xFFFFFF10];
	[tilespmem:s16+$0x0] =	vst v14  }
0x409: {  	v15 =	vld [tilespmem:s28+$0xE0];
	[tilespmem:s16+$0xFFFFFF30] =	vst v16  }
0x40a: {  	s13 =	sshra.s32 s13, $0x2;
	v10 =	vld [tilespmem:s28+$0xFFFFFF40];
	[tilespmem:s16+$0x10] =	vst v19;
	s16 =	smov.u32 s28  }
0x40b: {  	v1 =	vld.idx.msk [tilespmem:v4+s13+$0x0 ss:$0x1], $0xffff  }
0x40c: {  	v2 =	vld [tilespmem:s28+$0xFFFFFF90]  }
0x40d: {  	v9 =	vld [tilespmem:s28+$0xFFFFFFC0]  }
0x40e: {  	v13 =	vld [tilespmem:s28+$0xFFFFFF00]  }
0x40f: {  	v12 =	vld [tilespmem:s28+$0xD0]  }
.Ltmp35:
0x410: {  	v22 =	vld [tilespmem:s28+$0xC0];
	(pc) =	sbr.rel @p0 .LBB2_41-.Ltmp35, $4  }
0x411: {  	v18 =	vbroadcast v1, $0x0;
	v5 =	vbroadcast v1, $0xF;
	v20 =	vld [tilespmem:s28+$0x90]  }
0x412: {  	v19 =	vbroadcast v1, $0x2;
	v16 =	vbroadcast v1, $0xE;
	v21 =	vld [tilespmem:s28+$0xFFFFFF50]  }
0x413: {  	v24 =	vmul.f32 v18, v13;
	v13 =	vbroadcast v1, $0xD;
	v17 =	vld [tilespmem:s28+$0xB0]  }
0x414: {  	v14 =	vbroadcast v1, $0xC;
	v23 =	vmul.f32 v10, v19;
	v10 =	vld [tilespmem:s28+$0x60]  }
0x415: {  	[tilespmem:s16+$0xFFFFFF00] =	vst v24;
	v4 =	vmul.f32 v15, v5  }
0x416: {  	v63 =	vmul.f32 v22, v16;
	[tilespmem:s16+$0xFFFFFF40] =	vst v23  }
0x417: {  	v11 =	vmul.f32 v11, v18;
	[tilespmem:s16+$0xE0] =	vst v4  }
0x418: {  	v28 =	vmul.f32 v12, v16;
	[tilespmem:s16+$0xC0] =	vst v63  }
0x419: {  	v26 =	vmul.f32 v20, v14;
	[tilespmem:s16+$0xFFFFFF10] =	vst v11  }
0x41a: {  	v34 =	vbroadcast v1, $0x6;
	v8 =	vmul.f32 v8, v14;
	[tilespmem:s16+$0xD0] =	vst v28  }
0x41b: {  	v19 =	vmul.f32 v21, v19;
	[tilespmem:s16+$0x90] =	vst v26  }
0x41c: {  	v38 =	vbroadcast v1, $0x5;
	v7 =	vmul.f32 v7, v34;
	[tilespmem:s16+$0x80] =	vst v8  }
0x41d: {  	v40 =	vbroadcast v1, $0x7;
	v9 =	vmul.f32 v9, v34;
	[tilespmem:s16+$0xFFFFFF50] =	vst v19  }
0x41e: {  	v47 =	vbroadcast v1, $0x3;
	v6 =	vmul.f32 v6, v38;
	[tilespmem:s16+$0xFFFFFFD0] =	vst v7  }
0x41f: {  	v24 =	vld [tilespmem:s16+$0xA0];
	v52 =	vbroadcast v1, $0x4;
	v3 =	vmul.f32 v3, v40;
	[tilespmem:s16+$0xFFFFFFC0] =	vst v9  }
0x420: {  	v25 =	vld [tilespmem:s16+$0x70];
	v0 =	vmul.f32 v0, v47;
	[tilespmem:s16+$0xFFFFFFA0] =	vst v6  }
0x421: {  	v27 =	vld [tilespmem:s16+$0xFFFFFFB0];
	v30 =	vbroadcast v1, $0xB;
	v2 =	vmul.f32 v2, v52;
	[tilespmem:s16+$0xFFFFFFF0] =	vst v3  }
0x422: {  	v29 =	vld [tilespmem:s16+$0xFFFFFF20];
	v36 =	vmul.f32 v17, v13;
	[tilespmem:s16+$0xFFFFFF60] =	vst v0  }
0x423: {  	v33 =	vld [tilespmem:s16+$0x40];
	v10 =	vmul.f32 v10, v30;
	[tilespmem:s16+$0xFFFFFF90] =	vst v2  }
0x424: {  	v31 =	vld [tilespmem:s16+$0xFFFFFFE0];
	v32 =	vmul.f32 v24, v13;
	[tilespmem:s16+$0xB0] =	vst v36  }
0x425: {  	v45 =	vbroadcast v1, $0x1;
	v48 =	vld [tilespmem:s16+$0xF0];
	v18 =	vmul.f32 v25, v30;
	[tilespmem:s16+$0x60] =	vst v10  }
0x426: {  	v42 =	vld [tilespmem:s16+$0xFFFFFF70];
	v49 =	vbroadcast v1, $0xA;
	v46 =	vmul.f32 v27, v38;
	[tilespmem:s16+$0xA0] =	vst v32  }
0x427: {  	v37 =	vld [tilespmem:s16+$0x20];
	v12 =	vmul.f32 v29, v45;
	[tilespmem:s16+$0x70] =	vst v18  }
0x428: {  	v39 =	vld [tilespmem:s16+$0x30];
	v51 =	vmul.f32 v33, v49;
	[tilespmem:s16+$0xFFFFFFB0] =	vst v46  }
0x429: {  	v43 =	vld [tilespmem:s16+$0xFFFFFF80];
	v4 =	vmul.f32 v31, v40;
	[tilespmem:s16+$0xFFFFFF20] =	vst v12  }
0x42a: {  	v35 =	vld [tilespmem:s16+$0x50];
	v54 =	vbroadcast v1, $0x9;
	v53 =	vmul.f32 v48, v5;
	[tilespmem:s16+$0x40] =	vst v51  }
0x42b: {  	v41 =	vld [tilespmem:s16+$0x0];
	v55 =	vmul.f32 v42, v47;
	[tilespmem:s16+$0xFFFFFFE0] =	vst v4  }
0x42c: {  	v50 =	vld [tilespmem:s16+$0xFFFFFF30];
	v56 =	vmul.f32 v37, v54;
	[tilespmem:s16+$0xF0] =	vst v53  }
0x42d: {  	v44 =	vld [tilespmem:s16+$0x10];
	v57 =	vmul.f32 v39, v54;
	[tilespmem:s16+$0xFFFFFF70] =	vst v55  }
0x42e: {  	v58 =	vbroadcast v1, $0x8;
	v59 =	vmul.f32 v43, v52;
	[tilespmem:s16+$0x20] =	vst v56  }
0x42f: {  	v60 =	vmul.f32 v35, v49;
	[tilespmem:s16+$0x30] =	vst v57  }
0x430: {  	v61 =	vmul.f32 v41, v58;
	[tilespmem:s16+$0xFFFFFF80] =	vst v59  }
.Ltmp36:
0x431: {  	v62 =	vmul.f32 v50, v45;
	[tilespmem:s16+$0x50] =	vst v60;
	(pc) =	sbr.rel .LBB2_43-.Ltmp36, $4  }
0x432: {  	v63 =	vmul.f32 v44, v58;
	[tilespmem:s16+$0x0] =	vst v61  }
0x433: {  	s13 =	sshrl.u32 s18, $0x2;
	[tilespmem:s16+$0xFFFFFF30] =	vst v62  }
0x434: {  	s13 =	sor.u32 $0x19000, s13;
	[tilespmem:s16+$0x10] =	vst v63  }
0x435: {  	[spmem:s5] =	stream.indirect.scatter.add.f32 [tilespmem:s17], [sflag:$0x4], $0x20, s13, s6, $0xb8;
	[tilespmem:$0x1FC00] =	vst v63  }
.LBB2_44:
0x436: {  	[bflag:$0x0] =	sbarrier.arrive $0xFFFF  }
0x437: {  	s13 =	rddreg [dreg:$0x8]  }
0x438: {  	s14 =	simm.s32 $0x1E000;
	s29 =	sld [smem:$0x7FD]  }
0x439: {  	[tilespmem:s14], [sflag:$0x5] =	stream.linear.gather [spmem:s13], $0x700, $0x38;
	[tilespmem:$0x1FC00] =	vst v63  }
0x43a: {  	s14 =	simm.s32 $0x0  }
0x43b: {  	[tilespmem:s30], [sflag:$0x6] =	stream.linear.gather [hbm4b:s29+s14], $0x700, $0x38;
	[tilespmem:$0x1FC00] =	vst v63  }
.LBB2_45:
0x43c: {  	p0 =	seq.s32 s14, $0x38  }
0x43d: {  	s13 =	simm.s32 @!p0 $0x5  }
0x43e: {  	p1 =	seq.s32 @!p0 s14, $0x0;
	_ =	swait.ge @!p0 [sflag:s13], $0x700  }
0x43f: {  	p1 =	por p0, !p1;
	[sflag:s13] =	ssyncset.done @!p0 $0x0  }
0x440: {  	p2 =	sgt.u32 @p1 s14, $0x36;
	[sflag:s13] =	ssyncadd.s32 @!p0 $0xFFFFF900;
	s13 =	simm.s32 @!p0 $0x6  }
0x441: {  	p2 =	por !p1, !p2;
	_ =	swait.ge @!p0 [sflag:s13], $0x700  }
.Ltmp37:
0x442: {  	[sflag:s13] =	ssyncset.done @!p0 $0x0;
	(pc) =	sbr.rel @!p2 .LBB2_47-.Ltmp37, $4  }
0x443: {  	[sflag:s13] =	ssyncadd.s32 @!p0 $0xFFFFF900;
	s13 =	simm.s32 @p1 $0x7  }
0x444: {  	_ =	swait.ge @p1 [sflag:s13], $0x700  }
0x445: {  	[sflag:s13] =	ssyncset.done @p1 $0x0  }
0x446: {  	[sflag:s13] =	ssyncadd.s32 @p1 $0xFFFFF900  }
0x447: {  	s15 =	sadd.s32 @p1 $0x1, s14  }
0x448: {  	s15 =	simm.s32 @!p1 $0x1  }
0x449: {  	s13 =	smul.u32 $0x38, s15  }
0x44a: {  	s17 =	sand.u32 $0x1, s15  }
0x44b: {  	p0 =	seq.s32 s17, $0x1;
	s17 =	simm.s32 $0x700;
	s16 =	sadd.s32 s9, s13  }
0x44c: {  	s17 =	simm.s32 @!p0 $0x0;
	s16 =	sshll.u32 s16, $0x5  }
.Ltmp38:
0x44d: {  	s13 =	sadd.s32 s21, s13;
	s16 =	sand.u32 $0x3FFFFFE0, s16;
	(pc) =	sbr.rel .LBB2_48-.Ltmp38, $4  }
0x44e: {  	s18 =	sor.u32 $0x1E000, s17;
	s13 =	sshll.u32 s13, $0x2;
	s16 =	sadd.s32 s16, s5  }
0x44f: {  	[tilespmem:s18], [sflag:$0x5] =	stream.linear.gather [spmem:s16], $0x700, $0x38;
	[tilespmem:$0x1FC00] =	vst v63  }
0x450: {  	s30 =	sadd.s32 $0x1EE00, s17;
	s13 =	sadd.s32 s0, s13  }
0x451: {  	[tilespmem:s30], [sflag:$0x6] =	stream.linear.gather [hbm4b:s13+s8], $0x700, $0x38;
	[tilespmem:$0x1FC00] =	vst v63  }
.LBB2_47:
.Ltmp39:
0x452: {  	(pc) =	sbr.rel @p0 .LBB2_51-.Ltmp39, $2  }
0x453: {  	_ =	sdelay $0x2  }
0x454: {  	s15 =	simm.s32 $0x38  }
.LBB2_48:
0x455: {  	s13 =	sand.u32 $0x1, s14  }
0x456: {  	s13 =	smul.u32 $0x1C00, s13;
	_ =	sdelay $0x1  }
0x457: {  	s16 =	sshrl.u32 s13, $0x2  }
0x458: {  	s13 =	sor.u32 $0x1E000, s16  }
0x459: {  	s17 =	sadd.s32 $0x1EE40, s16;
	v1 =	vmov s13  }
0x45a: {  	v0 =	vmov s17;
	_ =	sdelay $0x2  }
0x45b: {  	s17 =	simm.s32 $0x0  }
0x45c: {  	v2 =	vld.idx.msk [tilespmem:v1+s17+$0x0 ss:$0x1], $0xffff  }
0x45d: {  	v3 =	vld.idx.msk [tilespmem:v0+s17+$0xFFFFFFC0 ss:$0x1], $0xffff;
	_ =	sdelay $0x4  }
0x45e: {  	v2 =	vadd.f32 v3, v2;
	_ =	sdelay $0x1  }
0x45f: {  	v2 =	vmul.f32 $2.500000000e-01, v2;
	_ =	sdelay $0x1  }
0x460: {  	[tilespmem:v0+s17+$0xFFFFFFC0 ss:$0x1] =	vst.idx.msk $0xffff, v2  }
0x461: {  	v2 =	vld.idx.msk [tilespmem:v1+s17+$0x10 ss:$0x1], $0xffff  }
0x462: {  	v3 =	vld.idx.msk [tilespmem:v0+s17+$0xFFFFFFD0 ss:$0x1], $0xffff;
	_ =	sdelay $0x4  }
0x463: {  	v2 =	vadd.f32 v3, v2;
	_ =	sdelay $0x1  }
0x464: {  	v2 =	vmul.f32 $2.500000000e-01, v2;
	_ =	sdelay $0x1  }
0x465: {  	[tilespmem:v0+s17+$0xFFFFFFD0 ss:$0x1] =	vst.idx.msk $0xffff, v2  }
0x466: {  	v2 =	vld.idx.msk [tilespmem:v1+s17+$0x20 ss:$0x1], $0xffff  }
0x467: {  	v3 =	vld.idx.msk [tilespmem:v0+s17+$0xFFFFFFE0 ss:$0x1], $0xffff;
	_ =	sdelay $0x4  }
0x468: {  	v2 =	vadd.f32 v3, v2;
	_ =	sdelay $0x1  }
0x469: {  	v2 =	vmul.f32 $2.500000000e-01, v2;
	_ =	sdelay $0x1  }
0x46a: {  	[tilespmem:v0+s17+$0xFFFFFFE0 ss:$0x1] =	vst.idx.msk $0xffff, v2  }
0x46b: {  	v2 =	vld.idx.msk [tilespmem:v1+s17+$0x30 ss:$0x1], $0xffff  }
0x46c: {  	v3 =	vld.idx.msk [tilespmem:v0+s17+$0xFFFFFFF0 ss:$0x1], $0xffff;
	_ =	sdelay $0x4  }
0x46d: {  	v2 =	vadd.f32 v3, v2;
	_ =	sdelay $0x1  }
0x46e: {  	v2 =	vmul.f32 $2.500000000e-01, v2;
	_ =	sdelay $0x1  }
0x46f: {  	[tilespmem:v0+s17+$0xFFFFFFF0 ss:$0x1] =	vst.idx.msk $0xffff, v2  }
0x470: {  	v2 =	vld.idx.msk [tilespmem:v1+s17+$0x40 ss:$0x1], $0xffff  }
0x471: {  	v3 =	vld.idx.msk [tilespmem:v0+s17+$0x0 ss:$0x1], $0xffff;
	_ =	sdelay $0x4  }
0x472: {  	v2 =	vadd.f32 v3, v2;
	_ =	sdelay $0x1  }
0x473: {  	v2 =	vmul.f32 $2.500000000e-01, v2;
	_ =	sdelay $0x1  }
0x474: {  	[tilespmem:v0+s17+$0x0 ss:$0x1] =	vst.idx.msk $0xffff, v2  }
0x475: {  	v2 =	vld.idx.msk [tilespmem:v1+s17+$0x50 ss:$0x1], $0xffff  }
0x476: {  	v3 =	vld.idx.msk [tilespmem:v0+s17+$0x10 ss:$0x1], $0xffff;
	_ =	sdelay $0x4  }
0x477: {  	v2 =	vadd.f32 v3, v2;
	_ =	sdelay $0x1  }
0x478: {  	v2 =	vmul.f32 $2.500000000e-01, v2;
	_ =	sdelay $0x1  }
0x479: {  	[tilespmem:v0+s17+$0x10 ss:$0x1] =	vst.idx.msk $0xffff, v2  }
0x47a: {  	v2 =	vld.idx.msk [tilespmem:v1+s17+$0x60 ss:$0x1], $0xffff  }
0x47b: {  	v3 =	vld.idx.msk [tilespmem:v0+s17+$0x20 ss:$0x1], $0xffff;
	_ =	sdelay $0x4  }
0x47c: {  	v2 =	vadd.f32 v3, v2;
	_ =	sdelay $0x1  }
0x47d: {  	v2 =	vmul.f32 $2.500000000e-01, v2;
	_ =	sdelay $0x1  }
0x47e: {  	[tilespmem:v0+s17+$0x20 ss:$0x1] =	vst.idx.msk $0xffff, v2  }
0x47f: {  	v2 =	vld.idx.msk [tilespmem:v1+s17+$0x70 ss:$0x1], $0xffff  }
0x480: {  	s18 =	simm.s32 $0x200;
	v3 =	vld.idx.msk [tilespmem:v0+s17+$0x30 ss:$0x1], $0xffff  }
.LBB2_49:
0x481: {  	p0 =	sne.s32 s18, $0x1A00;
	s13 =	smov.u32 s18;
	s18 =	sadd.s32 $0x200, s18  }
0x482: {  	_ =	sdelay $0x2  }
0x483: {  	v2 =	vadd.f32 v3, v2;
	_ =	sdelay $0x1  }
0x484: {  	v2 =	vmul.f32 $2.500000000e-01, v2;
	_ =	sdelay $0x1  }
0x485: {  	[tilespmem:v0+s17+$0x30 ss:$0x1] =	vst.idx.msk $0xffff, v2;
	s17 =	sshra.s32 s13, $0x2  }
0x486: {  	v2 =	vld.idx.msk [tilespmem:v1+s17+$0x0 ss:$0x1], $0xffff  }
0x487: {  	v3 =	vld.idx.msk [tilespmem:v0+s17+$0xFFFFFFC0 ss:$0x1], $0xffff;
	_ =	sdelay $0x5  }
0x488: {  	v2 =	vadd.f32 v3, v2;
	_ =	sdelay $0x1  }
0x489: {  	v2 =	vmul.f32 $2.500000000e-01, v2;
	_ =	sdelay $0x1  }
0x48a: {  	[tilespmem:v0+s17+$0xFFFFFFC0 ss:$0x1] =	vst.idx.msk $0xffff, v2  }
0x48b: {  	v2 =	vld.idx.msk [tilespmem:v1+s17+$0x10 ss:$0x1], $0xffff  }
0x48c: {  	v3 =	vld.idx.msk [tilespmem:v0+s17+$0xFFFFFFD0 ss:$0x1], $0xffff;
	_ =	sdelay $0x5  }
0x48d: {  	v2 =	vadd.f32 v3, v2;
	_ =	sdelay $0x1  }
0x48e: {  	v2 =	vmul.f32 $2.500000000e-01, v2;
	_ =	sdelay $0x1  }
0x48f: {  	[tilespmem:v0+s17+$0xFFFFFFD0 ss:$0x1] =	vst.idx.msk $0xffff, v2  }
0x490: {  	v2 =	vld.idx.msk [tilespmem:v1+s17+$0x20 ss:$0x1], $0xffff  }
0x491: {  	v3 =	vld.idx.msk [tilespmem:v0+s17+$0xFFFFFFE0 ss:$0x1], $0xffff;
	_ =	sdelay $0x5  }
0x492: {  	v2 =	vadd.f32 v3, v2;
	_ =	sdelay $0x1  }
0x493: {  	v2 =	vmul.f32 $2.500000000e-01, v2;
	_ =	sdelay $0x1  }
0x494: {  	[tilespmem:v0+s17+$0xFFFFFFE0 ss:$0x1] =	vst.idx.msk $0xffff, v2  }
0x495: {  	v2 =	vld.idx.msk [tilespmem:v1+s17+$0x30 ss:$0x1], $0xffff  }
0x496: {  	v3 =	vld.idx.msk [tilespmem:v0+s17+$0xFFFFFFF0 ss:$0x1], $0xffff;
	_ =	sdelay $0x5  }
0x497: {  	v2 =	vadd.f32 v3, v2;
	_ =	sdelay $0x1  }
0x498: {  	v2 =	vmul.f32 $2.500000000e-01, v2;
	_ =	sdelay $0x1  }
0x499: {  	[tilespmem:v0+s17+$0xFFFFFFF0 ss:$0x1] =	vst.idx.msk $0xffff, v2  }
0x49a: {  	v2 =	vld.idx.msk [tilespmem:v1+s17+$0x40 ss:$0x1], $0xffff  }
0x49b: {  	v3 =	vld.idx.msk [tilespmem:v0+s17+$0x0 ss:$0x1], $0xffff;
	_ =	sdelay $0x5  }
0x49c: {  	v2 =	vadd.f32 v3, v2;
	_ =	sdelay $0x1  }
0x49d: {  	v2 =	vmul.f32 $2.500000000e-01, v2;
	_ =	sdelay $0x1  }
0x49e: {  	[tilespmem:v0+s17+$0x0 ss:$0x1] =	vst.idx.msk $0xffff, v2  }
0x49f: {  	v2 =	vld.idx.msk [tilespmem:v1+s17+$0x50 ss:$0x1], $0xffff  }
0x4a0: {  	v3 =	vld.idx.msk [tilespmem:v0+s17+$0x10 ss:$0x1], $0xffff;
	_ =	sdelay $0x5  }
0x4a1: {  	v2 =	vadd.f32 v3, v2;
	_ =	sdelay $0x1  }
0x4a2: {  	v2 =	vmul.f32 $2.500000000e-01, v2;
	_ =	sdelay $0x1  }
0x4a3: {  	[tilespmem:v0+s17+$0x10 ss:$0x1] =	vst.idx.msk $0xffff, v2  }
0x4a4: {  	v2 =	vld.idx.msk [tilespmem:v1+s17+$0x60 ss:$0x1], $0xffff  }
0x4a5: {  	v3 =	vld.idx.msk [tilespmem:v0+s17+$0x20 ss:$0x1], $0xffff;
	_ =	sdelay $0x5  }
0x4a6: {  	v2 =	vadd.f32 v3, v2;
	_ =	sdelay $0x1  }
.Ltmp40:
0x4a7: {  	v2 =	vmul.f32 $2.500000000e-01, v2;
	(pc) =	sbr.rel @p0 .LBB2_49-.Ltmp40, $4  }
0x4a8: {  	_ = 	snop  }
0x4a9: {  	[tilespmem:v0+s17+$0x20 ss:$0x1] =	vst.idx.msk $0xffff, v2  }
0x4aa: {  	v2 =	vld.idx.msk [tilespmem:v1+s17+$0x70 ss:$0x1], $0xffff  }
0x4ab: {  	v3 =	vld.idx.msk [tilespmem:v0+s17+$0x30 ss:$0x1], $0xffff  }
0x4ac: {  	_ =	sdelay $0x3  }
0x4ad: {  	s13 =	smul.u32 $0x38, s14;
	v1 =	vadd.f32 v3, v2  }
.Ltmp41:
0x4ae: {  	_ = 	snop;
	(pc) =	sbr.rel .LBB2_45-.Ltmp41, $4  }
0x4af: {  	s13 =	sadd.s32 s21, s13;
	v1 =	vmul.f32 $2.500000000e-01, v1  }
0x4b0: {  	s13 =	sshll.u32 s13, $0x2  }
0x4b1: {  	s30 =	sadd.s32 $0x1EE00, s16;
	s14 =	smov.u32 s15;
	s13 =	sadd.s32 s11, s13;
	[tilespmem:v0+s17+$0x30 ss:$0x1] =	vst.idx.msk $0xffff, v1  }
0x4b2: {  	[hbm4b:s13+s8] =	stream.linear.scatter [tilespmem:s30], [sflag:$0x7], $0x700, $0x38;
	[tilespmem:$0x1FC00] =	vst v63  }
.LBB2_52:
0x4b3: {  	_ =	sfence.sel $0x180000  }
0x4b4: {  	[bflag:$0x0] =	sbarrier.arrive $0xFFFF  }
0x4b5: {  	_ =	strace $0x90000047  }
0x4b6: {  	s0 =	stileid.u32;
	[bflag:$0x2] =	sbarrier.arrive $0xFFFF  }
0x4b7: {  	p0 =	sne.s32 s0, $0x0;
	s0 =	rddreg [dreg:$0x7]  }
0x4b8: {  	s0 =	sadd.s32 @!p0 $0x100000, s0  }
0x4b9: {  	[sflag:s0] =	ssyncadd.tile.s32 @!p0 $0x1;
	_ =	shalt  }
.Lfunc_end2:
_tile_overlayer_lowered:
.L_overlay_start_2:
0x4ba: {  	(tag) =	ssettag $0x2  }
0x4bb: {  	s0 =	rddreg [dreg:$0x0];
	s2 =	stileid.u32  }
0x4bc: {  	s1 =	rddreg [dreg:$0x1];
	p0 =	sne.s32 s2, $0x0  }
0x4bd: {  	s3 =	rddreg [dreg:$0x2];
	[bflag:$0x3] =	sbarrier.arrive $0xFFFF;
	s2 =	simm.s32 @!p0 $0x1C09  }
0x4be: {  	[timem:s3], [sflag:s2] =	dma.local @!p0 [hbm:s0], s1  }
0x4bf: {  	s0 =	simm.s32 @!p0 $0x9  }
0x4c0: {  	_ =	swait.ge @!p0 [sflag:s0], s1  }
0x4c1: {  	s1 =	ssub.s32 @!p0 $0x0, s1;
	[sflag:s0] =	ssyncset.done @!p0 $0x0  }
0x4c2: {  	[sflag:s0] =	ssyncadd.s32 @!p0 s1  }
0x4c3: {  	[bflag:$0x3] =	sbarrier.arrive $0xFFFF  }
0x4c4: {  	_ =	shalt  }

</sc_bundles>
